<compile_context>
chip_gen: v7x
topology: tpu7x:2x2x1
jax: 0.10.2.dev20260603
libtpu: 0.0.44.dev20260713+nightly
codegen_flags: <defaults>
</compile_context>

<pallas_src>
import functools

import jax
import jax.numpy as jnp
from jax import lax
from jax.experimental import pallas as pl
from jax.experimental.pallas import tpu as pltpu
from jax.experimental.pallas import tpu_sc as plsc

N = 10000
E = 320000
D = 128
H = 128
C = 10

NC = 2
NS = 16
NW = NC * NS

EDGES_PER_W = E // NW
CHUNK = 80
CHUNKS_PER_W = EDGES_PER_W // CHUNK
SB_N = 5
SB_C = CHUNKS_PER_W // SB_N
ROWS_PER_TILE = 624
ROWS_LAST = N - 15 * ROWS_PER_TILE


def _sc_segment_sum_body(h_hbm, src_hbm, dst_hbm, zero_hbm, out_hbm,
                         src_a, dst_a, src_b, dst_b, rows_a, rows_b, agg_sh,
                         sem_i, sem_ga, sem_gb, sem_sa, sem_sb):
    cid = lax.axis_index("c")
    sid = lax.axis_index("s")
    wid = cid * NS + sid
    idx_bufs = ((src_a, dst_a), (src_b, dst_b))

    def _idx_load(sb, bufs):
        pltpu.async_copy(src_hbm.at[wid, sb], bufs[0], sem_i)
        pltpu.async_copy(dst_hbm.at[wid, sb], bufs[1], sem_i)

    def _idx_wait(bufs):
        pltpu.make_async_copy(src_hbm.at[wid, 0], bufs[0], sem_i).wait()
        pltpu.make_async_copy(dst_hbm.at[wid, 0], bufs[1], sem_i).wait()

    def _gather(sv, i, buf, sem):
        pltpu.async_copy(h_hbm.at[sv.at[i]], buf, sem)

    def _scatter(dv, i, buf, sem):
        pltpu.async_copy(buf, agg_sh.at[dv.at[i]], sem, add=True)

    def _wait(buf, sem):
        pltpu.make_async_copy(h_hbm.at[pl.ds(0, CHUNK)], buf, sem).wait()

    _idx_load(0, idx_bufs[0])
    row0 = sid * ROWS_PER_TILE
    init_hbm = (h_hbm, zero_hbm)

    for c in range(NC):
        @pl.when(jnp.logical_and(cid == c, sid < NS - 1))
        def _(c=c):
            pltpu.sync_copy(init_hbm[c].at[pl.ds(row0, ROWS_PER_TILE)],
                            agg_sh.at[pl.ds(row0, ROWS_PER_TILE)])

        @pl.when(jnp.logical_and(cid == c, sid == NS - 1))
        def _(c=c):
            pltpu.sync_copy(init_hbm[c].at[pl.ds(row0, ROWS_LAST)],
                            agg_sh.at[pl.ds(row0, ROWS_LAST)])

    _idx_wait(idx_bufs[0])
    _gather(src_a, 0, rows_a, sem_ga)
    _gather(src_a, 1, rows_b, sem_gb)
    plsc.subcore_barrier()

    for sb in range(SB_N):
        sv, dv = idx_bufs[sb % 2]
        nsv_ndv = idx_bufs[(sb + 1) % 2]
        if sb + 1 < SB_N:
            _idx_load(sb + 1, nsv_ndv)

        _wait(rows_a, sem_ga)
        _scatter(dv, 0, rows_a, sem_sa)

        def body(k, _, sv=sv, dv=dv):
            i = 2 * k + 1
            _wait(rows_b, sem_gb)
            _wait(rows_a, sem_sa)
            _scatter(dv, i, rows_b, sem_sb)
            _gather(sv, i + 1, rows_a, sem_ga)
            _wait(rows_a, sem_ga)
            _wait(rows_b, sem_sb)
            _scatter(dv, i + 1, rows_a, sem_sa)
            _gather(sv, i + 2, rows_b, sem_gb)
            return 0

        lax.fori_loop(0, (SB_C - 3) // 2, body, 0)
        _wait(rows_b, sem_gb)
        _wait(rows_a, sem_sa)
        _scatter(dv, SB_C - 2, rows_b, sem_sb)
        _gather(sv, SB_C - 1, rows_a, sem_ga)
        _wait(rows_a, sem_ga)
        _wait(rows_b, sem_sb)
        _scatter(dv, SB_C - 1, rows_a, sem_sa)
        _wait(rows_a, sem_sa)
        if sb + 1 < SB_N:
            _idx_wait(nsv_ndv)
            _gather(nsv_ndv[0], 0, rows_a, sem_ga)
            _gather(nsv_ndv[0], 1, rows_b, sem_gb)

    plsc.subcore_barrier()

    @pl.when(sid < NS - 1)
    def _():
        pltpu.sync_copy(agg_sh.at[pl.ds(row0, ROWS_PER_TILE)],
                        out_hbm.at[pl.ds(cid * N + row0, ROWS_PER_TILE)])

    @pl.when(sid == NS - 1)
    def _():
        pltpu.sync_copy(agg_sh.at[pl.ds(row0, ROWS_LAST)],
                        out_hbm.at[pl.ds(cid * N + row0, ROWS_LAST)])


_sc_segment_sum = functools.partial(
    pl.kernel,
    out_type=jax.ShapeDtypeStruct((NC * N, D), jnp.float32),
    mesh=plsc.VectorSubcoreMesh(core_axis_name="c", subcore_axis_name="s"),
    scratch_types=[
        pltpu.VMEM((SB_C, CHUNK), jnp.int32),
        pltpu.VMEM((SB_C, CHUNK), jnp.int32),
        pltpu.VMEM((SB_C, CHUNK), jnp.int32),
        pltpu.VMEM((SB_C, CHUNK), jnp.int32),
        pltpu.VMEM((CHUNK, D), jnp.float32),
        pltpu.VMEM((CHUNK, D), jnp.float32),
        pltpu.VMEM_SHARED((N, D), jnp.float32),
        pltpu.SemaphoreType.DMA,
        pltpu.SemaphoreType.DMA,
        pltpu.SemaphoreType.DMA,
        pltpu.SemaphoreType.DMA,
        pltpu.SemaphoreType.DMA,
    ],
)(_sc_segment_sum_body)


BN = 2000


def _mm_relu_body(p0_ref, p1_ref, w_ref, b_ref, o_ref):
    s = p0_ref[...] + p1_ref[...]
    y = jnp.dot(s, w_ref[...], preferred_element_type=jnp.float32) + b_ref[...]
    o_ref[...] = jnp.maximum(y, 0.0)


def _mm_relu(p, w, b):
    return pl.pallas_call(
        _mm_relu_body,
        out_shape=jax.ShapeDtypeStruct((N, H), jnp.float32),
        grid=(N // BN,),
        in_specs=[
            pl.BlockSpec((BN, D), lambda i: (i, 0)),
            pl.BlockSpec((BN, D), lambda i: (N // BN + i, 0)),
            pl.BlockSpec((D, H), lambda i: (0, 0)),
            pl.BlockSpec((1, H), lambda i: (0, 0)),
        ],
        out_specs=pl.BlockSpec((BN, H), lambda i: (i, 0)),
    )(p, p, w, b.reshape(1, H))


def _mm2_head_body(p0_ref, p1_ref, w_ref, b_ref, wf_ref, bf_ref,
                   o_ref, acc_ref):
    i = pl.program_id(0)
    s = p0_ref[...] + p1_ref[...]
    y = jnp.dot(s, w_ref[...], preferred_element_type=jnp.float32) + b_ref[...]
    h2 = jnp.maximum(y, 0.0)
    colsum = jnp.sum(h2, axis=0, keepdims=True)

    @pl.when(i == 0)
    def _():
        acc_ref[...] = colsum

    @pl.when(i > 0)
    def _():
        acc_ref[...] = acc_ref[...] + colsum

    @pl.when(i == pl.num_programs(0) - 1)
    def _():
        mean = acc_ref[...] * (1.0 / N)
        o_ref[...] = (jnp.dot(mean, wf_ref[...],
                              preferred_element_type=jnp.float32) + bf_ref[...])


def _mm2_head(p, w, b, wf, bf):
    return pl.pallas_call(
        _mm2_head_body,
        out_shape=jax.ShapeDtypeStruct((1, C), jnp.float32),
        grid=(N // BN,),
        in_specs=[
            pl.BlockSpec((BN, D), lambda i: (i, 0)),
            pl.BlockSpec((BN, D), lambda i: (N // BN + i, 0)),
            pl.BlockSpec((D, H), lambda i: (0, 0)),
            pl.BlockSpec((1, H), lambda i: (0, 0)),
            pl.BlockSpec((H, C), lambda i: (0, 0)),
            pl.BlockSpec((1, C), lambda i: (0, 0)),
        ],
        out_specs=pl.BlockSpec((1, C), lambda i: (0, 0)),
        scratch_shapes=[pltpu.VMEM((1, H), jnp.float32)],
    )(p, p, w, b.reshape(1, H), wf, bf.reshape(1, C))


def kernel(x, edge_index, W1, b1, W2, b2, Wf, bf):
    src = edge_index[0].astype(jnp.int32).reshape(NW, SB_N, SB_C, CHUNK)
    dst = edge_index[1].astype(jnp.int32).reshape(NW, SB_N, SB_C, CHUNK)
    zeros = jnp.zeros((N, D), jnp.float32)

    p = _sc_segment_sum(x, src, dst, zeros)
    h1 = _mm_relu(p, W1, b1)
    p2 = _sc_segment_sum(h1, src, dst, zeros)
    return _mm2_head(p2, W2, b2, Wf, bf)

# --- scband reference (transcript-rebuilt; emitter-appended) ---
"""Pipeline reference for scband-gcn-ginconv-77335181132449 (READ-ONLY COPY).

The authoritative reference and input builder live on the scoring server;
editing this copy changes nothing except your own understanding.
"""

import jax, jax.numpy as jnp
import numpy as np

N = 10000
E = 320000
D = 128
H = 128
C = 10

def setup_inputs(seed: int = 0) -> dict:
    key = jax.random.key(seed)
    ks = jax.random.split(key, 9)
    x = jax.random.normal(ks[0], (N, D), dtype=jnp.float32)
    edge_index = jax.random.randint(ks[1], (2, E), 0, N, dtype=jnp.int64)
    W1 = jax.random.normal(ks[2], (D, H), dtype=jnp.float32) * 0.05
    b1 = jnp.zeros((H,), dtype=jnp.float32)
    W2 = jax.random.normal(ks[3], (H, H), dtype=jnp.float32) * 0.05
    b2 = jnp.zeros((H,), dtype=jnp.float32)
    Wf = jax.random.normal(ks[4], (H, C), dtype=jnp.float32) * 0.05
    bf = jnp.zeros((C,), dtype=jnp.float32)
    return {"x": x, "edge_index": edge_index, "W1": W1, "b1": b1, "W2": W2, "b2": b2, "Wf": Wf, "bf": bf}

def _gin_layer(h, src, dst, W, b):
    # DGL GINConv (aggregator='sum', eps=0): lin((1+eps)*h + sum_{j in N(i)} h_j)
    msgs = jnp.take(h, src, axis=0)
    agg = jax.ops.segment_sum(msgs, dst, num_segments=N)
    return (h + agg) @ W + b

def reference(x, edge_index, W1, b1, W2, b2, Wf, bf):
    src = edge_index[0]
    dst = edge_index[1]
    h = _gin_layer(x, src, dst, W1, b1)
    h = jax.nn.relu(h)
    h = _gin_layer(h, src, dst, W2, b2)
    h = jax.nn.relu(h)
    h = h @ Wf + bf
    # AvgPooling over all nodes of the (single) graph -> [1, num_classes]
    out = jnp.mean(h, axis=0, keepdims=True)
    return out

if __name__ == "__main__":
    import jax
    _d = setup_inputs()
    print(jax.jit(kernel)(*tuple(_d.values())))

</pallas_src>

<mosaic_0001>
#map = affine_map<(d0, d1) -> (0, 0)>
#map1 = affine_map<(d0, d1) -> (0, 0, 0, 0)>
module attributes {stable_mosaic.version = 14 : i64} {
  func.func @_sc_segment_sum_body(%arg0: i32, %arg1: i32, %arg2: memref<10000x128xf32, #tpu.memory_space<hbm>>, %arg3: memref<32x5x25x80xi32, #tpu.memory_space<hbm>>, %arg4: memref<32x5x25x80xi32, #tpu.memory_space<hbm>>, %arg5: memref<10000x128xf32, #tpu.memory_space<hbm>>, %arg6: memref<20000x128xf32, #tpu.memory_space<hbm>>, %arg7: memref<25x80xi32, #tpu.memory_space<vmem>>, %arg8: memref<25x80xi32, #tpu.memory_space<vmem>>, %arg9: memref<25x80xi32, #tpu.memory_space<vmem>>, %arg10: memref<25x80xi32, #tpu.memory_space<vmem>>, %arg11: memref<80x128xf32, #tpu.memory_space<vmem>>, %arg12: memref<80x128xf32, #tpu.memory_space<vmem>>, %arg13: memref<10000x128xf32, #tpu.memory_space<vmem_shared>>, %arg14: memref<!tpu.dma_semaphore, #tpu.memory_space<semaphore_mem>>, %arg15: memref<!tpu.dma_semaphore, #tpu.memory_space<semaphore_mem>>, %arg16: memref<!tpu.dma_semaphore, #tpu.memory_space<semaphore_mem>>, %arg17: memref<!tpu.dma_semaphore, #tpu.memory_space<semaphore_mem>>, %arg18: memref<!tpu.dma_semaphore, #tpu.memory_space<semaphore_mem>>) attributes {dimension_semantics = [#tpu.dimension_semantics<core_parallel>, #tpu.dimension_semantics<subcore_parallel>], iteration_bounds = array<i64: 2, 16>, scalar_prefetch = 0 : i64, scratch_operands = 12 : i64, tpu.core_type = #tpu.core_type<sc_vector_subcore>, window_params = [{transform_indices = #map}, {transform_indices = #map1}, {transform_indices = #map1}, {transform_indices = #map}, {transform_indices = #map}]} {
    %mul3A = arith.constant 16 : i32
    %mul3A_0 = arith.muli %arg0, %mul3A : i32
    %add3A = arith.addi %mul3A_0, %arg1 : i32
    %dma_start3A = arith.constant 0 : i32
    %dma_start3A_1 = arith.constant 0 : i32
    %dma_start3A_2 = arith.constant 0 : i32
    %dma_start3A_3 = tpu.memref_slice %arg3[%add3A, %dma_start3A, %dma_start3A_1, %dma_start3A_2] : memref<32x5x25x80xi32, #tpu.memory_space<hbm>> -> memref<1x1x25x80xi32, #tpu.memory_space<hbm>>
    %dma_start3A_4 = tpu.memref_squeeze %dma_start3A_3 : memref<1x1x25x80xi32, #tpu.memory_space<hbm>> -> memref<25x80xi32, #tpu.memory_space<hbm>>
    %dma_start3A_5 = arith.constant 0 : i32
    %dma_start3A_6 = arith.constant 0 : i32
    %dma_start3A_7 = tpu.memref_slice %arg3[%add3A, %dma_start3A, %dma_start3A_5, %dma_start3A_6] : memref<32x5x25x80xi32, #tpu.memory_space<hbm>> -> memref<1x1x25x80xi32, #tpu.memory_space<hbm>>
    %dma_start3A_8 = tpu.memref_squeeze %dma_start3A_7 : memref<1x1x25x80xi32, #tpu.memory_space<hbm>> -> memref<25x80xi32, #tpu.memory_space<hbm>>
    tpu.enqueue_dma source(%dma_start3A_8 : memref<25x80xi32, #tpu.memory_space<hbm>>) target(%arg7 : memref<25x80xi32, #tpu.memory_space<vmem>>) target_semaphore(%arg14 : memref<!tpu.dma_semaphore, #tpu.memory_space<semaphore_mem>>)
    %dma_start3A_9 = arith.constant 0 : i32
    %dma_start3A_10 = arith.constant 0 : i32
    %dma_start3A_11 = arith.constant 0 : i32
    %dma_start3A_12 = tpu.memref_slice %arg4[%add3A, %dma_start3A_9, %dma_start3A_10, %dma_start3A_11] : memref<32x5x25x80xi32, #tpu.memory_space<hbm>> -> memref<1x1x25x80xi32, #tpu.memory_space<hbm>>
    %dma_start3A_13 = tpu.memref_squeeze %dma_start3A_12 : memref<1x1x25x80xi32, #tpu.memory_space<hbm>> -> memref<25x80xi32, #tpu.memory_space<hbm>>
    %dma_start3A_14 = arith.constant 0 : i32
    %dma_start3A_15 = arith.constant 0 : i32
    %dma_start3A_16 = tpu.memref_slice %arg4[%add3A, %dma_start3A_9, %dma_start3A_14, %dma_start3A_15] : memref<32x5x25x80xi32, #tpu.memory_space<hbm>> -> memref<1x1x25x80xi32, #tpu.memory_space<hbm>>
    %dma_start3A_17 = tpu.memref_squeeze %dma_start3A_16 : memref<1x1x25x80xi32, #tpu.memory_space<hbm>> -> memref<25x80xi32, #tpu.memory_space<hbm>>
    tpu.enqueue_dma source(%dma_start3A_17 : memref<25x80xi32, #tpu.memory_space<hbm>>) target(%arg8 : memref<25x80xi32, #tpu.memory_space<vmem>>) target_semaphore(%arg14 : memref<!tpu.dma_semaphore, #tpu.memory_space<semaphore_mem>>)
    %mul3A_18 = arith.constant 624 : i32
    %mul3A_19 = arith.muli %arg1, %mul3A_18 : i32
    %eq3A = arith.constant 0 : i32
    %eq3A_20 = arith.cmpi eq, %arg0, %eq3A : i32
    %lt3A = arith.constant 15 : i32
    %lt3A_21 = arith.cmpi slt, %arg1, %lt3A : i32
    %and3A = arith.andi %eq3A_20, %lt3A_21 : i1
    %convert_element_type3A = arith.extui %and3A : i1 to i32
    %cond3A = arith.constant 0 : i32
    %cond3A_22 = arith.cmpi ne, %convert_element_type3A, %cond3A : i32
    scf.if %cond3A_22 {
      "tpu.region"() ({
        %run_scoped3A = tpu.sem_alloc : memref<!tpu.dma_semaphore, #tpu.memory_space<semaphore_mem>>
        %dma_start3A_643 = arith.constant 0 : i32
        %dma_start3A_644 = tpu.memref_slice %arg13[%mul3A_19, %dma_start3A_643] : memref<10000x128xf32, #tpu.memory_space<vmem_shared>> -> memref<624x128xf32, #tpu.memory_space<vmem_shared>>
        %dma_start3A_645 = arith.constant 0 : i32
        %dma_start3A_646 = tpu.memref_slice %arg2[%mul3A_19, %dma_start3A_645] : memref<10000x128xf32, #tpu.memory_space<hbm>> -> memref<624x128xf32, #tpu.memory_space<hbm>>
        tpu.enqueue_dma source(%dma_start3A_646 : memref<624x128xf32, #tpu.memory_space<hbm>>) target(%dma_start3A_644 : memref<624x128xf32, #tpu.memory_space<vmem_shared>>) target_semaphore(%run_scoped3A : memref<!tpu.dma_semaphore, #tpu.memory_space<semaphore_mem>>)
        %dma_wait3A_647 = arith.constant 0 : i32
        %dma_wait3A_648 = tpu.memref_slice %arg13[%mul3A_19, %dma_wait3A_647] : memref<10000x128xf32, #tpu.memory_space<vmem_shared>> -> memref<624x128xf32, #tpu.memory_space<vmem_shared>>
        %dma_wait3A_649 = arith.constant 0 : i32
        %dma_wait3A_650 = tpu.memref_slice %arg2[%mul3A_19, %dma_wait3A_649] : memref<10000x128xf32, #tpu.memory_space<hbm>> -> memref<624x128xf32, #tpu.memory_space<hbm>>
        tpu.wait_dma2 semaphore(%run_scoped3A : memref<!tpu.dma_semaphore, #tpu.memory_space<semaphore_mem>>) src(%dma_wait3A_650 : memref<624x128xf32, #tpu.memory_space<hbm>>) dst(%dma_wait3A_648 : memref<624x128xf32, #tpu.memory_space<vmem_shared>>)
        tpu.yield
      }) : () -> ()
    } else {
    }
    %eq3A_23 = arith.constant 0 : i32
    %eq3A_24 = arith.cmpi eq, %arg0, %eq3A_23 : i32
    %eq3A_25 = arith.constant 15 : i32
    %eq3A_26 = arith.cmpi eq, %arg1, %eq3A_25 : i32
    %and3A_27 = arith.andi %eq3A_24, %eq3A_26 : i1
    %convert_element_type3A_28 = arith.extui %and3A_27 : i1 to i32
    %cond3A_29 = arith.constant 0 : i32
    %cond3A_30 = arith.cmpi ne, %convert_element_type3A_28, %cond3A_29 : i32
    scf.if %cond3A_30 {
      "tpu.region"() ({
        %run_scoped3A = tpu.sem_alloc : memref<!tpu.dma_semaphore, #tpu.memory_space<semaphore_mem>>
        %dma_start3A_643 = arith.constant 0 : i32
        %dma_start3A_644 = tpu.memref_slice %arg13[%mul3A_19, %dma_start3A_643] : memref<10000x128xf32, #tpu.memory_space<vmem_shared>> -> memref<640x128xf32, #tpu.memory_space<vmem_shared>>
        %dma_start3A_645 = arith.constant 0 : i32
        %dma_start3A_646 = tpu.memref_slice %arg2[%mul3A_19, %dma_start3A_645] : memref<10000x128xf32, #tpu.memory_space<hbm>> -> memref<640x128xf32, #tpu.memory_space<hbm>>
        tpu.enqueue_dma source(%dma_start3A_646 : memref<640x128xf32, #tpu.memory_space<hbm>>) target(%dma_start3A_644 : memref<640x128xf32, #tpu.memory_space<vmem_shared>>) target_semaphore(%run_scoped3A : memref<!tpu.dma_semaphore, #tpu.memory_space<semaphore_mem>>)
        %dma_wait3A_647 = arith.constant 0 : i32
        %dma_wait3A_648 = tpu.memref_slice %arg13[%mul3A_19, %dma_wait3A_647] : memref<10000x128xf32, #tpu.memory_space<vmem_shared>> -> memref<640x128xf32, #tpu.memory_space<vmem_shared>>
        %dma_wait3A_649 = arith.constant 0 : i32
        %dma_wait3A_650 = tpu.memref_slice %arg2[%mul3A_19, %dma_wait3A_649] : memref<10000x128xf32, #tpu.memory_space<hbm>> -> memref<640x128xf32, #tpu.memory_space<hbm>>
        tpu.wait_dma2 semaphore(%run_scoped3A : memref<!tpu.dma_semaphore, #tpu.memory_space<semaphore_mem>>) src(%dma_wait3A_650 : memref<640x128xf32, #tpu.memory_space<hbm>>) dst(%dma_wait3A_648 : memref<640x128xf32, #tpu.memory_space<vmem_shared>>)
        tpu.yield
      }) : () -> ()
    } else {
    }
    %eq3A_31 = arith.constant 1 : i32
    %eq3A_32 = arith.cmpi eq, %arg0, %eq3A_31 : i32
    %lt3A_33 = arith.constant 15 : i32
    %lt3A_34 = arith.cmpi slt, %arg1, %lt3A_33 : i32
    %and3A_35 = arith.andi %eq3A_32, %lt3A_34 : i1
    %convert_element_type3A_36 = arith.extui %and3A_35 : i1 to i32
    %cond3A_37 = arith.constant 0 : i32
    %cond3A_38 = arith.cmpi ne, %convert_element_type3A_36, %cond3A_37 : i32
    scf.if %cond3A_38 {
      "tpu.region"() ({
        %run_scoped3A = tpu.sem_alloc : memref<!tpu.dma_semaphore, #tpu.memory_space<semaphore_mem>>
        %dma_start3A_643 = arith.constant 0 : i32
        %dma_start3A_644 = tpu.memref_slice %arg13[%mul3A_19, %dma_start3A_643] : memref<10000x128xf32, #tpu.memory_space<vmem_shared>> -> memref<624x128xf32, #tpu.memory_space<vmem_shared>>
        %dma_start3A_645 = arith.constant 0 : i32
        %dma_start3A_646 = tpu.memref_slice %arg5[%mul3A_19, %dma_start3A_645] : memref<10000x128xf32, #tpu.memory_space<hbm>> -> memref<624x128xf32, #tpu.memory_space<hbm>>
        tpu.enqueue_dma source(%dma_start3A_646 : memref<624x128xf32, #tpu.memory_space<hbm>>) target(%dma_start3A_644 : memref<624x128xf32, #tpu.memory_space<vmem_shared>>) target_semaphore(%run_scoped3A : memref<!tpu.dma_semaphore, #tpu.memory_space<semaphore_mem>>)
        %dma_wait3A_647 = arith.constant 0 : i32
        %dma_wait3A_648 = tpu.memref_slice %arg13[%mul3A_19, %dma_wait3A_647] : memref<10000x128xf32, #tpu.memory_space<vmem_shared>> -> memref<624x128xf32, #tpu.memory_space<vmem_shared>>
        %dma_wait3A_649 = arith.constant 0 : i32
        %dma_wait3A_650 = tpu.memref_slice %arg5[%mul3A_19, %dma_wait3A_649] : memref<10000x128xf32, #tpu.memory_space<hbm>> -> memref<624x128xf32, #tpu.memory_space<hbm>>
        tpu.wait_dma2 semaphore(%run_scoped3A : memref<!tpu.dma_semaphore, #tpu.memory_space<semaphore_mem>>) src(%dma_wait3A_650 : memref<624x128xf32, #tpu.memory_space<hbm>>) dst(%dma_wait3A_648 : memref<624x128xf32, #tpu.memory_space<vmem_shared>>)
        tpu.yield
      }) : () -> ()
    } else {
    }
    %eq3A_39 = arith.constant 1 : i32
    %eq3A_40 = arith.cmpi eq, %arg0, %eq3A_39 : i32
    %eq3A_41 = arith.constant 15 : i32
    %eq3A_42 = arith.cmpi eq, %arg1, %eq3A_41 : i32
    %and3A_43 = arith.andi %eq3A_40, %eq3A_42 : i1
    %convert_element_type3A_44 = arith.extui %and3A_43 : i1 to i32
    %cond3A_45 = arith.constant 0 : i32
    %cond3A_46 = arith.cmpi ne, %convert_element_type3A_44, %cond3A_45 : i32
    scf.if %cond3A_46 {
      "tpu.region"() ({
        %run_scoped3A = tpu.sem_alloc : memref<!tpu.dma_semaphore, #tpu.memory_space<semaphore_mem>>
        %dma_start3A_643 = arith.constant 0 : i32
        %dma_start3A_644 = tpu.memref_slice %arg13[%mul3A_19, %dma_start3A_643] : memref<10000x128xf32, #tpu.memory_space<vmem_shared>> -> memref<640x128xf32, #tpu.memory_space<vmem_shared>>
        %dma_start3A_645 = arith.constant 0 : i32
        %dma_start3A_646 = tpu.memref_slice %arg5[%mul3A_19, %dma_start3A_645] : memref<10000x128xf32, #tpu.memory_space<hbm>> -> memref<640x128xf32, #tpu.memory_space<hbm>>
        tpu.enqueue_dma source(%dma_start3A_646 : memref<640x128xf32, #tpu.memory_space<hbm>>) target(%dma_start3A_644 : memref<640x128xf32, #tpu.memory_space<vmem_shared>>) target_semaphore(%run_scoped3A : memref<!tpu.dma_semaphore, #tpu.memory_space<semaphore_mem>>)
        %dma_wait3A_647 = arith.constant 0 : i32
        %dma_wait3A_648 = tpu.memref_slice %arg13[%mul3A_19, %dma_wait3A_647] : memref<10000x128xf32, #tpu.memory_space<vmem_shared>> -> memref<640x128xf32, #tpu.memory_space<vmem_shared>>
        %dma_wait3A_649 = arith.constant 0 : i32
        %dma_wait3A_650 = tpu.memref_slice %arg5[%mul3A_19, %dma_wait3A_649] : memref<10000x128xf32, #tpu.memory_space<hbm>> -> memref<640x128xf32, #tpu.memory_space<hbm>>
        tpu.wait_dma2 semaphore(%run_scoped3A : memref<!tpu.dma_semaphore, #tpu.memory_space<semaphore_mem>>) src(%dma_wait3A_650 : memref<640x128xf32, #tpu.memory_space<hbm>>) dst(%dma_wait3A_648 : memref<640x128xf32, #tpu.memory_space<vmem_shared>>)
        tpu.yield
      }) : () -> ()
    } else {
    }
    %dma_wait3A = arith.constant 0 : i32
    %dma_wait3A_47 = arith.constant 0 : i32
    %dma_wait3A_48 = arith.constant 0 : i32
    %dma_wait3A_49 = tpu.memref_slice %arg3[%add3A, %dma_wait3A, %dma_wait3A_47, %dma_wait3A_48] : memref<32x5x25x80xi32, #tpu.memory_space<hbm>> -> memref<1x1x25x80xi32, #tpu.memory_space<hbm>>
    %dma_wait3A_50 = tpu.memref_squeeze %dma_wait3A_49 : memref<1x1x25x80xi32, #tpu.memory_space<hbm>> -> memref<25x80xi32, #tpu.memory_space<hbm>>
    %dma_wait3A_51 = arith.constant 0 : i32
    %dma_wait3A_52 = arith.constant 0 : i32
    %dma_wait3A_53 = tpu.memref_slice %arg3[%add3A, %dma_wait3A, %dma_wait3A_51, %dma_wait3A_52] : memref<32x5x25x80xi32, #tpu.memory_space<hbm>> -> memref<1x1x25x80xi32, #tpu.memory_space<hbm>>
    %dma_wait3A_54 = tpu.memref_squeeze %dma_wait3A_53 : memref<1x1x25x80xi32, #tpu.memory_space<hbm>> -> memref<25x80xi32, #tpu.memory_space<hbm>>
    tpu.wait_dma2 semaphore(%arg14 : memref<!tpu.dma_semaphore, #tpu.memory_space<semaphore_mem>>) src(%dma_wait3A_54 : memref<25x80xi32, #tpu.memory_space<hbm>>) dst(%arg7 : memref<25x80xi32, #tpu.memory_space<vmem>>)
    %dma_wait3A_55 = arith.constant 0 : i32
    %dma_wait3A_56 = arith.constant 0 : i32
    %dma_wait3A_57 = arith.constant 0 : i32
    %dma_wait3A_58 = tpu.memref_slice %arg4[%add3A, %dma_wait3A_55, %dma_wait3A_56, %dma_wait3A_57] : memref<32x5x25x80xi32, #tpu.memory_space<hbm>> -> memref<1x1x25x80xi32, #tpu.memory_space<hbm>>
    %dma_wait3A_59 = tpu.memref_squeeze %dma_wait3A_58 : memref<1x1x25x80xi32, #tpu.memory_space<hbm>> -> memref<25x80xi32, #tpu.memory_space<hbm>>
    %dma_wait3A_60 = arith.constant 0 : i32
    %dma_wait3A_61 = arith.constant 0 : i32
    %dma_wait3A_62 = tpu.memref_slice %arg4[%add3A, %dma_wait3A_55, %dma_wait3A_60, %dma_wait3A_61] : memref<32x5x25x80xi32, #tpu.memory_space<hbm>> -> memref<1x1x25x80xi32, #tpu.memory_space<hbm>>
    %dma_wait3A_63 = tpu.memref_squeeze %dma_wait3A_62 : memref<1x1x25x80xi32, #tpu.memory_space<hbm>> -> memref<25x80xi32, #tpu.memory_space<hbm>>
    tpu.wait_dma2 semaphore(%arg14 : memref<!tpu.dma_semaphore, #tpu.memory_space<semaphore_mem>>) src(%dma_wait3A_63 : memref<25x80xi32, #tpu.memory_space<hbm>>) dst(%arg8 : memref<25x80xi32, #tpu.memory_space<vmem>>)
    %dma_start3A_64 = arith.constant 0 : i32
    %dma_start3A_65 = arith.constant 0 : i32
    %dma_start3A_66 = tpu.memref_slice %arg7[%dma_start3A_64, %dma_start3A_65] : memref<25x80xi32, #tpu.memory_space<vmem>> -> memref<1x80xi32, #tpu.memory_space<vmem>>
    %dma_start3A_67 = tpu.memref_squeeze %dma_start3A_66 : memref<1x80xi32, #tpu.memory_space<vmem>> -> memref<80xi32, #tpu.memory_space<vmem>>
    %dma_start3A_68 = arith.constant 0 : i32
    %dma_start3A_69 = arith.constant 0 : i32
    %dma_start3A_70 = tpu.memref_slice %arg2[%dma_start3A_68, %dma_start3A_69] : memref<10000x128xf32, #tpu.memory_space<hbm>> -> memref<10000x128xf32, #tpu.memory_space<hbm>>
    tpu.enqueue_indirect_dma source(%dma_start3A_70 : memref<10000x128xf32, #tpu.memory_space<hbm>>) target(%arg11 : memref<80x128xf32, #tpu.memory_space<vmem>>) offsets(%dma_start3A_67 : memref<80xi32, #tpu.memory_space<vmem>>) semaphore(%arg15 : memref<!tpu.dma_semaphore, #tpu.memory_space<semaphore_mem>>)
    %dma_start3A_71 = arith.constant 1 : i32
    %dma_start3A_72 = arith.constant 0 : i32
    %dma_start3A_73 = tpu.memref_slice %arg7[%dma_start3A_71, %dma_start3A_72] : memref<25x80xi32, #tpu.memory_space<vmem>> -> memref<1x80xi32, #tpu.memory_space<vmem>>
    %dma_start3A_74 = tpu.memref_squeeze %dma_start3A_73 : memref<1x80xi32, #tpu.memory_space<vmem>> -> memref<80xi32, #tpu.memory_space<vmem>>
    %dma_start3A_75 = arith.constant 0 : i32
    %dma_start3A_76 = arith.constant 0 : i32
    %dma_start3A_77 = tpu.memref_slice %arg2[%dma_start3A_75, %dma_start3A_76] : memref<10000x128xf32, #tpu.memory_space<hbm>> -> memref<10000x128xf32, #tpu.memory_space<hbm>>
    tpu.enqueue_indirect_dma source(%dma_start3A_77 : memref<10000x128xf32, #tpu.memory_space<hbm>>) target(%arg12 : memref<80x128xf32, #tpu.memory_space<vmem>>) offsets(%dma_start3A_74 : memref<80xi32, #tpu.memory_space<vmem>>) semaphore(%arg16 : memref<!tpu.dma_semaphore, #tpu.memory_space<semaphore_mem>>)
    %barrier3A = arith.constant 0 : index
    tpu.barrier barrier_id(%barrier3A)
    %dma_start3A_78 = arith.constant 1 : i32
    %dma_start3A_79 = arith.constant 0 : i32
    %dma_start3A_80 = arith.constant 0 : i32
    %dma_start3A_81 = tpu.memref_slice %arg3[%add3A, %dma_start3A_78, %dma_start3A_79, %dma_start3A_80] : memref<32x5x25x80xi32, #tpu.memory_space<hbm>> -> memref<1x1x25x80xi32, #tpu.memory_space<hbm>>
    %dma_start3A_82 = tpu.memref_squeeze %dma_start3A_81 : memref<1x1x25x80xi32, #tpu.memory_space<hbm>> -> memref<25x80xi32, #tpu.memory_space<hbm>>
    %dma_start3A_83 = arith.constant 0 : i32
    %dma_start3A_84 = arith.constant 0 : i32
    %dma_start3A_85 = tpu.memref_slice %arg3[%add3A, %dma_start3A_78, %dma_start3A_83, %dma_start3A_84] : memref<32x5x25x80xi32, #tpu.memory_space<hbm>> -> memref<1x1x25x80xi32, #tpu.memory_space<hbm>>
    %dma_start3A_86 = tpu.memref_squeeze %dma_start3A_85 : memref<1x1x25x80xi32, #tpu.memory_space<hbm>> -> memref<25x80xi32, #tpu.memory_space<hbm>>
    tpu.enqueue_dma source(%dma_start3A_86 : memref<25x80xi32, #tpu.memory_space<hbm>>) target(%arg9 : memref<25x80xi32, #tpu.memory_space<vmem>>) target_semaphore(%arg14 : memref<!tpu.dma_semaphore, #tpu.memory_space<semaphore_mem>>)
    %dma_start3A_87 = arith.constant 1 : i32
    %dma_start3A_88 = arith.constant 0 : i32
    %dma_start3A_89 = arith.constant 0 : i32
    %dma_start3A_90 = tpu.memref_slice %arg4[%add3A, %dma_start3A_87, %dma_start3A_88, %dma_start3A_89] : memref<32x5x25x80xi32, #tpu.memory_space<hbm>> -> memref<1x1x25x80xi32, #tpu.memory_space<hbm>>
    %dma_start3A_91 = tpu.memref_squeeze %dma_start3A_90 : memref<1x1x25x80xi32, #tpu.memory_space<hbm>> -> memref<25x80xi32, #tpu.memory_space<hbm>>
    %dma_start3A_92 = arith.constant 0 : i32
    %dma_start3A_93 = arith.constant 0 : i32
    %dma_start3A_94 = tpu.memref_slice %arg4[%add3A, %dma_start3A_87, %dma_start3A_92, %dma_start3A_93] : memref<32x5x25x80xi32, #tpu.memory_space<hbm>> -> memref<1x1x25x80xi32, #tpu.memory_space<hbm>>
    %dma_start3A_95 = tpu.memref_squeeze %dma_start3A_94 : memref<1x1x25x80xi32, #tpu.memory_space<hbm>> -> memref<25x80xi32, #tpu.memory_space<hbm>>
    tpu.enqueue_dma source(%dma_start3A_95 : memref<25x80xi32, #tpu.memory_space<hbm>>) target(%arg10 : memref<25x80xi32, #tpu.memory_space<vmem>>) target_semaphore(%arg14 : memref<!tpu.dma_semaphore, #tpu.memory_space<semaphore_mem>>)
    %dma_wait3A_96 = arith.constant 0 : i32
    %dma_wait3A_97 = arith.constant 0 : i32
    %dma_wait3A_98 = tpu.memref_slice %arg2[%dma_wait3A_96, %dma_wait3A_97] : memref<10000x128xf32, #tpu.memory_space<hbm>> -> memref<80x128xf32, #tpu.memory_space<hbm>>
    %dma_wait3A_99 = arith.constant 0 : i32
    %dma_wait3A_100 = arith.constant 0 : i32
    %dma_wait3A_101 = tpu.memref_slice %arg2[%dma_wait3A_99, %dma_wait3A_100] : memref<10000x128xf32, #tpu.memory_space<hbm>> -> memref<80x128xf32, #tpu.memory_space<hbm>>
    tpu.wait_dma2 semaphore(%arg15 : memref<!tpu.dma_semaphore, #tpu.memory_space<semaphore_mem>>) src(%dma_wait3A_101 : memref<80x128xf32, #tpu.memory_space<hbm>>) dst(%arg11 : memref<80x128xf32, #tpu.memory_space<vmem>>)
    %dma_start3A_102 = arith.constant 0 : i32
    %dma_start3A_103 = arith.constant 0 : i32
    %dma_start3A_104 = tpu.memref_slice %arg8[%dma_start3A_102, %dma_start3A_103] : memref<25x80xi32, #tpu.memory_space<vmem>> -> memref<1x80xi32, #tpu.memory_space<vmem>>
    %dma_start3A_105 = tpu.memref_squeeze %dma_start3A_104 : memref<1x80xi32, #tpu.memory_space<vmem>> -> memref<80xi32, #tpu.memory_space<vmem>>
    %dma_start3A_106 = arith.constant 0 : i32
    %dma_start3A_107 = arith.constant 0 : i32
    %dma_start3A_108 = tpu.memref_slice %arg13[%dma_start3A_106, %dma_start3A_107] : memref<10000x128xf32, #tpu.memory_space<vmem_shared>> -> memref<10000x128xf32, #tpu.memory_space<vmem_shared>>
    tpu.enqueue_indirect_dma source(%arg11 : memref<80x128xf32, #tpu.memory_space<vmem>>) target(%dma_start3A_108 : memref<10000x128xf32, #tpu.memory_space<vmem_shared>>) offsets(%dma_start3A_105 : memref<80xi32, #tpu.memory_space<vmem>>) semaphore(%arg17 : memref<!tpu.dma_semaphore, #tpu.memory_space<semaphore_mem>>) {add = true}
    %scan3A = arith.constant 0 : i32
    %scan3A_109 = arith.constant 0 : i32
    %scan3A_110 = arith.constant 11 : i32
    %scan3A_111 = arith.addi %scan3A_109, %scan3A_110 : i32
    %scan3A_112 = arith.constant 1 : i32
    %scan3A_113 = scf.for %scan3A_643 = %scan3A_109 to %scan3A_111 step %scan3A_112 iter_args(%scan3A_644 = %scan3A) -> (i32)  : i32 {
      %mul3A_645 = arith.constant 2 : i32
      %mul3A_646 = arith.muli %mul3A_645, %scan3A_643 : i32
      %add3A_647 = arith.constant 1 : i32
      %add3A_648 = arith.addi %mul3A_646, %add3A_647 : i32
      %dma_wait3A_649 = arith.constant 0 : i32
      %dma_wait3A_650 = arith.constant 0 : i32
      %dma_wait3A_651 = tpu.memref_slice %arg2[%dma_wait3A_649, %dma_wait3A_650] : memref<10000x128xf32, #tpu.memory_space<hbm>> -> memref<80x128xf32, #tpu.memory_space<hbm>>
      %dma_wait3A_652 = arith.constant 0 : i32
      %dma_wait3A_653 = arith.constant 0 : i32
      %dma_wait3A_654 = tpu.memref_slice %arg2[%dma_wait3A_652, %dma_wait3A_653] : memref<10000x128xf32, #tpu.memory_space<hbm>> -> memref<80x128xf32, #tpu.memory_space<hbm>>
      tpu.wait_dma2 semaphore(%arg16 : memref<!tpu.dma_semaphore, #tpu.memory_space<semaphore_mem>>) src(%dma_wait3A_654 : memref<80x128xf32, #tpu.memory_space<hbm>>) dst(%arg12 : memref<80x128xf32, #tpu.memory_space<vmem>>)
      %dma_wait3A_655 = arith.constant 0 : i32
      %dma_wait3A_656 = arith.constant 0 : i32
      %dma_wait3A_657 = tpu.memref_slice %arg2[%dma_wait3A_655, %dma_wait3A_656] : memref<10000x128xf32, #tpu.memory_space<hbm>> -> memref<80x128xf32, #tpu.memory_space<hbm>>
      %dma_wait3A_658 = arith.constant 0 : i32
      %dma_wait3A_659 = arith.constant 0 : i32
      %dma_wait3A_660 = tpu.memref_slice %arg2[%dma_wait3A_658, %dma_wait3A_659] : memref<10000x128xf32, #tpu.memory_space<hbm>> -> memref<80x128xf32, #tpu.memory_space<hbm>>
      tpu.wait_dma2 semaphore(%arg17 : memref<!tpu.dma_semaphore, #tpu.memory_space<semaphore_mem>>) src(%dma_wait3A_660 : memref<80x128xf32, #tpu.memory_space<hbm>>) dst(%arg11 : memref<80x128xf32, #tpu.memory_space<vmem>>)
      %dma_start3A_661 = arith.constant 0 : i32
      %dma_start3A_662 = tpu.memref_slice %arg8[%add3A_648, %dma_start3A_661] : memref<25x80xi32, #tpu.memory_space<vmem>> -> memref<1x80xi32, #tpu.memory_space<vmem>>
      %dma_start3A_663 = tpu.memref_squeeze %dma_start3A_662 : memref<1x80xi32, #tpu.memory_space<vmem>> -> memref<80xi32, #tpu.memory_space<vmem>>
      %dma_start3A_664 = arith.constant 0 : i32
      %dma_start3A_665 = arith.constant 0 : i32
      %dma_start3A_666 = tpu.memref_slice %arg13[%dma_start3A_664, %dma_start3A_665] : memref<10000x128xf32, #tpu.memory_space<vmem_shared>> -> memref<10000x128xf32, #tpu.memory_space<vmem_shared>>
      tpu.enqueue_indirect_dma source(%arg12 : memref<80x128xf32, #tpu.memory_space<vmem>>) target(%dma_start3A_666 : memref<10000x128xf32, #tpu.memory_space<vmem_shared>>) offsets(%dma_start3A_663 : memref<80xi32, #tpu.memory_space<vmem>>) semaphore(%arg18 : memref<!tpu.dma_semaphore, #tpu.memory_space<semaphore_mem>>) {add = true}
      %add3A_667 = arith.constant 1 : i32
      %add3A_668 = arith.addi %add3A_648, %add3A_667 : i32
      %dma_start3A_669 = arith.constant 0 : i32
      %dma_start3A_670 = tpu.memref_slice %arg7[%add3A_668, %dma_start3A_669] : memref<25x80xi32, #tpu.memory_space<vmem>> -> memref<1x80xi32, #tpu.memory_space<vmem>>
      %dma_start3A_671 = tpu.memref_squeeze %dma_start3A_670 : memref<1x80xi32, #tpu.memory_space<vmem>> -> memref<80xi32, #tpu.memory_space<vmem>>
      %dma_start3A_672 = arith.constant 0 : i32
      %dma_start3A_673 = arith.constant 0 : i32
      %dma_start3A_674 = tpu.memref_slice %arg2[%dma_start3A_672, %dma_start3A_673] : memref<10000x128xf32, #tpu.memory_space<hbm>> -> memref<10000x128xf32, #tpu.memory_space<hbm>>
      tpu.enqueue_indirect_dma source(%dma_start3A_674 : memref<10000x128xf32, #tpu.memory_space<hbm>>) target(%arg11 : memref<80x128xf32, #tpu.memory_space<vmem>>) offsets(%dma_start3A_671 : memref<80xi32, #tpu.memory_space<vmem>>) semaphore(%arg15 : memref<!tpu.dma_semaphore, #tpu.memory_space<semaphore_mem>>)
      %dma_wait3A_675 = arith.constant 0 : i32
      %dma_wait3A_676 = arith.constant 0 : i32
      %dma_wait3A_677 = tpu.memref_slice %arg2[%dma_wait3A_675, %dma_wait3A_676] : memref<10000x128xf32, #tpu.memory_space<hbm>> -> memref<80x128xf32, #tpu.memory_space<hbm>>
      %dma_wait3A_678 = arith.constant 0 : i32
      %dma_wait3A_679 = arith.constant 0 : i32
      %dma_wait3A_680 = tpu.memref_slice %arg2[%dma_wait3A_678, %dma_wait3A_679] : memref<10000x128xf32, #tpu.memory_space<hbm>> -> memref<80x128xf32, #tpu.memory_space<hbm>>
      tpu.wait_dma2 semaphore(%arg15 : memref<!tpu.dma_semaphore, #tpu.memory_space<semaphore_mem>>) src(%dma_wait3A_680 : memref<80x128xf32, #tpu.memory_space<hbm>>) dst(%arg11 : memref<80x128xf32, #tpu.memory_space<vmem>>)
      %dma_wait3A_681 = arith.constant 0 : i32
      %dma_wait3A_682 = arith.constant 0 : i32
      %dma_wait3A_683 = tpu.memref_slice %arg2[%dma_wait3A_681, %dma_wait3A_682] : memref<10000x128xf32, #tpu.memory_space<hbm>> -> memref<80x128xf32, #tpu.memory_space<hbm>>
      %dma_wait3A_684 = arith.constant 0 : i32
      %dma_wait3A_685 = arith.constant 0 : i32
      %dma_wait3A_686 = tpu.memref_slice %arg2[%dma_wait3A_684, %dma_wait3A_685] : memref<10000x128xf32, #tpu.memory_space<hbm>> -> memref<80x128xf32, #tpu.memory_space<hbm>>
      tpu.wait_dma2 semaphore(%arg18 : memref<!tpu.dma_semaphore, #tpu.memory_space<semaphore_mem>>) src(%dma_wait3A_686 : memref<80x128xf32, #tpu.memory_space<hbm>>) dst(%arg12 : memref<80x128xf32, #tpu.memory_space<vmem>>)
      %add3A_687 = arith.constant 1 : i32
      %add3A_688 = arith.addi %add3A_648, %add3A_687 : i32
      %dma_start3A_689 = arith.constant 0 : i32
      %dma_start3A_690 = tpu.memref_slice %arg8[%add3A_688, %dma_start3A_689] : memref<25x80xi32, #tpu.memory_space<vmem>> -> memref<1x80xi32, #tpu.memory_space<vmem>>
      %dma_start3A_691 = tpu.memref_squeeze %dma_start3A_690 : memref<1x80xi32, #tpu.memory_space<vmem>> -> memref<80xi32, #tpu.memory_space<vmem>>
      %dma_start3A_692 = arith.constant 0 : i32
      %dma_start3A_693 = arith.constant 0 : i32
      %dma_start3A_694 = tpu.memref_slice %arg13[%dma_start3A_692, %dma_start3A_693] : memref<10000x128xf32, #tpu.memory_space<vmem_shared>> -> memref<10000x128xf32, #tpu.memory_space<vmem_shared>>
      tpu.enqueue_indirect_dma source(%arg11 : memref<80x128xf32, #tpu.memory_space<vmem>>) target(%dma_start3A_694 : memref<10000x128xf32, #tpu.memory_space<vmem_shared>>) offsets(%dma_start3A_691 : memref<80xi32, #tpu.memory_space<vmem>>) semaphore(%arg17 : memref<!tpu.dma_semaphore, #tpu.memory_space<semaphore_mem>>) {add = true}
      %add3A_695 = arith.constant 2 : i32
      %add3A_696 = arith.addi %add3A_648, %add3A_695 : i32
      %dma_start3A_697 = arith.constant 0 : i32
      %dma_start3A_698 = tpu.memref_slice %arg7[%add3A_696, %dma_start3A_697] : memref<25x80xi32, #tpu.memory_space<vmem>> -> memref<1x80xi32, #tpu.memory_space<vmem>>
      %dma_start3A_699 = tpu.memref_squeeze %dma_start3A_698 : memref<1x80xi32, #tpu.memory_space<vmem>> -> memref<80xi32, #tpu.memory_space<vmem>>
      %dma_start3A_700 = arith.constant 0 : i32
      %dma_start3A_701 = arith.constant 0 : i32
      %dma_start3A_702 = tpu.memref_slice %arg2[%dma_start3A_700, %dma_start3A_701] : memref<10000x128xf32, #tpu.memory_space<hbm>> -> memref<10000x128xf32, #tpu.memory_space<hbm>>
      tpu.enqueue_indirect_dma source(%dma_start3A_702 : memref<10000x128xf32, #tpu.memory_space<hbm>>) target(%arg12 : memref<80x128xf32, #tpu.memory_space<vmem>>) offsets(%dma_start3A_699 : memref<80xi32, #tpu.memory_space<vmem>>) semaphore(%arg16 : memref<!tpu.dma_semaphore, #tpu.memory_space<semaphore_mem>>)
      %scan3A_703 = arith.constant 0 : i32
      scf.yield %scan3A_703 : i32
    }
    %scan3A_114 = arith.constant 11 : i32
    %dma_wait3A_115 = arith.constant 0 : i32
    %dma_wait3A_116 = arith.constant 0 : i32
    %dma_wait3A_117 = tpu.memref_slice %arg2[%dma_wait3A_115, %dma_wait3A_116] : memref<10000x128xf32, #tpu.memory_space<hbm>> -> memref<80x128xf32, #tpu.memory_space<hbm>>
    %dma_wait3A_118 = arith.constant 0 : i32
    %dma_wait3A_119 = arith.constant 0 : i32
    %dma_wait3A_120 = tpu.memref_slice %arg2[%dma_wait3A_118, %dma_wait3A_119] : memref<10000x128xf32, #tpu.memory_space<hbm>> -> memref<80x128xf32, #tpu.memory_space<hbm>>
    tpu.wait_dma2 semaphore(%arg16 : memref<!tpu.dma_semaphore, #tpu.memory_space<semaphore_mem>>) src(%dma_wait3A_120 : memref<80x128xf32, #tpu.memory_space<hbm>>) dst(%arg12 : memref<80x128xf32, #tpu.memory_space<vmem>>)
    %dma_wait3A_121 = arith.constant 0 : i32
    %dma_wait3A_122 = arith.constant 0 : i32
    %dma_wait3A_123 = tpu.memref_slice %arg2[%dma_wait3A_121, %dma_wait3A_122] : memref<10000x128xf32, #tpu.memory_space<hbm>> -> memref<80x128xf32, #tpu.memory_space<hbm>>
    %dma_wait3A_124 = arith.constant 0 : i32
    %dma_wait3A_125 = arith.constant 0 : i32
    %dma_wait3A_126 = tpu.memref_slice %arg2[%dma_wait3A_124, %dma_wait3A_125] : memref<10000x128xf32, #tpu.memory_space<hbm>> -> memref<80x128xf32, #tpu.memory_space<hbm>>
    tpu.wait_dma2 semaphore(%arg17 : memref<!tpu.dma_semaphore, #tpu.memory_space<semaphore_mem>>) src(%dma_wait3A_126 : memref<80x128xf32, #tpu.memory_space<hbm>>) dst(%arg11 : memref<80x128xf32, #tpu.memory_space<vmem>>)
    %dma_start3A_127 = arith.constant 23 : i32
    %dma_start3A_128 = arith.constant 0 : i32
    %dma_start3A_129 = tpu.memref_slice %arg8[%dma_start3A_127, %dma_start3A_128] : memref<25x80xi32, #tpu.memory_space<vmem>> -> memref<1x80xi32, #tpu.memory_space<vmem>>
    %dma_start3A_130 = tpu.memref_squeeze %dma_start3A_129 : memref<1x80xi32, #tpu.memory_space<vmem>> -> memref<80xi32, #tpu.memory_space<vmem>>
    %dma_start3A_131 = arith.constant 0 : i32
    %dma_start3A_132 = arith.constant 0 : i32
    %dma_start3A_133 = tpu.memref_slice %arg13[%dma_start3A_131, %dma_start3A_132] : memref<10000x128xf32, #tpu.memory_space<vmem_shared>> -> memref<10000x128xf32, #tpu.memory_space<vmem_shared>>
    tpu.enqueue_indirect_dma source(%arg12 : memref<80x128xf32, #tpu.memory_space<vmem>>) target(%dma_start3A_133 : memref<10000x128xf32, #tpu.memory_space<vmem_shared>>) offsets(%dma_start3A_130 : memref<80xi32, #tpu.memory_space<vmem>>) semaphore(%arg18 : memref<!tpu.dma_semaphore, #tpu.memory_space<semaphore_mem>>) {add = true}
    %dma_start3A_134 = arith.constant 24 : i32
    %dma_start3A_135 = arith.constant 0 : i32
    %dma_start3A_136 = tpu.memref_slice %arg7[%dma_start3A_134, %dma_start3A_135] : memref<25x80xi32, #tpu.memory_space<vmem>> -> memref<1x80xi32, #tpu.memory_space<vmem>>
    %dma_start3A_137 = tpu.memref_squeeze %dma_start3A_136 : memref<1x80xi32, #tpu.memory_space<vmem>> -> memref<80xi32, #tpu.memory_space<vmem>>
    %dma_start3A_138 = arith.constant 0 : i32
    %dma_start3A_139 = arith.constant 0 : i32
    %dma_start3A_140 = tpu.memref_slice %arg2[%dma_start3A_138, %dma_start3A_139] : memref<10000x128xf32, #tpu.memory_space<hbm>> -> memref<10000x128xf32, #tpu.memory_space<hbm>>
    tpu.enqueue_indirect_dma source(%dma_start3A_140 : memref<10000x128xf32, #tpu.memory_space<hbm>>) target(%arg11 : memref<80x128xf32, #tpu.memory_space<vmem>>) offsets(%dma_start3A_137 : memref<80xi32, #tpu.memory_space<vmem>>) semaphore(%arg15 : memref<!tpu.dma_semaphore, #tpu.memory_space<semaphore_mem>>)
    %dma_wait3A_141 = arith.constant 0 : i32
    %dma_wait3A_142 = arith.constant 0 : i32
    %dma_wait3A_143 = tpu.memref_slice %arg2[%dma_wait3A_141, %dma_wait3A_142] : memref<10000x128xf32, #tpu.memory_space<hbm>> -> memref<80x128xf32, #tpu.memory_space<hbm>>
    %dma_wait3A_144 = arith.constant 0 : i32
    %dma_wait3A_145 = arith.constant 0 : i32
    %dma_wait3A_146 = tpu.memref_slice %arg2[%dma_wait3A_144, %dma_wait3A_145] : memref<10000x128xf32, #tpu.memory_space<hbm>> -> memref<80x128xf32, #tpu.memory_space<hbm>>
    tpu.wait_dma2 semaphore(%arg15 : memref<!tpu.dma_semaphore, #tpu.memory_space<semaphore_mem>>) src(%dma_wait3A_146 : memref<80x128xf32, #tpu.memory_space<hbm>>) dst(%arg11 : memref<80x128xf32, #tpu.memory_space<vmem>>)
    %dma_wait3A_147 = arith.constant 0 : i32
    %dma_wait3A_148 = arith.constant 0 : i32
    %dma_wait3A_149 = tpu.memref_slice %arg2[%dma_wait3A_147, %dma_wait3A_148] : memref<10000x128xf32, #tpu.memory_space<hbm>> -> memref<80x128xf32, #tpu.memory_space<hbm>>
    %dma_wait3A_150 = arith.constant 0 : i32
    %dma_wait3A_151 = arith.constant 0 : i32
    %dma_wait3A_152 = tpu.memref_slice %arg2[%dma_wait3A_150, %dma_wait3A_151] : memref<10000x128xf32, #tpu.memory_space<hbm>> -> memref<80x128xf32, #tpu.memory_space<hbm>>
    tpu.wait_dma2 semaphore(%arg18 : memref<!tpu.dma_semaphore, #tpu.memory_space<semaphore_mem>>) src(%dma_wait3A_152 : memref<80x128xf32, #tpu.memory_space<hbm>>) dst(%arg12 : memref<80x128xf32, #tpu.memory_space<vmem>>)
    %dma_start3A_153 = arith.constant 24 : i32
    %dma_start3A_154 = arith.constant 0 : i32
    %dma_start3A_155 = tpu.memref_slice %arg8[%dma_start3A_153, %dma_start3A_154] : memref<25x80xi32, #tpu.memory_space<vmem>> -> memref<1x80xi32, #tpu.memory_space<vmem>>
    %dma_start3A_156 = tpu.memref_squeeze %dma_start3A_155 : memref<1x80xi32, #tpu.memory_space<vmem>> -> memref<80xi32, #tpu.memory_space<vmem>>
    %dma_start3A_157 = arith.constant 0 : i32
    %dma_start3A_158 = arith.constant 0 : i32
    %dma_start3A_159 = tpu.memref_slice %arg13[%dma_start3A_157, %dma_start3A_158] : memref<10000x128xf32, #tpu.memory_space<vmem_shared>> -> memref<10000x128xf32, #tpu.memory_space<vmem_shared>>
    tpu.enqueue_indirect_dma source(%arg11 : memref<80x128xf32, #tpu.memory_space<vmem>>) target(%dma_start3A_159 : memref<10000x128xf32, #tpu.memory_space<vmem_shared>>) offsets(%dma_start3A_156 : memref<80xi32, #tpu.memory_space<vmem>>) semaphore(%arg17 : memref<!tpu.dma_semaphore, #tpu.memory_space<semaphore_mem>>) {add = true}
    %dma_wait3A_160 = arith.constant 0 : i32
    %dma_wait3A_161 = arith.constant 0 : i32
    %dma_wait3A_162 = tpu.memref_slice %arg2[%dma_wait3A_160, %dma_wait3A_161] : memref<10000x128xf32, #tpu.memory_space<hbm>> -> memref<80x128xf32, #tpu.memory_space<hbm>>
    %dma_wait3A_163 = arith.constant 0 : i32
    %dma_wait3A_164 = arith.constant 0 : i32
    %dma_wait3A_165 = tpu.memref_slice %arg2[%dma_wait3A_163, %dma_wait3A_164] : memref<10000x128xf32, #tpu.memory_space<hbm>> -> memref<80x128xf32, #tpu.memory_space<hbm>>
    tpu.wait_dma2 semaphore(%arg17 : memref<!tpu.dma_semaphore, #tpu.memory_space<semaphore_mem>>) src(%dma_wait3A_165 : memref<80x128xf32, #tpu.memory_space<hbm>>) dst(%arg11 : memref<80x128xf32, #tpu.memory_space<vmem>>)
    %dma_wait3A_166 = arith.constant 0 : i32
    %dma_wait3A_167 = arith.constant 0 : i32
    %dma_wait3A_168 = arith.constant 0 : i32
    %dma_wait3A_169 = tpu.memref_slice %arg3[%add3A, %dma_wait3A_166, %dma_wait3A_167, %dma_wait3A_168] : memref<32x5x25x80xi32, #tpu.memory_space<hbm>> -> memref<1x1x25x80xi32, #tpu.memory_space<hbm>>
    %dma_wait3A_170 = tpu.memref_squeeze %dma_wait3A_169 : memref<1x1x25x80xi32, #tpu.memory_space<hbm>> -> memref<25x80xi32, #tpu.memory_space<hbm>>
    %dma_wait3A_171 = arith.constant 0 : i32
    %dma_wait3A_172 = arith.constant 0 : i32
    %dma_wait3A_173 = tpu.memref_slice %arg3[%add3A, %dma_wait3A_166, %dma_wait3A_171, %dma_wait3A_172] : memref<32x5x25x80xi32, #tpu.memory_space<hbm>> -> memref<1x1x25x80xi32, #tpu.memory_space<hbm>>
    %dma_wait3A_174 = tpu.memref_squeeze %dma_wait3A_173 : memref<1x1x25x80xi32, #tpu.memory_space<hbm>> -> memref<25x80xi32, #tpu.memory_space<hbm>>
    tpu.wait_dma2 semaphore(%arg14 : memref<!tpu.dma_semaphore, #tpu.memory_space<semaphore_mem>>) src(%dma_wait3A_174 : memref<25x80xi32, #tpu.memory_space<hbm>>) dst(%arg9 : memref<25x80xi32, #tpu.memory_space<vmem>>)
    %dma_wait3A_175 = arith.constant 0 : i32
    %dma_wait3A_176 = arith.constant 0 : i32
    %dma_wait3A_177 = arith.constant 0 : i32
    %dma_wait3A_178 = tpu.memref_slice %arg4[%add3A, %dma_wait3A_175, %dma_wait3A_176, %dma_wait3A_177] : memref<32x5x25x80xi32, #tpu.memory_space<hbm>> -> memref<1x1x25x80xi32, #tpu.memory_space<hbm>>
    %dma_wait3A_179 = tpu.memref_squeeze %dma_wait3A_178 : memref<1x1x25x80xi32, #tpu.memory_space<hbm>> -> memref<25x80xi32, #tpu.memory_space<hbm>>
    %dma_wait3A_180 = arith.constant 0 : i32
    %dma_wait3A_181 = arith.constant 0 : i32
    %dma_wait3A_182 = tpu.memref_slice %arg4[%add3A, %dma_wait3A_175, %dma_wait3A_180, %dma_wait3A_181] : memref<32x5x25x80xi32, #tpu.memory_space<hbm>> -> memref<1x1x25x80xi32, #tpu.memory_space<hbm>>
    %dma_wait3A_183 = tpu.memref_squeeze %dma_wait3A_182 : memref<1x1x25x80xi32, #tpu.memory_space<hbm>> -> memref<25x80xi32, #tpu.memory_space<hbm>>
    tpu.wait_dma2 semaphore(%arg14 : memref<!tpu.dma_semaphore, #tpu.memory_space<semaphore_mem>>) src(%dma_wait3A_183 : memref<25x80xi32, #tpu.memory_space<hbm>>) dst(%arg10 : memref<25x80xi32, #tpu.memory_space<vmem>>)
    %dma_start3A_184 = arith.constant 0 : i32
    %dma_start3A_185 = arith.constant 0 : i32
    %dma_start3A_186 = tpu.memref_slice %arg9[%dma_start3A_184, %dma_start3A_185] : memref<25x80xi32, #tpu.memory_space<vmem>> -> memref<1x80xi32, #tpu.memory_space<vmem>>
    %dma_start3A_187 = tpu.memref_squeeze %dma_start3A_186 : memref<1x80xi32, #tpu.memory_space<vmem>> -> memref<80xi32, #tpu.memory_space<vmem>>
    %dma_start3A_188 = arith.constant 0 : i32
    %dma_start3A_189 = arith.constant 0 : i32
    %dma_start3A_190 = tpu.memref_slice %arg2[%dma_start3A_188, %dma_start3A_189] : memref<10000x128xf32, #tpu.memory_space<hbm>> -> memref<10000x128xf32, #tpu.memory_space<hbm>>
    tpu.enqueue_indirect_dma source(%dma_start3A_190 : memref<10000x128xf32, #tpu.memory_space<hbm>>) target(%arg11 : memref<80x128xf32, #tpu.memory_space<vmem>>) offsets(%dma_start3A_187 : memref<80xi32, #tpu.memory_space<vmem>>) semaphore(%arg15 : memref<!tpu.dma_semaphore, #tpu.memory_space<semaphore_mem>>)
    %dma_start3A_191 = arith.constant 1 : i32
    %dma_start3A_192 = arith.constant 0 : i32
    %dma_start3A_193 = tpu.memref_slice %arg9[%dma_start3A_191, %dma_start3A_192] : memref<25x80xi32, #tpu.memory_space<vmem>> -> memref<1x80xi32, #tpu.memory_space<vmem>>
    %dma_start3A_194 = tpu.memref_squeeze %dma_start3A_193 : memref<1x80xi32, #tpu.memory_space<vmem>> -> memref<80xi32, #tpu.memory_space<vmem>>
    %dma_start3A_195 = arith.constant 0 : i32
    %dma_start3A_196 = arith.constant 0 : i32
    %dma_start3A_197 = tpu.memref_slice %arg2[%dma_start3A_195, %dma_start3A_196] : memref<10000x128xf32, #tpu.memory_space<hbm>> -> memref<10000x128xf32, #tpu.memory_space<hbm>>
    tpu.enqueue_indirect_dma source(%dma_start3A_197 : memref<10000x128xf32, #tpu.memory_space<hbm>>) target(%arg12 : memref<80x128xf32, #tpu.memory_space<vmem>>) offsets(%dma_start3A_194 : memref<80xi32, #tpu.memory_space<vmem>>) semaphore(%arg16 : memref<!tpu.dma_semaphore, #tpu.memory_space<semaphore_mem>>)
    %dma_start3A_198 = arith.constant 2 : i32
    %dma_start3A_199 = arith.constant 0 : i32
    %dma_start3A_200 = arith.constant 0 : i32
    %dma_start3A_201 = tpu.memref_slice %arg3[%add3A, %dma_start3A_198, %dma_start3A_199, %dma_start3A_200] : memref<32x5x25x80xi32, #tpu.memory_space<hbm>> -> memref<1x1x25x80xi32, #tpu.memory_space<hbm>>
    %dma_start3A_202 = tpu.memref_squeeze %dma_start3A_201 : memref<1x1x25x80xi32, #tpu.memory_space<hbm>> -> memref<25x80xi32, #tpu.memory_space<hbm>>
    %dma_start3A_203 = arith.constant 0 : i32
    %dma_start3A_204 = arith.constant 0 : i32
    %dma_start3A_205 = tpu.memref_slice %arg3[%add3A, %dma_start3A_198, %dma_start3A_203, %dma_start3A_204] : memref<32x5x25x80xi32, #tpu.memory_space<hbm>> -> memref<1x1x25x80xi32, #tpu.memory_space<hbm>>
    %dma_start3A_206 = tpu.memref_squeeze %dma_start3A_205 : memref<1x1x25x80xi32, #tpu.memory_space<hbm>> -> memref<25x80xi32, #tpu.memory_space<hbm>>
    tpu.enqueue_dma source(%dma_start3A_206 : memref<25x80xi32, #tpu.memory_space<hbm>>) target(%arg7 : memref<25x80xi32, #tpu.memory_space<vmem>>) target_semaphore(%arg14 : memref<!tpu.dma_semaphore, #tpu.memory_space<semaphore_mem>>)
    %dma_start3A_207 = arith.constant 2 : i32
    %dma_start3A_208 = arith.constant 0 : i32
    %dma_start3A_209 = arith.constant 0 : i32
    %dma_start3A_210 = tpu.memref_slice %arg4[%add3A, %dma_start3A_207, %dma_start3A_208, %dma_start3A_209] : memref<32x5x25x80xi32, #tpu.memory_space<hbm>> -> memref<1x1x25x80xi32, #tpu.memory_space<hbm>>
    %dma_start3A_211 = tpu.memref_squeeze %dma_start3A_210 : memref<1x1x25x80xi32, #tpu.memory_space<hbm>> -> memref<25x80xi32, #tpu.memory_space<hbm>>
    %dma_start3A_212 = arith.constant 0 : i32
    %dma_start3A_213 = arith.constant 0 : i32
    %dma_start3A_214 = tpu.memref_slice %arg4[%add3A, %dma_start3A_207, %dma_start3A_212, %dma_start3A_213] : memref<32x5x25x80xi32, #tpu.memory_space<hbm>> -> memref<1x1x25x80xi32, #tpu.memory_space<hbm>>
    %dma_start3A_215 = tpu.memref_squeeze %dma_start3A_214 : memref<1x1x25x80xi32, #tpu.memory_space<hbm>> -> memref<25x80xi32, #tpu.memory_space<hbm>>
    tpu.enqueue_dma source(%dma_start3A_215 : memref<25x80xi32, #tpu.memory_space<hbm>>) target(%arg8 : memref<25x80xi32, #tpu.memory_space<vmem>>) target_semaphore(%arg14 : memref<!tpu.dma_semaphore, #tpu.memory_space<semaphore_mem>>)
    %dma_wait3A_216 = arith.constant 0 : i32
    %dma_wait3A_217 = arith.constant 0 : i32
    %dma_wait3A_218 = tpu.memref_slice %arg2[%dma_wait3A_216, %dma_wait3A_217] : memref<10000x128xf32, #tpu.memory_space<hbm>> -> memref<80x128xf32, #tpu.memory_space<hbm>>
    %dma_wait3A_219 = arith.constant 0 : i32
    %dma_wait3A_220 = arith.constant 0 : i32
    %dma_wait3A_221 = tpu.memref_slice %arg2[%dma_wait3A_219, %dma_wait3A_220] : memref<10000x128xf32, #tpu.memory_space<hbm>> -> memref<80x128xf32, #tpu.memory_space<hbm>>
    tpu.wait_dma2 semaphore(%arg15 : memref<!tpu.dma_semaphore, #tpu.memory_space<semaphore_mem>>) src(%dma_wait3A_221 : memref<80x128xf32, #tpu.memory_space<hbm>>) dst(%arg11 : memref<80x128xf32, #tpu.memory_space<vmem>>)
    %dma_start3A_222 = arith.constant 0 : i32
    %dma_start3A_223 = arith.constant 0 : i32
    %dma_start3A_224 = tpu.memref_slice %arg10[%dma_start3A_222, %dma_start3A_223] : memref<25x80xi32, #tpu.memory_space<vmem>> -> memref<1x80xi32, #tpu.memory_space<vmem>>
    %dma_start3A_225 = tpu.memref_squeeze %dma_start3A_224 : memref<1x80xi32, #tpu.memory_space<vmem>> -> memref<80xi32, #tpu.memory_space<vmem>>
    %dma_start3A_226 = arith.constant 0 : i32
    %dma_start3A_227 = arith.constant 0 : i32
    %dma_start3A_228 = tpu.memref_slice %arg13[%dma_start3A_226, %dma_start3A_227] : memref<10000x128xf32, #tpu.memory_space<vmem_shared>> -> memref<10000x128xf32, #tpu.memory_space<vmem_shared>>
    tpu.enqueue_indirect_dma source(%arg11 : memref<80x128xf32, #tpu.memory_space<vmem>>) target(%dma_start3A_228 : memref<10000x128xf32, #tpu.memory_space<vmem_shared>>) offsets(%dma_start3A_225 : memref<80xi32, #tpu.memory_space<vmem>>) semaphore(%arg17 : memref<!tpu.dma_semaphore, #tpu.memory_space<semaphore_mem>>) {add = true}
    %scan3A_229 = arith.constant 0 : i32
    %scan3A_230 = arith.constant 0 : i32
    %scan3A_231 = arith.constant 11 : i32
    %scan3A_232 = arith.addi %scan3A_230, %scan3A_231 : i32
    %scan3A_233 = arith.constant 1 : i32
    %scan3A_234 = scf.for %scan3A_643 = %scan3A_230 to %scan3A_232 step %scan3A_233 iter_args(%scan3A_644 = %scan3A_229) -> (i32)  : i32 {
      %mul3A_645 = arith.constant 2 : i32
      %mul3A_646 = arith.muli %mul3A_645, %scan3A_643 : i32
      %add3A_647 = arith.constant 1 : i32
      %add3A_648 = arith.addi %mul3A_646, %add3A_647 : i32
      %dma_wait3A_649 = arith.constant 0 : i32
      %dma_wait3A_650 = arith.constant 0 : i32
      %dma_wait3A_651 = tpu.memref_slice %arg2[%dma_wait3A_649, %dma_wait3A_650] : memref<10000x128xf32, #tpu.memory_space<hbm>> -> memref<80x128xf32, #tpu.memory_space<hbm>>
      %dma_wait3A_652 = arith.constant 0 : i32
      %dma_wait3A_653 = arith.constant 0 : i32
      %dma_wait3A_654 = tpu.memref_slice %arg2[%dma_wait3A_652, %dma_wait3A_653] : memref<10000x128xf32, #tpu.memory_space<hbm>> -> memref<80x128xf32, #tpu.memory_space<hbm>>
      tpu.wait_dma2 semaphore(%arg16 : memref<!tpu.dma_semaphore, #tpu.memory_space<semaphore_mem>>) src(%dma_wait3A_654 : memref<80x128xf32, #tpu.memory_space<hbm>>) dst(%arg12 : memref<80x128xf32, #tpu.memory_space<vmem>>)
      %dma_wait3A_655 = arith.constant 0 : i32
      %dma_wait3A_656 = arith.constant 0 : i32
      %dma_wait3A_657 = tpu.memref_slice %arg2[%dma_wait3A_655, %dma_wait3A_656] : memref<10000x128xf32, #tpu.memory_space<hbm>> -> memref<80x128xf32, #tpu.memory_space<hbm>>
      %dma_wait3A_658 = arith.constant 0 : i32
      %dma_wait3A_659 = arith.constant 0 : i32
      %dma_wait3A_660 = tpu.memref_slice %arg2[%dma_wait3A_658, %dma_wait3A_659] : memref<10000x128xf32, #tpu.memory_space<hbm>> -> memref<80x128xf32, #tpu.memory_space<hbm>>
      tpu.wait_dma2 semaphore(%arg17 : memref<!tpu.dma_semaphore, #tpu.memory_space<semaphore_mem>>) src(%dma_wait3A_660 : memref<80x128xf32, #tpu.memory_space<hbm>>) dst(%arg11 : memref<80x128xf32, #tpu.memory_space<vmem>>)
      %dma_start3A_661 = arith.constant 0 : i32
      %dma_start3A_662 = tpu.memref_slice %arg10[%add3A_648, %dma_start3A_661] : memref<25x80xi32, #tpu.memory_space<vmem>> -> memref<1x80xi32, #tpu.memory_space<vmem>>
      %dma_start3A_663 = tpu.memref_squeeze %dma_start3A_662 : memref<1x80xi32, #tpu.memory_space<vmem>> -> memref<80xi32, #tpu.memory_space<vmem>>
      %dma_start3A_664 = arith.constant 0 : i32
      %dma_start3A_665 = arith.constant 0 : i32
      %dma_start3A_666 = tpu.memref_slice %arg13[%dma_start3A_664, %dma_start3A_665] : memref<10000x128xf32, #tpu.memory_space<vmem_shared>> -> memref<10000x128xf32, #tpu.memory_space<vmem_shared>>
      tpu.enqueue_indirect_dma source(%arg12 : memref<80x128xf32, #tpu.memory_space<vmem>>) target(%dma_start3A_666 : memref<10000x128xf32, #tpu.memory_space<vmem_shared>>) offsets(%dma_start3A_663 : memref<80xi32, #tpu.memory_space<vmem>>) semaphore(%arg18 : memref<!tpu.dma_semaphore, #tpu.memory_space<semaphore_mem>>) {add = true}
      %add3A_667 = arith.constant 1 : i32
      %add3A_668 = arith.addi %add3A_648, %add3A_667 : i32
      %dma_start3A_669 = arith.constant 0 : i32
      %dma_start3A_670 = tpu.memref_slice %arg9[%add3A_668, %dma_start3A_669] : memref<25x80xi32, #tpu.memory_space<vmem>> -> memref<1x80xi32, #tpu.memory_space<vmem>>
      %dma_start3A_671 = tpu.memref_squeeze %dma_start3A_670 : memref<1x80xi32, #tpu.memory_space<vmem>> -> memref<80xi32, #tpu.memory_space<vmem>>
      %dma_start3A_672 = arith.constant 0 : i32
      %dma_start3A_673 = arith.constant 0 : i32
      %dma_start3A_674 = tpu.memref_slice %arg2[%dma_start3A_672, %dma_start3A_673] : memref<10000x128xf32, #tpu.memory_space<hbm>> -> memref<10000x128xf32, #tpu.memory_space<hbm>>
      tpu.enqueue_indirect_dma source(%dma_start3A_674 : memref<10000x128xf32, #tpu.memory_space<hbm>>) target(%arg11 : memref<80x128xf32, #tpu.memory_space<vmem>>) offsets(%dma_start3A_671 : memref<80xi32, #tpu.memory_space<vmem>>) semaphore(%arg15 : memref<!tpu.dma_semaphore, #tpu.memory_space<semaphore_mem>>)
      %dma_wait3A_675 = arith.constant 0 : i32
      %dma_wait3A_676 = arith.constant 0 : i32
      %dma_wait3A_677 = tpu.memref_slice %arg2[%dma_wait3A_675, %dma_wait3A_676] : memref<10000x128xf32, #tpu.memory_space<hbm>> -> memref<80x128xf32, #tpu.memory_space<hbm>>
      %dma_wait3A_678 = arith.constant 0 : i32
      %dma_wait3A_679 = arith.constant 0 : i32
      %dma_wait3A_680 = tpu.memref_slice %arg2[%dma_wait3A_678, %dma_wait3A_679] : memref<10000x128xf32, #tpu.memory_space<hbm>> -> memref<80x128xf32, #tpu.memory_space<hbm>>
      tpu.wait_dma2 semaphore(%arg15 : memref<!tpu.dma_semaphore, #tpu.memory_space<semaphore_mem>>) src(%dma_wait3A_680 : memref<80x128xf32, #tpu.memory_space<hbm>>) dst(%arg11 : memref<80x128xf32, #tpu.memory_space<vmem>>)
      %dma_wait3A_681 = arith.constant 0 : i32
      %dma_wait3A_682 = arith.constant 0 : i32
      %dma_wait3A_683 = tpu.memref_slice %arg2[%dma_wait3A_681, %dma_wait3A_682] : memref<10000x128xf32, #tpu.memory_space<hbm>> -> memref<80x128xf32, #tpu.memory_space<hbm>>
      %dma_wait3A_684 = arith.constant 0 : i32
      %dma_wait3A_685 = arith.constant 0 : i32
      %dma_wait3A_686 = tpu.memref_slice %arg2[%dma_wait3A_684, %dma_wait3A_685] : memref<10000x128xf32, #tpu.memory_space<hbm>> -> memref<80x128xf32, #tpu.memory_space<hbm>>
      tpu.wait_dma2 semaphore(%arg18 : memref<!tpu.dma_semaphore, #tpu.memory_space<semaphore_mem>>) src(%dma_wait3A_686 : memref<80x128xf32, #tpu.memory_space<hbm>>) dst(%arg12 : memref<80x128xf32, #tpu.memory_space<vmem>>)
      %add3A_687 = arith.constant 1 : i32
      %add3A_688 = arith.addi %add3A_648, %add3A_687 : i32
      %dma_start3A_689 = arith.constant 0 : i32
      %dma_start3A_690 = tpu.memref_slice %arg10[%add3A_688, %dma_start3A_689] : memref<25x80xi32, #tpu.memory_space<vmem>> -> memref<1x80xi32, #tpu.memory_space<vmem>>
      %dma_start3A_691 = tpu.memref_squeeze %dma_start3A_690 : memref<1x80xi32, #tpu.memory_space<vmem>> -> memref<80xi32, #tpu.memory_space<vmem>>
      %dma_start3A_692 = arith.constant 0 : i32
      %dma_start3A_693 = arith.constant 0 : i32
      %dma_start3A_694 = tpu.memref_slice %arg13[%dma_start3A_692, %dma_start3A_693] : memref<10000x128xf32, #tpu.memory_space<vmem_shared>> -> memref<10000x128xf32, #tpu.memory_space<vmem_shared>>
      tpu.enqueue_indirect_dma source(%arg11 : memref<80x128xf32, #tpu.memory_space<vmem>>) target(%dma_start3A_694 : memref<10000x128xf32, #tpu.memory_space<vmem_shared>>) offsets(%dma_start3A_691 : memref<80xi32, #tpu.memory_space<vmem>>) semaphore(%arg17 : memref<!tpu.dma_semaphore, #tpu.memory_space<semaphore_mem>>) {add = true}
      %add3A_695 = arith.constant 2 : i32
      %add3A_696 = arith.addi %add3A_648, %add3A_695 : i32
      %dma_start3A_697 = arith.constant 0 : i32
      %dma_start3A_698 = tpu.memref_slice %arg9[%add3A_696, %dma_start3A_697] : memref<25x80xi32, #tpu.memory_space<vmem>> -> memref<1x80xi32, #tpu.memory_space<vmem>>
      %dma_start3A_699 = tpu.memref_squeeze %dma_start3A_698 : memref<1x80xi32, #tpu.memory_space<vmem>> -> memref<80xi32, #tpu.memory_space<vmem>>
      %dma_start3A_700 = arith.constant 0 : i32
      %dma_start3A_701 = arith.constant 0 : i32
      %dma_start3A_702 = tpu.memref_slice %arg2[%dma_start3A_700, %dma_start3A_701] : memref<10000x128xf32, #tpu.memory_space<hbm>> -> memref<10000x128xf32, #tpu.memory_space<hbm>>
      tpu.enqueue_indirect_dma source(%dma_start3A_702 : memref<10000x128xf32, #tpu.memory_space<hbm>>) target(%arg12 : memref<80x128xf32, #tpu.memory_space<vmem>>) offsets(%dma_start3A_699 : memref<80xi32, #tpu.memory_space<vmem>>) semaphore(%arg16 : memref<!tpu.dma_semaphore, #tpu.memory_space<semaphore_mem>>)
      %scan3A_703 = arith.constant 0 : i32
      scf.yield %scan3A_703 : i32
    }
    %scan3A_235 = arith.constant 11 : i32
    %dma_wait3A_236 = arith.constant 0 : i32
    %dma_wait3A_237 = arith.constant 0 : i32
    %dma_wait3A_238 = tpu.memref_slice %arg2[%dma_wait3A_236, %dma_wait3A_237] : memref<10000x128xf32, #tpu.memory_space<hbm>> -> memref<80x128xf32, #tpu.memory_space<hbm>>
    %dma_wait3A_239 = arith.constant 0 : i32
    %dma_wait3A_240 = arith.constant 0 : i32
    %dma_wait3A_241 = tpu.memref_slice %arg2[%dma_wait3A_239, %dma_wait3A_240] : memref<10000x128xf32, #tpu.memory_space<hbm>> -> memref<80x128xf32, #tpu.memory_space<hbm>>
    tpu.wait_dma2 semaphore(%arg16 : memref<!tpu.dma_semaphore, #tpu.memory_space<semaphore_mem>>) src(%dma_wait3A_241 : memref<80x128xf32, #tpu.memory_space<hbm>>) dst(%arg12 : memref<80x128xf32, #tpu.memory_space<vmem>>)
    %dma_wait3A_242 = arith.constant 0 : i32
    %dma_wait3A_243 = arith.constant 0 : i32
    %dma_wait3A_244 = tpu.memref_slice %arg2[%dma_wait3A_242, %dma_wait3A_243] : memref<10000x128xf32, #tpu.memory_space<hbm>> -> memref<80x128xf32, #tpu.memory_space<hbm>>
    %dma_wait3A_245 = arith.constant 0 : i32
    %dma_wait3A_246 = arith.constant 0 : i32
    %dma_wait3A_247 = tpu.memref_slice %arg2[%dma_wait3A_245, %dma_wait3A_246] : memref<10000x128xf32, #tpu.memory_space<hbm>> -> memref<80x128xf32, #tpu.memory_space<hbm>>
    tpu.wait_dma2 semaphore(%arg17 : memref<!tpu.dma_semaphore, #tpu.memory_space<semaphore_mem>>) src(%dma_wait3A_247 : memref<80x128xf32, #tpu.memory_space<hbm>>) dst(%arg11 : memref<80x128xf32, #tpu.memory_space<vmem>>)
    %dma_start3A_248 = arith.constant 23 : i32
    %dma_start3A_249 = arith.constant 0 : i32
    %dma_start3A_250 = tpu.memref_slice %arg10[%dma_start3A_248, %dma_start3A_249] : memref<25x80xi32, #tpu.memory_space<vmem>> -> memref<1x80xi32, #tpu.memory_space<vmem>>
    %dma_start3A_251 = tpu.memref_squeeze %dma_start3A_250 : memref<1x80xi32, #tpu.memory_space<vmem>> -> memref<80xi32, #tpu.memory_space<vmem>>
    %dma_start3A_252 = arith.constant 0 : i32
    %dma_start3A_253 = arith.constant 0 : i32
    %dma_start3A_254 = tpu.memref_slice %arg13[%dma_start3A_252, %dma_start3A_253] : memref<10000x128xf32, #tpu.memory_space<vmem_shared>> -> memref<10000x128xf32, #tpu.memory_space<vmem_shared>>
    tpu.enqueue_indirect_dma source(%arg12 : memref<80x128xf32, #tpu.memory_space<vmem>>) target(%dma_start3A_254 : memref<10000x128xf32, #tpu.memory_space<vmem_shared>>) offsets(%dma_start3A_251 : memref<80xi32, #tpu.memory_space<vmem>>) semaphore(%arg18 : memref<!tpu.dma_semaphore, #tpu.memory_space<semaphore_mem>>) {add = true}
    %dma_start3A_255 = arith.constant 24 : i32
    %dma_start3A_256 = arith.constant 0 : i32
    %dma_start3A_257 = tpu.memref_slice %arg9[%dma_start3A_255, %dma_start3A_256] : memref<25x80xi32, #tpu.memory_space<vmem>> -> memref<1x80xi32, #tpu.memory_space<vmem>>
    %dma_start3A_258 = tpu.memref_squeeze %dma_start3A_257 : memref<1x80xi32, #tpu.memory_space<vmem>> -> memref<80xi32, #tpu.memory_space<vmem>>
    %dma_start3A_259 = arith.constant 0 : i32
    %dma_start3A_260 = arith.constant 0 : i32
    %dma_start3A_261 = tpu.memref_slice %arg2[%dma_start3A_259, %dma_start3A_260] : memref<10000x128xf32, #tpu.memory_space<hbm>> -> memref<10000x128xf32, #tpu.memory_space<hbm>>
    tpu.enqueue_indirect_dma source(%dma_start3A_261 : memref<10000x128xf32, #tpu.memory_space<hbm>>) target(%arg11 : memref<80x128xf32, #tpu.memory_space<vmem>>) offsets(%dma_start3A_258 : memref<80xi32, #tpu.memory_space<vmem>>) semaphore(%arg15 : memref<!tpu.dma_semaphore, #tpu.memory_space<semaphore_mem>>)
    %dma_wait3A_262 = arith.constant 0 : i32
    %dma_wait3A_263 = arith.constant 0 : i32
    %dma_wait3A_264 = tpu.memref_slice %arg2[%dma_wait3A_262, %dma_wait3A_263] : memref<10000x128xf32, #tpu.memory_space<hbm>> -> memref<80x128xf32, #tpu.memory_space<hbm>>
    %dma_wait3A_265 = arith.constant 0 : i32
    %dma_wait3A_266 = arith.constant 0 : i32
    %dma_wait3A_267 = tpu.memref_slice %arg2[%dma_wait3A_265, %dma_wait3A_266] : memref<10000x128xf32, #tpu.memory_space<hbm>> -> memref<80x128xf32, #tpu.memory_space<hbm>>
    tpu.wait_dma2 semaphore(%arg15 : memref<!tpu.dma_semaphore, #tpu.memory_space<semaphore_mem>>) src(%dma_wait3A_267 : memref<80x128xf32, #tpu.memory_space<hbm>>) dst(%arg11 : memref<80x128xf32, #tpu.memory_space<vmem>>)
    %dma_wait3A_268 = arith.constant 0 : i32
    %dma_wait3A_269 = arith.constant 0 : i32
    %dma_wait3A_270 = tpu.memref_slice %arg2[%dma_wait3A_268, %dma_wait3A_269] : memref<10000x128xf32, #tpu.memory_space<hbm>> -> memref<80x128xf32, #tpu.memory_space<hbm>>
    %dma_wait3A_271 = arith.constant 0 : i32
    %dma_wait3A_272 = arith.constant 0 : i32
    %dma_wait3A_273 = tpu.memref_slice %arg2[%dma_wait3A_271, %dma_wait3A_272] : memref<10000x128xf32, #tpu.memory_space<hbm>> -> memref<80x128xf32, #tpu.memory_space<hbm>>
    tpu.wait_dma2 semaphore(%arg18 : memref<!tpu.dma_semaphore, #tpu.memory_space<semaphore_mem>>) src(%dma_wait3A_273 : memref<80x128xf32, #tpu.memory_space<hbm>>) dst(%arg12 : memref<80x128xf32, #tpu.memory_space<vmem>>)
    %dma_start3A_274 = arith.constant 24 : i32
    %dma_start3A_275 = arith.constant 0 : i32
    %dma_start3A_276 = tpu.memref_slice %arg10[%dma_start3A_274, %dma_start3A_275] : memref<25x80xi32, #tpu.memory_space<vmem>> -> memref<1x80xi32, #tpu.memory_space<vmem>>
    %dma_start3A_277 = tpu.memref_squeeze %dma_start3A_276 : memref<1x80xi32, #tpu.memory_space<vmem>> -> memref<80xi32, #tpu.memory_space<vmem>>
    %dma_start3A_278 = arith.constant 0 : i32
    %dma_start3A_279 = arith.constant 0 : i32
    %dma_start3A_280 = tpu.memref_slice %arg13[%dma_start3A_278, %dma_start3A_279] : memref<10000x128xf32, #tpu.memory_space<vmem_shared>> -> memref<10000x128xf32, #tpu.memory_space<vmem_shared>>
    tpu.enqueue_indirect_dma source(%arg11 : memref<80x128xf32, #tpu.memory_space<vmem>>) target(%dma_start3A_280 : memref<10000x128xf32, #tpu.memory_space<vmem_shared>>) offsets(%dma_start3A_277 : memref<80xi32, #tpu.memory_space<vmem>>) semaphore(%arg17 : memref<!tpu.dma_semaphore, #tpu.memory_space<semaphore_mem>>) {add = true}
    %dma_wait3A_281 = arith.constant 0 : i32
    %dma_wait3A_282 = arith.constant 0 : i32
    %dma_wait3A_283 = tpu.memref_slice %arg2[%dma_wait3A_281, %dma_wait3A_282] : memref<10000x128xf32, #tpu.memory_space<hbm>> -> memref<80x128xf32, #tpu.memory_space<hbm>>
    %dma_wait3A_284 = arith.constant 0 : i32
    %dma_wait3A_285 = arith.constant 0 : i32
    %dma_wait3A_286 = tpu.memref_slice %arg2[%dma_wait3A_284, %dma_wait3A_285] : memref<10000x128xf32, #tpu.memory_space<hbm>> -> memref<80x128xf32, #tpu.memory_space<hbm>>
    tpu.wait_dma2 semaphore(%arg17 : memref<!tpu.dma_semaphore, #tpu.memory_space<semaphore_mem>>) src(%dma_wait3A_286 : memref<80x128xf32, #tpu.memory_space<hbm>>) dst(%arg11 : memref<80x128xf32, #tpu.memory_space<vmem>>)
    %dma_wait3A_287 = arith.constant 0 : i32
    %dma_wait3A_288 = arith.constant 0 : i32
    %dma_wait3A_289 = arith.constant 0 : i32
    %dma_wait3A_290 = tpu.memref_slice %arg3[%add3A, %dma_wait3A_287, %dma_wait3A_288, %dma_wait3A_289] : memref<32x5x25x80xi32, #tpu.memory_space<hbm>> -> memref<1x1x25x80xi32, #tpu.memory_space<hbm>>
    %dma_wait3A_291 = tpu.memref_squeeze %dma_wait3A_290 : memref<1x1x25x80xi32, #tpu.memory_space<hbm>> -> memref<25x80xi32, #tpu.memory_space<hbm>>
    %dma_wait3A_292 = arith.constant 0 : i32
    %dma_wait3A_293 = arith.constant 0 : i32
    %dma_wait3A_294 = tpu.memref_slice %arg3[%add3A, %dma_wait3A_287, %dma_wait3A_292, %dma_wait3A_293] : memref<32x5x25x80xi32, #tpu.memory_space<hbm>> -> memref<1x1x25x80xi32, #tpu.memory_space<hbm>>
    %dma_wait3A_295 = tpu.memref_squeeze %dma_wait3A_294 : memref<1x1x25x80xi32, #tpu.memory_space<hbm>> -> memref<25x80xi32, #tpu.memory_space<hbm>>
    tpu.wait_dma2 semaphore(%arg14 : memref<!tpu.dma_semaphore, #tpu.memory_space<semaphore_mem>>) src(%dma_wait3A_295 : memref<25x80xi32, #tpu.memory_space<hbm>>) dst(%arg7 : memref<25x80xi32, #tpu.memory_space<vmem>>)
    %dma_wait3A_296 = arith.constant 0 : i32
    %dma_wait3A_297 = arith.constant 0 : i32
    %dma_wait3A_298 = arith.constant 0 : i32
    %dma_wait3A_299 = tpu.memref_slice %arg4[%add3A, %dma_wait3A_296, %dma_wait3A_297, %dma_wait3A_298] : memref<32x5x25x80xi32, #tpu.memory_space<hbm>> -> memref<1x1x25x80xi32, #tpu.memory_space<hbm>>
    %dma_wait3A_300 = tpu.memref_squeeze %dma_wait3A_299 : memref<1x1x25x80xi32, #tpu.memory_space<hbm>> -> memref<25x80xi32, #tpu.memory_space<hbm>>
    %dma_wait3A_301 = arith.constant 0 : i32
    %dma_wait3A_302 = arith.constant 0 : i32
    %dma_wait3A_303 = tpu.memref_slice %arg4[%add3A, %dma_wait3A_296, %dma_wait3A_301, %dma_wait3A_302] : memref<32x5x25x80xi32, #tpu.memory_space<hbm>> -> memref<1x1x25x80xi32, #tpu.memory_space<hbm>>
    %dma_wait3A_304 = tpu.memref_squeeze %dma_wait3A_303 : memref<1x1x25x80xi32, #tpu.memory_space<hbm>> -> memref<25x80xi32, #tpu.memory_space<hbm>>
    tpu.wait_dma2 semaphore(%arg14 : memref<!tpu.dma_semaphore, #tpu.memory_space<semaphore_mem>>) src(%dma_wait3A_304 : memref<25x80xi32, #tpu.memory_space<hbm>>) dst(%arg8 : memref<25x80xi32, #tpu.memory_space<vmem>>)
    %dma_start3A_305 = arith.constant 0 : i32
    %dma_start3A_306 = arith.constant 0 : i32
    %dma_start3A_307 = tpu.memref_slice %arg7[%dma_start3A_305, %dma_start3A_306] : memref<25x80xi32, #tpu.memory_space<vmem>> -> memref<1x80xi32, #tpu.memory_space<vmem>>
    %dma_start3A_308 = tpu.memref_squeeze %dma_start3A_307 : memref<1x80xi32, #tpu.memory_space<vmem>> -> memref<80xi32, #tpu.memory_space<vmem>>
    %dma_start3A_309 = arith.constant 0 : i32
    %dma_start3A_310 = arith.constant 0 : i32
    %dma_start3A_311 = tpu.memref_slice %arg2[%dma_start3A_309, %dma_start3A_310] : memref<10000x128xf32, #tpu.memory_space<hbm>> -> memref<10000x128xf32, #tpu.memory_space<hbm>>
    tpu.enqueue_indirect_dma source(%dma_start3A_311 : memref<10000x128xf32, #tpu.memory_space<hbm>>) target(%arg11 : memref<80x128xf32, #tpu.memory_space<vmem>>) offsets(%dma_start3A_308 : memref<80xi32, #tpu.memory_space<vmem>>) semaphore(%arg15 : memref<!tpu.dma_semaphore, #tpu.memory_space<semaphore_mem>>)
    %dma_start3A_312 = arith.constant 1 : i32
    %dma_start3A_313 = arith.constant 0 : i32
    %dma_start3A_314 = tpu.memref_slice %arg7[%dma_start3A_312, %dma_start3A_313] : memref<25x80xi32, #tpu.memory_space<vmem>> -> memref<1x80xi32, #tpu.memory_space<vmem>>
    %dma_start3A_315 = tpu.memref_squeeze %dma_start3A_314 : memref<1x80xi32, #tpu.memory_space<vmem>> -> memref<80xi32, #tpu.memory_space<vmem>>
    %dma_start3A_316 = arith.constant 0 : i32
    %dma_start3A_317 = arith.constant 0 : i32
    %dma_start3A_318 = tpu.memref_slice %arg2[%dma_start3A_316, %dma_start3A_317] : memref<10000x128xf32, #tpu.memory_space<hbm>> -> memref<10000x128xf32, #tpu.memory_space<hbm>>
    tpu.enqueue_indirect_dma source(%dma_start3A_318 : memref<10000x128xf32, #tpu.memory_space<hbm>>) target(%arg12 : memref<80x128xf32, #tpu.memory_space<vmem>>) offsets(%dma_start3A_315 : memref<80xi32, #tpu.memory_space<vmem>>) semaphore(%arg16 : memref<!tpu.dma_semaphore, #tpu.memory_space<semaphore_mem>>)
    %dma_start3A_319 = arith.constant 3 : i32
    %dma_start3A_320 = arith.constant 0 : i32
    %dma_start3A_321 = arith.constant 0 : i32
    %dma_start3A_322 = tpu.memref_slice %arg3[%add3A, %dma_start3A_319, %dma_start3A_320, %dma_start3A_321] : memref<32x5x25x80xi32, #tpu.memory_space<hbm>> -> memref<1x1x25x80xi32, #tpu.memory_space<hbm>>
    %dma_start3A_323 = tpu.memref_squeeze %dma_start3A_322 : memref<1x1x25x80xi32, #tpu.memory_space<hbm>> -> memref<25x80xi32, #tpu.memory_space<hbm>>
    %dma_start3A_324 = arith.constant 0 : i32
    %dma_start3A_325 = arith.constant 0 : i32
    %dma_start3A_326 = tpu.memref_slice %arg3[%add3A, %dma_start3A_319, %dma_start3A_324, %dma_start3A_325] : memref<32x5x25x80xi32, #tpu.memory_space<hbm>> -> memref<1x1x25x80xi32, #tpu.memory_space<hbm>>
    %dma_start3A_327 = tpu.memref_squeeze %dma_start3A_326 : memref<1x1x25x80xi32, #tpu.memory_space<hbm>> -> memref<25x80xi32, #tpu.memory_space<hbm>>
    tpu.enqueue_dma source(%dma_start3A_327 : memref<25x80xi32, #tpu.memory_space<hbm>>) target(%arg9 : memref<25x80xi32, #tpu.memory_space<vmem>>) target_semaphore(%arg14 : memref<!tpu.dma_semaphore, #tpu.memory_space<semaphore_mem>>)
    %dma_start3A_328 = arith.constant 3 : i32
    %dma_start3A_329 = arith.constant 0 : i32
    %dma_start3A_330 = arith.constant 0 : i32
    %dma_start3A_331 = tpu.memref_slice %arg4[%add3A, %dma_start3A_328, %dma_start3A_329, %dma_start3A_330] : memref<32x5x25x80xi32, #tpu.memory_space<hbm>> -> memref<1x1x25x80xi32, #tpu.memory_space<hbm>>
    %dma_start3A_332 = tpu.memref_squeeze %dma_start3A_331 : memref<1x1x25x80xi32, #tpu.memory_space<hbm>> -> memref<25x80xi32, #tpu.memory_space<hbm>>
    %dma_start3A_333 = arith.constant 0 : i32
    %dma_start3A_334 = arith.constant 0 : i32
    %dma_start3A_335 = tpu.memref_slice %arg4[%add3A, %dma_start3A_328, %dma_start3A_333, %dma_start3A_334] : memref<32x5x25x80xi32, #tpu.memory_space<hbm>> -> memref<1x1x25x80xi32, #tpu.memory_space<hbm>>
    %dma_start3A_336 = tpu.memref_squeeze %dma_start3A_335 : memref<1x1x25x80xi32, #tpu.memory_space<hbm>> -> memref<25x80xi32, #tpu.memory_space<hbm>>
    tpu.enqueue_dma source(%dma_start3A_336 : memref<25x80xi32, #tpu.memory_space<hbm>>) target(%arg10 : memref<25x80xi32, #tpu.memory_space<vmem>>) target_semaphore(%arg14 : memref<!tpu.dma_semaphore, #tpu.memory_space<semaphore_mem>>)
    %dma_wait3A_337 = arith.constant 0 : i32
    %dma_wait3A_338 = arith.constant 0 : i32
    %dma_wait3A_339 = tpu.memref_slice %arg2[%dma_wait3A_337, %dma_wait3A_338] : memref<10000x128xf32, #tpu.memory_space<hbm>> -> memref<80x128xf32, #tpu.memory_space<hbm>>
    %dma_wait3A_340 = arith.constant 0 : i32
    %dma_wait3A_341 = arith.constant 0 : i32
    %dma_wait3A_342 = tpu.memref_slice %arg2[%dma_wait3A_340, %dma_wait3A_341] : memref<10000x128xf32, #tpu.memory_space<hbm>> -> memref<80x128xf32, #tpu.memory_space<hbm>>
    tpu.wait_dma2 semaphore(%arg15 : memref<!tpu.dma_semaphore, #tpu.memory_space<semaphore_mem>>) src(%dma_wait3A_342 : memref<80x128xf32, #tpu.memory_space<hbm>>) dst(%arg11 : memref<80x128xf32, #tpu.memory_space<vmem>>)
    %dma_start3A_343 = arith.constant 0 : i32
    %dma_start3A_344 = arith.constant 0 : i32
    %dma_start3A_345 = tpu.memref_slice %arg8[%dma_start3A_343, %dma_start3A_344] : memref<25x80xi32, #tpu.memory_space<vmem>> -> memref<1x80xi32, #tpu.memory_space<vmem>>
    %dma_start3A_346 = tpu.memref_squeeze %dma_start3A_345 : memref<1x80xi32, #tpu.memory_space<vmem>> -> memref<80xi32, #tpu.memory_space<vmem>>
    %dma_start3A_347 = arith.constant 0 : i32
    %dma_start3A_348 = arith.constant 0 : i32
    %dma_start3A_349 = tpu.memref_slice %arg13[%dma_start3A_347, %dma_start3A_348] : memref<10000x128xf32, #tpu.memory_space<vmem_shared>> -> memref<10000x128xf32, #tpu.memory_space<vmem_shared>>
    tpu.enqueue_indirect_dma source(%arg11 : memref<80x128xf32, #tpu.memory_space<vmem>>) target(%dma_start3A_349 : memref<10000x128xf32, #tpu.memory_space<vmem_shared>>) offsets(%dma_start3A_346 : memref<80xi32, #tpu.memory_space<vmem>>) semaphore(%arg17 : memref<!tpu.dma_semaphore, #tpu.memory_space<semaphore_mem>>) {add = true}
    %scan3A_350 = arith.constant 0 : i32
    %scan3A_351 = arith.constant 0 : i32
    %scan3A_352 = arith.constant 11 : i32
    %scan3A_353 = arith.addi %scan3A_351, %scan3A_352 : i32
    %scan3A_354 = arith.constant 1 : i32
    %scan3A_355 = scf.for %scan3A_643 = %scan3A_351 to %scan3A_353 step %scan3A_354 iter_args(%scan3A_644 = %scan3A_350) -> (i32)  : i32 {
      %mul3A_645 = arith.constant 2 : i32
      %mul3A_646 = arith.muli %mul3A_645, %scan3A_643 : i32
      %add3A_647 = arith.constant 1 : i32
      %add3A_648 = arith.addi %mul3A_646, %add3A_647 : i32
      %dma_wait3A_649 = arith.constant 0 : i32
      %dma_wait3A_650 = arith.constant 0 : i32
      %dma_wait3A_651 = tpu.memref_slice %arg2[%dma_wait3A_649, %dma_wait3A_650] : memref<10000x128xf32, #tpu.memory_space<hbm>> -> memref<80x128xf32, #tpu.memory_space<hbm>>
      %dma_wait3A_652 = arith.constant 0 : i32
      %dma_wait3A_653 = arith.constant 0 : i32
      %dma_wait3A_654 = tpu.memref_slice %arg2[%dma_wait3A_652, %dma_wait3A_653] : memref<10000x128xf32, #tpu.memory_space<hbm>> -> memref<80x128xf32, #tpu.memory_space<hbm>>
      tpu.wait_dma2 semaphore(%arg16 : memref<!tpu.dma_semaphore, #tpu.memory_space<semaphore_mem>>) src(%dma_wait3A_654 : memref<80x128xf32, #tpu.memory_space<hbm>>) dst(%arg12 : memref<80x128xf32, #tpu.memory_space<vmem>>)
      %dma_wait3A_655 = arith.constant 0 : i32
      %dma_wait3A_656 = arith.constant 0 : i32
      %dma_wait3A_657 = tpu.memref_slice %arg2[%dma_wait3A_655, %dma_wait3A_656] : memref<10000x128xf32, #tpu.memory_space<hbm>> -> memref<80x128xf32, #tpu.memory_space<hbm>>
      %dma_wait3A_658 = arith.constant 0 : i32
      %dma_wait3A_659 = arith.constant 0 : i32
      %dma_wait3A_660 = tpu.memref_slice %arg2[%dma_wait3A_658, %dma_wait3A_659] : memref<10000x128xf32, #tpu.memory_space<hbm>> -> memref<80x128xf32, #tpu.memory_space<hbm>>
      tpu.wait_dma2 semaphore(%arg17 : memref<!tpu.dma_semaphore, #tpu.memory_space<semaphore_mem>>) src(%dma_wait3A_660 : memref<80x128xf32, #tpu.memory_space<hbm>>) dst(%arg11 : memref<80x128xf32, #tpu.memory_space<vmem>>)
      %dma_start3A_661 = arith.constant 0 : i32
      %dma_start3A_662 = tpu.memref_slice %arg8[%add3A_648, %dma_start3A_661] : memref<25x80xi32, #tpu.memory_space<vmem>> -> memref<1x80xi32, #tpu.memory_space<vmem>>
      %dma_start3A_663 = tpu.memref_squeeze %dma_start3A_662 : memref<1x80xi32, #tpu.memory_space<vmem>> -> memref<80xi32, #tpu.memory_space<vmem>>
      %dma_start3A_664 = arith.constant 0 : i32
      %dma_start3A_665 = arith.constant 0 : i32
      %dma_start3A_666 = tpu.memref_slice %arg13[%dma_start3A_664, %dma_start3A_665] : memref<10000x128xf32, #tpu.memory_space<vmem_shared>> -> memref<10000x128xf32, #tpu.memory_space<vmem_shared>>
      tpu.enqueue_indirect_dma source(%arg12 : memref<80x128xf32, #tpu.memory_space<vmem>>) target(%dma_start3A_666 : memref<10000x128xf32, #tpu.memory_space<vmem_shared>>) offsets(%dma_start3A_663 : memref<80xi32, #tpu.memory_space<vmem>>) semaphore(%arg18 : memref<!tpu.dma_semaphore, #tpu.memory_space<semaphore_mem>>) {add = true}
      %add3A_667 = arith.constant 1 : i32
      %add3A_668 = arith.addi %add3A_648, %add3A_667 : i32
      %dma_start3A_669 = arith.constant 0 : i32
      %dma_start3A_670 = tpu.memref_slice %arg7[%add3A_668, %dma_start3A_669] : memref<25x80xi32, #tpu.memory_space<vmem>> -> memref<1x80xi32, #tpu.memory_space<vmem>>
      %dma_start3A_671 = tpu.memref_squeeze %dma_start3A_670 : memref<1x80xi32, #tpu.memory_space<vmem>> -> memref<80xi32, #tpu.memory_space<vmem>>
      %dma_start3A_672 = arith.constant 0 : i32
      %dma_start3A_673 = arith.constant 0 : i32
      %dma_start3A_674 = tpu.memref_slice %arg2[%dma_start3A_672, %dma_start3A_673] : memref<10000x128xf32, #tpu.memory_space<hbm>> -> memref<10000x128xf32, #tpu.memory_space<hbm>>
      tpu.enqueue_indirect_dma source(%dma_start3A_674 : memref<10000x128xf32, #tpu.memory_space<hbm>>) target(%arg11 : memref<80x128xf32, #tpu.memory_space<vmem>>) offsets(%dma_start3A_671 : memref<80xi32, #tpu.memory_space<vmem>>) semaphore(%arg15 : memref<!tpu.dma_semaphore, #tpu.memory_space<semaphore_mem>>)
      %dma_wait3A_675 = arith.constant 0 : i32
      %dma_wait3A_676 = arith.constant 0 : i32
      %dma_wait3A_677 = tpu.memref_slice %arg2[%dma_wait3A_675, %dma_wait3A_676] : memref<10000x128xf32, #tpu.memory_space<hbm>> -> memref<80x128xf32, #tpu.memory_space<hbm>>
      %dma_wait3A_678 = arith.constant 0 : i32
      %dma_wait3A_679 = arith.constant 0 : i32
      %dma_wait3A_680 = tpu.memref_slice %arg2[%dma_wait3A_678, %dma_wait3A_679] : memref<10000x128xf32, #tpu.memory_space<hbm>> -> memref<80x128xf32, #tpu.memory_space<hbm>>
      tpu.wait_dma2 semaphore(%arg15 : memref<!tpu.dma_semaphore, #tpu.memory_space<semaphore_mem>>) src(%dma_wait3A_680 : memref<80x128xf32, #tpu.memory_space<hbm>>) dst(%arg11 : memref<80x128xf32, #tpu.memory_space<vmem>>)
      %dma_wait3A_681 = arith.constant 0 : i32
      %dma_wait3A_682 = arith.constant 0 : i32
      %dma_wait3A_683 = tpu.memref_slice %arg2[%dma_wait3A_681, %dma_wait3A_682] : memref<10000x128xf32, #tpu.memory_space<hbm>> -> memref<80x128xf32, #tpu.memory_space<hbm>>
      %dma_wait3A_684 = arith.constant 0 : i32
      %dma_wait3A_685 = arith.constant 0 : i32
      %dma_wait3A_686 = tpu.memref_slice %arg2[%dma_wait3A_684, %dma_wait3A_685] : memref<10000x128xf32, #tpu.memory_space<hbm>> -> memref<80x128xf32, #tpu.memory_space<hbm>>
      tpu.wait_dma2 semaphore(%arg18 : memref<!tpu.dma_semaphore, #tpu.memory_space<semaphore_mem>>) src(%dma_wait3A_686 : memref<80x128xf32, #tpu.memory_space<hbm>>) dst(%arg12 : memref<80x128xf32, #tpu.memory_space<vmem>>)
      %add3A_687 = arith.constant 1 : i32
      %add3A_688 = arith.addi %add3A_648, %add3A_687 : i32
      %dma_start3A_689 = arith.constant 0 : i32
      %dma_start3A_690 = tpu.memref_slice %arg8[%add3A_688, %dma_start3A_689] : memref<25x80xi32, #tpu.memory_space<vmem>> -> memref<1x80xi32, #tpu.memory_space<vmem>>
      %dma_start3A_691 = tpu.memref_squeeze %dma_start3A_690 : memref<1x80xi32, #tpu.memory_space<vmem>> -> memref<80xi32, #tpu.memory_space<vmem>>
      %dma_start3A_692 = arith.constant 0 : i32
      %dma_start3A_693 = arith.constant 0 : i32
      %dma_start3A_694 = tpu.memref_slice %arg13[%dma_start3A_692, %dma_start3A_693] : memref<10000x128xf32, #tpu.memory_space<vmem_shared>> -> memref<10000x128xf32, #tpu.memory_space<vmem_shared>>
      tpu.enqueue_indirect_dma source(%arg11 : memref<80x128xf32, #tpu.memory_space<vmem>>) target(%dma_start3A_694 : memref<10000x128xf32, #tpu.memory_space<vmem_shared>>) offsets(%dma_start3A_691 : memref<80xi32, #tpu.memory_space<vmem>>) semaphore(%arg17 : memref<!tpu.dma_semaphore, #tpu.memory_space<semaphore_mem>>) {add = true}
      %add3A_695 = arith.constant 2 : i32
      %add3A_696 = arith.addi %add3A_648, %add3A_695 : i32
      %dma_start3A_697 = arith.constant 0 : i32
      %dma_start3A_698 = tpu.memref_slice %arg7[%add3A_696, %dma_start3A_697] : memref<25x80xi32, #tpu.memory_space<vmem>> -> memref<1x80xi32, #tpu.memory_space<vmem>>
      %dma_start3A_699 = tpu.memref_squeeze %dma_start3A_698 : memref<1x80xi32, #tpu.memory_space<vmem>> -> memref<80xi32, #tpu.memory_space<vmem>>
      %dma_start3A_700 = arith.constant 0 : i32
      %dma_start3A_701 = arith.constant 0 : i32
      %dma_start3A_702 = tpu.memref_slice %arg2[%dma_start3A_700, %dma_start3A_701] : memref<10000x128xf32, #tpu.memory_space<hbm>> -> memref<10000x128xf32, #tpu.memory_space<hbm>>
      tpu.enqueue_indirect_dma source(%dma_start3A_702 : memref<10000x128xf32, #tpu.memory_space<hbm>>) target(%arg12 : memref<80x128xf32, #tpu.memory_space<vmem>>) offsets(%dma_start3A_699 : memref<80xi32, #tpu.memory_space<vmem>>) semaphore(%arg16 : memref<!tpu.dma_semaphore, #tpu.memory_space<semaphore_mem>>)
      %scan3A_703 = arith.constant 0 : i32
      scf.yield %scan3A_703 : i32
    }
    %scan3A_356 = arith.constant 11 : i32
    %dma_wait3A_357 = arith.constant 0 : i32
    %dma_wait3A_358 = arith.constant 0 : i32
    %dma_wait3A_359 = tpu.memref_slice %arg2[%dma_wait3A_357, %dma_wait3A_358] : memref<10000x128xf32, #tpu.memory_space<hbm>> -> memref<80x128xf32, #tpu.memory_space<hbm>>
    %dma_wait3A_360 = arith.constant 0 : i32
    %dma_wait3A_361 = arith.constant 0 : i32
    %dma_wait3A_362 = tpu.memref_slice %arg2[%dma_wait3A_360, %dma_wait3A_361] : memref<10000x128xf32, #tpu.memory_space<hbm>> -> memref<80x128xf32, #tpu.memory_space<hbm>>
    tpu.wait_dma2 semaphore(%arg16 : memref<!tpu.dma_semaphore, #tpu.memory_space<semaphore_mem>>) src(%dma_wait3A_362 : memref<80x128xf32, #tpu.memory_space<hbm>>) dst(%arg12 : memref<80x128xf32, #tpu.memory_space<vmem>>)
    %dma_wait3A_363 = arith.constant 0 : i32
    %dma_wait3A_364 = arith.constant 0 : i32
    %dma_wait3A_365 = tpu.memref_slice %arg2[%dma_wait3A_363, %dma_wait3A_364] : memref<10000x128xf32, #tpu.memory_space<hbm>> -> memref<80x128xf32, #tpu.memory_space<hbm>>
    %dma_wait3A_366 = arith.constant 0 : i32
    %dma_wait3A_367 = arith.constant 0 : i32
    %dma_wait3A_368 = tpu.memref_slice %arg2[%dma_wait3A_366, %dma_wait3A_367] : memref<10000x128xf32, #tpu.memory_space<hbm>> -> memref<80x128xf32, #tpu.memory_space<hbm>>
    tpu.wait_dma2 semaphore(%arg17 : memref<!tpu.dma_semaphore, #tpu.memory_space<semaphore_mem>>) src(%dma_wait3A_368 : memref<80x128xf32, #tpu.memory_space<hbm>>) dst(%arg11 : memref<80x128xf32, #tpu.memory_space<vmem>>)
    %dma_start3A_369 = arith.constant 23 : i32
    %dma_start3A_370 = arith.constant 0 : i32
    %dma_start3A_371 = tpu.memref_slice %arg8[%dma_start3A_369, %dma_start3A_370] : memref<25x80xi32, #tpu.memory_space<vmem>> -> memref<1x80xi32, #tpu.memory_space<vmem>>
    %dma_start3A_372 = tpu.memref_squeeze %dma_start3A_371 : memref<1x80xi32, #tpu.memory_space<vmem>> -> memref<80xi32, #tpu.memory_space<vmem>>
    %dma_start3A_373 = arith.constant 0 : i32
    %dma_start3A_374 = arith.constant 0 : i32
    %dma_start3A_375 = tpu.memref_slice %arg13[%dma_start3A_373, %dma_start3A_374] : memref<10000x128xf32, #tpu.memory_space<vmem_shared>> -> memref<10000x128xf32, #tpu.memory_space<vmem_shared>>
    tpu.enqueue_indirect_dma source(%arg12 : memref<80x128xf32, #tpu.memory_space<vmem>>) target(%dma_start3A_375 : memref<10000x128xf32, #tpu.memory_space<vmem_shared>>) offsets(%dma_start3A_372 : memref<80xi32, #tpu.memory_space<vmem>>) semaphore(%arg18 : memref<!tpu.dma_semaphore, #tpu.memory_space<semaphore_mem>>) {add = true}
    %dma_start3A_376 = arith.constant 24 : i32
    %dma_start3A_377 = arith.constant 0 : i32
    %dma_start3A_378 = tpu.memref_slice %arg7[%dma_start3A_376, %dma_start3A_377] : memref<25x80xi32, #tpu.memory_space<vmem>> -> memref<1x80xi32, #tpu.memory_space<vmem>>
    %dma_start3A_379 = tpu.memref_squeeze %dma_start3A_378 : memref<1x80xi32, #tpu.memory_space<vmem>> -> memref<80xi32, #tpu.memory_space<vmem>>
    %dma_start3A_380 = arith.constant 0 : i32
    %dma_start3A_381 = arith.constant 0 : i32
    %dma_start3A_382 = tpu.memref_slice %arg2[%dma_start3A_380, %dma_start3A_381] : memref<10000x128xf32, #tpu.memory_space<hbm>> -> memref<10000x128xf32, #tpu.memory_space<hbm>>
    tpu.enqueue_indirect_dma source(%dma_start3A_382 : memref<10000x128xf32, #tpu.memory_space<hbm>>) target(%arg11 : memref<80x128xf32, #tpu.memory_space<vmem>>) offsets(%dma_start3A_379 : memref<80xi32, #tpu.memory_space<vmem>>) semaphore(%arg15 : memref<!tpu.dma_semaphore, #tpu.memory_space<semaphore_mem>>)
    %dma_wait3A_383 = arith.constant 0 : i32
    %dma_wait3A_384 = arith.constant 0 : i32
    %dma_wait3A_385 = tpu.memref_slice %arg2[%dma_wait3A_383, %dma_wait3A_384] : memref<10000x128xf32, #tpu.memory_space<hbm>> -> memref<80x128xf32, #tpu.memory_space<hbm>>
    %dma_wait3A_386 = arith.constant 0 : i32
    %dma_wait3A_387 = arith.constant 0 : i32
    %dma_wait3A_388 = tpu.memref_slice %arg2[%dma_wait3A_386, %dma_wait3A_387] : memref<10000x128xf32, #tpu.memory_space<hbm>> -> memref<80x128xf32, #tpu.memory_space<hbm>>
    tpu.wait_dma2 semaphore(%arg15 : memref<!tpu.dma_semaphore, #tpu.memory_space<semaphore_mem>>) src(%dma_wait3A_388 : memref<80x128xf32, #tpu.memory_space<hbm>>) dst(%arg11 : memref<80x128xf32, #tpu.memory_space<vmem>>)
    %dma_wait3A_389 = arith.constant 0 : i32
    %dma_wait3A_390 = arith.constant 0 : i32
    %dma_wait3A_391 = tpu.memref_slice %arg2[%dma_wait3A_389, %dma_wait3A_390] : memref<10000x128xf32, #tpu.memory_space<hbm>> -> memref<80x128xf32, #tpu.memory_space<hbm>>
    %dma_wait3A_392 = arith.constant 0 : i32
    %dma_wait3A_393 = arith.constant 0 : i32
    %dma_wait3A_394 = tpu.memref_slice %arg2[%dma_wait3A_392, %dma_wait3A_393] : memref<10000x128xf32, #tpu.memory_space<hbm>> -> memref<80x128xf32, #tpu.memory_space<hbm>>
    tpu.wait_dma2 semaphore(%arg18 : memref<!tpu.dma_semaphore, #tpu.memory_space<semaphore_mem>>) src(%dma_wait3A_394 : memref<80x128xf32, #tpu.memory_space<hbm>>) dst(%arg12 : memref<80x128xf32, #tpu.memory_space<vmem>>)
    %dma_start3A_395 = arith.constant 24 : i32
    %dma_start3A_396 = arith.constant 0 : i32
    %dma_start3A_397 = tpu.memref_slice %arg8[%dma_start3A_395, %dma_start3A_396] : memref<25x80xi32, #tpu.memory_space<vmem>> -> memref<1x80xi32, #tpu.memory_space<vmem>>
    %dma_start3A_398 = tpu.memref_squeeze %dma_start3A_397 : memref<1x80xi32, #tpu.memory_space<vmem>> -> memref<80xi32, #tpu.memory_space<vmem>>
    %dma_start3A_399 = arith.constant 0 : i32
    %dma_start3A_400 = arith.constant 0 : i32
    %dma_start3A_401 = tpu.memref_slice %arg13[%dma_start3A_399, %dma_start3A_400] : memref<10000x128xf32, #tpu.memory_space<vmem_shared>> -> memref<10000x128xf32, #tpu.memory_space<vmem_shared>>
    tpu.enqueue_indirect_dma source(%arg11 : memref<80x128xf32, #tpu.memory_space<vmem>>) target(%dma_start3A_401 : memref<10000x128xf32, #tpu.memory_space<vmem_shared>>) offsets(%dma_start3A_398 : memref<80xi32, #tpu.memory_space<vmem>>) semaphore(%arg17 : memref<!tpu.dma_semaphore, #tpu.memory_space<semaphore_mem>>) {add = true}
    %dma_wait3A_402 = arith.constant 0 : i32
    %dma_wait3A_403 = arith.constant 0 : i32
    %dma_wait3A_404 = tpu.memref_slice %arg2[%dma_wait3A_402, %dma_wait3A_403] : memref<10000x128xf32, #tpu.memory_space<hbm>> -> memref<80x128xf32, #tpu.memory_space<hbm>>
    %dma_wait3A_405 = arith.constant 0 : i32
    %dma_wait3A_406 = arith.constant 0 : i32
    %dma_wait3A_407 = tpu.memref_slice %arg2[%dma_wait3A_405, %dma_wait3A_406] : memref<10000x128xf32, #tpu.memory_space<hbm>> -> memref<80x128xf32, #tpu.memory_space<hbm>>
    tpu.wait_dma2 semaphore(%arg17 : memref<!tpu.dma_semaphore, #tpu.memory_space<semaphore_mem>>) src(%dma_wait3A_407 : memref<80x128xf32, #tpu.memory_space<hbm>>) dst(%arg11 : memref<80x128xf32, #tpu.memory_space<vmem>>)
    %dma_wait3A_408 = arith.constant 0 : i32
    %dma_wait3A_409 = arith.constant 0 : i32
    %dma_wait3A_410 = arith.constant 0 : i32
    %dma_wait3A_411 = tpu.memref_slice %arg3[%add3A, %dma_wait3A_408, %dma_wait3A_409, %dma_wait3A_410] : memref<32x5x25x80xi32, #tpu.memory_space<hbm>> -> memref<1x1x25x80xi32, #tpu.memory_space<hbm>>
    %dma_wait3A_412 = tpu.memref_squeeze %dma_wait3A_411 : memref<1x1x25x80xi32, #tpu.memory_space<hbm>> -> memref<25x80xi32, #tpu.memory_space<hbm>>
    %dma_wait3A_413 = arith.constant 0 : i32
    %dma_wait3A_414 = arith.constant 0 : i32
    %dma_wait3A_415 = tpu.memref_slice %arg3[%add3A, %dma_wait3A_408, %dma_wait3A_413, %dma_wait3A_414] : memref<32x5x25x80xi32, #tpu.memory_space<hbm>> -> memref<1x1x25x80xi32, #tpu.memory_space<hbm>>
    %dma_wait3A_416 = tpu.memref_squeeze %dma_wait3A_415 : memref<1x1x25x80xi32, #tpu.memory_space<hbm>> -> memref<25x80xi32, #tpu.memory_space<hbm>>
    tpu.wait_dma2 semaphore(%arg14 : memref<!tpu.dma_semaphore, #tpu.memory_space<semaphore_mem>>) src(%dma_wait3A_416 : memref<25x80xi32, #tpu.memory_space<hbm>>) dst(%arg9 : memref<25x80xi32, #tpu.memory_space<vmem>>)
    %dma_wait3A_417 = arith.constant 0 : i32
    %dma_wait3A_418 = arith.constant 0 : i32
    %dma_wait3A_419 = arith.constant 0 : i32
    %dma_wait3A_420 = tpu.memref_slice %arg4[%add3A, %dma_wait3A_417, %dma_wait3A_418, %dma_wait3A_419] : memref<32x5x25x80xi32, #tpu.memory_space<hbm>> -> memref<1x1x25x80xi32, #tpu.memory_space<hbm>>
    %dma_wait3A_421 = tpu.memref_squeeze %dma_wait3A_420 : memref<1x1x25x80xi32, #tpu.memory_space<hbm>> -> memref<25x80xi32, #tpu.memory_space<hbm>>
    %dma_wait3A_422 = arith.constant 0 : i32
    %dma_wait3A_423 = arith.constant 0 : i32
    %dma_wait3A_424 = tpu.memref_slice %arg4[%add3A, %dma_wait3A_417, %dma_wait3A_422, %dma_wait3A_423] : memref<32x5x25x80xi32, #tpu.memory_space<hbm>> -> memref<1x1x25x80xi32, #tpu.memory_space<hbm>>
    %dma_wait3A_425 = tpu.memref_squeeze %dma_wait3A_424 : memref<1x1x25x80xi32, #tpu.memory_space<hbm>> -> memref<25x80xi32, #tpu.memory_space<hbm>>
    tpu.wait_dma2 semaphore(%arg14 : memref<!tpu.dma_semaphore, #tpu.memory_space<semaphore_mem>>) src(%dma_wait3A_425 : memref<25x80xi32, #tpu.memory_space<hbm>>) dst(%arg10 : memref<25x80xi32, #tpu.memory_space<vmem>>)
    %dma_start3A_426 = arith.constant 0 : i32
    %dma_start3A_427 = arith.constant 0 : i32
    %dma_start3A_428 = tpu.memref_slice %arg9[%dma_start3A_426, %dma_start3A_427] : memref<25x80xi32, #tpu.memory_space<vmem>> -> memref<1x80xi32, #tpu.memory_space<vmem>>
    %dma_start3A_429 = tpu.memref_squeeze %dma_start3A_428 : memref<1x80xi32, #tpu.memory_space<vmem>> -> memref<80xi32, #tpu.memory_space<vmem>>
    %dma_start3A_430 = arith.constant 0 : i32
    %dma_start3A_431 = arith.constant 0 : i32
    %dma_start3A_432 = tpu.memref_slice %arg2[%dma_start3A_430, %dma_start3A_431] : memref<10000x128xf32, #tpu.memory_space<hbm>> -> memref<10000x128xf32, #tpu.memory_space<hbm>>
    tpu.enqueue_indirect_dma source(%dma_start3A_432 : memref<10000x128xf32, #tpu.memory_space<hbm>>) target(%arg11 : memref<80x128xf32, #tpu.memory_space<vmem>>) offsets(%dma_start3A_429 : memref<80xi32, #tpu.memory_space<vmem>>) semaphore(%arg15 : memref<!tpu.dma_semaphore, #tpu.memory_space<semaphore_mem>>)
    %dma_start3A_433 = arith.constant 1 : i32
    %dma_start3A_434 = arith.constant 0 : i32
    %dma_start3A_435 = tpu.memref_slice %arg9[%dma_start3A_433, %dma_start3A_434] : memref<25x80xi32, #tpu.memory_space<vmem>> -> memref<1x80xi32, #tpu.memory_space<vmem>>
    %dma_start3A_436 = tpu.memref_squeeze %dma_start3A_435 : memref<1x80xi32, #tpu.memory_space<vmem>> -> memref<80xi32, #tpu.memory_space<vmem>>
    %dma_start3A_437 = arith.constant 0 : i32
    %dma_start3A_438 = arith.constant 0 : i32
    %dma_start3A_439 = tpu.memref_slice %arg2[%dma_start3A_437, %dma_start3A_438] : memref<10000x128xf32, #tpu.memory_space<hbm>> -> memref<10000x128xf32, #tpu.memory_space<hbm>>
    tpu.enqueue_indirect_dma source(%dma_start3A_439 : memref<10000x128xf32, #tpu.memory_space<hbm>>) target(%arg12 : memref<80x128xf32, #tpu.memory_space<vmem>>) offsets(%dma_start3A_436 : memref<80xi32, #tpu.memory_space<vmem>>) semaphore(%arg16 : memref<!tpu.dma_semaphore, #tpu.memory_space<semaphore_mem>>)
    %dma_start3A_440 = arith.constant 4 : i32
    %dma_start3A_441 = arith.constant 0 : i32
    %dma_start3A_442 = arith.constant 0 : i32
    %dma_start3A_443 = tpu.memref_slice %arg3[%add3A, %dma_start3A_440, %dma_start3A_441, %dma_start3A_442] : memref<32x5x25x80xi32, #tpu.memory_space<hbm>> -> memref<1x1x25x80xi32, #tpu.memory_space<hbm>>
    %dma_start3A_444 = tpu.memref_squeeze %dma_start3A_443 : memref<1x1x25x80xi32, #tpu.memory_space<hbm>> -> memref<25x80xi32, #tpu.memory_space<hbm>>
    %dma_start3A_445 = arith.constant 0 : i32
    %dma_start3A_446 = arith.constant 0 : i32
    %dma_start3A_447 = tpu.memref_slice %arg3[%add3A, %dma_start3A_440, %dma_start3A_445, %dma_start3A_446] : memref<32x5x25x80xi32, #tpu.memory_space<hbm>> -> memref<1x1x25x80xi32, #tpu.memory_space<hbm>>
    %dma_start3A_448 = tpu.memref_squeeze %dma_start3A_447 : memref<1x1x25x80xi32, #tpu.memory_space<hbm>> -> memref<25x80xi32, #tpu.memory_space<hbm>>
    tpu.enqueue_dma source(%dma_start3A_448 : memref<25x80xi32, #tpu.memory_space<hbm>>) target(%arg7 : memref<25x80xi32, #tpu.memory_space<vmem>>) target_semaphore(%arg14 : memref<!tpu.dma_semaphore, #tpu.memory_space<semaphore_mem>>)
    %dma_start3A_449 = arith.constant 4 : i32
    %dma_start3A_450 = arith.constant 0 : i32
    %dma_start3A_451 = arith.constant 0 : i32
    %dma_start3A_452 = tpu.memref_slice %arg4[%add3A, %dma_start3A_449, %dma_start3A_450, %dma_start3A_451] : memref<32x5x25x80xi32, #tpu.memory_space<hbm>> -> memref<1x1x25x80xi32, #tpu.memory_space<hbm>>
    %dma_start3A_453 = tpu.memref_squeeze %dma_start3A_452 : memref<1x1x25x80xi32, #tpu.memory_space<hbm>> -> memref<25x80xi32, #tpu.memory_space<hbm>>
    %dma_start3A_454 = arith.constant 0 : i32
    %dma_start3A_455 = arith.constant 0 : i32
    %dma_start3A_456 = tpu.memref_slice %arg4[%add3A, %dma_start3A_449, %dma_start3A_454, %dma_start3A_455] : memref<32x5x25x80xi32, #tpu.memory_space<hbm>> -> memref<1x1x25x80xi32, #tpu.memory_space<hbm>>
    %dma_start3A_457 = tpu.memref_squeeze %dma_start3A_456 : memref<1x1x25x80xi32, #tpu.memory_space<hbm>> -> memref<25x80xi32, #tpu.memory_space<hbm>>
    tpu.enqueue_dma source(%dma_start3A_457 : memref<25x80xi32, #tpu.memory_space<hbm>>) target(%arg8 : memref<25x80xi32, #tpu.memory_space<vmem>>) target_semaphore(%arg14 : memref<!tpu.dma_semaphore, #tpu.memory_space<semaphore_mem>>)
    %dma_wait3A_458 = arith.constant 0 : i32
    %dma_wait3A_459 = arith.constant 0 : i32
    %dma_wait3A_460 = tpu.memref_slice %arg2[%dma_wait3A_458, %dma_wait3A_459] : memref<10000x128xf32, #tpu.memory_space<hbm>> -> memref<80x128xf32, #tpu.memory_space<hbm>>
    %dma_wait3A_461 = arith.constant 0 : i32
    %dma_wait3A_462 = arith.constant 0 : i32
    %dma_wait3A_463 = tpu.memref_slice %arg2[%dma_wait3A_461, %dma_wait3A_462] : memref<10000x128xf32, #tpu.memory_space<hbm>> -> memref<80x128xf32, #tpu.memory_space<hbm>>
    tpu.wait_dma2 semaphore(%arg15 : memref<!tpu.dma_semaphore, #tpu.memory_space<semaphore_mem>>) src(%dma_wait3A_463 : memref<80x128xf32, #tpu.memory_space<hbm>>) dst(%arg11 : memref<80x128xf32, #tpu.memory_space<vmem>>)
    %dma_start3A_464 = arith.constant 0 : i32
    %dma_start3A_465 = arith.constant 0 : i32
    %dma_start3A_466 = tpu.memref_slice %arg10[%dma_start3A_464, %dma_start3A_465] : memref<25x80xi32, #tpu.memory_space<vmem>> -> memref<1x80xi32, #tpu.memory_space<vmem>>
    %dma_start3A_467 = tpu.memref_squeeze %dma_start3A_466 : memref<1x80xi32, #tpu.memory_space<vmem>> -> memref<80xi32, #tpu.memory_space<vmem>>
    %dma_start3A_468 = arith.constant 0 : i32
    %dma_start3A_469 = arith.constant 0 : i32
    %dma_start3A_470 = tpu.memref_slice %arg13[%dma_start3A_468, %dma_start3A_469] : memref<10000x128xf32, #tpu.memory_space<vmem_shared>> -> memref<10000x128xf32, #tpu.memory_space<vmem_shared>>
    tpu.enqueue_indirect_dma source(%arg11 : memref<80x128xf32, #tpu.memory_space<vmem>>) target(%dma_start3A_470 : memref<10000x128xf32, #tpu.memory_space<vmem_shared>>) offsets(%dma_start3A_467 : memref<80xi32, #tpu.memory_space<vmem>>) semaphore(%arg17 : memref<!tpu.dma_semaphore, #tpu.memory_space<semaphore_mem>>) {add = true}
    %scan3A_471 = arith.constant 0 : i32
    %scan3A_472 = arith.constant 0 : i32
    %scan3A_473 = arith.constant 11 : i32
    %scan3A_474 = arith.addi %scan3A_472, %scan3A_473 : i32
    %scan3A_475 = arith.constant 1 : i32
    %scan3A_476 = scf.for %scan3A_643 = %scan3A_472 to %scan3A_474 step %scan3A_475 iter_args(%scan3A_644 = %scan3A_471) -> (i32)  : i32 {
      %mul3A_645 = arith.constant 2 : i32
      %mul3A_646 = arith.muli %mul3A_645, %scan3A_643 : i32
      %add3A_647 = arith.constant 1 : i32
      %add3A_648 = arith.addi %mul3A_646, %add3A_647 : i32
      %dma_wait3A_649 = arith.constant 0 : i32
      %dma_wait3A_650 = arith.constant 0 : i32
      %dma_wait3A_651 = tpu.memref_slice %arg2[%dma_wait3A_649, %dma_wait3A_650] : memref<10000x128xf32, #tpu.memory_space<hbm>> -> memref<80x128xf32, #tpu.memory_space<hbm>>
      %dma_wait3A_652 = arith.constant 0 : i32
      %dma_wait3A_653 = arith.constant 0 : i32
      %dma_wait3A_654 = tpu.memref_slice %arg2[%dma_wait3A_652, %dma_wait3A_653] : memref<10000x128xf32, #tpu.memory_space<hbm>> -> memref<80x128xf32, #tpu.memory_space<hbm>>
      tpu.wait_dma2 semaphore(%arg16 : memref<!tpu.dma_semaphore, #tpu.memory_space<semaphore_mem>>) src(%dma_wait3A_654 : memref<80x128xf32, #tpu.memory_space<hbm>>) dst(%arg12 : memref<80x128xf32, #tpu.memory_space<vmem>>)
      %dma_wait3A_655 = arith.constant 0 : i32
      %dma_wait3A_656 = arith.constant 0 : i32
      %dma_wait3A_657 = tpu.memref_slice %arg2[%dma_wait3A_655, %dma_wait3A_656] : memref<10000x128xf32, #tpu.memory_space<hbm>> -> memref<80x128xf32, #tpu.memory_space<hbm>>
      %dma_wait3A_658 = arith.constant 0 : i32
      %dma_wait3A_659 = arith.constant 0 : i32
      %dma_wait3A_660 = tpu.memref_slice %arg2[%dma_wait3A_658, %dma_wait3A_659] : memref<10000x128xf32, #tpu.memory_space<hbm>> -> memref<80x128xf32, #tpu.memory_space<hbm>>
      tpu.wait_dma2 semaphore(%arg17 : memref<!tpu.dma_semaphore, #tpu.memory_space<semaphore_mem>>) src(%dma_wait3A_660 : memref<80x128xf32, #tpu.memory_space<hbm>>) dst(%arg11 : memref<80x128xf32, #tpu.memory_space<vmem>>)
      %dma_start3A_661 = arith.constant 0 : i32
      %dma_start3A_662 = tpu.memref_slice %arg10[%add3A_648, %dma_start3A_661] : memref<25x80xi32, #tpu.memory_space<vmem>> -> memref<1x80xi32, #tpu.memory_space<vmem>>
      %dma_start3A_663 = tpu.memref_squeeze %dma_start3A_662 : memref<1x80xi32, #tpu.memory_space<vmem>> -> memref<80xi32, #tpu.memory_space<vmem>>
      %dma_start3A_664 = arith.constant 0 : i32
      %dma_start3A_665 = arith.constant 0 : i32
      %dma_start3A_666 = tpu.memref_slice %arg13[%dma_start3A_664, %dma_start3A_665] : memref<10000x128xf32, #tpu.memory_space<vmem_shared>> -> memref<10000x128xf32, #tpu.memory_space<vmem_shared>>
      tpu.enqueue_indirect_dma source(%arg12 : memref<80x128xf32, #tpu.memory_space<vmem>>) target(%dma_start3A_666 : memref<10000x128xf32, #tpu.memory_space<vmem_shared>>) offsets(%dma_start3A_663 : memref<80xi32, #tpu.memory_space<vmem>>) semaphore(%arg18 : memref<!tpu.dma_semaphore, #tpu.memory_space<semaphore_mem>>) {add = true}
      %add3A_667 = arith.constant 1 : i32
      %add3A_668 = arith.addi %add3A_648, %add3A_667 : i32
      %dma_start3A_669 = arith.constant 0 : i32
      %dma_start3A_670 = tpu.memref_slice %arg9[%add3A_668, %dma_start3A_669] : memref<25x80xi32, #tpu.memory_space<vmem>> -> memref<1x80xi32, #tpu.memory_space<vmem>>
      %dma_start3A_671 = tpu.memref_squeeze %dma_start3A_670 : memref<1x80xi32, #tpu.memory_space<vmem>> -> memref<80xi32, #tpu.memory_space<vmem>>
      %dma_start3A_672 = arith.constant 0 : i32
      %dma_start3A_673 = arith.constant 0 : i32
      %dma_start3A_674 = tpu.memref_slice %arg2[%dma_start3A_672, %dma_start3A_673] : memref<10000x128xf32, #tpu.memory_space<hbm>> -> memref<10000x128xf32, #tpu.memory_space<hbm>>
      tpu.enqueue_indirect_dma source(%dma_start3A_674 : memref<10000x128xf32, #tpu.memory_space<hbm>>) target(%arg11 : memref<80x128xf32, #tpu.memory_space<vmem>>) offsets(%dma_start3A_671 : memref<80xi32, #tpu.memory_space<vmem>>) semaphore(%arg15 : memref<!tpu.dma_semaphore, #tpu.memory_space<semaphore_mem>>)
      %dma_wait3A_675 = arith.constant 0 : i32
      %dma_wait3A_676 = arith.constant 0 : i32
      %dma_wait3A_677 = tpu.memref_slice %arg2[%dma_wait3A_675, %dma_wait3A_676] : memref<10000x128xf32, #tpu.memory_space<hbm>> -> memref<80x128xf32, #tpu.memory_space<hbm>>
      %dma_wait3A_678 = arith.constant 0 : i32
      %dma_wait3A_679 = arith.constant 0 : i32
      %dma_wait3A_680 = tpu.memref_slice %arg2[%dma_wait3A_678, %dma_wait3A_679] : memref<10000x128xf32, #tpu.memory_space<hbm>> -> memref<80x128xf32, #tpu.memory_space<hbm>>
      tpu.wait_dma2 semaphore(%arg15 : memref<!tpu.dma_semaphore, #tpu.memory_space<semaphore_mem>>) src(%dma_wait3A_680 : memref<80x128xf32, #tpu.memory_space<hbm>>) dst(%arg11 : memref<80x128xf32, #tpu.memory_space<vmem>>)
      %dma_wait3A_681 = arith.constant 0 : i32
      %dma_wait3A_682 = arith.constant 0 : i32
      %dma_wait3A_683 = tpu.memref_slice %arg2[%dma_wait3A_681, %dma_wait3A_682] : memref<10000x128xf32, #tpu.memory_space<hbm>> -> memref<80x128xf32, #tpu.memory_space<hbm>>
      %dma_wait3A_684 = arith.constant 0 : i32
      %dma_wait3A_685 = arith.constant 0 : i32
      %dma_wait3A_686 = tpu.memref_slice %arg2[%dma_wait3A_684, %dma_wait3A_685] : memref<10000x128xf32, #tpu.memory_space<hbm>> -> memref<80x128xf32, #tpu.memory_space<hbm>>
      tpu.wait_dma2 semaphore(%arg18 : memref<!tpu.dma_semaphore, #tpu.memory_space<semaphore_mem>>) src(%dma_wait3A_686 : memref<80x128xf32, #tpu.memory_space<hbm>>) dst(%arg12 : memref<80x128xf32, #tpu.memory_space<vmem>>)
      %add3A_687 = arith.constant 1 : i32
      %add3A_688 = arith.addi %add3A_648, %add3A_687 : i32
      %dma_start3A_689 = arith.constant 0 : i32
      %dma_start3A_690 = tpu.memref_slice %arg10[%add3A_688, %dma_start3A_689] : memref<25x80xi32, #tpu.memory_space<vmem>> -> memref<1x80xi32, #tpu.memory_space<vmem>>
      %dma_start3A_691 = tpu.memref_squeeze %dma_start3A_690 : memref<1x80xi32, #tpu.memory_space<vmem>> -> memref<80xi32, #tpu.memory_space<vmem>>
      %dma_start3A_692 = arith.constant 0 : i32
      %dma_start3A_693 = arith.constant 0 : i32
      %dma_start3A_694 = tpu.memref_slice %arg13[%dma_start3A_692, %dma_start3A_693] : memref<10000x128xf32, #tpu.memory_space<vmem_shared>> -> memref<10000x128xf32, #tpu.memory_space<vmem_shared>>
      tpu.enqueue_indirect_dma source(%arg11 : memref<80x128xf32, #tpu.memory_space<vmem>>) target(%dma_start3A_694 : memref<10000x128xf32, #tpu.memory_space<vmem_shared>>) offsets(%dma_start3A_691 : memref<80xi32, #tpu.memory_space<vmem>>) semaphore(%arg17 : memref<!tpu.dma_semaphore, #tpu.memory_space<semaphore_mem>>) {add = true}
      %add3A_695 = arith.constant 2 : i32
      %add3A_696 = arith.addi %add3A_648, %add3A_695 : i32
      %dma_start3A_697 = arith.constant 0 : i32
      %dma_start3A_698 = tpu.memref_slice %arg9[%add3A_696, %dma_start3A_697] : memref<25x80xi32, #tpu.memory_space<vmem>> -> memref<1x80xi32, #tpu.memory_space<vmem>>
      %dma_start3A_699 = tpu.memref_squeeze %dma_start3A_698 : memref<1x80xi32, #tpu.memory_space<vmem>> -> memref<80xi32, #tpu.memory_space<vmem>>
      %dma_start3A_700 = arith.constant 0 : i32
      %dma_start3A_701 = arith.constant 0 : i32
      %dma_start3A_702 = tpu.memref_slice %arg2[%dma_start3A_700, %dma_start3A_701] : memref<10000x128xf32, #tpu.memory_space<hbm>> -> memref<10000x128xf32, #tpu.memory_space<hbm>>
      tpu.enqueue_indirect_dma source(%dma_start3A_702 : memref<10000x128xf32, #tpu.memory_space<hbm>>) target(%arg12 : memref<80x128xf32, #tpu.memory_space<vmem>>) offsets(%dma_start3A_699 : memref<80xi32, #tpu.memory_space<vmem>>) semaphore(%arg16 : memref<!tpu.dma_semaphore, #tpu.memory_space<semaphore_mem>>)
      %scan3A_703 = arith.constant 0 : i32
      scf.yield %scan3A_703 : i32
    }
    %scan3A_477 = arith.constant 11 : i32
    %dma_wait3A_478 = arith.constant 0 : i32
    %dma_wait3A_479 = arith.constant 0 : i32
    %dma_wait3A_480 = tpu.memref_slice %arg2[%dma_wait3A_478, %dma_wait3A_479] : memref<10000x128xf32, #tpu.memory_space<hbm>> -> memref<80x128xf32, #tpu.memory_space<hbm>>
    %dma_wait3A_481 = arith.constant 0 : i32
    %dma_wait3A_482 = arith.constant 0 : i32
    %dma_wait3A_483 = tpu.memref_slice %arg2[%dma_wait3A_481, %dma_wait3A_482] : memref<10000x128xf32, #tpu.memory_space<hbm>> -> memref<80x128xf32, #tpu.memory_space<hbm>>
    tpu.wait_dma2 semaphore(%arg16 : memref<!tpu.dma_semaphore, #tpu.memory_space<semaphore_mem>>) src(%dma_wait3A_483 : memref<80x128xf32, #tpu.memory_space<hbm>>) dst(%arg12 : memref<80x128xf32, #tpu.memory_space<vmem>>)
    %dma_wait3A_484 = arith.constant 0 : i32
    %dma_wait3A_485 = arith.constant 0 : i32
    %dma_wait3A_486 = tpu.memref_slice %arg2[%dma_wait3A_484, %dma_wait3A_485] : memref<10000x128xf32, #tpu.memory_space<hbm>> -> memref<80x128xf32, #tpu.memory_space<hbm>>
    %dma_wait3A_487 = arith.constant 0 : i32
    %dma_wait3A_488 = arith.constant 0 : i32
    %dma_wait3A_489 = tpu.memref_slice %arg2[%dma_wait3A_487, %dma_wait3A_488] : memref<10000x128xf32, #tpu.memory_space<hbm>> -> memref<80x128xf32, #tpu.memory_space<hbm>>
    tpu.wait_dma2 semaphore(%arg17 : memref<!tpu.dma_semaphore, #tpu.memory_space<semaphore_mem>>) src(%dma_wait3A_489 : memref<80x128xf32, #tpu.memory_space<hbm>>) dst(%arg11 : memref<80x128xf32, #tpu.memory_space<vmem>>)
    %dma_start3A_490 = arith.constant 23 : i32
    %dma_start3A_491 = arith.constant 0 : i32
    %dma_start3A_492 = tpu.memref_slice %arg10[%dma_start3A_490, %dma_start3A_491] : memref<25x80xi32, #tpu.memory_space<vmem>> -> memref<1x80xi32, #tpu.memory_space<vmem>>
    %dma_start3A_493 = tpu.memref_squeeze %dma_start3A_492 : memref<1x80xi32, #tpu.memory_space<vmem>> -> memref<80xi32, #tpu.memory_space<vmem>>
    %dma_start3A_494 = arith.constant 0 : i32
    %dma_start3A_495 = arith.constant 0 : i32
    %dma_start3A_496 = tpu.memref_slice %arg13[%dma_start3A_494, %dma_start3A_495] : memref<10000x128xf32, #tpu.memory_space<vmem_shared>> -> memref<10000x128xf32, #tpu.memory_space<vmem_shared>>
    tpu.enqueue_indirect_dma source(%arg12 : memref<80x128xf32, #tpu.memory_space<vmem>>) target(%dma_start3A_496 : memref<10000x128xf32, #tpu.memory_space<vmem_shared>>) offsets(%dma_start3A_493 : memref<80xi32, #tpu.memory_space<vmem>>) semaphore(%arg18 : memref<!tpu.dma_semaphore, #tpu.memory_space<semaphore_mem>>) {add = true}
    %dma_start3A_497 = arith.constant 24 : i32
    %dma_start3A_498 = arith.constant 0 : i32
    %dma_start3A_499 = tpu.memref_slice %arg9[%dma_start3A_497, %dma_start3A_498] : memref<25x80xi32, #tpu.memory_space<vmem>> -> memref<1x80xi32, #tpu.memory_space<vmem>>
    %dma_start3A_500 = tpu.memref_squeeze %dma_start3A_499 : memref<1x80xi32, #tpu.memory_space<vmem>> -> memref<80xi32, #tpu.memory_space<vmem>>
    %dma_start3A_501 = arith.constant 0 : i32
    %dma_start3A_502 = arith.constant 0 : i32
    %dma_start3A_503 = tpu.memref_slice %arg2[%dma_start3A_501, %dma_start3A_502] : memref<10000x128xf32, #tpu.memory_space<hbm>> -> memref<10000x128xf32, #tpu.memory_space<hbm>>
    tpu.enqueue_indirect_dma source(%dma_start3A_503 : memref<10000x128xf32, #tpu.memory_space<hbm>>) target(%arg11 : memref<80x128xf32, #tpu.memory_space<vmem>>) offsets(%dma_start3A_500 : memref<80xi32, #tpu.memory_space<vmem>>) semaphore(%arg15 : memref<!tpu.dma_semaphore, #tpu.memory_space<semaphore_mem>>)
    %dma_wait3A_504 = arith.constant 0 : i32
    %dma_wait3A_505 = arith.constant 0 : i32
    %dma_wait3A_506 = tpu.memref_slice %arg2[%dma_wait3A_504, %dma_wait3A_505] : memref<10000x128xf32, #tpu.memory_space<hbm>> -> memref<80x128xf32, #tpu.memory_space<hbm>>
    %dma_wait3A_507 = arith.constant 0 : i32
    %dma_wait3A_508 = arith.constant 0 : i32
    %dma_wait3A_509 = tpu.memref_slice %arg2[%dma_wait3A_507, %dma_wait3A_508] : memref<10000x128xf32, #tpu.memory_space<hbm>> -> memref<80x128xf32, #tpu.memory_space<hbm>>
    tpu.wait_dma2 semaphore(%arg15 : memref<!tpu.dma_semaphore, #tpu.memory_space<semaphore_mem>>) src(%dma_wait3A_509 : memref<80x128xf32, #tpu.memory_space<hbm>>) dst(%arg11 : memref<80x128xf32, #tpu.memory_space<vmem>>)
    %dma_wait3A_510 = arith.constant 0 : i32
    %dma_wait3A_511 = arith.constant 0 : i32
    %dma_wait3A_512 = tpu.memref_slice %arg2[%dma_wait3A_510, %dma_wait3A_511] : memref<10000x128xf32, #tpu.memory_space<hbm>> -> memref<80x128xf32, #tpu.memory_space<hbm>>
    %dma_wait3A_513 = arith.constant 0 : i32
    %dma_wait3A_514 = arith.constant 0 : i32
    %dma_wait3A_515 = tpu.memref_slice %arg2[%dma_wait3A_513, %dma_wait3A_514] : memref<10000x128xf32, #tpu.memory_space<hbm>> -> memref<80x128xf32, #tpu.memory_space<hbm>>
    tpu.wait_dma2 semaphore(%arg18 : memref<!tpu.dma_semaphore, #tpu.memory_space<semaphore_mem>>) src(%dma_wait3A_515 : memref<80x128xf32, #tpu.memory_space<hbm>>) dst(%arg12 : memref<80x128xf32, #tpu.memory_space<vmem>>)
    %dma_start3A_516 = arith.constant 24 : i32
    %dma_start3A_517 = arith.constant 0 : i32
    %dma_start3A_518 = tpu.memref_slice %arg10[%dma_start3A_516, %dma_start3A_517] : memref<25x80xi32, #tpu.memory_space<vmem>> -> memref<1x80xi32, #tpu.memory_space<vmem>>
    %dma_start3A_519 = tpu.memref_squeeze %dma_start3A_518 : memref<1x80xi32, #tpu.memory_space<vmem>> -> memref<80xi32, #tpu.memory_space<vmem>>
    %dma_start3A_520 = arith.constant 0 : i32
    %dma_start3A_521 = arith.constant 0 : i32
    %dma_start3A_522 = tpu.memref_slice %arg13[%dma_start3A_520, %dma_start3A_521] : memref<10000x128xf32, #tpu.memory_space<vmem_shared>> -> memref<10000x128xf32, #tpu.memory_space<vmem_shared>>
    tpu.enqueue_indirect_dma source(%arg11 : memref<80x128xf32, #tpu.memory_space<vmem>>) target(%dma_start3A_522 : memref<10000x128xf32, #tpu.memory_space<vmem_shared>>) offsets(%dma_start3A_519 : memref<80xi32, #tpu.memory_space<vmem>>) semaphore(%arg17 : memref<!tpu.dma_semaphore, #tpu.memory_space<semaphore_mem>>) {add = true}
    %dma_wait3A_523 = arith.constant 0 : i32
    %dma_wait3A_524 = arith.constant 0 : i32
    %dma_wait3A_525 = tpu.memref_slice %arg2[%dma_wait3A_523, %dma_wait3A_524] : memref<10000x128xf32, #tpu.memory_space<hbm>> -> memref<80x128xf32, #tpu.memory_space<hbm>>
    %dma_wait3A_526 = arith.constant 0 : i32
    %dma_wait3A_527 = arith.constant 0 : i32
    %dma_wait3A_528 = tpu.memref_slice %arg2[%dma_wait3A_526, %dma_wait3A_527] : memref<10000x128xf32, #tpu.memory_space<hbm>> -> memref<80x128xf32, #tpu.memory_space<hbm>>
    tpu.wait_dma2 semaphore(%arg17 : memref<!tpu.dma_semaphore, #tpu.memory_space<semaphore_mem>>) src(%dma_wait3A_528 : memref<80x128xf32, #tpu.memory_space<hbm>>) dst(%arg11 : memref<80x128xf32, #tpu.memory_space<vmem>>)
    %dma_wait3A_529 = arith.constant 0 : i32
    %dma_wait3A_530 = arith.constant 0 : i32
    %dma_wait3A_531 = arith.constant 0 : i32
    %dma_wait3A_532 = tpu.memref_slice %arg3[%add3A, %dma_wait3A_529, %dma_wait3A_530, %dma_wait3A_531] : memref<32x5x25x80xi32, #tpu.memory_space<hbm>> -> memref<1x1x25x80xi32, #tpu.memory_space<hbm>>
    %dma_wait3A_533 = tpu.memref_squeeze %dma_wait3A_532 : memref<1x1x25x80xi32, #tpu.memory_space<hbm>> -> memref<25x80xi32, #tpu.memory_space<hbm>>
    %dma_wait3A_534 = arith.constant 0 : i32
    %dma_wait3A_535 = arith.constant 0 : i32
    %dma_wait3A_536 = tpu.memref_slice %arg3[%add3A, %dma_wait3A_529, %dma_wait3A_534, %dma_wait3A_535] : memref<32x5x25x80xi32, #tpu.memory_space<hbm>> -> memref<1x1x25x80xi32, #tpu.memory_space<hbm>>
    %dma_wait3A_537 = tpu.memref_squeeze %dma_wait3A_536 : memref<1x1x25x80xi32, #tpu.memory_space<hbm>> -> memref<25x80xi32, #tpu.memory_space<hbm>>
    tpu.wait_dma2 semaphore(%arg14 : memref<!tpu.dma_semaphore, #tpu.memory_space<semaphore_mem>>) src(%dma_wait3A_537 : memref<25x80xi32, #tpu.memory_space<hbm>>) dst(%arg7 : memref<25x80xi32, #tpu.memory_space<vmem>>)
    %dma_wait3A_538 = arith.constant 0 : i32
    %dma_wait3A_539 = arith.constant 0 : i32
    %dma_wait3A_540 = arith.constant 0 : i32
    %dma_wait3A_541 = tpu.memref_slice %arg4[%add3A, %dma_wait3A_538, %dma_wait3A_539, %dma_wait3A_540] : memref<32x5x25x80xi32, #tpu.memory_space<hbm>> -> memref<1x1x25x80xi32, #tpu.memory_space<hbm>>
    %dma_wait3A_542 = tpu.memref_squeeze %dma_wait3A_541 : memref<1x1x25x80xi32, #tpu.memory_space<hbm>> -> memref<25x80xi32, #tpu.memory_space<hbm>>
    %dma_wait3A_543 = arith.constant 0 : i32
    %dma_wait3A_544 = arith.constant 0 : i32
    %dma_wait3A_545 = tpu.memref_slice %arg4[%add3A, %dma_wait3A_538, %dma_wait3A_543, %dma_wait3A_544] : memref<32x5x25x80xi32, #tpu.memory_space<hbm>> -> memref<1x1x25x80xi32, #tpu.memory_space<hbm>>
    %dma_wait3A_546 = tpu.memref_squeeze %dma_wait3A_545 : memref<1x1x25x80xi32, #tpu.memory_space<hbm>> -> memref<25x80xi32, #tpu.memory_space<hbm>>
    tpu.wait_dma2 semaphore(%arg14 : memref<!tpu.dma_semaphore, #tpu.memory_space<semaphore_mem>>) src(%dma_wait3A_546 : memref<25x80xi32, #tpu.memory_space<hbm>>) dst(%arg8 : memref<25x80xi32, #tpu.memory_space<vmem>>)
    %dma_start3A_547 = arith.constant 0 : i32
    %dma_start3A_548 = arith.constant 0 : i32
    %dma_start3A_549 = tpu.memref_slice %arg7[%dma_start3A_547, %dma_start3A_548] : memref<25x80xi32, #tpu.memory_space<vmem>> -> memref<1x80xi32, #tpu.memory_space<vmem>>
    %dma_start3A_550 = tpu.memref_squeeze %dma_start3A_549 : memref<1x80xi32, #tpu.memory_space<vmem>> -> memref<80xi32, #tpu.memory_space<vmem>>
    %dma_start3A_551 = arith.constant 0 : i32
    %dma_start3A_552 = arith.constant 0 : i32
    %dma_start3A_553 = tpu.memref_slice %arg2[%dma_start3A_551, %dma_start3A_552] : memref<10000x128xf32, #tpu.memory_space<hbm>> -> memref<10000x128xf32, #tpu.memory_space<hbm>>
    tpu.enqueue_indirect_dma source(%dma_start3A_553 : memref<10000x128xf32, #tpu.memory_space<hbm>>) target(%arg11 : memref<80x128xf32, #tpu.memory_space<vmem>>) offsets(%dma_start3A_550 : memref<80xi32, #tpu.memory_space<vmem>>) semaphore(%arg15 : memref<!tpu.dma_semaphore, #tpu.memory_space<semaphore_mem>>)
    %dma_start3A_554 = arith.constant 1 : i32
    %dma_start3A_555 = arith.constant 0 : i32
    %dma_start3A_556 = tpu.memref_slice %arg7[%dma_start3A_554, %dma_start3A_555] : memref<25x80xi32, #tpu.memory_space<vmem>> -> memref<1x80xi32, #tpu.memory_space<vmem>>
    %dma_start3A_557 = tpu.memref_squeeze %dma_start3A_556 : memref<1x80xi32, #tpu.memory_space<vmem>> -> memref<80xi32, #tpu.memory_space<vmem>>
    %dma_start3A_558 = arith.constant 0 : i32
    %dma_start3A_559 = arith.constant 0 : i32
    %dma_start3A_560 = tpu.memref_slice %arg2[%dma_start3A_558, %dma_start3A_559] : memref<10000x128xf32, #tpu.memory_space<hbm>> -> memref<10000x128xf32, #tpu.memory_space<hbm>>
    tpu.enqueue_indirect_dma source(%dma_start3A_560 : memref<10000x128xf32, #tpu.memory_space<hbm>>) target(%arg12 : memref<80x128xf32, #tpu.memory_space<vmem>>) offsets(%dma_start3A_557 : memref<80xi32, #tpu.memory_space<vmem>>) semaphore(%arg16 : memref<!tpu.dma_semaphore, #tpu.memory_space<semaphore_mem>>)
    %dma_wait3A_561 = arith.constant 0 : i32
    %dma_wait3A_562 = arith.constant 0 : i32
    %dma_wait3A_563 = tpu.memref_slice %arg2[%dma_wait3A_561, %dma_wait3A_562] : memref<10000x128xf32, #tpu.memory_space<hbm>> -> memref<80x128xf32, #tpu.memory_space<hbm>>
    %dma_wait3A_564 = arith.constant 0 : i32
    %dma_wait3A_565 = arith.constant 0 : i32
    %dma_wait3A_566 = tpu.memref_slice %arg2[%dma_wait3A_564, %dma_wait3A_565] : memref<10000x128xf32, #tpu.memory_space<hbm>> -> memref<80x128xf32, #tpu.memory_space<hbm>>
    tpu.wait_dma2 semaphore(%arg15 : memref<!tpu.dma_semaphore, #tpu.memory_space<semaphore_mem>>) src(%dma_wait3A_566 : memref<80x128xf32, #tpu.memory_space<hbm>>) dst(%arg11 : memref<80x128xf32, #tpu.memory_space<vmem>>)
    %dma_start3A_567 = arith.constant 0 : i32
    %dma_start3A_568 = arith.constant 0 : i32
    %dma_start3A_569 = tpu.memref_slice %arg8[%dma_start3A_567, %dma_start3A_568] : memref<25x80xi32, #tpu.memory_space<vmem>> -> memref<1x80xi32, #tpu.memory_space<vmem>>
    %dma_start3A_570 = tpu.memref_squeeze %dma_start3A_569 : memref<1x80xi32, #tpu.memory_space<vmem>> -> memref<80xi32, #tpu.memory_space<vmem>>
    %dma_start3A_571 = arith.constant 0 : i32
    %dma_start3A_572 = arith.constant 0 : i32
    %dma_start3A_573 = tpu.memref_slice %arg13[%dma_start3A_571, %dma_start3A_572] : memref<10000x128xf32, #tpu.memory_space<vmem_shared>> -> memref<10000x128xf32, #tpu.memory_space<vmem_shared>>
    tpu.enqueue_indirect_dma source(%arg11 : memref<80x128xf32, #tpu.memory_space<vmem>>) target(%dma_start3A_573 : memref<10000x128xf32, #tpu.memory_space<vmem_shared>>) offsets(%dma_start3A_570 : memref<80xi32, #tpu.memory_space<vmem>>) semaphore(%arg17 : memref<!tpu.dma_semaphore, #tpu.memory_space<semaphore_mem>>) {add = true}
    %scan3A_574 = arith.constant 0 : i32
    %scan3A_575 = arith.constant 0 : i32
    %scan3A_576 = arith.constant 11 : i32
    %scan3A_577 = arith.addi %scan3A_575, %scan3A_576 : i32
    %scan3A_578 = arith.constant 1 : i32
    %scan3A_579 = scf.for %scan3A_643 = %scan3A_575 to %scan3A_577 step %scan3A_578 iter_args(%scan3A_644 = %scan3A_574) -> (i32)  : i32 {
      %mul3A_645 = arith.constant 2 : i32
      %mul3A_646 = arith.muli %mul3A_645, %scan3A_643 : i32
      %add3A_647 = arith.constant 1 : i32
      %add3A_648 = arith.addi %mul3A_646, %add3A_647 : i32
      %dma_wait3A_649 = arith.constant 0 : i32
      %dma_wait3A_650 = arith.constant 0 : i32
      %dma_wait3A_651 = tpu.memref_slice %arg2[%dma_wait3A_649, %dma_wait3A_650] : memref<10000x128xf32, #tpu.memory_space<hbm>> -> memref<80x128xf32, #tpu.memory_space<hbm>>
      %dma_wait3A_652 = arith.constant 0 : i32
      %dma_wait3A_653 = arith.constant 0 : i32
      %dma_wait3A_654 = tpu.memref_slice %arg2[%dma_wait3A_652, %dma_wait3A_653] : memref<10000x128xf32, #tpu.memory_space<hbm>> -> memref<80x128xf32, #tpu.memory_space<hbm>>
      tpu.wait_dma2 semaphore(%arg16 : memref<!tpu.dma_semaphore, #tpu.memory_space<semaphore_mem>>) src(%dma_wait3A_654 : memref<80x128xf32, #tpu.memory_space<hbm>>) dst(%arg12 : memref<80x128xf32, #tpu.memory_space<vmem>>)
      %dma_wait3A_655 = arith.constant 0 : i32
      %dma_wait3A_656 = arith.constant 0 : i32
      %dma_wait3A_657 = tpu.memref_slice %arg2[%dma_wait3A_655, %dma_wait3A_656] : memref<10000x128xf32, #tpu.memory_space<hbm>> -> memref<80x128xf32, #tpu.memory_space<hbm>>
      %dma_wait3A_658 = arith.constant 0 : i32
      %dma_wait3A_659 = arith.constant 0 : i32
      %dma_wait3A_660 = tpu.memref_slice %arg2[%dma_wait3A_658, %dma_wait3A_659] : memref<10000x128xf32, #tpu.memory_space<hbm>> -> memref<80x128xf32, #tpu.memory_space<hbm>>
      tpu.wait_dma2 semaphore(%arg17 : memref<!tpu.dma_semaphore, #tpu.memory_space<semaphore_mem>>) src(%dma_wait3A_660 : memref<80x128xf32, #tpu.memory_space<hbm>>) dst(%arg11 : memref<80x128xf32, #tpu.memory_space<vmem>>)
      %dma_start3A_661 = arith.constant 0 : i32
      %dma_start3A_662 = tpu.memref_slice %arg8[%add3A_648, %dma_start3A_661] : memref<25x80xi32, #tpu.memory_space<vmem>> -> memref<1x80xi32, #tpu.memory_space<vmem>>
      %dma_start3A_663 = tpu.memref_squeeze %dma_start3A_662 : memref<1x80xi32, #tpu.memory_space<vmem>> -> memref<80xi32, #tpu.memory_space<vmem>>
      %dma_start3A_664 = arith.constant 0 : i32
      %dma_start3A_665 = arith.constant 0 : i32
      %dma_start3A_666 = tpu.memref_slice %arg13[%dma_start3A_664, %dma_start3A_665] : memref<10000x128xf32, #tpu.memory_space<vmem_shared>> -> memref<10000x128xf32, #tpu.memory_space<vmem_shared>>
      tpu.enqueue_indirect_dma source(%arg12 : memref<80x128xf32, #tpu.memory_space<vmem>>) target(%dma_start3A_666 : memref<10000x128xf32, #tpu.memory_space<vmem_shared>>) offsets(%dma_start3A_663 : memref<80xi32, #tpu.memory_space<vmem>>) semaphore(%arg18 : memref<!tpu.dma_semaphore, #tpu.memory_space<semaphore_mem>>) {add = true}
      %add3A_667 = arith.constant 1 : i32
      %add3A_668 = arith.addi %add3A_648, %add3A_667 : i32
      %dma_start3A_669 = arith.constant 0 : i32
      %dma_start3A_670 = tpu.memref_slice %arg7[%add3A_668, %dma_start3A_669] : memref<25x80xi32, #tpu.memory_space<vmem>> -> memref<1x80xi32, #tpu.memory_space<vmem>>
      %dma_start3A_671 = tpu.memref_squeeze %dma_start3A_670 : memref<1x80xi32, #tpu.memory_space<vmem>> -> memref<80xi32, #tpu.memory_space<vmem>>
      %dma_start3A_672 = arith.constant 0 : i32
      %dma_start3A_673 = arith.constant 0 : i32
      %dma_start3A_674 = tpu.memref_slice %arg2[%dma_start3A_672, %dma_start3A_673] : memref<10000x128xf32, #tpu.memory_space<hbm>> -> memref<10000x128xf32, #tpu.memory_space<hbm>>
      tpu.enqueue_indirect_dma source(%dma_start3A_674 : memref<10000x128xf32, #tpu.memory_space<hbm>>) target(%arg11 : memref<80x128xf32, #tpu.memory_space<vmem>>) offsets(%dma_start3A_671 : memref<80xi32, #tpu.memory_space<vmem>>) semaphore(%arg15 : memref<!tpu.dma_semaphore, #tpu.memory_space<semaphore_mem>>)
      %dma_wait3A_675 = arith.constant 0 : i32
      %dma_wait3A_676 = arith.constant 0 : i32
      %dma_wait3A_677 = tpu.memref_slice %arg2[%dma_wait3A_675, %dma_wait3A_676] : memref<10000x128xf32, #tpu.memory_space<hbm>> -> memref<80x128xf32, #tpu.memory_space<hbm>>
      %dma_wait3A_678 = arith.constant 0 : i32
      %dma_wait3A_679 = arith.constant 0 : i32
      %dma_wait3A_680 = tpu.memref_slice %arg2[%dma_wait3A_678, %dma_wait3A_679] : memref<10000x128xf32, #tpu.memory_space<hbm>> -> memref<80x128xf32, #tpu.memory_space<hbm>>
      tpu.wait_dma2 semaphore(%arg15 : memref<!tpu.dma_semaphore, #tpu.memory_space<semaphore_mem>>) src(%dma_wait3A_680 : memref<80x128xf32, #tpu.memory_space<hbm>>) dst(%arg11 : memref<80x128xf32, #tpu.memory_space<vmem>>)
      %dma_wait3A_681 = arith.constant 0 : i32
      %dma_wait3A_682 = arith.constant 0 : i32
      %dma_wait3A_683 = tpu.memref_slice %arg2[%dma_wait3A_681, %dma_wait3A_682] : memref<10000x128xf32, #tpu.memory_space<hbm>> -> memref<80x128xf32, #tpu.memory_space<hbm>>
      %dma_wait3A_684 = arith.constant 0 : i32
      %dma_wait3A_685 = arith.constant 0 : i32
      %dma_wait3A_686 = tpu.memref_slice %arg2[%dma_wait3A_684, %dma_wait3A_685] : memref<10000x128xf32, #tpu.memory_space<hbm>> -> memref<80x128xf32, #tpu.memory_space<hbm>>
      tpu.wait_dma2 semaphore(%arg18 : memref<!tpu.dma_semaphore, #tpu.memory_space<semaphore_mem>>) src(%dma_wait3A_686 : memref<80x128xf32, #tpu.memory_space<hbm>>) dst(%arg12 : memref<80x128xf32, #tpu.memory_space<vmem>>)
      %add3A_687 = arith.constant 1 : i32
      %add3A_688 = arith.addi %add3A_648, %add3A_687 : i32
      %dma_start3A_689 = arith.constant 0 : i32
      %dma_start3A_690 = tpu.memref_slice %arg8[%add3A_688, %dma_start3A_689] : memref<25x80xi32, #tpu.memory_space<vmem>> -> memref<1x80xi32, #tpu.memory_space<vmem>>
      %dma_start3A_691 = tpu.memref_squeeze %dma_start3A_690 : memref<1x80xi32, #tpu.memory_space<vmem>> -> memref<80xi32, #tpu.memory_space<vmem>>
      %dma_start3A_692 = arith.constant 0 : i32
      %dma_start3A_693 = arith.constant 0 : i32
      %dma_start3A_694 = tpu.memref_slice %arg13[%dma_start3A_692, %dma_start3A_693] : memref<10000x128xf32, #tpu.memory_space<vmem_shared>> -> memref<10000x128xf32, #tpu.memory_space<vmem_shared>>
      tpu.enqueue_indirect_dma source(%arg11 : memref<80x128xf32, #tpu.memory_space<vmem>>) target(%dma_start3A_694 : memref<10000x128xf32, #tpu.memory_space<vmem_shared>>) offsets(%dma_start3A_691 : memref<80xi32, #tpu.memory_space<vmem>>) semaphore(%arg17 : memref<!tpu.dma_semaphore, #tpu.memory_space<semaphore_mem>>) {add = true}
      %add3A_695 = arith.constant 2 : i32
      %add3A_696 = arith.addi %add3A_648, %add3A_695 : i32
      %dma_start3A_697 = arith.constant 0 : i32
      %dma_start3A_698 = tpu.memref_slice %arg7[%add3A_696, %dma_start3A_697] : memref<25x80xi32, #tpu.memory_space<vmem>> -> memref<1x80xi32, #tpu.memory_space<vmem>>
      %dma_start3A_699 = tpu.memref_squeeze %dma_start3A_698 : memref<1x80xi32, #tpu.memory_space<vmem>> -> memref<80xi32, #tpu.memory_space<vmem>>
      %dma_start3A_700 = arith.constant 0 : i32
      %dma_start3A_701 = arith.constant 0 : i32
      %dma_start3A_702 = tpu.memref_slice %arg2[%dma_start3A_700, %dma_start3A_701] : memref<10000x128xf32, #tpu.memory_space<hbm>> -> memref<10000x128xf32, #tpu.memory_space<hbm>>
      tpu.enqueue_indirect_dma source(%dma_start3A_702 : memref<10000x128xf32, #tpu.memory_space<hbm>>) target(%arg12 : memref<80x128xf32, #tpu.memory_space<vmem>>) offsets(%dma_start3A_699 : memref<80xi32, #tpu.memory_space<vmem>>) semaphore(%arg16 : memref<!tpu.dma_semaphore, #tpu.memory_space<semaphore_mem>>)
      %scan3A_703 = arith.constant 0 : i32
      scf.yield %scan3A_703 : i32
    }
    %scan3A_580 = arith.constant 11 : i32
    %dma_wait3A_581 = arith.constant 0 : i32
    %dma_wait3A_582 = arith.constant 0 : i32
    %dma_wait3A_583 = tpu.memref_slice %arg2[%dma_wait3A_581, %dma_wait3A_582] : memref<10000x128xf32, #tpu.memory_space<hbm>> -> memref<80x128xf32, #tpu.memory_space<hbm>>
    %dma_wait3A_584 = arith.constant 0 : i32
    %dma_wait3A_585 = arith.constant 0 : i32
    %dma_wait3A_586 = tpu.memref_slice %arg2[%dma_wait3A_584, %dma_wait3A_585] : memref<10000x128xf32, #tpu.memory_space<hbm>> -> memref<80x128xf32, #tpu.memory_space<hbm>>
    tpu.wait_dma2 semaphore(%arg16 : memref<!tpu.dma_semaphore, #tpu.memory_space<semaphore_mem>>) src(%dma_wait3A_586 : memref<80x128xf32, #tpu.memory_space<hbm>>) dst(%arg12 : memref<80x128xf32, #tpu.memory_space<vmem>>)
    %dma_wait3A_587 = arith.constant 0 : i32
    %dma_wait3A_588 = arith.constant 0 : i32
    %dma_wait3A_589 = tpu.memref_slice %arg2[%dma_wait3A_587, %dma_wait3A_588] : memref<10000x128xf32, #tpu.memory_space<hbm>> -> memref<80x128xf32, #tpu.memory_space<hbm>>
    %dma_wait3A_590 = arith.constant 0 : i32
    %dma_wait3A_591 = arith.constant 0 : i32
    %dma_wait3A_592 = tpu.memref_slice %arg2[%dma_wait3A_590, %dma_wait3A_591] : memref<10000x128xf32, #tpu.memory_space<hbm>> -> memref<80x128xf32, #tpu.memory_space<hbm>>
    tpu.wait_dma2 semaphore(%arg17 : memref<!tpu.dma_semaphore, #tpu.memory_space<semaphore_mem>>) src(%dma_wait3A_592 : memref<80x128xf32, #tpu.memory_space<hbm>>) dst(%arg11 : memref<80x128xf32, #tpu.memory_space<vmem>>)
    %dma_start3A_593 = arith.constant 23 : i32
    %dma_start3A_594 = arith.constant 0 : i32
    %dma_start3A_595 = tpu.memref_slice %arg8[%dma_start3A_593, %dma_start3A_594] : memref<25x80xi32, #tpu.memory_space<vmem>> -> memref<1x80xi32, #tpu.memory_space<vmem>>
    %dma_start3A_596 = tpu.memref_squeeze %dma_start3A_595 : memref<1x80xi32, #tpu.memory_space<vmem>> -> memref<80xi32, #tpu.memory_space<vmem>>
    %dma_start3A_597 = arith.constant 0 : i32
    %dma_start3A_598 = arith.constant 0 : i32
    %dma_start3A_599 = tpu.memref_slice %arg13[%dma_start3A_597, %dma_start3A_598] : memref<10000x128xf32, #tpu.memory_space<vmem_shared>> -> memref<10000x128xf32, #tpu.memory_space<vmem_shared>>
    tpu.enqueue_indirect_dma source(%arg12 : memref<80x128xf32, #tpu.memory_space<vmem>>) target(%dma_start3A_599 : memref<10000x128xf32, #tpu.memory_space<vmem_shared>>) offsets(%dma_start3A_596 : memref<80xi32, #tpu.memory_space<vmem>>) semaphore(%arg18 : memref<!tpu.dma_semaphore, #tpu.memory_space<semaphore_mem>>) {add = true}
    %dma_start3A_600 = arith.constant 24 : i32
    %dma_start3A_601 = arith.constant 0 : i32
    %dma_start3A_602 = tpu.memref_slice %arg7[%dma_start3A_600, %dma_start3A_601] : memref<25x80xi32, #tpu.memory_space<vmem>> -> memref<1x80xi32, #tpu.memory_space<vmem>>
    %dma_start3A_603 = tpu.memref_squeeze %dma_start3A_602 : memref<1x80xi32, #tpu.memory_space<vmem>> -> memref<80xi32, #tpu.memory_space<vmem>>
    %dma_start3A_604 = arith.constant 0 : i32
    %dma_start3A_605 = arith.constant 0 : i32
    %dma_start3A_606 = tpu.memref_slice %arg2[%dma_start3A_604, %dma_start3A_605] : memref<10000x128xf32, #tpu.memory_space<hbm>> -> memref<10000x128xf32, #tpu.memory_space<hbm>>
    tpu.enqueue_indirect_dma source(%dma_start3A_606 : memref<10000x128xf32, #tpu.memory_space<hbm>>) target(%arg11 : memref<80x128xf32, #tpu.memory_space<vmem>>) offsets(%dma_start3A_603 : memref<80xi32, #tpu.memory_space<vmem>>) semaphore(%arg15 : memref<!tpu.dma_semaphore, #tpu.memory_space<semaphore_mem>>)
    %dma_wait3A_607 = arith.constant 0 : i32
    %dma_wait3A_608 = arith.constant 0 : i32
    %dma_wait3A_609 = tpu.memref_slice %arg2[%dma_wait3A_607, %dma_wait3A_608] : memref<10000x128xf32, #tpu.memory_space<hbm>> -> memref<80x128xf32, #tpu.memory_space<hbm>>
    %dma_wait3A_610 = arith.constant 0 : i32
    %dma_wait3A_611 = arith.constant 0 : i32
    %dma_wait3A_612 = tpu.memref_slice %arg2[%dma_wait3A_610, %dma_wait3A_611] : memref<10000x128xf32, #tpu.memory_space<hbm>> -> memref<80x128xf32, #tpu.memory_space<hbm>>
    tpu.wait_dma2 semaphore(%arg15 : memref<!tpu.dma_semaphore, #tpu.memory_space<semaphore_mem>>) src(%dma_wait3A_612 : memref<80x128xf32, #tpu.memory_space<hbm>>) dst(%arg11 : memref<80x128xf32, #tpu.memory_space<vmem>>)
    %dma_wait3A_613 = arith.constant 0 : i32
    %dma_wait3A_614 = arith.constant 0 : i32
    %dma_wait3A_615 = tpu.memref_slice %arg2[%dma_wait3A_613, %dma_wait3A_614] : memref<10000x128xf32, #tpu.memory_space<hbm>> -> memref<80x128xf32, #tpu.memory_space<hbm>>
    %dma_wait3A_616 = arith.constant 0 : i32
    %dma_wait3A_617 = arith.constant 0 : i32
    %dma_wait3A_618 = tpu.memref_slice %arg2[%dma_wait3A_616, %dma_wait3A_617] : memref<10000x128xf32, #tpu.memory_space<hbm>> -> memref<80x128xf32, #tpu.memory_space<hbm>>
    tpu.wait_dma2 semaphore(%arg18 : memref<!tpu.dma_semaphore, #tpu.memory_space<semaphore_mem>>) src(%dma_wait3A_618 : memref<80x128xf32, #tpu.memory_space<hbm>>) dst(%arg12 : memref<80x128xf32, #tpu.memory_space<vmem>>)
    %dma_start3A_619 = arith.constant 24 : i32
    %dma_start3A_620 = arith.constant 0 : i32
    %dma_start3A_621 = tpu.memref_slice %arg8[%dma_start3A_619, %dma_start3A_620] : memref<25x80xi32, #tpu.memory_space<vmem>> -> memref<1x80xi32, #tpu.memory_space<vmem>>
    %dma_start3A_622 = tpu.memref_squeeze %dma_start3A_621 : memref<1x80xi32, #tpu.memory_space<vmem>> -> memref<80xi32, #tpu.memory_space<vmem>>
    %dma_start3A_623 = arith.constant 0 : i32
    %dma_start3A_624 = arith.constant 0 : i32
    %dma_start3A_625 = tpu.memref_slice %arg13[%dma_start3A_623, %dma_start3A_624] : memref<10000x128xf32, #tpu.memory_space<vmem_shared>> -> memref<10000x128xf32, #tpu.memory_space<vmem_shared>>
    tpu.enqueue_indirect_dma source(%arg11 : memref<80x128xf32, #tpu.memory_space<vmem>>) target(%dma_start3A_625 : memref<10000x128xf32, #tpu.memory_space<vmem_shared>>) offsets(%dma_start3A_622 : memref<80xi32, #tpu.memory_space<vmem>>) semaphore(%arg17 : memref<!tpu.dma_semaphore, #tpu.memory_space<semaphore_mem>>) {add = true}
    %dma_wait3A_626 = arith.constant 0 : i32
    %dma_wait3A_627 = arith.constant 0 : i32
    %dma_wait3A_628 = tpu.memref_slice %arg2[%dma_wait3A_626, %dma_wait3A_627] : memref<10000x128xf32, #tpu.memory_space<hbm>> -> memref<80x128xf32, #tpu.memory_space<hbm>>
    %dma_wait3A_629 = arith.constant 0 : i32
    %dma_wait3A_630 = arith.constant 0 : i32
    %dma_wait3A_631 = tpu.memref_slice %arg2[%dma_wait3A_629, %dma_wait3A_630] : memref<10000x128xf32, #tpu.memory_space<hbm>> -> memref<80x128xf32, #tpu.memory_space<hbm>>
    tpu.wait_dma2 semaphore(%arg17 : memref<!tpu.dma_semaphore, #tpu.memory_space<semaphore_mem>>) src(%dma_wait3A_631 : memref<80x128xf32, #tpu.memory_space<hbm>>) dst(%arg11 : memref<80x128xf32, #tpu.memory_space<vmem>>)
    %barrier3A_632 = arith.constant 0 : index
    tpu.barrier barrier_id(%barrier3A_632)
    %lt3A_633 = arith.constant 15 : i32
    %lt3A_634 = arith.cmpi slt, %arg1, %lt3A_633 : i32
    %convert_element_type3A_635 = arith.extui %lt3A_634 : i1 to i32
    %cond3A_636 = arith.constant 0 : i32
    %cond3A_637 = arith.cmpi ne, %convert_element_type3A_635, %cond3A_636 : i32
    scf.if %cond3A_637 {
      %mul3A_643 = arith.constant 10000 : i32
      %mul3A_644 = arith.muli %arg0, %mul3A_643 : i32
      %add3A_645 = arith.addi %mul3A_644, %mul3A_19 : i32
      "tpu.region"() ({
        %run_scoped3A = tpu.sem_alloc : memref<!tpu.dma_semaphore, #tpu.memory_space<semaphore_mem>>
        %dma_start3A_646 = arith.constant 0 : i32
        %dma_start3A_647 = tpu.memref_slice %arg6[%add3A_645, %dma_start3A_646] : memref<20000x128xf32, #tpu.memory_space<hbm>> -> memref<624x128xf32, #tpu.memory_space<hbm>>
        %dma_start3A_648 = arith.constant 0 : i32
        %dma_start3A_649 = tpu.memref_slice %arg13[%mul3A_19, %dma_start3A_648] : memref<10000x128xf32, #tpu.memory_space<vmem_shared>> -> memref<624x128xf32, #tpu.memory_space<vmem_shared>>
        tpu.enqueue_dma source(%dma_start3A_649 : memref<624x128xf32, #tpu.memory_space<vmem_shared>>) target(%dma_start3A_647 : memref<624x128xf32, #tpu.memory_space<hbm>>) target_semaphore(%run_scoped3A : memref<!tpu.dma_semaphore, #tpu.memory_space<semaphore_mem>>)
        %dma_wait3A_650 = arith.constant 0 : i32
        %dma_wait3A_651 = tpu.memref_slice %arg6[%add3A_645, %dma_wait3A_650] : memref<20000x128xf32, #tpu.memory_space<hbm>> -> memref<624x128xf32, #tpu.memory_space<hbm>>
        %dma_wait3A_652 = arith.constant 0 : i32
        %dma_wait3A_653 = tpu.memref_slice %arg13[%mul3A_19, %dma_wait3A_652] : memref<10000x128xf32, #tpu.memory_space<vmem_shared>> -> memref<624x128xf32, #tpu.memory_space<vmem_shared>>
        tpu.wait_dma2 semaphore(%run_scoped3A : memref<!tpu.dma_semaphore, #tpu.memory_space<semaphore_mem>>) src(%dma_wait3A_653 : memref<624x128xf32, #tpu.memory_space<vmem_shared>>) dst(%dma_wait3A_651 : memref<624x128xf32, #tpu.memory_space<hbm>>)
        tpu.yield
      }) : () -> ()
    } else {
    }
    %eq3A_638 = arith.constant 15 : i32
    %eq3A_639 = arith.cmpi eq, %arg1, %eq3A_638 : i32
    %convert_element_type3A_640 = arith.extui %eq3A_639 : i1 to i32
    %cond3A_641 = arith.constant 0 : i32
    %cond3A_642 = arith.cmpi ne, %convert_element_type3A_640, %cond3A_641 : i32
    scf.if %cond3A_642 {
      %mul3A_643 = arith.constant 10000 : i32
      %mul3A_644 = arith.muli %arg0, %mul3A_643 : i32
      %add3A_645 = arith.addi %mul3A_644, %mul3A_19 : i32
      "tpu.region"() ({
        %run_scoped3A = tpu.sem_alloc : memref<!tpu.dma_semaphore, #tpu.memory_space<semaphore_mem>>
        %dma_start3A_646 = arith.constant 0 : i32
        %dma_start3A_647 = tpu.memref_slice %arg6[%add3A_645, %dma_start3A_646] : memref<20000x128xf32, #tpu.memory_space<hbm>> -> memref<640x128xf32, #tpu.memory_space<hbm>>
        %dma_start3A_648 = arith.constant 0 : i32
        %dma_start3A_649 = tpu.memref_slice %arg13[%mul3A_19, %dma_start3A_648] : memref<10000x128xf32, #tpu.memory_space<vmem_shared>> -> memref<640x128xf32, #tpu.memory_space<vmem_shared>>
        tpu.enqueue_dma source(%dma_start3A_649 : memref<640x128xf32, #tpu.memory_space<vmem_shared>>) target(%dma_start3A_647 : memref<640x128xf32, #tpu.memory_space<hbm>>) target_semaphore(%run_scoped3A : memref<!tpu.dma_semaphore, #tpu.memory_space<semaphore_mem>>)
        %dma_wait3A_650 = arith.constant 0 : i32
        %dma_wait3A_651 = tpu.memref_slice %arg6[%add3A_645, %dma_wait3A_650] : memref<20000x128xf32, #tpu.memory_space<hbm>> -> memref<640x128xf32, #tpu.memory_space<hbm>>
        %dma_wait3A_652 = arith.constant 0 : i32
        %dma_wait3A_653 = tpu.memref_slice %arg13[%mul3A_19, %dma_wait3A_652] : memref<10000x128xf32, #tpu.memory_space<vmem_shared>> -> memref<640x128xf32, #tpu.memory_space<vmem_shared>>
        tpu.wait_dma2 semaphore(%run_scoped3A : memref<!tpu.dma_semaphore, #tpu.memory_space<semaphore_mem>>) src(%dma_wait3A_653 : memref<640x128xf32, #tpu.memory_space<vmem_shared>>) dst(%dma_wait3A_651 : memref<640x128xf32, #tpu.memory_space<hbm>>)
        tpu.yield
      }) : () -> ()
    } else {
    }
    return
  }
}

#map = affine_map<(d0, d1) -> (0, 0)>
#map1 = affine_map<(d0, d1) -> (0, 0, 0, 0)>
module attributes {stable_mosaic.version = 14 : i64} {
  func.func @_sc_segment_sum_body(%arg0: i32, %arg1: i32, %arg2: memref<10000x128xf32, #tpu.memory_space<hbm>>, %arg3: memref<32x5x25x80xi32, #tpu.memory_space<hbm>>, %arg4: memref<32x5x25x80xi32, #tpu.memory_space<hbm>>, %arg5: memref<10000x128xf32, #tpu.memory_space<hbm>>, %arg6: memref<20000x128xf32, #tpu.memory_space<hbm>>, %arg7: memref<25x80xi32, #tpu.memory_space<vmem>>, %arg8: memref<25x80xi32, #tpu.memory_space<vmem>>, %arg9: memref<25x80xi32, #tpu.memory_space<vmem>>, %arg10: memref<25x80xi32, #tpu.memory_space<vmem>>, %arg11: memref<80x128xf32, #tpu.memory_space<vmem>>, %arg12: memref<80x128xf32, #tpu.memory_space<vmem>>, %arg13: memref<10000x128xf32, #tpu.memory_space<vmem_shared>>, %arg14: memref<!tpu.dma_semaphore, #tpu.memory_space<semaphore_mem>>, %arg15: memref<!tpu.dma_semaphore, #tpu.memory_space<semaphore_mem>>, %arg16: memref<!tpu.dma_semaphore, #tpu.memory_space<semaphore_mem>>, %arg17: memref<!tpu.dma_semaphore, #tpu.memory_space<semaphore_mem>>, %arg18: memref<!tpu.dma_semaphore, #tpu.memory_space<semaphore_mem>>) attributes {dimension_semantics = [#tpu.dimension_semantics<core_parallel>, #tpu.dimension_semantics<subcore_parallel>], iteration_bounds = array<i64: 2, 16>, scalar_prefetch = 0 : i64, scratch_operands = 12 : i64, tpu.core_type = #tpu.core_type<sc_vector_subcore>, window_params = [{transform_indices = #map}, {transform_indices = #map1}, {transform_indices = #map1}, {transform_indices = #map}, {transform_indices = #map}]} {
    %mul3A = arith.constant 16 : i32
    %mul3A_0 = arith.muli %arg0, %mul3A : i32
    %add3A = arith.addi %mul3A_0, %arg1 : i32
    %dma_start3A = arith.constant 0 : i32
    %dma_start3A_1 = arith.constant 0 : i32
    %dma_start3A_2 = arith.constant 0 : i32
    %dma_start3A_3 = tpu.memref_slice %arg3[%add3A, %dma_start3A, %dma_start3A_1, %dma_start3A_2] : memref<32x5x25x80xi32, #tpu.memory_space<hbm>> -> memref<1x1x25x80xi32, #tpu.memory_space<hbm>>
    %dma_start3A_4 = tpu.memref_squeeze %dma_start3A_3 : memref<1x1x25x80xi32, #tpu.memory_space<hbm>> -> memref<25x80xi32, #tpu.memory_space<hbm>>
    %dma_start3A_5 = arith.constant 0 : i32
    %dma_start3A_6 = arith.constant 0 : i32
    %dma_start3A_7 = tpu.memref_slice %arg3[%add3A, %dma_start3A, %dma_start3A_5, %dma_start3A_6] : memref<32x5x25x80xi32, #tpu.memory_space<hbm>> -> memref<1x1x25x80xi32, #tpu.memory_space<hbm>>
    %dma_start3A_8 = tpu.memref_squeeze %dma_start3A_7 : memref<1x1x25x80xi32, #tpu.memory_space<hbm>> -> memref<25x80xi32, #tpu.memory_space<hbm>>
    tpu.enqueue_dma source(%dma_start3A_8 : memref<25x80xi32, #tpu.memory_space<hbm>>) target(%arg7 : memref<25x80xi32, #tpu.memory_space<vmem>>) target_semaphore(%arg14 : memref<!tpu.dma_semaphore, #tpu.memory_space<semaphore_mem>>)
    %dma_start3A_9 = arith.constant 0 : i32
    %dma_start3A_10 = arith.constant 0 : i32
    %dma_start3A_11 = arith.constant 0 : i32
    %dma_start3A_12 = tpu.memref_slice %arg4[%add3A, %dma_start3A_9, %dma_start3A_10, %dma_start3A_11] : memref<32x5x25x80xi32, #tpu.memory_space<hbm>> -> memref<1x1x25x80xi32, #tpu.memory_space<hbm>>
    %dma_start3A_13 = tpu.memref_squeeze %dma_start3A_12 : memref<1x1x25x80xi32, #tpu.memory_space<hbm>> -> memref<25x80xi32, #tpu.memory_space<hbm>>
    %dma_start3A_14 = arith.constant 0 : i32
    %dma_start3A_15 = arith.constant 0 : i32
    %dma_start3A_16 = tpu.memref_slice %arg4[%add3A, %dma_start3A_9, %dma_start3A_14, %dma_start3A_15] : memref<32x5x25x80xi32, #tpu.memory_space<hbm>> -> memref<1x1x25x80xi32, #tpu.memory_space<hbm>>
    %dma_start3A_17 = tpu.memref_squeeze %dma_start3A_16 : memref<1x1x25x80xi32, #tpu.memory_space<hbm>> -> memref<25x80xi32, #tpu.memory_space<hbm>>
    tpu.enqueue_dma source(%dma_start3A_17 : memref<25x80xi32, #tpu.memory_space<hbm>>) target(%arg8 : memref<25x80xi32, #tpu.memory_space<vmem>>) target_semaphore(%arg14 : memref<!tpu.dma_semaphore, #tpu.memory_space<semaphore_mem>>)
    %mul3A_18 = arith.constant 624 : i32
    %mul3A_19 = arith.muli %arg1, %mul3A_18 : i32
    %eq3A = arith.constant 0 : i32
    %eq3A_20 = arith.cmpi eq, %arg0, %eq3A : i32
    %lt3A = arith.constant 15 : i32
    %lt3A_21 = arith.cmpi slt, %arg1, %lt3A : i32
    %and3A = arith.andi %eq3A_20, %lt3A_21 : i1
    %convert_element_type3A = arith.extui %and3A : i1 to i32
    %cond3A = arith.constant 0 : i32
    %cond3A_22 = arith.cmpi ne, %convert_element_type3A, %cond3A : i32
    scf.if %cond3A_22 {
      "tpu.region"() ({
        %run_scoped3A = tpu.sem_alloc : memref<!tpu.dma_semaphore, #tpu.memory_space<semaphore_mem>>
        %dma_start3A_643 = arith.constant 0 : i32
        %dma_start3A_644 = tpu.memref_slice %arg13[%mul3A_19, %dma_start3A_643] : memref<10000x128xf32, #tpu.memory_space<vmem_shared>> -> memref<624x128xf32, #tpu.memory_space<vmem_shared>>
        %dma_start3A_645 = arith.constant 0 : i32
        %dma_start3A_646 = tpu.memref_slice %arg2[%mul3A_19, %dma_start3A_645] : memref<10000x128xf32, #tpu.memory_space<hbm>> -> memref<624x128xf32, #tpu.memory_space<hbm>>
        tpu.enqueue_dma source(%dma_start3A_646 : memref<624x128xf32, #tpu.memory_space<hbm>>) target(%dma_start3A_644 : memref<624x128xf32, #tpu.memory_space<vmem_shared>>) target_semaphore(%run_scoped3A : memref<!tpu.dma_semaphore, #tpu.memory_space<semaphore_mem>>)
        %dma_wait3A_647 = arith.constant 0 : i32
        %dma_wait3A_648 = tpu.memref_slice %arg13[%mul3A_19, %dma_wait3A_647] : memref<10000x128xf32, #tpu.memory_space<vmem_shared>> -> memref<624x128xf32, #tpu.memory_space<vmem_shared>>
        %dma_wait3A_649 = arith.constant 0 : i32
        %dma_wait3A_650 = tpu.memref_slice %arg2[%mul3A_19, %dma_wait3A_649] : memref<10000x128xf32, #tpu.memory_space<hbm>> -> memref<624x128xf32, #tpu.memory_space<hbm>>
        tpu.wait_dma2 semaphore(%run_scoped3A : memref<!tpu.dma_semaphore, #tpu.memory_space<semaphore_mem>>) src(%dma_wait3A_650 : memref<624x128xf32, #tpu.memory_space<hbm>>) dst(%dma_wait3A_648 : memref<624x128xf32, #tpu.memory_space<vmem_shared>>)
        tpu.yield
      }) : () -> ()
    } else {
    }
    %eq3A_23 = arith.constant 0 : i32
    %eq3A_24 = arith.cmpi eq, %arg0, %eq3A_23 : i32
    %eq3A_25 = arith.constant 15 : i32
    %eq3A_26 = arith.cmpi eq, %arg1, %eq3A_25 : i32
    %and3A_27 = arith.andi %eq3A_24, %eq3A_26 : i1
    %convert_element_type3A_28 = arith.extui %and3A_27 : i1 to i32
    %cond3A_29 = arith.constant 0 : i32
    %cond3A_30 = arith.cmpi ne, %convert_element_type3A_28, %cond3A_29 : i32
    scf.if %cond3A_30 {
      "tpu.region"() ({
        %run_scoped3A = tpu.sem_alloc : memref<!tpu.dma_semaphore, #tpu.memory_space<semaphore_mem>>
        %dma_start3A_643 = arith.constant 0 : i32
        %dma_start3A_644 = tpu.memref_slice %arg13[%mul3A_19, %dma_start3A_643] : memref<10000x128xf32, #tpu.memory_space<vmem_shared>> -> memref<640x128xf32, #tpu.memory_space<vmem_shared>>
        %dma_start3A_645 = arith.constant 0 : i32
        %dma_start3A_646 = tpu.memref_slice %arg2[%mul3A_19, %dma_start3A_645] : memref<10000x128xf32, #tpu.memory_space<hbm>> -> memref<640x128xf32, #tpu.memory_space<hbm>>
        tpu.enqueue_dma source(%dma_start3A_646 : memref<640x128xf32, #tpu.memory_space<hbm>>) target(%dma_start3A_644 : memref<640x128xf32, #tpu.memory_space<vmem_shared>>) target_semaphore(%run_scoped3A : memref<!tpu.dma_semaphore, #tpu.memory_space<semaphore_mem>>)
        %dma_wait3A_647 = arith.constant 0 : i32
        %dma_wait3A_648 = tpu.memref_slice %arg13[%mul3A_19, %dma_wait3A_647] : memref<10000x128xf32, #tpu.memory_space<vmem_shared>> -> memref<640x128xf32, #tpu.memory_space<vmem_shared>>
        %dma_wait3A_649 = arith.constant 0 : i32
        %dma_wait3A_650 = tpu.memref_slice %arg2[%mul3A_19, %dma_wait3A_649] : memref<10000x128xf32, #tpu.memory_space<hbm>> -> memref<640x128xf32, #tpu.memory_space<hbm>>
        tpu.wait_dma2 semaphore(%run_scoped3A : memref<!tpu.dma_semaphore, #tpu.memory_space<semaphore_mem>>) src(%dma_wait3A_650 : memref<640x128xf32, #tpu.memory_space<hbm>>) dst(%dma_wait3A_648 : memref<640x128xf32, #tpu.memory_space<vmem_shared>>)
        tpu.yield
      }) : () -> ()
    } else {
    }
    %eq3A_31 = arith.constant 1 : i32
    %eq3A_32 = arith.cmpi eq, %arg0, %eq3A_31 : i32
    %lt3A_33 = arith.constant 15 : i32
    %lt3A_34 = arith.cmpi slt, %arg1, %lt3A_33 : i32
    %and3A_35 = arith.andi %eq3A_32, %lt3A_34 : i1
    %convert_element_type3A_36 = arith.extui %and3A_35 : i1 to i32
    %cond3A_37 = arith.constant 0 : i32
    %cond3A_38 = arith.cmpi ne, %convert_element_type3A_36, %cond3A_37 : i32
    scf.if %cond3A_38 {
      "tpu.region"() ({
        %run_scoped3A = tpu.sem_alloc : memref<!tpu.dma_semaphore, #tpu.memory_space<semaphore_mem>>
        %dma_start3A_643 = arith.constant 0 : i32
        %dma_start3A_644 = tpu.memref_slice %arg13[%mul3A_19, %dma_start3A_643] : memref<10000x128xf32, #tpu.memory_space<vmem_shared>> -> memref<624x128xf32, #tpu.memory_space<vmem_shared>>
        %dma_start3A_645 = arith.constant 0 : i32
        %dma_start3A_646 = tpu.memref_slice %arg5[%mul3A_19, %dma_start3A_645] : memref<10000x128xf32, #tpu.memory_space<hbm>> -> memref<624x128xf32, #tpu.memory_space<hbm>>
        tpu.enqueue_dma source(%dma_start3A_646 : memref<624x128xf32, #tpu.memory_space<hbm>>) target(%dma_start3A_644 : memref<624x128xf32, #tpu.memory_space<vmem_shared>>) target_semaphore(%run_scoped3A : memref<!tpu.dma_semaphore, #tpu.memory_space<semaphore_mem>>)
        %dma_wait3A_647 = arith.constant 0 : i32
        %dma_wait3A_648 = tpu.memref_slice %arg13[%mul3A_19, %dma_wait3A_647] : memref<10000x128xf32, #tpu.memory_space<vmem_shared>> -> memref<624x128xf32, #tpu.memory_space<vmem_shared>>
        %dma_wait3A_649 = arith.constant 0 : i32
        %dma_wait3A_650 = tpu.memref_slice %arg5[%mul3A_19, %dma_wait3A_649] : memref<10000x128xf32, #tpu.memory_space<hbm>> -> memref<624x128xf32, #tpu.memory_space<hbm>>
        tpu.wait_dma2 semaphore(%run_scoped3A : memref<!tpu.dma_semaphore, #tpu.memory_space<semaphore_mem>>) src(%dma_wait3A_650 : memref<624x128xf32, #tpu.memory_space<hbm>>) dst(%dma_wait3A_648 : memref<624x128xf32, #tpu.memory_space<vmem_shared>>)
        tpu.yield
      }) : () -> ()
    } else {
    }
    %eq3A_39 = arith.constant 1 : i32
    %eq3A_40 = arith.cmpi eq, %arg0, %eq3A_39 : i32
    %eq3A_41 = arith.constant 15 : i32
    %eq3A_42 = arith.cmpi eq, %arg1, %eq3A_41 : i32
    %and3A_43 = arith.andi %eq3A_40, %eq3A_42 : i1
    %convert_element_type3A_44 = arith.extui %and3A_43 : i1 to i32
    %cond3A_45 = arith.constant 0 : i32
    %cond3A_46 = arith.cmpi ne, %convert_element_type3A_44, %cond3A_45 : i32
    scf.if %cond3A_46 {
      "tpu.region"() ({
        %run_scoped3A = tpu.sem_alloc : memref<!tpu.dma_semaphore, #tpu.memory_space<semaphore_mem>>
        %dma_start3A_643 = arith.constant 0 : i32
        %dma_start3A_644 = tpu.memref_slice %arg13[%mul3A_19, %dma_start3A_643] : memref<10000x128xf32, #tpu.memory_space<vmem_shared>> -> memref<640x128xf32, #tpu.memory_space<vmem_shared>>
        %dma_start3A_645 = arith.constant 0 : i32
        %dma_start3A_646 = tpu.memref_slice %arg5[%mul3A_19, %dma_start3A_645] : memref<10000x128xf32, #tpu.memory_space<hbm>> -> memref<640x128xf32, #tpu.memory_space<hbm>>
        tpu.enqueue_dma source(%dma_start3A_646 : memref<640x128xf32, #tpu.memory_space<hbm>>) target(%dma_start3A_644 : memref<640x128xf32, #tpu.memory_space<vmem_shared>>) target_semaphore(%run_scoped3A : memref<!tpu.dma_semaphore, #tpu.memory_space<semaphore_mem>>)
        %dma_wait3A_647 = arith.constant 0 : i32
        %dma_wait3A_648 = tpu.memref_slice %arg13[%mul3A_19, %dma_wait3A_647] : memref<10000x128xf32, #tpu.memory_space<vmem_shared>> -> memref<640x128xf32, #tpu.memory_space<vmem_shared>>
        %dma_wait3A_649 = arith.constant 0 : i32
        %dma_wait3A_650 = tpu.memref_slice %arg5[%mul3A_19, %dma_wait3A_649] : memref<10000x128xf32, #tpu.memory_space<hbm>> -> memref<640x128xf32, #tpu.memory_space<hbm>>
        tpu.wait_dma2 semaphore(%run_scoped3A : memref<!tpu.dma_semaphore, #tpu.memory_space<semaphore_mem>>) src(%dma_wait3A_650 : memref<640x128xf32, #tpu.memory_space<hbm>>) dst(%dma_wait3A_648 : memref<640x128xf32, #tpu.memory_space<vmem_shared>>)
        tpu.yield
      }) : () -> ()
    } else {
    }
    %dma_wait3A = arith.constant 0 : i32
    %dma_wait3A_47 = arith.constant 0 : i32
    %dma_wait3A_48 = arith.constant 0 : i32
    %dma_wait3A_49 = tpu.memref_slice %arg3[%add3A, %dma_wait3A, %dma_wait3A_47, %dma_wait3A_48] : memref<32x5x25x80xi32, #tpu.memory_space<hbm>> -> memref<1x1x25x80xi32, #tpu.memory_space<hbm>>
    %dma_wait3A_50 = tpu.memref_squeeze %dma_wait3A_49 : memref<1x1x25x80xi32, #tpu.memory_space<hbm>> -> memref<25x80xi32, #tpu.memory_space<hbm>>
    %dma_wait3A_51 = arith.constant 0 : i32
    %dma_wait3A_52 = arith.constant 0 : i32
    %dma_wait3A_53 = tpu.memref_slice %arg3[%add3A, %dma_wait3A, %dma_wait3A_51, %dma_wait3A_52] : memref<32x5x25x80xi32, #tpu.memory_space<hbm>> -> memref<1x1x25x80xi32, #tpu.memory_space<hbm>>
    %dma_wait3A_54 = tpu.memref_squeeze %dma_wait3A_53 : memref<1x1x25x80xi32, #tpu.memory_space<hbm>> -> memref<25x80xi32, #tpu.memory_space<hbm>>
    tpu.wait_dma2 semaphore(%arg14 : memref<!tpu.dma_semaphore, #tpu.memory_space<semaphore_mem>>) src(%dma_wait3A_54 : memref<25x80xi32, #tpu.memory_space<hbm>>) dst(%arg7 : memref<25x80xi32, #tpu.memory_space<vmem>>)
    %dma_wait3A_55 = arith.constant 0 : i32
    %dma_wait3A_56 = arith.constant 0 : i32
    %dma_wait3A_57 = arith.constant 0 : i32
    %dma_wait3A_58 = tpu.memref_slice %arg4[%add3A, %dma_wait3A_55, %dma_wait3A_56, %dma_wait3A_57] : memref<32x5x25x80xi32, #tpu.memory_space<hbm>> -> memref<1x1x25x80xi32, #tpu.memory_space<hbm>>
    %dma_wait3A_59 = tpu.memref_squeeze %dma_wait3A_58 : memref<1x1x25x80xi32, #tpu.memory_space<hbm>> -> memref<25x80xi32, #tpu.memory_space<hbm>>
    %dma_wait3A_60 = arith.constant 0 : i32
    %dma_wait3A_61 = arith.constant 0 : i32
    %dma_wait3A_62 = tpu.memref_slice %arg4[%add3A, %dma_wait3A_55, %dma_wait3A_60, %dma_wait3A_61] : memref<32x5x25x80xi32, #tpu.memory_space<hbm>> -> memref<1x1x25x80xi32, #tpu.memory_space<hbm>>
    %dma_wait3A_63 = tpu.memref_squeeze %dma_wait3A_62 : memref<1x1x25x80xi32, #tpu.memory_space<hbm>> -> memref<25x80xi32, #tpu.memory_space<hbm>>
    tpu.wait_dma2 semaphore(%arg14 : memref<!tpu.dma_semaphore, #tpu.memory_space<semaphore_mem>>) src(%dma_wait3A_63 : memref<25x80xi32, #tpu.memory_space<hbm>>) dst(%arg8 : memref<25x80xi32, #tpu.memory_space<vmem>>)
    %dma_start3A_64 = arith.constant 0 : i32
    %dma_start3A_65 = arith.constant 0 : i32
    %dma_start3A_66 = tpu.memref_slice %arg7[%dma_start3A_64, %dma_start3A_65] : memref<25x80xi32, #tpu.memory_space<vmem>> -> memref<1x80xi32, #tpu.memory_space<vmem>>
    %dma_start3A_67 = tpu.memref_squeeze %dma_start3A_66 : memref<1x80xi32, #tpu.memory_space<vmem>> -> memref<80xi32, #tpu.memory_space<vmem>>
    %dma_start3A_68 = arith.constant 0 : i32
    %dma_start3A_69 = arith.constant 0 : i32
    %dma_start3A_70 = tpu.memref_slice %arg2[%dma_start3A_68, %dma_start3A_69] : memref<10000x128xf32, #tpu.memory_space<hbm>> -> memref<10000x128xf32, #tpu.memory_space<hbm>>
    tpu.enqueue_indirect_dma source(%dma_start3A_70 : memref<10000x128xf32, #tpu.memory_space<hbm>>) target(%arg11 : memref<80x128xf32, #tpu.memory_space<vmem>>) offsets(%dma_start3A_67 : memref<80xi32, #tpu.memory_space<vmem>>) semaphore(%arg15 : memref<!tpu.dma_semaphore, #tpu.memory_space<semaphore_mem>>)
    %dma_start3A_71 = arith.constant 1 : i32
    %dma_start3A_72 = arith.constant 0 : i32
    %dma_start3A_73 = tpu.memref_slice %arg7[%dma_start3A_71, %dma_start3A_72] : memref<25x80xi32, #tpu.memory_space<vmem>> -> memref<1x80xi32, #tpu.memory_space<vmem>>
    %dma_start3A_74 = tpu.memref_squeeze %dma_start3A_73 : memref<1x80xi32, #tpu.memory_space<vmem>> -> memref<80xi32, #tpu.memory_space<vmem>>
    %dma_start3A_75 = arith.constant 0 : i32
    %dma_start3A_76 = arith.constant 0 : i32
    %dma_start3A_77 = tpu.memref_slice %arg2[%dma_start3A_75, %dma_start3A_76] : memref<10000x128xf32, #tpu.memory_space<hbm>> -> memref<10000x128xf32, #tpu.memory_space<hbm>>
    tpu.enqueue_indirect_dma source(%dma_start3A_77 : memref<10000x128xf32, #tpu.memory_space<hbm>>) target(%arg12 : memref<80x128xf32, #tpu.memory_space<vmem>>) offsets(%dma_start3A_74 : memref<80xi32, #tpu.memory_space<vmem>>) semaphore(%arg16 : memref<!tpu.dma_semaphore, #tpu.memory_space<semaphore_mem>>)
    %barrier3A = arith.constant 0 : index
    tpu.barrier barrier_id(%barrier3A)
    %dma_start3A_78 = arith.constant 1 : i32
    %dma_start3A_79 = arith.constant 0 : i32
    %dma_start3A_80 = arith.constant 0 : i32
    %dma_start3A_81 = tpu.memref_slice %arg3[%add3A, %dma_start3A_78, %dma_start3A_79, %dma_start3A_80] : memref<32x5x25x80xi32, #tpu.memory_space<hbm>> -> memref<1x1x25x80xi32, #tpu.memory_space<hbm>>
    %dma_start3A_82 = tpu.memref_squeeze %dma_start3A_81 : memref<1x1x25x80xi32, #tpu.memory_space<hbm>> -> memref<25x80xi32, #tpu.memory_space<hbm>>
    %dma_start3A_83 = arith.constant 0 : i32
    %dma_start3A_84 = arith.constant 0 : i32
    %dma_start3A_85 = tpu.memref_slice %arg3[%add3A, %dma_start3A_78, %dma_start3A_83, %dma_start3A_84] : memref<32x5x25x80xi32, #tpu.memory_space<hbm>> -> memref<1x1x25x80xi32, #tpu.memory_space<hbm>>
    %dma_start3A_86 = tpu.memref_squeeze %dma_start3A_85 : memref<1x1x25x80xi32, #tpu.memory_space<hbm>> -> memref<25x80xi32, #tpu.memory_space<hbm>>
    tpu.enqueue_dma source(%dma_start3A_86 : memref<25x80xi32, #tpu.memory_space<hbm>>) target(%arg9 : memref<25x80xi32, #tpu.memory_space<vmem>>) target_semaphore(%arg14 : memref<!tpu.dma_semaphore, #tpu.memory_space<semaphore_mem>>)
    %dma_start3A_87 = arith.constant 1 : i32
    %dma_start3A_88 = arith.constant 0 : i32
    %dma_start3A_89 = arith.constant 0 : i32
    %dma_start3A_90 = tpu.memref_slice %arg4[%add3A, %dma_start3A_87, %dma_start3A_88, %dma_start3A_89] : memref<32x5x25x80xi32, #tpu.memory_space<hbm>> -> memref<1x1x25x80xi32, #tpu.memory_space<hbm>>
    %dma_start3A_91 = tpu.memref_squeeze %dma_start3A_90 : memref<1x1x25x80xi32, #tpu.memory_space<hbm>> -> memref<25x80xi32, #tpu.memory_space<hbm>>
    %dma_start3A_92 = arith.constant 0 : i32
    %dma_start3A_93 = arith.constant 0 : i32
    %dma_start3A_94 = tpu.memref_slice %arg4[%add3A, %dma_start3A_87, %dma_start3A_92, %dma_start3A_93] : memref<32x5x25x80xi32, #tpu.memory_space<hbm>> -> memref<1x1x25x80xi32, #tpu.memory_space<hbm>>
    %dma_start3A_95 = tpu.memref_squeeze %dma_start3A_94 : memref<1x1x25x80xi32, #tpu.memory_space<hbm>> -> memref<25x80xi32, #tpu.memory_space<hbm>>
    tpu.enqueue_dma source(%dma_start3A_95 : memref<25x80xi32, #tpu.memory_space<hbm>>) target(%arg10 : memref<25x80xi32, #tpu.memory_space<vmem>>) target_semaphore(%arg14 : memref<!tpu.dma_semaphore, #tpu.memory_space<semaphore_mem>>)
    %dma_wait3A_96 = arith.constant 0 : i32
    %dma_wait3A_97 = arith.constant 0 : i32
    %dma_wait3A_98 = tpu.memref_slice %arg2[%dma_wait3A_96, %dma_wait3A_97] : memref<10000x128xf32, #tpu.memory_space<hbm>> -> memref<80x128xf32, #tpu.memory_space<hbm>>
    %dma_wait3A_99 = arith.constant 0 : i32
    %dma_wait3A_100 = arith.constant 0 : i32
    %dma_wait3A_101 = tpu.memref_slice %arg2[%dma_wait3A_99, %dma_wait3A_100] : memref<10000x128xf32, #tpu.memory_space<hbm>> -> memref<80x128xf32, #tpu.memory_space<hbm>>
    tpu.wait_dma2 semaphore(%arg15 : memref<!tpu.dma_semaphore, #tpu.memory_space<semaphore_mem>>) src(%dma_wait3A_101 : memref<80x128xf32, #tpu.memory_space<hbm>>) dst(%arg11 : memref<80x128xf32, #tpu.memory_space<vmem>>)
    %dma_start3A_102 = arith.constant 0 : i32
    %dma_start3A_103 = arith.constant 0 : i32
    %dma_start3A_104 = tpu.memref_slice %arg8[%dma_start3A_102, %dma_start3A_103] : memref<25x80xi32, #tpu.memory_space<vmem>> -> memref<1x80xi32, #tpu.memory_space<vmem>>
    %dma_start3A_105 = tpu.memref_squeeze %dma_start3A_104 : memref<1x80xi32, #tpu.memory_space<vmem>> -> memref<80xi32, #tpu.memory_space<vmem>>
    %dma_start3A_106 = arith.constant 0 : i32
    %dma_start3A_107 = arith.constant 0 : i32
    %dma_start3A_108 = tpu.memref_slice %arg13[%dma_start3A_106, %dma_start3A_107] : memref<10000x128xf32, #tpu.memory_space<vmem_shared>> -> memref<10000x128xf32, #tpu.memory_space<vmem_shared>>
    tpu.enqueue_indirect_dma source(%arg11 : memref<80x128xf32, #tpu.memory_space<vmem>>) target(%dma_start3A_108 : memref<10000x128xf32, #tpu.memory_space<vmem_shared>>) offsets(%dma_start3A_105 : memref<80xi32, #tpu.memory_space<vmem>>) semaphore(%arg17 : memref<!tpu.dma_semaphore, #tpu.memory_space<semaphore_mem>>) {add = true}
    %scan3A = arith.constant 0 : i32
    %scan3A_109 = arith.constant 0 : i32
    %scan3A_110 = arith.constant 11 : i32
    %scan3A_111 = arith.addi %scan3A_109, %scan3A_110 : i32
    %scan3A_112 = arith.constant 1 : i32
    %scan3A_113 = scf.for %scan3A_643 = %scan3A_109 to %scan3A_111 step %scan3A_112 iter_args(%scan3A_644 = %scan3A) -> (i32)  : i32 {
      %mul3A_645 = arith.constant 2 : i32
      %mul3A_646 = arith.muli %mul3A_645, %scan3A_643 : i32
      %add3A_647 = arith.constant 1 : i32
      %add3A_648 = arith.addi %mul3A_646, %add3A_647 : i32
      %dma_wait3A_649 = arith.constant 0 : i32
      %dma_wait3A_650 = arith.constant 0 : i32
      %dma_wait3A_651 = tpu.memref_slice %arg2[%dma_wait3A_649, %dma_wait3A_650] : memref<10000x128xf32, #tpu.memory_space<hbm>> -> memref<80x128xf32, #tpu.memory_space<hbm>>
      %dma_wait3A_652 = arith.constant 0 : i32
      %dma_wait3A_653 = arith.constant 0 : i32
      %dma_wait3A_654 = tpu.memref_slice %arg2[%dma_wait3A_652, %dma_wait3A_653] : memref<10000x128xf32, #tpu.memory_space<hbm>> -> memref<80x128xf32, #tpu.memory_space<hbm>>
      tpu.wait_dma2 semaphore(%arg16 : memref<!tpu.dma_semaphore, #tpu.memory_space<semaphore_mem>>) src(%dma_wait3A_654 : memref<80x128xf32, #tpu.memory_space<hbm>>) dst(%arg12 : memref<80x128xf32, #tpu.memory_space<vmem>>)
      %dma_wait3A_655 = arith.constant 0 : i32
      %dma_wait3A_656 = arith.constant 0 : i32
      %dma_wait3A_657 = tpu.memref_slice %arg2[%dma_wait3A_655, %dma_wait3A_656] : memref<10000x128xf32, #tpu.memory_space<hbm>> -> memref<80x128xf32, #tpu.memory_space<hbm>>
      %dma_wait3A_658 = arith.constant 0 : i32
      %dma_wait3A_659 = arith.constant 0 : i32
      %dma_wait3A_660 = tpu.memref_slice %arg2[%dma_wait3A_658, %dma_wait3A_659] : memref<10000x128xf32, #tpu.memory_space<hbm>> -> memref<80x128xf32, #tpu.memory_space<hbm>>
      tpu.wait_dma2 semaphore(%arg17 : memref<!tpu.dma_semaphore, #tpu.memory_space<semaphore_mem>>) src(%dma_wait3A_660 : memref<80x128xf32, #tpu.memory_space<hbm>>) dst(%arg11 : memref<80x128xf32, #tpu.memory_space<vmem>>)
      %dma_start3A_661 = arith.constant 0 : i32
      %dma_start3A_662 = tpu.memref_slice %arg8[%add3A_648, %dma_start3A_661] : memref<25x80xi32, #tpu.memory_space<vmem>> -> memref<1x80xi32, #tpu.memory_space<vmem>>
      %dma_start3A_663 = tpu.memref_squeeze %dma_start3A_662 : memref<1x80xi32, #tpu.memory_space<vmem>> -> memref<80xi32, #tpu.memory_space<vmem>>
      %dma_start3A_664 = arith.constant 0 : i32
      %dma_start3A_665 = arith.constant 0 : i32
      %dma_start3A_666 = tpu.memref_slice %arg13[%dma_start3A_664, %dma_start3A_665] : memref<10000x128xf32, #tpu.memory_space<vmem_shared>> -> memref<10000x128xf32, #tpu.memory_space<vmem_shared>>
      tpu.enqueue_indirect_dma source(%arg12 : memref<80x128xf32, #tpu.memory_space<vmem>>) target(%dma_start3A_666 : memref<10000x128xf32, #tpu.memory_space<vmem_shared>>) offsets(%dma_start3A_663 : memref<80xi32, #tpu.memory_space<vmem>>) semaphore(%arg18 : memref<!tpu.dma_semaphore, #tpu.memory_space<semaphore_mem>>) {add = true}
      %add3A_667 = arith.constant 1 : i32
      %add3A_668 = arith.addi %add3A_648, %add3A_667 : i32
      %dma_start3A_669 = arith.constant 0 : i32
      %dma_start3A_670 = tpu.memref_slice %arg7[%add3A_668, %dma_start3A_669] : memref<25x80xi32, #tpu.memory_space<vmem>> -> memref<1x80xi32, #tpu.memory_space<vmem>>
      %dma_start3A_671 = tpu.memref_squeeze %dma_start3A_670 : memref<1x80xi32, #tpu.memory_space<vmem>> -> memref<80xi32, #tpu.memory_space<vmem>>
      %dma_start3A_672 = arith.constant 0 : i32
      %dma_start3A_673 = arith.constant 0 : i32
      %dma_start3A_674 = tpu.memref_slice %arg2[%dma_start3A_672, %dma_start3A_673] : memref<10000x128xf32, #tpu.memory_space<hbm>> -> memref<10000x128xf32, #tpu.memory_space<hbm>>
      tpu.enqueue_indirect_dma source(%dma_start3A_674 : memref<10000x128xf32, #tpu.memory_space<hbm>>) target(%arg11 : memref<80x128xf32, #tpu.memory_space<vmem>>) offsets(%dma_start3A_671 : memref<80xi32, #tpu.memory_space<vmem>>) semaphore(%arg15 : memref<!tpu.dma_semaphore, #tpu.memory_space<semaphore_mem>>)
      %dma_wait3A_675 = arith.constant 0 : i32
      %dma_wait3A_676 = arith.constant 0 : i32
      %dma_wait3A_677 = tpu.memref_slice %arg2[%dma_wait3A_675, %dma_wait3A_676] : memref<10000x128xf32, #tpu.memory_space<hbm>> -> memref<80x128xf32, #tpu.memory_space<hbm>>
      %dma_wait3A_678 = arith.constant 0 : i32
      %dma_wait3A_679 = arith.constant 0 : i32
      %dma_wait3A_680 = tpu.memref_slice %arg2[%dma_wait3A_678, %dma_wait3A_679] : memref<10000x128xf32, #tpu.memory_space<hbm>> -> memref<80x128xf32, #tpu.memory_space<hbm>>
      tpu.wait_dma2 semaphore(%arg15 : memref<!tpu.dma_semaphore, #tpu.memory_space<semaphore_mem>>) src(%dma_wait3A_680 : memref<80x128xf32, #tpu.memory_space<hbm>>) dst(%arg11 : memref<80x128xf32, #tpu.memory_space<vmem>>)
      %dma_wait3A_681 = arith.constant 0 : i32
      %dma_wait3A_682 = arith.constant 0 : i32
      %dma_wait3A_683 = tpu.memref_slice %arg2[%dma_wait3A_681, %dma_wait3A_682] : memref<10000x128xf32, #tpu.memory_space<hbm>> -> memref<80x128xf32, #tpu.memory_space<hbm>>
      %dma_wait3A_684 = arith.constant 0 : i32
      %dma_wait3A_685 = arith.constant 0 : i32
      %dma_wait3A_686 = tpu.memref_slice %arg2[%dma_wait3A_684, %dma_wait3A_685] : memref<10000x128xf32, #tpu.memory_space<hbm>> -> memref<80x128xf32, #tpu.memory_space<hbm>>
      tpu.wait_dma2 semaphore(%arg18 : memref<!tpu.dma_semaphore, #tpu.memory_space<semaphore_mem>>) src(%dma_wait3A_686 : memref<80x128xf32, #tpu.memory_space<hbm>>) dst(%arg12 : memref<80x128xf32, #tpu.memory_space<vmem>>)
      %add3A_687 = arith.constant 1 : i32
      %add3A_688 = arith.addi %add3A_648, %add3A_687 : i32
      %dma_start3A_689 = arith.constant 0 : i32
      %dma_start3A_690 = tpu.memref_slice %arg8[%add3A_688, %dma_start3A_689] : memref<25x80xi32, #tpu.memory_space<vmem>> -> memref<1x80xi32, #tpu.memory_space<vmem>>
      %dma_start3A_691 = tpu.memref_squeeze %dma_start3A_690 : memref<1x80xi32, #tpu.memory_space<vmem>> -> memref<80xi32, #tpu.memory_space<vmem>>
      %dma_start3A_692 = arith.constant 0 : i32
      %dma_start3A_693 = arith.constant 0 : i32
      %dma_start3A_694 = tpu.memref_slice %arg13[%dma_start3A_692, %dma_start3A_693] : memref<10000x128xf32, #tpu.memory_space<vmem_shared>> -> memref<10000x128xf32, #tpu.memory_space<vmem_shared>>
      tpu.enqueue_indirect_dma source(%arg11 : memref<80x128xf32, #tpu.memory_space<vmem>>) target(%dma_start3A_694 : memref<10000x128xf32, #tpu.memory_space<vmem_shared>>) offsets(%dma_start3A_691 : memref<80xi32, #tpu.memory_space<vmem>>) semaphore(%arg17 : memref<!tpu.dma_semaphore, #tpu.memory_space<semaphore_mem>>) {add = true}
      %add3A_695 = arith.constant 2 : i32
      %add3A_696 = arith.addi %add3A_648, %add3A_695 : i32
      %dma_start3A_697 = arith.constant 0 : i32
      %dma_start3A_698 = tpu.memref_slice %arg7[%add3A_696, %dma_start3A_697] : memref<25x80xi32, #tpu.memory_space<vmem>> -> memref<1x80xi32, #tpu.memory_space<vmem>>
      %dma_start3A_699 = tpu.memref_squeeze %dma_start3A_698 : memref<1x80xi32, #tpu.memory_space<vmem>> -> memref<80xi32, #tpu.memory_space<vmem>>
      %dma_start3A_700 = arith.constant 0 : i32
      %dma_start3A_701 = arith.constant 0 : i32
      %dma_start3A_702 = tpu.memref_slice %arg2[%dma_start3A_700, %dma_start3A_701] : memref<10000x128xf32, #tpu.memory_space<hbm>> -> memref<10000x128xf32, #tpu.memory_space<hbm>>
      tpu.enqueue_indirect_dma source(%dma_start3A_702 : memref<10000x128xf32, #tpu.memory_space<hbm>>) target(%arg12 : memref<80x128xf32, #tpu.memory_space<vmem>>) offsets(%dma_start3A_699 : memref<80xi32, #tpu.memory_space<vmem>>) semaphore(%arg16 : memref<!tpu.dma_semaphore, #tpu.memory_space<semaphore_mem>>)
      %scan3A_703 = arith.constant 0 : i32
      scf.yield %scan3A_703 : i32
    }
    %scan3A_114 = arith.constant 11 : i32
    %dma_wait3A_115 = arith.constant 0 : i32
    %dma_wait3A_116 = arith.constant 0 : i32
    %dma_wait3A_117 = tpu.memref_slice %arg2[%dma_wait3A_115, %dma_wait3A_116] : memref<10000x128xf32, #tpu.memory_space<hbm>> -> memref<80x128xf32, #tpu.memory_space<hbm>>
    %dma_wait3A_118 = arith.constant 0 : i32
    %dma_wait3A_119 = arith.constant 0 : i32
    %dma_wait3A_120 = tpu.memref_slice %arg2[%dma_wait3A_118, %dma_wait3A_119] : memref<10000x128xf32, #tpu.memory_space<hbm>> -> memref<80x128xf32, #tpu.memory_space<hbm>>
    tpu.wait_dma2 semaphore(%arg16 : memref<!tpu.dma_semaphore, #tpu.memory_space<semaphore_mem>>) src(%dma_wait3A_120 : memref<80x128xf32, #tpu.memory_space<hbm>>) dst(%arg12 : memref<80x128xf32, #tpu.memory_space<vmem>>)
    %dma_wait3A_121 = arith.constant 0 : i32
    %dma_wait3A_122 = arith.constant 0 : i32
    %dma_wait3A_123 = tpu.memref_slice %arg2[%dma_wait3A_121, %dma_wait3A_122] : memref<10000x128xf32, #tpu.memory_space<hbm>> -> memref<80x128xf32, #tpu.memory_space<hbm>>
    %dma_wait3A_124 = arith.constant 0 : i32
    %dma_wait3A_125 = arith.constant 0 : i32
    %dma_wait3A_126 = tpu.memref_slice %arg2[%dma_wait3A_124, %dma_wait3A_125] : memref<10000x128xf32, #tpu.memory_space<hbm>> -> memref<80x128xf32, #tpu.memory_space<hbm>>
    tpu.wait_dma2 semaphore(%arg17 : memref<!tpu.dma_semaphore, #tpu.memory_space<semaphore_mem>>) src(%dma_wait3A_126 : memref<80x128xf32, #tpu.memory_space<hbm>>) dst(%arg11 : memref<80x128xf32, #tpu.memory_space<vmem>>)
    %dma_start3A_127 = arith.constant 23 : i32
    %dma_start3A_128 = arith.constant 0 : i32
    %dma_start3A_129 = tpu.memref_slice %arg8[%dma_start3A_127, %dma_start3A_128] : memref<25x80xi32, #tpu.memory_space<vmem>> -> memref<1x80xi32, #tpu.memory_space<vmem>>
    %dma_start3A_130 = tpu.memref_squeeze %dma_start3A_129 : memref<1x80xi32, #tpu.memory_space<vmem>> -> memref<80xi32, #tpu.memory_space<vmem>>
    %dma_start3A_131 = arith.constant 0 : i32
    %dma_start3A_132 = arith.constant 0 : i32
    %dma_start3A_133 = tpu.memref_slice %arg13[%dma_start3A_131, %dma_start3A_132] : memref<10000x128xf32, #tpu.memory_space<vmem_shared>> -> memref<10000x128xf32, #tpu.memory_space<vmem_shared>>
    tpu.enqueue_indirect_dma source(%arg12 : memref<80x128xf32, #tpu.memory_space<vmem>>) target(%dma_start3A_133 : memref<10000x128xf32, #tpu.memory_space<vmem_shared>>) offsets(%dma_start3A_130 : memref<80xi32, #tpu.memory_space<vmem>>) semaphore(%arg18 : memref<!tpu.dma_semaphore, #tpu.memory_space<semaphore_mem>>) {add = true}
    %dma_start3A_134 = arith.constant 24 : i32
    %dma_start3A_135 = arith.constant 0 : i32
    %dma_start3A_136 = tpu.memref_slice %arg7[%dma_start3A_134, %dma_start3A_135] : memref<25x80xi32, #tpu.memory_space<vmem>> -> memref<1x80xi32, #tpu.memory_space<vmem>>
    %dma_start3A_137 = tpu.memref_squeeze %dma_start3A_136 : memref<1x80xi32, #tpu.memory_space<vmem>> -> memref<80xi32, #tpu.memory_space<vmem>>
    %dma_start3A_138 = arith.constant 0 : i32
    %dma_start3A_139 = arith.constant 0 : i32
    %dma_start3A_140 = tpu.memref_slice %arg2[%dma_start3A_138, %dma_start3A_139] : memref<10000x128xf32, #tpu.memory_space<hbm>> -> memref<10000x128xf32, #tpu.memory_space<hbm>>
    tpu.enqueue_indirect_dma source(%dma_start3A_140 : memref<10000x128xf32, #tpu.memory_space<hbm>>) target(%arg11 : memref<80x128xf32, #tpu.memory_space<vmem>>) offsets(%dma_start3A_137 : memref<80xi32, #tpu.memory_space<vmem>>) semaphore(%arg15 : memref<!tpu.dma_semaphore, #tpu.memory_space<semaphore_mem>>)
    %dma_wait3A_141 = arith.constant 0 : i32
    %dma_wait3A_142 = arith.constant 0 : i32
    %dma_wait3A_143 = tpu.memref_slice %arg2[%dma_wait3A_141, %dma_wait3A_142] : memref<10000x128xf32, #tpu.memory_space<hbm>> -> memref<80x128xf32, #tpu.memory_space<hbm>>
    %dma_wait3A_144 = arith.constant 0 : i32
    %dma_wait3A_145 = arith.constant 0 : i32
    %dma_wait3A_146 = tpu.memref_slice %arg2[%dma_wait3A_144, %dma_wait3A_145] : memref<10000x128xf32, #tpu.memory_space<hbm>> -> memref<80x128xf32, #tpu.memory_space<hbm>>
    tpu.wait_dma2 semaphore(%arg15 : memref<!tpu.dma_semaphore, #tpu.memory_space<semaphore_mem>>) src(%dma_wait3A_146 : memref<80x128xf32, #tpu.memory_space<hbm>>) dst(%arg11 : memref<80x128xf32, #tpu.memory_space<vmem>>)
    %dma_wait3A_147 = arith.constant 0 : i32
    %dma_wait3A_148 = arith.constant 0 : i32
    %dma_wait3A_149 = tpu.memref_slice %arg2[%dma_wait3A_147, %dma_wait3A_148] : memref<10000x128xf32, #tpu.memory_space<hbm>> -> memref<80x128xf32, #tpu.memory_space<hbm>>
    %dma_wait3A_150 = arith.constant 0 : i32
    %dma_wait3A_151 = arith.constant 0 : i32
    %dma_wait3A_152 = tpu.memref_slice %arg2[%dma_wait3A_150, %dma_wait3A_151] : memref<10000x128xf32, #tpu.memory_space<hbm>> -> memref<80x128xf32, #tpu.memory_space<hbm>>
    tpu.wait_dma2 semaphore(%arg18 : memref<!tpu.dma_semaphore, #tpu.memory_space<semaphore_mem>>) src(%dma_wait3A_152 : memref<80x128xf32, #tpu.memory_space<hbm>>) dst(%arg12 : memref<80x128xf32, #tpu.memory_space<vmem>>)
    %dma_start3A_153 = arith.constant 24 : i32
    %dma_start3A_154 = arith.constant 0 : i32
    %dma_start3A_155 = tpu.memref_slice %arg8[%dma_start3A_153, %dma_start3A_154] : memref<25x80xi32, #tpu.memory_space<vmem>> -> memref<1x80xi32, #tpu.memory_space<vmem>>
    %dma_start3A_156 = tpu.memref_squeeze %dma_start3A_155 : memref<1x80xi32, #tpu.memory_space<vmem>> -> memref<80xi32, #tpu.memory_space<vmem>>
    %dma_start3A_157 = arith.constant 0 : i32
    %dma_start3A_158 = arith.constant 0 : i32
    %dma_start3A_159 = tpu.memref_slice %arg13[%dma_start3A_157, %dma_start3A_158] : memref<10000x128xf32, #tpu.memory_space<vmem_shared>> -> memref<10000x128xf32, #tpu.memory_space<vmem_shared>>
    tpu.enqueue_indirect_dma source(%arg11 : memref<80x128xf32, #tpu.memory_space<vmem>>) target(%dma_start3A_159 : memref<10000x128xf32, #tpu.memory_space<vmem_shared>>) offsets(%dma_start3A_156 : memref<80xi32, #tpu.memory_space<vmem>>) semaphore(%arg17 : memref<!tpu.dma_semaphore, #tpu.memory_space<semaphore_mem>>) {add = true}
    %dma_wait3A_160 = arith.constant 0 : i32
    %dma_wait3A_161 = arith.constant 0 : i32
    %dma_wait3A_162 = tpu.memref_slice %arg2[%dma_wait3A_160, %dma_wait3A_161] : memref<10000x128xf32, #tpu.memory_space<hbm>> -> memref<80x128xf32, #tpu.memory_space<hbm>>
    %dma_wait3A_163 = arith.constant 0 : i32
    %dma_wait3A_164 = arith.constant 0 : i32
    %dma_wait3A_165 = tpu.memref_slice %arg2[%dma_wait3A_163, %dma_wait3A_164] : memref<10000x128xf32, #tpu.memory_space<hbm>> -> memref<80x128xf32, #tpu.memory_space<hbm>>
    tpu.wait_dma2 semaphore(%arg17 : memref<!tpu.dma_semaphore, #tpu.memory_space<semaphore_mem>>) src(%dma_wait3A_165 : memref<80x128xf32, #tpu.memory_space<hbm>>) dst(%arg11 : memref<80x128xf32, #tpu.memory_space<vmem>>)
    %dma_wait3A_166 = arith.constant 0 : i32
    %dma_wait3A_167 = arith.constant 0 : i32
    %dma_wait3A_168 = arith.constant 0 : i32
    %dma_wait3A_169 = tpu.memref_slice %arg3[%add3A, %dma_wait3A_166, %dma_wait3A_167, %dma_wait3A_168] : memref<32x5x25x80xi32, #tpu.memory_space<hbm>> -> memref<1x1x25x80xi32, #tpu.memory_space<hbm>>
    %dma_wait3A_170 = tpu.memref_squeeze %dma_wait3A_169 : memref<1x1x25x80xi32, #tpu.memory_space<hbm>> -> memref<25x80xi32, #tpu.memory_space<hbm>>
    %dma_wait3A_171 = arith.constant 0 : i32
    %dma_wait3A_172 = arith.constant 0 : i32
    %dma_wait3A_173 = tpu.memref_slice %arg3[%add3A, %dma_wait3A_166, %dma_wait3A_171, %dma_wait3A_172] : memref<32x5x25x80xi32, #tpu.memory_space<hbm>> -> memref<1x1x25x80xi32, #tpu.memory_space<hbm>>
    %dma_wait3A_174 = tpu.memref_squeeze %dma_wait3A_173 : memref<1x1x25x80xi32, #tpu.memory_space<hbm>> -> memref<25x80xi32, #tpu.memory_space<hbm>>
    tpu.wait_dma2 semaphore(%arg14 : memref<!tpu.dma_semaphore, #tpu.memory_space<semaphore_mem>>) src(%dma_wait3A_174 : memref<25x80xi32, #tpu.memory_space<hbm>>) dst(%arg9 : memref<25x80xi32, #tpu.memory_space<vmem>>)
    %dma_wait3A_175 = arith.constant 0 : i32
    %dma_wait3A_176 = arith.constant 0 : i32
    %dma_wait3A_177 = arith.constant 0 : i32
    %dma_wait3A_178 = tpu.memref_slice %arg4[%add3A, %dma_wait3A_175, %dma_wait3A_176, %dma_wait3A_177] : memref<32x5x25x80xi32, #tpu.memory_space<hbm>> -> memref<1x1x25x80xi32, #tpu.memory_space<hbm>>
    %dma_wait3A_179 = tpu.memref_squeeze %dma_wait3A_178 : memref<1x1x25x80xi32, #tpu.memory_space<hbm>> -> memref<25x80xi32, #tpu.memory_space<hbm>>
    %dma_wait3A_180 = arith.constant 0 : i32
    %dma_wait3A_181 = arith.constant 0 : i32
    %dma_wait3A_182 = tpu.memref_slice %arg4[%add3A, %dma_wait3A_175, %dma_wait3A_180, %dma_wait3A_181] : memref<32x5x25x80xi32, #tpu.memory_space<hbm>> -> memref<1x1x25x80xi32, #tpu.memory_space<hbm>>
    %dma_wait3A_183 = tpu.memref_squeeze %dma_wait3A_182 : memref<1x1x25x80xi32, #tpu.memory_space<hbm>> -> memref<25x80xi32, #tpu.memory_space<hbm>>
    tpu.wait_dma2 semaphore(%arg14 : memref<!tpu.dma_semaphore, #tpu.memory_space<semaphore_mem>>) src(%dma_wait3A_183 : memref<25x80xi32, #tpu.memory_space<hbm>>) dst(%arg10 : memref<25x80xi32, #tpu.memory_space<vmem>>)
    %dma_start3A_184 = arith.constant 0 : i32
    %dma_start3A_185 = arith.constant 0 : i32
    %dma_start3A_186 = tpu.memref_slice %arg9[%dma_start3A_184, %dma_start3A_185] : memref<25x80xi32, #tpu.memory_space<vmem>> -> memref<1x80xi32, #tpu.memory_space<vmem>>
    %dma_start3A_187 = tpu.memref_squeeze %dma_start3A_186 : memref<1x80xi32, #tpu.memory_space<vmem>> -> memref<80xi32, #tpu.memory_space<vmem>>
    %dma_start3A_188 = arith.constant 0 : i32
    %dma_start3A_189 = arith.constant 0 : i32
    %dma_start3A_190 = tpu.memref_slice %arg2[%dma_start3A_188, %dma_start3A_189] : memref<10000x128xf32, #tpu.memory_space<hbm>> -> memref<10000x128xf32, #tpu.memory_space<hbm>>
    tpu.enqueue_indirect_dma source(%dma_start3A_190 : memref<10000x128xf32, #tpu.memory_space<hbm>>) target(%arg11 : memref<80x128xf32, #tpu.memory_space<vmem>>) offsets(%dma_start3A_187 : memref<80xi32, #tpu.memory_space<vmem>>) semaphore(%arg15 : memref<!tpu.dma_semaphore, #tpu.memory_space<semaphore_mem>>)
    %dma_start3A_191 = arith.constant 1 : i32
    %dma_start3A_192 = arith.constant 0 : i32
    %dma_start3A_193 = tpu.memref_slice %arg9[%dma_start3A_191, %dma_start3A_192] : memref<25x80xi32, #tpu.memory_space<vmem>> -> memref<1x80xi32, #tpu.memory_space<vmem>>
    %dma_start3A_194 = tpu.memref_squeeze %dma_start3A_193 : memref<1x80xi32, #tpu.memory_space<vmem>> -> memref<80xi32, #tpu.memory_space<vmem>>
    %dma_start3A_195 = arith.constant 0 : i32
    %dma_start3A_196 = arith.constant 0 : i32
    %dma_start3A_197 = tpu.memref_slice %arg2[%dma_start3A_195, %dma_start3A_196] : memref<10000x128xf32, #tpu.memory_space<hbm>> -> memref<10000x128xf32, #tpu.memory_space<hbm>>
    tpu.enqueue_indirect_dma source(%dma_start3A_197 : memref<10000x128xf32, #tpu.memory_space<hbm>>) target(%arg12 : memref<80x128xf32, #tpu.memory_space<vmem>>) offsets(%dma_start3A_194 : memref<80xi32, #tpu.memory_space<vmem>>) semaphore(%arg16 : memref<!tpu.dma_semaphore, #tpu.memory_space<semaphore_mem>>)
    %dma_start3A_198 = arith.constant 2 : i32
    %dma_start3A_199 = arith.constant 0 : i32
    %dma_start3A_200 = arith.constant 0 : i32
    %dma_start3A_201 = tpu.memref_slice %arg3[%add3A, %dma_start3A_198, %dma_start3A_199, %dma_start3A_200] : memref<32x5x25x80xi32, #tpu.memory_space<hbm>> -> memref<1x1x25x80xi32, #tpu.memory_space<hbm>>
    %dma_start3A_202 = tpu.memref_squeeze %dma_start3A_201 : memref<1x1x25x80xi32, #tpu.memory_space<hbm>> -> memref<25x80xi32, #tpu.memory_space<hbm>>
    %dma_start3A_203 = arith.constant 0 : i32
    %dma_start3A_204 = arith.constant 0 : i32
    %dma_start3A_205 = tpu.memref_slice %arg3[%add3A, %dma_start3A_198, %dma_start3A_203, %dma_start3A_204] : memref<32x5x25x80xi32, #tpu.memory_space<hbm>> -> memref<1x1x25x80xi32, #tpu.memory_space<hbm>>
    %dma_start3A_206 = tpu.memref_squeeze %dma_start3A_205 : memref<1x1x25x80xi32, #tpu.memory_space<hbm>> -> memref<25x80xi32, #tpu.memory_space<hbm>>
    tpu.enqueue_dma source(%dma_start3A_206 : memref<25x80xi32, #tpu.memory_space<hbm>>) target(%arg7 : memref<25x80xi32, #tpu.memory_space<vmem>>) target_semaphore(%arg14 : memref<!tpu.dma_semaphore, #tpu.memory_space<semaphore_mem>>)
    %dma_start3A_207 = arith.constant 2 : i32
    %dma_start3A_208 = arith.constant 0 : i32
    %dma_start3A_209 = arith.constant 0 : i32
    %dma_start3A_210 = tpu.memref_slice %arg4[%add3A, %dma_start3A_207, %dma_start3A_208, %dma_start3A_209] : memref<32x5x25x80xi32, #tpu.memory_space<hbm>> -> memref<1x1x25x80xi32, #tpu.memory_space<hbm>>
    %dma_start3A_211 = tpu.memref_squeeze %dma_start3A_210 : memref<1x1x25x80xi32, #tpu.memory_space<hbm>> -> memref<25x80xi32, #tpu.memory_space<hbm>>
    %dma_start3A_212 = arith.constant 0 : i32
    %dma_start3A_213 = arith.constant 0 : i32
    %dma_start3A_214 = tpu.memref_slice %arg4[%add3A, %dma_start3A_207, %dma_start3A_212, %dma_start3A_213] : memref<32x5x25x80xi32, #tpu.memory_space<hbm>> -> memref<1x1x25x80xi32, #tpu.memory_space<hbm>>
    %dma_start3A_215 = tpu.memref_squeeze %dma_start3A_214 : memref<1x1x25x80xi32, #tpu.memory_space<hbm>> -> memref<25x80xi32, #tpu.memory_space<hbm>>
    tpu.enqueue_dma source(%dma_start3A_215 : memref<25x80xi32, #tpu.memory_space<hbm>>) target(%arg8 : memref<25x80xi32, #tpu.memory_space<vmem>>) target_semaphore(%arg14 : memref<!tpu.dma_semaphore, #tpu.memory_space<semaphore_mem>>)
    %dma_wait3A_216 = arith.constant 0 : i32
    %dma_wait3A_217 = arith.constant 0 : i32
    %dma_wait3A_218 = tpu.memref_slice %arg2[%dma_wait3A_216, %dma_wait3A_217] : memref<10000x128xf32, #tpu.memory_space<hbm>> -> memref<80x128xf32, #tpu.memory_space<hbm>>
    %dma_wait3A_219 = arith.constant 0 : i32
    %dma_wait3A_220 = arith.constant 0 : i32
    %dma_wait3A_221 = tpu.memref_slice %arg2[%dma_wait3A_219, %dma_wait3A_220] : memref<10000x128xf32, #tpu.memory_space<hbm>> -> memref<80x128xf32, #tpu.memory_space<hbm>>
    tpu.wait_dma2 semaphore(%arg15 : memref<!tpu.dma_semaphore, #tpu.memory_space<semaphore_mem>>) src(%dma_wait3A_221 : memref<80x128xf32, #tpu.memory_space<hbm>>) dst(%arg11 : memref<80x128xf32, #tpu.memory_space<vmem>>)
    %dma_start3A_222 = arith.constant 0 : i32
    %dma_start3A_223 = arith.constant 0 : i32
    %dma_start3A_224 = tpu.memref_slice %arg10[%dma_start3A_222, %dma_start3A_223] : memref<25x80xi32, #tpu.memory_space<vmem>> -> memref<1x80xi32, #tpu.memory_space<vmem>>
    %dma_start3A_225 = tpu.memref_squeeze %dma_start3A_224 : memref<1x80xi32, #tpu.memory_space<vmem>> -> memref<80xi32, #tpu.memory_space<vmem>>
    %dma_start3A_226 = arith.constant 0 : i32
    %dma_start3A_227 = arith.constant 0 : i32
    %dma_start3A_228 = tpu.memref_slice %arg13[%dma_start3A_226, %dma_start3A_227] : memref<10000x128xf32, #tpu.memory_space<vmem_shared>> -> memref<10000x128xf32, #tpu.memory_space<vmem_shared>>
    tpu.enqueue_indirect_dma source(%arg11 : memref<80x128xf32, #tpu.memory_space<vmem>>) target(%dma_start3A_228 : memref<10000x128xf32, #tpu.memory_space<vmem_shared>>) offsets(%dma_start3A_225 : memref<80xi32, #tpu.memory_space<vmem>>) semaphore(%arg17 : memref<!tpu.dma_semaphore, #tpu.memory_space<semaphore_mem>>) {add = true}
    %scan3A_229 = arith.constant 0 : i32
    %scan3A_230 = arith.constant 0 : i32
    %scan3A_231 = arith.constant 11 : i32
    %scan3A_232 = arith.addi %scan3A_230, %scan3A_231 : i32
    %scan3A_233 = arith.constant 1 : i32
    %scan3A_234 = scf.for %scan3A_643 = %scan3A_230 to %scan3A_232 step %scan3A_233 iter_args(%scan3A_644 = %scan3A_229) -> (i32)  : i32 {
      %mul3A_645 = arith.constant 2 : i32
      %mul3A_646 = arith.muli %mul3A_645, %scan3A_643 : i32
      %add3A_647 = arith.constant 1 : i32
      %add3A_648 = arith.addi %mul3A_646, %add3A_647 : i32
      %dma_wait3A_649 = arith.constant 0 : i32
      %dma_wait3A_650 = arith.constant 0 : i32
      %dma_wait3A_651 = tpu.memref_slice %arg2[%dma_wait3A_649, %dma_wait3A_650] : memref<10000x128xf32, #tpu.memory_space<hbm>> -> memref<80x128xf32, #tpu.memory_space<hbm>>
      %dma_wait3A_652 = arith.constant 0 : i32
      %dma_wait3A_653 = arith.constant 0 : i32
      %dma_wait3A_654 = tpu.memref_slice %arg2[%dma_wait3A_652, %dma_wait3A_653] : memref<10000x128xf32, #tpu.memory_space<hbm>> -> memref<80x128xf32, #tpu.memory_space<hbm>>
      tpu.wait_dma2 semaphore(%arg16 : memref<!tpu.dma_semaphore, #tpu.memory_space<semaphore_mem>>) src(%dma_wait3A_654 : memref<80x128xf32, #tpu.memory_space<hbm>>) dst(%arg12 : memref<80x128xf32, #tpu.memory_space<vmem>>)
      %dma_wait3A_655 = arith.constant 0 : i32
      %dma_wait3A_656 = arith.constant 0 : i32
      %dma_wait3A_657 = tpu.memref_slice %arg2[%dma_wait3A_655, %dma_wait3A_656] : memref<10000x128xf32, #tpu.memory_space<hbm>> -> memref<80x128xf32, #tpu.memory_space<hbm>>
      %dma_wait3A_658 = arith.constant 0 : i32
      %dma_wait3A_659 = arith.constant 0 : i32
      %dma_wait3A_660 = tpu.memref_slice %arg2[%dma_wait3A_658, %dma_wait3A_659] : memref<10000x128xf32, #tpu.memory_space<hbm>> -> memref<80x128xf32, #tpu.memory_space<hbm>>
      tpu.wait_dma2 semaphore(%arg17 : memref<!tpu.dma_semaphore, #tpu.memory_space<semaphore_mem>>) src(%dma_wait3A_660 : memref<80x128xf32, #tpu.memory_space<hbm>>) dst(%arg11 : memref<80x128xf32, #tpu.memory_space<vmem>>)
      %dma_start3A_661 = arith.constant 0 : i32
      %dma_start3A_662 = tpu.memref_slice %arg10[%add3A_648, %dma_start3A_661] : memref<25x80xi32, #tpu.memory_space<vmem>> -> memref<1x80xi32, #tpu.memory_space<vmem>>
      %dma_start3A_663 = tpu.memref_squeeze %dma_start3A_662 : memref<1x80xi32, #tpu.memory_space<vmem>> -> memref<80xi32, #tpu.memory_space<vmem>>
      %dma_start3A_664 = arith.constant 0 : i32
      %dma_start3A_665 = arith.constant 0 : i32
      %dma_start3A_666 = tpu.memref_slice %arg13[%dma_start3A_664, %dma_start3A_665] : memref<10000x128xf32, #tpu.memory_space<vmem_shared>> -> memref<10000x128xf32, #tpu.memory_space<vmem_shared>>
      tpu.enqueue_indirect_dma source(%arg12 : memref<80x128xf32, #tpu.memory_space<vmem>>) target(%dma_start3A_666 : memref<10000x128xf32, #tpu.memory_space<vmem_shared>>) offsets(%dma_start3A_663 : memref<80xi32, #tpu.memory_space<vmem>>) semaphore(%arg18 : memref<!tpu.dma_semaphore, #tpu.memory_space<semaphore_mem>>) {add = true}
      %add3A_667 = arith.constant 1 : i32
      %add3A_668 = arith.addi %add3A_648, %add3A_667 : i32
      %dma_start3A_669 = arith.constant 0 : i32
      %dma_start3A_670 = tpu.memref_slice %arg9[%add3A_668, %dma_start3A_669] : memref<25x80xi32, #tpu.memory_space<vmem>> -> memref<1x80xi32, #tpu.memory_space<vmem>>
      %dma_start3A_671 = tpu.memref_squeeze %dma_start3A_670 : memref<1x80xi32, #tpu.memory_space<vmem>> -> memref<80xi32, #tpu.memory_space<vmem>>
      %dma_start3A_672 = arith.constant 0 : i32
      %dma_start3A_673 = arith.constant 0 : i32
      %dma_start3A_674 = tpu.memref_slice %arg2[%dma_start3A_672, %dma_start3A_673] : memref<10000x128xf32, #tpu.memory_space<hbm>> -> memref<10000x128xf32, #tpu.memory_space<hbm>>
      tpu.enqueue_indirect_dma source(%dma_start3A_674 : memref<10000x128xf32, #tpu.memory_space<hbm>>) target(%arg11 : memref<80x128xf32, #tpu.memory_space<vmem>>) offsets(%dma_start3A_671 : memref<80xi32, #tpu.memory_space<vmem>>) semaphore(%arg15 : memref<!tpu.dma_semaphore, #tpu.memory_space<semaphore_mem>>)
      %dma_wait3A_675 = arith.constant 0 : i32
      %dma_wait3A_676 = arith.constant 0 : i32
      %dma_wait3A_677 = tpu.memref_slice %arg2[%dma_wait3A_675, %dma_wait3A_676] : memref<10000x128xf32, #tpu.memory_space<hbm>> -> memref<80x128xf32, #tpu.memory_space<hbm>>
      %dma_wait3A_678 = arith.constant 0 : i32
      %dma_wait3A_679 = arith.constant 0 : i32
      %dma_wait3A_680 = tpu.memref_slice %arg2[%dma_wait3A_678, %dma_wait3A_679] : memref<10000x128xf32, #tpu.memory_space<hbm>> -> memref<80x128xf32, #tpu.memory_space<hbm>>
      tpu.wait_dma2 semaphore(%arg15 : memref<!tpu.dma_semaphore, #tpu.memory_space<semaphore_mem>>) src(%dma_wait3A_680 : memref<80x128xf32, #tpu.memory_space<hbm>>) dst(%arg11 : memref<80x128xf32, #tpu.memory_space<vmem>>)
      %dma_wait3A_681 = arith.constant 0 : i32
      %dma_wait3A_682 = arith.constant 0 : i32
      %dma_wait3A_683 = tpu.memref_slice %arg2[%dma_wait3A_681, %dma_wait3A_682] : memref<10000x128xf32, #tpu.memory_space<hbm>> -> memref<80x128xf32, #tpu.memory_space<hbm>>
      %dma_wait3A_684 = arith.constant 0 : i32
      %dma_wait3A_685 = arith.constant 0 : i32
      %dma_wait3A_686 = tpu.memref_slice %arg2[%dma_wait3A_684, %dma_wait3A_685] : memref<10000x128xf32, #tpu.memory_space<hbm>> -> memref<80x128xf32, #tpu.memory_space<hbm>>
      tpu.wait_dma2 semaphore(%arg18 : memref<!tpu.dma_semaphore, #tpu.memory_space<semaphore_mem>>) src(%dma_wait3A_686 : memref<80x128xf32, #tpu.memory_space<hbm>>) dst(%arg12 : memref<80x128xf32, #tpu.memory_space<vmem>>)
      %add3A_687 = arith.constant 1 : i32
      %add3A_688 = arith.addi %add3A_648, %add3A_687 : i32
      %dma_start3A_689 = arith.constant 0 : i32
      %dma_start3A_690 = tpu.memref_slice %arg10[%add3A_688, %dma_start3A_689] : memref<25x80xi32, #tpu.memory_space<vmem>> -> memref<1x80xi32, #tpu.memory_space<vmem>>
      %dma_start3A_691 = tpu.memref_squeeze %dma_start3A_690 : memref<1x80xi32, #tpu.memory_space<vmem>> -> memref<80xi32, #tpu.memory_space<vmem>>
      %dma_start3A_692 = arith.constant 0 : i32
      %dma_start3A_693 = arith.constant 0 : i32
      %dma_start3A_694 = tpu.memref_slice %arg13[%dma_start3A_692, %dma_start3A_693] : memref<10000x128xf32, #tpu.memory_space<vmem_shared>> -> memref<10000x128xf32, #tpu.memory_space<vmem_shared>>
      tpu.enqueue_indirect_dma source(%arg11 : memref<80x128xf32, #tpu.memory_space<vmem>>) target(%dma_start3A_694 : memref<10000x128xf32, #tpu.memory_space<vmem_shared>>) offsets(%dma_start3A_691 : memref<80xi32, #tpu.memory_space<vmem>>) semaphore(%arg17 : memref<!tpu.dma_semaphore, #tpu.memory_space<semaphore_mem>>) {add = true}
      %add3A_695 = arith.constant 2 : i32
      %add3A_696 = arith.addi %add3A_648, %add3A_695 : i32
      %dma_start3A_697 = arith.constant 0 : i32
      %dma_start3A_698 = tpu.memref_slice %arg9[%add3A_696, %dma_start3A_697] : memref<25x80xi32, #tpu.memory_space<vmem>> -> memref<1x80xi32, #tpu.memory_space<vmem>>
      %dma_start3A_699 = tpu.memref_squeeze %dma_start3A_698 : memref<1x80xi32, #tpu.memory_space<vmem>> -> memref<80xi32, #tpu.memory_space<vmem>>
      %dma_start3A_700 = arith.constant 0 : i32
      %dma_start3A_701 = arith.constant 0 : i32
      %dma_start3A_702 = tpu.memref_slice %arg2[%dma_start3A_700, %dma_start3A_701] : memref<10000x128xf32, #tpu.memory_space<hbm>> -> memref<10000x128xf32, #tpu.memory_space<hbm>>
      tpu.enqueue_indirect_dma source(%dma_start3A_702 : memref<10000x128xf32, #tpu.memory_space<hbm>>) target(%arg12 : memref<80x128xf32, #tpu.memory_space<vmem>>) offsets(%dma_start3A_699 : memref<80xi32, #tpu.memory_space<vmem>>) semaphore(%arg16 : memref<!tpu.dma_semaphore, #tpu.memory_space<semaphore_mem>>)
      %scan3A_703 = arith.constant 0 : i32
      scf.yield %scan3A_703 : i32
    }
    %scan3A_235 = arith.constant 11 : i32
    %dma_wait3A_236 = arith.constant 0 : i32
    %dma_wait3A_237 = arith.constant 0 : i32
    %dma_wait3A_238 = tpu.memref_slice %arg2[%dma_wait3A_236, %dma_wait3A_237] : memref<10000x128xf32, #tpu.memory_space<hbm>> -> memref<80x128xf32, #tpu.memory_space<hbm>>
    %dma_wait3A_239 = arith.constant 0 : i32
    %dma_wait3A_240 = arith.constant 0 : i32
    %dma_wait3A_241 = tpu.memref_slice %arg2[%dma_wait3A_239, %dma_wait3A_240] : memref<10000x128xf32, #tpu.memory_space<hbm>> -> memref<80x128xf32, #tpu.memory_space<hbm>>
    tpu.wait_dma2 semaphore(%arg16 : memref<!tpu.dma_semaphore, #tpu.memory_space<semaphore_mem>>) src(%dma_wait3A_241 : memref<80x128xf32, #tpu.memory_space<hbm>>) dst(%arg12 : memref<80x128xf32, #tpu.memory_space<vmem>>)
    %dma_wait3A_242 = arith.constant 0 : i32
    %dma_wait3A_243 = arith.constant 0 : i32
    %dma_wait3A_244 = tpu.memref_slice %arg2[%dma_wait3A_242, %dma_wait3A_243] : memref<10000x128xf32, #tpu.memory_space<hbm>> -> memref<80x128xf32, #tpu.memory_space<hbm>>
    %dma_wait3A_245 = arith.constant 0 : i32
    %dma_wait3A_246 = arith.constant 0 : i32
    %dma_wait3A_247 = tpu.memref_slice %arg2[%dma_wait3A_245, %dma_wait3A_246] : memref<10000x128xf32, #tpu.memory_space<hbm>> -> memref<80x128xf32, #tpu.memory_space<hbm>>
    tpu.wait_dma2 semaphore(%arg17 : memref<!tpu.dma_semaphore, #tpu.memory_space<semaphore_mem>>) src(%dma_wait3A_247 : memref<80x128xf32, #tpu.memory_space<hbm>>) dst(%arg11 : memref<80x128xf32, #tpu.memory_space<vmem>>)
    %dma_start3A_248 = arith.constant 23 : i32
    %dma_start3A_249 = arith.constant 0 : i32
    %dma_start3A_250 = tpu.memref_slice %arg10[%dma_start3A_248, %dma_start3A_249] : memref<25x80xi32, #tpu.memory_space<vmem>> -> memref<1x80xi32, #tpu.memory_space<vmem>>
    %dma_start3A_251 = tpu.memref_squeeze %dma_start3A_250 : memref<1x80xi32, #tpu.memory_space<vmem>> -> memref<80xi32, #tpu.memory_space<vmem>>
    %dma_start3A_252 = arith.constant 0 : i32
    %dma_start3A_253 = arith.constant 0 : i32
    %dma_start3A_254 = tpu.memref_slice %arg13[%dma_start3A_252, %dma_start3A_253] : memref<10000x128xf32, #tpu.memory_space<vmem_shared>> -> memref<10000x128xf32, #tpu.memory_space<vmem_shared>>
    tpu.enqueue_indirect_dma source(%arg12 : memref<80x128xf32, #tpu.memory_space<vmem>>) target(%dma_start3A_254 : memref<10000x128xf32, #tpu.memory_space<vmem_shared>>) offsets(%dma_start3A_251 : memref<80xi32, #tpu.memory_space<vmem>>) semaphore(%arg18 : memref<!tpu.dma_semaphore, #tpu.memory_space<semaphore_mem>>) {add = true}
    %dma_start3A_255 = arith.constant 24 : i32
    %dma_start3A_256 = arith.constant 0 : i32
    %dma_start3A_257 = tpu.memref_slice %arg9[%dma_start3A_255, %dma_start3A_256] : memref<25x80xi32, #tpu.memory_space<vmem>> -> memref<1x80xi32, #tpu.memory_space<vmem>>
    %dma_start3A_258 = tpu.memref_squeeze %dma_start3A_257 : memref<1x80xi32, #tpu.memory_space<vmem>> -> memref<80xi32, #tpu.memory_space<vmem>>
    %dma_start3A_259 = arith.constant 0 : i32
    %dma_start3A_260 = arith.constant 0 : i32
    %dma_start3A_261 = tpu.memref_slice %arg2[%dma_start3A_259, %dma_start3A_260] : memref<10000x128xf32, #tpu.memory_space<hbm>> -> memref<10000x128xf32, #tpu.memory_space<hbm>>
    tpu.enqueue_indirect_dma source(%dma_start3A_261 : memref<10000x128xf32, #tpu.memory_space<hbm>>) target(%arg11 : memref<80x128xf32, #tpu.memory_space<vmem>>) offsets(%dma_start3A_258 : memref<80xi32, #tpu.memory_space<vmem>>) semaphore(%arg15 : memref<!tpu.dma_semaphore, #tpu.memory_space<semaphore_mem>>)
    %dma_wait3A_262 = arith.constant 0 : i32
    %dma_wait3A_263 = arith.constant 0 : i32
    %dma_wait3A_264 = tpu.memref_slice %arg2[%dma_wait3A_262, %dma_wait3A_263] : memref<10000x128xf32, #tpu.memory_space<hbm>> -> memref<80x128xf32, #tpu.memory_space<hbm>>
    %dma_wait3A_265 = arith.constant 0 : i32
    %dma_wait3A_266 = arith.constant 0 : i32
    %dma_wait3A_267 = tpu.memref_slice %arg2[%dma_wait3A_265, %dma_wait3A_266] : memref<10000x128xf32, #tpu.memory_space<hbm>> -> memref<80x128xf32, #tpu.memory_space<hbm>>
    tpu.wait_dma2 semaphore(%arg15 : memref<!tpu.dma_semaphore, #tpu.memory_space<semaphore_mem>>) src(%dma_wait3A_267 : memref<80x128xf32, #tpu.memory_space<hbm>>) dst(%arg11 : memref<80x128xf32, #tpu.memory_space<vmem>>)
    %dma_wait3A_268 = arith.constant 0 : i32
    %dma_wait3A_269 = arith.constant 0 : i32
    %dma_wait3A_270 = tpu.memref_slice %arg2[%dma_wait3A_268, %dma_wait3A_269] : memref<10000x128xf32, #tpu.memory_space<hbm>> -> memref<80x128xf32, #tpu.memory_space<hbm>>
    %dma_wait3A_271 = arith.constant 0 : i32
    %dma_wait3A_272 = arith.constant 0 : i32
    %dma_wait3A_273 = tpu.memref_slice %arg2[%dma_wait3A_271, %dma_wait3A_272] : memref<10000x128xf32, #tpu.memory_space<hbm>> -> memref<80x128xf32, #tpu.memory_space<hbm>>
    tpu.wait_dma2 semaphore(%arg18 : memref<!tpu.dma_semaphore, #tpu.memory_space<semaphore_mem>>) src(%dma_wait3A_273 : memref<80x128xf32, #tpu.memory_space<hbm>>) dst(%arg12 : memref<80x128xf32, #tpu.memory_space<vmem>>)
    %dma_start3A_274 = arith.constant 24 : i32
    %dma_start3A_275 = arith.constant 0 : i32
    %dma_start3A_276 = tpu.memref_slice %arg10[%dma_start3A_274, %dma_start3A_275] : memref<25x80xi32, #tpu.memory_space<vmem>> -> memref<1x80xi32, #tpu.memory_space<vmem>>
    %dma_start3A_277 = tpu.memref_squeeze %dma_start3A_276 : memref<1x80xi32, #tpu.memory_space<vmem>> -> memref<80xi32, #tpu.memory_space<vmem>>
    %dma_start3A_278 = arith.constant 0 : i32
    %dma_start3A_279 = arith.constant 0 : i32
    %dma_start3A_280 = tpu.memref_slice %arg13[%dma_start3A_278, %dma_start3A_279] : memref<10000x128xf32, #tpu.memory_space<vmem_shared>> -> memref<10000x128xf32, #tpu.memory_space<vmem_shared>>
    tpu.enqueue_indirect_dma source(%arg11 : memref<80x128xf32, #tpu.memory_space<vmem>>) target(%dma_start3A_280 : memref<10000x128xf32, #tpu.memory_space<vmem_shared>>) offsets(%dma_start3A_277 : memref<80xi32, #tpu.memory_space<vmem>>) semaphore(%arg17 : memref<!tpu.dma_semaphore, #tpu.memory_space<semaphore_mem>>) {add = true}
    %dma_wait3A_281 = arith.constant 0 : i32
    %dma_wait3A_282 = arith.constant 0 : i32
    %dma_wait3A_283 = tpu.memref_slice %arg2[%dma_wait3A_281, %dma_wait3A_282] : memref<10000x128xf32, #tpu.memory_space<hbm>> -> memref<80x128xf32, #tpu.memory_space<hbm>>
    %dma_wait3A_284 = arith.constant 0 : i32
    %dma_wait3A_285 = arith.constant 0 : i32
    %dma_wait3A_286 = tpu.memref_slice %arg2[%dma_wait3A_284, %dma_wait3A_285] : memref<10000x128xf32, #tpu.memory_space<hbm>> -> memref<80x128xf32, #tpu.memory_space<hbm>>
    tpu.wait_dma2 semaphore(%arg17 : memref<!tpu.dma_semaphore, #tpu.memory_space<semaphore_mem>>) src(%dma_wait3A_286 : memref<80x128xf32, #tpu.memory_space<hbm>>) dst(%arg11 : memref<80x128xf32, #tpu.memory_space<vmem>>)
    %dma_wait3A_287 = arith.constant 0 : i32
    %dma_wait3A_288 = arith.constant 0 : i32
    %dma_wait3A_289 = arith.constant 0 : i32
    %dma_wait3A_290 = tpu.memref_slice %arg3[%add3A, %dma_wait3A_287, %dma_wait3A_288, %dma_wait3A_289] : memref<32x5x25x80xi32, #tpu.memory_space<hbm>> -> memref<1x1x25x80xi32, #tpu.memory_space<hbm>>
    %dma_wait3A_291 = tpu.memref_squeeze %dma_wait3A_290 : memref<1x1x25x80xi32, #tpu.memory_space<hbm>> -> memref<25x80xi32, #tpu.memory_space<hbm>>
    %dma_wait3A_292 = arith.constant 0 : i32
    %dma_wait3A_293 = arith.constant 0 : i32
    %dma_wait3A_294 = tpu.memref_slice %arg3[%add3A, %dma_wait3A_287, %dma_wait3A_292, %dma_wait3A_293] : memref<32x5x25x80xi32, #tpu.memory_space<hbm>> -> memref<1x1x25x80xi32, #tpu.memory_space<hbm>>
    %dma_wait3A_295 = tpu.memref_squeeze %dma_wait3A_294 : memref<1x1x25x80xi32, #tpu.memory_space<hbm>> -> memref<25x80xi32, #tpu.memory_space<hbm>>
    tpu.wait_dma2 semaphore(%arg14 : memref<!tpu.dma_semaphore, #tpu.memory_space<semaphore_mem>>) src(%dma_wait3A_295 : memref<25x80xi32, #tpu.memory_space<hbm>>) dst(%arg7 : memref<25x80xi32, #tpu.memory_space<vmem>>)
    %dma_wait3A_296 = arith.constant 0 : i32
    %dma_wait3A_297 = arith.constant 0 : i32
    %dma_wait3A_298 = arith.constant 0 : i32
    %dma_wait3A_299 = tpu.memref_slice %arg4[%add3A, %dma_wait3A_296, %dma_wait3A_297, %dma_wait3A_298] : memref<32x5x25x80xi32, #tpu.memory_space<hbm>> -> memref<1x1x25x80xi32, #tpu.memory_space<hbm>>
    %dma_wait3A_300 = tpu.memref_squeeze %dma_wait3A_299 : memref<1x1x25x80xi32, #tpu.memory_space<hbm>> -> memref<25x80xi32, #tpu.memory_space<hbm>>
    %dma_wait3A_301 = arith.constant 0 : i32
    %dma_wait3A_302 = arith.constant 0 : i32
    %dma_wait3A_303 = tpu.memref_slice %arg4[%add3A, %dma_wait3A_296, %dma_wait3A_301, %dma_wait3A_302] : memref<32x5x25x80xi32, #tpu.memory_space<hbm>> -> memref<1x1x25x80xi32, #tpu.memory_space<hbm>>
    %dma_wait3A_304 = tpu.memref_squeeze %dma_wait3A_303 : memref<1x1x25x80xi32, #tpu.memory_space<hbm>> -> memref<25x80xi32, #tpu.memory_space<hbm>>
    tpu.wait_dma2 semaphore(%arg14 : memref<!tpu.dma_semaphore, #tpu.memory_space<semaphore_mem>>) src(%dma_wait3A_304 : memref<25x80xi32, #tpu.memory_space<hbm>>) dst(%arg8 : memref<25x80xi32, #tpu.memory_space<vmem>>)
    %dma_start3A_305 = arith.constant 0 : i32
    %dma_start3A_306 = arith.constant 0 : i32
    %dma_start3A_307 = tpu.memref_slice %arg7[%dma_start3A_305, %dma_start3A_306] : memref<25x80xi32, #tpu.memory_space<vmem>> -> memref<1x80xi32, #tpu.memory_space<vmem>>
    %dma_start3A_308 = tpu.memref_squeeze %dma_start3A_307 : memref<1x80xi32, #tpu.memory_space<vmem>> -> memref<80xi32, #tpu.memory_space<vmem>>
    %dma_start3A_309 = arith.constant 0 : i32
    %dma_start3A_310 = arith.constant 0 : i32
    %dma_start3A_311 = tpu.memref_slice %arg2[%dma_start3A_309, %dma_start3A_310] : memref<10000x128xf32, #tpu.memory_space<hbm>> -> memref<10000x128xf32, #tpu.memory_space<hbm>>
    tpu.enqueue_indirect_dma source(%dma_start3A_311 : memref<10000x128xf32, #tpu.memory_space<hbm>>) target(%arg11 : memref<80x128xf32, #tpu.memory_space<vmem>>) offsets(%dma_start3A_308 : memref<80xi32, #tpu.memory_space<vmem>>) semaphore(%arg15 : memref<!tpu.dma_semaphore, #tpu.memory_space<semaphore_mem>>)
    %dma_start3A_312 = arith.constant 1 : i32
    %dma_start3A_313 = arith.constant 0 : i32
    %dma_start3A_314 = tpu.memref_slice %arg7[%dma_start3A_312, %dma_start3A_313] : memref<25x80xi32, #tpu.memory_space<vmem>> -> memref<1x80xi32, #tpu.memory_space<vmem>>
    %dma_start3A_315 = tpu.memref_squeeze %dma_start3A_314 : memref<1x80xi32, #tpu.memory_space<vmem>> -> memref<80xi32, #tpu.memory_space<vmem>>
    %dma_start3A_316 = arith.constant 0 : i32
    %dma_start3A_317 = arith.constant 0 : i32
    %dma_start3A_318 = tpu.memref_slice %arg2[%dma_start3A_316, %dma_start3A_317] : memref<10000x128xf32, #tpu.memory_space<hbm>> -> memref<10000x128xf32, #tpu.memory_space<hbm>>
    tpu.enqueue_indirect_dma source(%dma_start3A_318 : memref<10000x128xf32, #tpu.memory_space<hbm>>) target(%arg12 : memref<80x128xf32, #tpu.memory_space<vmem>>) offsets(%dma_start3A_315 : memref<80xi32, #tpu.memory_space<vmem>>) semaphore(%arg16 : memref<!tpu.dma_semaphore, #tpu.memory_space<semaphore_mem>>)
    %dma_start3A_319 = arith.constant 3 : i32
    %dma_start3A_320 = arith.constant 0 : i32
    %dma_start3A_321 = arith.constant 0 : i32
    %dma_start3A_322 = tpu.memref_slice %arg3[%add3A, %dma_start3A_319, %dma_start3A_320, %dma_start3A_321] : memref<32x5x25x80xi32, #tpu.memory_space<hbm>> -> memref<1x1x25x80xi32, #tpu.memory_space<hbm>>
    %dma_start3A_323 = tpu.memref_squeeze %dma_start3A_322 : memref<1x1x25x80xi32, #tpu.memory_space<hbm>> -> memref<25x80xi32, #tpu.memory_space<hbm>>
    %dma_start3A_324 = arith.constant 0 : i32
    %dma_start3A_325 = arith.constant 0 : i32
    %dma_start3A_326 = tpu.memref_slice %arg3[%add3A, %dma_start3A_319, %dma_start3A_324, %dma_start3A_325] : memref<32x5x25x80xi32, #tpu.memory_space<hbm>> -> memref<1x1x25x80xi32, #tpu.memory_space<hbm>>
    %dma_start3A_327 = tpu.memref_squeeze %dma_start3A_326 : memref<1x1x25x80xi32, #tpu.memory_space<hbm>> -> memref<25x80xi32, #tpu.memory_space<hbm>>
    tpu.enqueue_dma source(%dma_start3A_327 : memref<25x80xi32, #tpu.memory_space<hbm>>) target(%arg9 : memref<25x80xi32, #tpu.memory_space<vmem>>) target_semaphore(%arg14 : memref<!tpu.dma_semaphore, #tpu.memory_space<semaphore_mem>>)
    %dma_start3A_328 = arith.constant 3 : i32
    %dma_start3A_329 = arith.constant 0 : i32
    %dma_start3A_330 = arith.constant 0 : i32
    %dma_start3A_331 = tpu.memref_slice %arg4[%add3A, %dma_start3A_328, %dma_start3A_329, %dma_start3A_330] : memref<32x5x25x80xi32, #tpu.memory_space<hbm>> -> memref<1x1x25x80xi32, #tpu.memory_space<hbm>>
    %dma_start3A_332 = tpu.memref_squeeze %dma_start3A_331 : memref<1x1x25x80xi32, #tpu.memory_space<hbm>> -> memref<25x80xi32, #tpu.memory_space<hbm>>
    %dma_start3A_333 = arith.constant 0 : i32
    %dma_start3A_334 = arith.constant 0 : i32
    %dma_start3A_335 = tpu.memref_slice %arg4[%add3A, %dma_start3A_328, %dma_start3A_333, %dma_start3A_334] : memref<32x5x25x80xi32, #tpu.memory_space<hbm>> -> memref<1x1x25x80xi32, #tpu.memory_space<hbm>>
    %dma_start3A_336 = tpu.memref_squeeze %dma_start3A_335 : memref<1x1x25x80xi32, #tpu.memory_space<hbm>> -> memref<25x80xi32, #tpu.memory_space<hbm>>
    tpu.enqueue_dma source(%dma_start3A_336 : memref<25x80xi32, #tpu.memory_space<hbm>>) target(%arg10 : memref<25x80xi32, #tpu.memory_space<vmem>>) target_semaphore(%arg14 : memref<!tpu.dma_semaphore, #tpu.memory_space<semaphore_mem>>)
    %dma_wait3A_337 = arith.constant 0 : i32
    %dma_wait3A_338 = arith.constant 0 : i32
    %dma_wait3A_339 = tpu.memref_slice %arg2[%dma_wait3A_337, %dma_wait3A_338] : memref<10000x128xf32, #tpu.memory_space<hbm>> -> memref<80x128xf32, #tpu.memory_space<hbm>>
    %dma_wait3A_340 = arith.constant 0 : i32
    %dma_wait3A_341 = arith.constant 0 : i32
    %dma_wait3A_342 = tpu.memref_slice %arg2[%dma_wait3A_340, %dma_wait3A_341] : memref<10000x128xf32, #tpu.memory_space<hbm>> -> memref<80x128xf32, #tpu.memory_space<hbm>>
    tpu.wait_dma2 semaphore(%arg15 : memref<!tpu.dma_semaphore, #tpu.memory_space<semaphore_mem>>) src(%dma_wait3A_342 : memref<80x128xf32, #tpu.memory_space<hbm>>) dst(%arg11 : memref<80x128xf32, #tpu.memory_space<vmem>>)
    %dma_start3A_343 = arith.constant 0 : i32
    %dma_start3A_344 = arith.constant 0 : i32
    %dma_start3A_345 = tpu.memref_slice %arg8[%dma_start3A_343, %dma_start3A_344] : memref<25x80xi32, #tpu.memory_space<vmem>> -> memref<1x80xi32, #tpu.memory_space<vmem>>
    %dma_start3A_346 = tpu.memref_squeeze %dma_start3A_345 : memref<1x80xi32, #tpu.memory_space<vmem>> -> memref<80xi32, #tpu.memory_space<vmem>>
    %dma_start3A_347 = arith.constant 0 : i32
    %dma_start3A_348 = arith.constant 0 : i32
    %dma_start3A_349 = tpu.memref_slice %arg13[%dma_start3A_347, %dma_start3A_348] : memref<10000x128xf32, #tpu.memory_space<vmem_shared>> -> memref<10000x128xf32, #tpu.memory_space<vmem_shared>>
    tpu.enqueue_indirect_dma source(%arg11 : memref<80x128xf32, #tpu.memory_space<vmem>>) target(%dma_start3A_349 : memref<10000x128xf32, #tpu.memory_space<vmem_shared>>) offsets(%dma_start3A_346 : memref<80xi32, #tpu.memory_space<vmem>>) semaphore(%arg17 : memref<!tpu.dma_semaphore, #tpu.memory_space<semaphore_mem>>) {add = true}
    %scan3A_350 = arith.constant 0 : i32
    %scan3A_351 = arith.constant 0 : i32
    %scan3A_352 = arith.constant 11 : i32
    %scan3A_353 = arith.addi %scan3A_351, %scan3A_352 : i32
    %scan3A_354 = arith.constant 1 : i32
    %scan3A_355 = scf.for %scan3A_643 = %scan3A_351 to %scan3A_353 step %scan3A_354 iter_args(%scan3A_644 = %scan3A_350) -> (i32)  : i32 {
      %mul3A_645 = arith.constant 2 : i32
      %mul3A_646 = arith.muli %mul3A_645, %scan3A_643 : i32
      %add3A_647 = arith.constant 1 : i32
      %add3A_648 = arith.addi %mul3A_646, %add3A_647 : i32
      %dma_wait3A_649 = arith.constant 0 : i32
      %dma_wait3A_650 = arith.constant 0 : i32
      %dma_wait3A_651 = tpu.memref_slice %arg2[%dma_wait3A_649, %dma_wait3A_650] : memref<10000x128xf32, #tpu.memory_space<hbm>> -> memref<80x128xf32, #tpu.memory_space<hbm>>
      %dma_wait3A_652 = arith.constant 0 : i32
      %dma_wait3A_653 = arith.constant 0 : i32
      %dma_wait3A_654 = tpu.memref_slice %arg2[%dma_wait3A_652, %dma_wait3A_653] : memref<10000x128xf32, #tpu.memory_space<hbm>> -> memref<80x128xf32, #tpu.memory_space<hbm>>
      tpu.wait_dma2 semaphore(%arg16 : memref<!tpu.dma_semaphore, #tpu.memory_space<semaphore_mem>>) src(%dma_wait3A_654 : memref<80x128xf32, #tpu.memory_space<hbm>>) dst(%arg12 : memref<80x128xf32, #tpu.memory_space<vmem>>)
      %dma_wait3A_655 = arith.constant 0 : i32
      %dma_wait3A_656 = arith.constant 0 : i32
      %dma_wait3A_657 = tpu.memref_slice %arg2[%dma_wait3A_655, %dma_wait3A_656] : memref<10000x128xf32, #tpu.memory_space<hbm>> -> memref<80x128xf32, #tpu.memory_space<hbm>>
      %dma_wait3A_658 = arith.constant 0 : i32
      %dma_wait3A_659 = arith.constant 0 : i32
      %dma_wait3A_660 = tpu.memref_slice %arg2[%dma_wait3A_658, %dma_wait3A_659] : memref<10000x128xf32, #tpu.memory_space<hbm>> -> memref<80x128xf32, #tpu.memory_space<hbm>>
      tpu.wait_dma2 semaphore(%arg17 : memref<!tpu.dma_semaphore, #tpu.memory_space<semaphore_mem>>) src(%dma_wait3A_660 : memref<80x128xf32, #tpu.memory_space<hbm>>) dst(%arg11 : memref<80x128xf32, #tpu.memory_space<vmem>>)
      %dma_start3A_661 = arith.constant 0 : i32
      %dma_start3A_662 = tpu.memref_slice %arg8[%add3A_648, %dma_start3A_661] : memref<25x80xi32, #tpu.memory_space<vmem>> -> memref<1x80xi32, #tpu.memory_space<vmem>>
      %dma_start3A_663 = tpu.memref_squeeze %dma_start3A_662 : memref<1x80xi32, #tpu.memory_space<vmem>> -> memref<80xi32, #tpu.memory_space<vmem>>
      %dma_start3A_664 = arith.constant 0 : i32
      %dma_start3A_665 = arith.constant 0 : i32
      %dma_start3A_666 = tpu.memref_slice %arg13[%dma_start3A_664, %dma_start3A_665] : memref<10000x128xf32, #tpu.memory_space<vmem_shared>> -> memref<10000x128xf32, #tpu.memory_space<vmem_shared>>
      tpu.enqueue_indirect_dma source(%arg12 : memref<80x128xf32, #tpu.memory_space<vmem>>) target(%dma_start3A_666 : memref<10000x128xf32, #tpu.memory_space<vmem_shared>>) offsets(%dma_start3A_663 : memref<80xi32, #tpu.memory_space<vmem>>) semaphore(%arg18 : memref<!tpu.dma_semaphore, #tpu.memory_space<semaphore_mem>>) {add = true}
      %add3A_667 = arith.constant 1 : i32
      %add3A_668 = arith.addi %add3A_648, %add3A_667 : i32
      %dma_start3A_669 = arith.constant 0 : i32
      %dma_start3A_670 = tpu.memref_slice %arg7[%add3A_668, %dma_start3A_669] : memref<25x80xi32, #tpu.memory_space<vmem>> -> memref<1x80xi32, #tpu.memory_space<vmem>>
      %dma_start3A_671 = tpu.memref_squeeze %dma_start3A_670 : memref<1x80xi32, #tpu.memory_space<vmem>> -> memref<80xi32, #tpu.memory_space<vmem>>
      %dma_start3A_672 = arith.constant 0 : i32
      %dma_start3A_673 = arith.constant 0 : i32
      %dma_start3A_674 = tpu.memref_slice %arg2[%dma_start3A_672, %dma_start3A_673] : memref<10000x128xf32, #tpu.memory_space<hbm>> -> memref<10000x128xf32, #tpu.memory_space<hbm>>
      tpu.enqueue_indirect_dma source(%dma_start3A_674 : memref<10000x128xf32, #tpu.memory_space<hbm>>) target(%arg11 : memref<80x128xf32, #tpu.memory_space<vmem>>) offsets(%dma_start3A_671 : memref<80xi32, #tpu.memory_space<vmem>>) semaphore(%arg15 : memref<!tpu.dma_semaphore, #tpu.memory_space<semaphore_mem>>)
      %dma_wait3A_675 = arith.constant 0 : i32
      %dma_wait3A_676 = arith.constant 0 : i32
      %dma_wait3A_677 = tpu.memref_slice %arg2[%dma_wait3A_675, %dma_wait3A_676] : memref<10000x128xf32, #tpu.memory_space<hbm>> -> memref<80x128xf32, #tpu.memory_space<hbm>>
      %dma_wait3A_678 = arith.constant 0 : i32
      %dma_wait3A_679 = arith.constant 0 : i32
      %dma_wait3A_680 = tpu.memref_slice %arg2[%dma_wait3A_678, %dma_wait3A_679] : memref<10000x128xf32, #tpu.memory_space<hbm>> -> memref<80x128xf32, #tpu.memory_space<hbm>>
      tpu.wait_dma2 semaphore(%arg15 : memref<!tpu.dma_semaphore, #tpu.memory_space<semaphore_mem>>) src(%dma_wait3A_680 : memref<80x128xf32, #tpu.memory_space<hbm>>) dst(%arg11 : memref<80x128xf32, #tpu.memory_space<vmem>>)
      %dma_wait3A_681 = arith.constant 0 : i32
      %dma_wait3A_682 = arith.constant 0 : i32
      %dma_wait3A_683 = tpu.memref_slice %arg2[%dma_wait3A_681, %dma_wait3A_682] : memref<10000x128xf32, #tpu.memory_space<hbm>> -> memref<80x128xf32, #tpu.memory_space<hbm>>
      %dma_wait3A_684 = arith.constant 0 : i32
      %dma_wait3A_685 = arith.constant 0 : i32
      %dma_wait3A_686 = tpu.memref_slice %arg2[%dma_wait3A_684, %dma_wait3A_685] : memref<10000x128xf32, #tpu.memory_space<hbm>> -> memref<80x128xf32, #tpu.memory_space<hbm>>
      tpu.wait_dma2 semaphore(%arg18 : memref<!tpu.dma_semaphore, #tpu.memory_space<semaphore_mem>>) src(%dma_wait3A_686 : memref<80x128xf32, #tpu.memory_space<hbm>>) dst(%arg12 : memref<80x128xf32, #tpu.memory_space<vmem>>)
      %add3A_687 = arith.constant 1 : i32
      %add3A_688 = arith.addi %add3A_648, %add3A_687 : i32
      %dma_start3A_689 = arith.constant 0 : i32
      %dma_start3A_690 = tpu.memref_slice %arg8[%add3A_688, %dma_start3A_689] : memref<25x80xi32, #tpu.memory_space<vmem>> -> memref<1x80xi32, #tpu.memory_space<vmem>>
      %dma_start3A_691 = tpu.memref_squeeze %dma_start3A_690 : memref<1x80xi32, #tpu.memory_space<vmem>> -> memref<80xi32, #tpu.memory_space<vmem>>
      %dma_start3A_692 = arith.constant 0 : i32
      %dma_start3A_693 = arith.constant 0 : i32
      %dma_start3A_694 = tpu.memref_slice %arg13[%dma_start3A_692, %dma_start3A_693] : memref<10000x128xf32, #tpu.memory_space<vmem_shared>> -> memref<10000x128xf32, #tpu.memory_space<vmem_shared>>
      tpu.enqueue_indirect_dma source(%arg11 : memref<80x128xf32, #tpu.memory_space<vmem>>) target(%dma_start3A_694 : memref<10000x128xf32, #tpu.memory_space<vmem_shared>>) offsets(%dma_start3A_691 : memref<80xi32, #tpu.memory_space<vmem>>) semaphore(%arg17 : memref<!tpu.dma_semaphore, #tpu.memory_space<semaphore_mem>>) {add = true}
      %add3A_695 = arith.constant 2 : i32
      %add3A_696 = arith.addi %add3A_648, %add3A_695 : i32
      %dma_start3A_697 = arith.constant 0 : i32
      %dma_start3A_698 = tpu.memref_slice %arg7[%add3A_696, %dma_start3A_697] : memref<25x80xi32, #tpu.memory_space<vmem>> -> memref<1x80xi32, #tpu.memory_space<vmem>>
      %dma_start3A_699 = tpu.memref_squeeze %dma_start3A_698 : memref<1x80xi32, #tpu.memory_space<vmem>> -> memref<80xi32, #tpu.memory_space<vmem>>
      %dma_start3A_700 = arith.constant 0 : i32
      %dma_start3A_701 = arith.constant 0 : i32
      %dma_start3A_702 = tpu.memref_slice %arg2[%dma_start3A_700, %dma_start3A_701] : memref<10000x128xf32, #tpu.memory_space<hbm>> -> memref<10000x128xf32, #tpu.memory_space<hbm>>
      tpu.enqueue_indirect_dma source(%dma_start3A_702 : memref<10000x128xf32, #tpu.memory_space<hbm>>) target(%arg12 : memref<80x128xf32, #tpu.memory_space<vmem>>) offsets(%dma_start3A_699 : memref<80xi32, #tpu.memory_space<vmem>>) semaphore(%arg16 : memref<!tpu.dma_semaphore, #tpu.memory_space<semaphore_mem>>)
      %scan3A_703 = arith.constant 0 : i32
      scf.yield %scan3A_703 : i32
    }
    %scan3A_356 = arith.constant 11 : i32
    %dma_wait3A_357 = arith.constant 0 : i32
    %dma_wait3A_358 = arith.constant 0 : i32
    %dma_wait3A_359 = tpu.memref_slice %arg2[%dma_wait3A_357, %dma_wait3A_358] : memref<10000x128xf32, #tpu.memory_space<hbm>> -> memref<80x128xf32, #tpu.memory_space<hbm>>
    %dma_wait3A_360 = arith.constant 0 : i32
    %dma_wait3A_361 = arith.constant 0 : i32
    %dma_wait3A_362 = tpu.memref_slice %arg2[%dma_wait3A_360, %dma_wait3A_361] : memref<10000x128xf32, #tpu.memory_space<hbm>> -> memref<80x128xf32, #tpu.memory_space<hbm>>
    tpu.wait_dma2 semaphore(%arg16 : memref<!tpu.dma_semaphore, #tpu.memory_space<semaphore_mem>>) src(%dma_wait3A_362 : memref<80x128xf32, #tpu.memory_space<hbm>>) dst(%arg12 : memref<80x128xf32, #tpu.memory_space<vmem>>)
    %dma_wait3A_363 = arith.constant 0 : i32
    %dma_wait3A_364 = arith.constant 0 : i32
    %dma_wait3A_365 = tpu.memref_slice %arg2[%dma_wait3A_363, %dma_wait3A_364] : memref<10000x128xf32, #tpu.memory_space<hbm>> -> memref<80x128xf32, #tpu.memory_space<hbm>>
    %dma_wait3A_366 = arith.constant 0 : i32
    %dma_wait3A_367 = arith.constant 0 : i32
    %dma_wait3A_368 = tpu.memref_slice %arg2[%dma_wait3A_366, %dma_wait3A_367] : memref<10000x128xf32, #tpu.memory_space<hbm>> -> memref<80x128xf32, #tpu.memory_space<hbm>>
    tpu.wait_dma2 semaphore(%arg17 : memref<!tpu.dma_semaphore, #tpu.memory_space<semaphore_mem>>) src(%dma_wait3A_368 : memref<80x128xf32, #tpu.memory_space<hbm>>) dst(%arg11 : memref<80x128xf32, #tpu.memory_space<vmem>>)
    %dma_start3A_369 = arith.constant 23 : i32
    %dma_start3A_370 = arith.constant 0 : i32
    %dma_start3A_371 = tpu.memref_slice %arg8[%dma_start3A_369, %dma_start3A_370] : memref<25x80xi32, #tpu.memory_space<vmem>> -> memref<1x80xi32, #tpu.memory_space<vmem>>
    %dma_start3A_372 = tpu.memref_squeeze %dma_start3A_371 : memref<1x80xi32, #tpu.memory_space<vmem>> -> memref<80xi32, #tpu.memory_space<vmem>>
    %dma_start3A_373 = arith.constant 0 : i32
    %dma_start3A_374 = arith.constant 0 : i32
    %dma_start3A_375 = tpu.memref_slice %arg13[%dma_start3A_373, %dma_start3A_374] : memref<10000x128xf32, #tpu.memory_space<vmem_shared>> -> memref<10000x128xf32, #tpu.memory_space<vmem_shared>>
    tpu.enqueue_indirect_dma source(%arg12 : memref<80x128xf32, #tpu.memory_space<vmem>>) target(%dma_start3A_375 : memref<10000x128xf32, #tpu.memory_space<vmem_shared>>) offsets(%dma_start3A_372 : memref<80xi32, #tpu.memory_space<vmem>>) semaphore(%arg18 : memref<!tpu.dma_semaphore, #tpu.memory_space<semaphore_mem>>) {add = true}
    %dma_start3A_376 = arith.constant 24 : i32
    %dma_start3A_377 = arith.constant 0 : i32
    %dma_start3A_378 = tpu.memref_slice %arg7[%dma_start3A_376, %dma_start3A_377] : memref<25x80xi32, #tpu.memory_space<vmem>> -> memref<1x80xi32, #tpu.memory_space<vmem>>
    %dma_start3A_379 = tpu.memref_squeeze %dma_start3A_378 : memref<1x80xi32, #tpu.memory_space<vmem>> -> memref<80xi32, #tpu.memory_space<vmem>>
    %dma_start3A_380 = arith.constant 0 : i32
    %dma_start3A_381 = arith.constant 0 : i32
    %dma_start3A_382 = tpu.memref_slice %arg2[%dma_start3A_380, %dma_start3A_381] : memref<10000x128xf32, #tpu.memory_space<hbm>> -> memref<10000x128xf32, #tpu.memory_space<hbm>>
    tpu.enqueue_indirect_dma source(%dma_start3A_382 : memref<10000x128xf32, #tpu.memory_space<hbm>>) target(%arg11 : memref<80x128xf32, #tpu.memory_space<vmem>>) offsets(%dma_start3A_379 : memref<80xi32, #tpu.memory_space<vmem>>) semaphore(%arg15 : memref<!tpu.dma_semaphore, #tpu.memory_space<semaphore_mem>>)
    %dma_wait3A_383 = arith.constant 0 : i32
    %dma_wait3A_384 = arith.constant 0 : i32
    %dma_wait3A_385 = tpu.memref_slice %arg2[%dma_wait3A_383, %dma_wait3A_384] : memref<10000x128xf32, #tpu.memory_space<hbm>> -> memref<80x128xf32, #tpu.memory_space<hbm>>
    %dma_wait3A_386 = arith.constant 0 : i32
    %dma_wait3A_387 = arith.constant 0 : i32
    %dma_wait3A_388 = tpu.memref_slice %arg2[%dma_wait3A_386, %dma_wait3A_387] : memref<10000x128xf32, #tpu.memory_space<hbm>> -> memref<80x128xf32, #tpu.memory_space<hbm>>
    tpu.wait_dma2 semaphore(%arg15 : memref<!tpu.dma_semaphore, #tpu.memory_space<semaphore_mem>>) src(%dma_wait3A_388 : memref<80x128xf32, #tpu.memory_space<hbm>>) dst(%arg11 : memref<80x128xf32, #tpu.memory_space<vmem>>)
    %dma_wait3A_389 = arith.constant 0 : i32
    %dma_wait3A_390 = arith.constant 0 : i32
    %dma_wait3A_391 = tpu.memref_slice %arg2[%dma_wait3A_389, %dma_wait3A_390] : memref<10000x128xf32, #tpu.memory_space<hbm>> -> memref<80x128xf32, #tpu.memory_space<hbm>>
    %dma_wait3A_392 = arith.constant 0 : i32
    %dma_wait3A_393 = arith.constant 0 : i32
    %dma_wait3A_394 = tpu.memref_slice %arg2[%dma_wait3A_392, %dma_wait3A_393] : memref<10000x128xf32, #tpu.memory_space<hbm>> -> memref<80x128xf32, #tpu.memory_space<hbm>>
    tpu.wait_dma2 semaphore(%arg18 : memref<!tpu.dma_semaphore, #tpu.memory_space<semaphore_mem>>) src(%dma_wait3A_394 : memref<80x128xf32, #tpu.memory_space<hbm>>) dst(%arg12 : memref<80x128xf32, #tpu.memory_space<vmem>>)
    %dma_start3A_395 = arith.constant 24 : i32
    %dma_start3A_396 = arith.constant 0 : i32
    %dma_start3A_397 = tpu.memref_slice %arg8[%dma_start3A_395, %dma_start3A_396] : memref<25x80xi32, #tpu.memory_space<vmem>> -> memref<1x80xi32, #tpu.memory_space<vmem>>
    %dma_start3A_398 = tpu.memref_squeeze %dma_start3A_397 : memref<1x80xi32, #tpu.memory_space<vmem>> -> memref<80xi32, #tpu.memory_space<vmem>>
    %dma_start3A_399 = arith.constant 0 : i32
    %dma_start3A_400 = arith.constant 0 : i32
    %dma_start3A_401 = tpu.memref_slice %arg13[%dma_start3A_399, %dma_start3A_400] : memref<10000x128xf32, #tpu.memory_space<vmem_shared>> -> memref<10000x128xf32, #tpu.memory_space<vmem_shared>>
    tpu.enqueue_indirect_dma source(%arg11 : memref<80x128xf32, #tpu.memory_space<vmem>>) target(%dma_start3A_401 : memref<10000x128xf32, #tpu.memory_space<vmem_shared>>) offsets(%dma_start3A_398 : memref<80xi32, #tpu.memory_space<vmem>>) semaphore(%arg17 : memref<!tpu.dma_semaphore, #tpu.memory_space<semaphore_mem>>) {add = true}
    %dma_wait3A_402 = arith.constant 0 : i32
    %dma_wait3A_403 = arith.constant 0 : i32
    %dma_wait3A_404 = tpu.memref_slice %arg2[%dma_wait3A_402, %dma_wait3A_403] : memref<10000x128xf32, #tpu.memory_space<hbm>> -> memref<80x128xf32, #tpu.memory_space<hbm>>
    %dma_wait3A_405 = arith.constant 0 : i32
    %dma_wait3A_406 = arith.constant 0 : i32
    %dma_wait3A_407 = tpu.memref_slice %arg2[%dma_wait3A_405, %dma_wait3A_406] : memref<10000x128xf32, #tpu.memory_space<hbm>> -> memref<80x128xf32, #tpu.memory_space<hbm>>
    tpu.wait_dma2 semaphore(%arg17 : memref<!tpu.dma_semaphore, #tpu.memory_space<semaphore_mem>>) src(%dma_wait3A_407 : memref<80x128xf32, #tpu.memory_space<hbm>>) dst(%arg11 : memref<80x128xf32, #tpu.memory_space<vmem>>)
    %dma_wait3A_408 = arith.constant 0 : i32
    %dma_wait3A_409 = arith.constant 0 : i32
    %dma_wait3A_410 = arith.constant 0 : i32
    %dma_wait3A_411 = tpu.memref_slice %arg3[%add3A, %dma_wait3A_408, %dma_wait3A_409, %dma_wait3A_410] : memref<32x5x25x80xi32, #tpu.memory_space<hbm>> -> memref<1x1x25x80xi32, #tpu.memory_space<hbm>>
    %dma_wait3A_412 = tpu.memref_squeeze %dma_wait3A_411 : memref<1x1x25x80xi32, #tpu.memory_space<hbm>> -> memref<25x80xi32, #tpu.memory_space<hbm>>
    %dma_wait3A_413 = arith.constant 0 : i32
    %dma_wait3A_414 = arith.constant 0 : i32
    %dma_wait3A_415 = tpu.memref_slice %arg3[%add3A, %dma_wait3A_408, %dma_wait3A_413, %dma_wait3A_414] : memref<32x5x25x80xi32, #tpu.memory_space<hbm>> -> memref<1x1x25x80xi32, #tpu.memory_space<hbm>>
    %dma_wait3A_416 = tpu.memref_squeeze %dma_wait3A_415 : memref<1x1x25x80xi32, #tpu.memory_space<hbm>> -> memref<25x80xi32, #tpu.memory_space<hbm>>
    tpu.wait_dma2 semaphore(%arg14 : memref<!tpu.dma_semaphore, #tpu.memory_space<semaphore_mem>>) src(%dma_wait3A_416 : memref<25x80xi32, #tpu.memory_space<hbm>>) dst(%arg9 : memref<25x80xi32, #tpu.memory_space<vmem>>)
    %dma_wait3A_417 = arith.constant 0 : i32
    %dma_wait3A_418 = arith.constant 0 : i32
    %dma_wait3A_419 = arith.constant 0 : i32
    %dma_wait3A_420 = tpu.memref_slice %arg4[%add3A, %dma_wait3A_417, %dma_wait3A_418, %dma_wait3A_419] : memref<32x5x25x80xi32, #tpu.memory_space<hbm>> -> memref<1x1x25x80xi32, #tpu.memory_space<hbm>>
    %dma_wait3A_421 = tpu.memref_squeeze %dma_wait3A_420 : memref<1x1x25x80xi32, #tpu.memory_space<hbm>> -> memref<25x80xi32, #tpu.memory_space<hbm>>
    %dma_wait3A_422 = arith.constant 0 : i32
    %dma_wait3A_423 = arith.constant 0 : i32
    %dma_wait3A_424 = tpu.memref_slice %arg4[%add3A, %dma_wait3A_417, %dma_wait3A_422, %dma_wait3A_423] : memref<32x5x25x80xi32, #tpu.memory_space<hbm>> -> memref<1x1x25x80xi32, #tpu.memory_space<hbm>>
    %dma_wait3A_425 = tpu.memref_squeeze %dma_wait3A_424 : memref<1x1x25x80xi32, #tpu.memory_space<hbm>> -> memref<25x80xi32, #tpu.memory_space<hbm>>
    tpu.wait_dma2 semaphore(%arg14 : memref<!tpu.dma_semaphore, #tpu.memory_space<semaphore_mem>>) src(%dma_wait3A_425 : memref<25x80xi32, #tpu.memory_space<hbm>>) dst(%arg10 : memref<25x80xi32, #tpu.memory_space<vmem>>)
    %dma_start3A_426 = arith.constant 0 : i32
    %dma_start3A_427 = arith.constant 0 : i32
    %dma_start3A_428 = tpu.memref_slice %arg9[%dma_start3A_426, %dma_start3A_427] : memref<25x80xi32, #tpu.memory_space<vmem>> -> memref<1x80xi32, #tpu.memory_space<vmem>>
    %dma_start3A_429 = tpu.memref_squeeze %dma_start3A_428 : memref<1x80xi32, #tpu.memory_space<vmem>> -> memref<80xi32, #tpu.memory_space<vmem>>
    %dma_start3A_430 = arith.constant 0 : i32
    %dma_start3A_431 = arith.constant 0 : i32
    %dma_start3A_432 = tpu.memref_slice %arg2[%dma_start3A_430, %dma_start3A_431] : memref<10000x128xf32, #tpu.memory_space<hbm>> -> memref<10000x128xf32, #tpu.memory_space<hbm>>
    tpu.enqueue_indirect_dma source(%dma_start3A_432 : memref<10000x128xf32, #tpu.memory_space<hbm>>) target(%arg11 : memref<80x128xf32, #tpu.memory_space<vmem>>) offsets(%dma_start3A_429 : memref<80xi32, #tpu.memory_space<vmem>>) semaphore(%arg15 : memref<!tpu.dma_semaphore, #tpu.memory_space<semaphore_mem>>)
    %dma_start3A_433 = arith.constant 1 : i32
    %dma_start3A_434 = arith.constant 0 : i32
    %dma_start3A_435 = tpu.memref_slice %arg9[%dma_start3A_433, %dma_start3A_434] : memref<25x80xi32, #tpu.memory_space<vmem>> -> memref<1x80xi32, #tpu.memory_space<vmem>>
    %dma_start3A_436 = tpu.memref_squeeze %dma_start3A_435 : memref<1x80xi32, #tpu.memory_space<vmem>> -> memref<80xi32, #tpu.memory_space<vmem>>
    %dma_start3A_437 = arith.constant 0 : i32
    %dma_start3A_438 = arith.constant 0 : i32
    %dma_start3A_439 = tpu.memref_slice %arg2[%dma_start3A_437, %dma_start3A_438] : memref<10000x128xf32, #tpu.memory_space<hbm>> -> memref<10000x128xf32, #tpu.memory_space<hbm>>
    tpu.enqueue_indirect_dma source(%dma_start3A_439 : memref<10000x128xf32, #tpu.memory_space<hbm>>) target(%arg12 : memref<80x128xf32, #tpu.memory_space<vmem>>) offsets(%dma_start3A_436 : memref<80xi32, #tpu.memory_space<vmem>>) semaphore(%arg16 : memref<!tpu.dma_semaphore, #tpu.memory_space<semaphore_mem>>)
    %dma_start3A_440 = arith.constant 4 : i32
    %dma_start3A_441 = arith.constant 0 : i32
    %dma_start3A_442 = arith.constant 0 : i32
    %dma_start3A_443 = tpu.memref_slice %arg3[%add3A, %dma_start3A_440, %dma_start3A_441, %dma_start3A_442] : memref<32x5x25x80xi32, #tpu.memory_space<hbm>> -> memref<1x1x25x80xi32, #tpu.memory_space<hbm>>
    %dma_start3A_444 = tpu.memref_squeeze %dma_start3A_443 : memref<1x1x25x80xi32, #tpu.memory_space<hbm>> -> memref<25x80xi32, #tpu.memory_space<hbm>>
    %dma_start3A_445 = arith.constant 0 : i32
    %dma_start3A_446 = arith.constant 0 : i32
    %dma_start3A_447 = tpu.memref_slice %arg3[%add3A, %dma_start3A_440, %dma_start3A_445, %dma_start3A_446] : memref<32x5x25x80xi32, #tpu.memory_space<hbm>> -> memref<1x1x25x80xi32, #tpu.memory_space<hbm>>
    %dma_start3A_448 = tpu.memref_squeeze %dma_start3A_447 : memref<1x1x25x80xi32, #tpu.memory_space<hbm>> -> memref<25x80xi32, #tpu.memory_space<hbm>>
    tpu.enqueue_dma source(%dma_start3A_448 : memref<25x80xi32, #tpu.memory_space<hbm>>) target(%arg7 : memref<25x80xi32, #tpu.memory_space<vmem>>) target_semaphore(%arg14 : memref<!tpu.dma_semaphore, #tpu.memory_space<semaphore_mem>>)
    %dma_start3A_449 = arith.constant 4 : i32
    %dma_start3A_450 = arith.constant 0 : i32
    %dma_start3A_451 = arith.constant 0 : i32
    %dma_start3A_452 = tpu.memref_slice %arg4[%add3A, %dma_start3A_449, %dma_start3A_450, %dma_start3A_451] : memref<32x5x25x80xi32, #tpu.memory_space<hbm>> -> memref<1x1x25x80xi32, #tpu.memory_space<hbm>>
    %dma_start3A_453 = tpu.memref_squeeze %dma_start3A_452 : memref<1x1x25x80xi32, #tpu.memory_space<hbm>> -> memref<25x80xi32, #tpu.memory_space<hbm>>
    %dma_start3A_454 = arith.constant 0 : i32
    %dma_start3A_455 = arith.constant 0 : i32
    %dma_start3A_456 = tpu.memref_slice %arg4[%add3A, %dma_start3A_449, %dma_start3A_454, %dma_start3A_455] : memref<32x5x25x80xi32, #tpu.memory_space<hbm>> -> memref<1x1x25x80xi32, #tpu.memory_space<hbm>>
    %dma_start3A_457 = tpu.memref_squeeze %dma_start3A_456 : memref<1x1x25x80xi32, #tpu.memory_space<hbm>> -> memref<25x80xi32, #tpu.memory_space<hbm>>
    tpu.enqueue_dma source(%dma_start3A_457 : memref<25x80xi32, #tpu.memory_space<hbm>>) target(%arg8 : memref<25x80xi32, #tpu.memory_space<vmem>>) target_semaphore(%arg14 : memref<!tpu.dma_semaphore, #tpu.memory_space<semaphore_mem>>)
    %dma_wait3A_458 = arith.constant 0 : i32
    %dma_wait3A_459 = arith.constant 0 : i32
    %dma_wait3A_460 = tpu.memref_slice %arg2[%dma_wait3A_458, %dma_wait3A_459] : memref<10000x128xf32, #tpu.memory_space<hbm>> -> memref<80x128xf32, #tpu.memory_space<hbm>>
    %dma_wait3A_461 = arith.constant 0 : i32
    %dma_wait3A_462 = arith.constant 0 : i32
    %dma_wait3A_463 = tpu.memref_slice %arg2[%dma_wait3A_461, %dma_wait3A_462] : memref<10000x128xf32, #tpu.memory_space<hbm>> -> memref<80x128xf32, #tpu.memory_space<hbm>>
    tpu.wait_dma2 semaphore(%arg15 : memref<!tpu.dma_semaphore, #tpu.memory_space<semaphore_mem>>) src(%dma_wait3A_463 : memref<80x128xf32, #tpu.memory_space<hbm>>) dst(%arg11 : memref<80x128xf32, #tpu.memory_space<vmem>>)
    %dma_start3A_464 = arith.constant 0 : i32
    %dma_start3A_465 = arith.constant 0 : i32
    %dma_start3A_466 = tpu.memref_slice %arg10[%dma_start3A_464, %dma_start3A_465] : memref<25x80xi32, #tpu.memory_space<vmem>> -> memref<1x80xi32, #tpu.memory_space<vmem>>
    %dma_start3A_467 = tpu.memref_squeeze %dma_start3A_466 : memref<1x80xi32, #tpu.memory_space<vmem>> -> memref<80xi32, #tpu.memory_space<vmem>>
    %dma_start3A_468 = arith.constant 0 : i32
    %dma_start3A_469 = arith.constant 0 : i32
    %dma_start3A_470 = tpu.memref_slice %arg13[%dma_start3A_468, %dma_start3A_469] : memref<10000x128xf32, #tpu.memory_space<vmem_shared>> -> memref<10000x128xf32, #tpu.memory_space<vmem_shared>>
    tpu.enqueue_indirect_dma source(%arg11 : memref<80x128xf32, #tpu.memory_space<vmem>>) target(%dma_start3A_470 : memref<10000x128xf32, #tpu.memory_space<vmem_shared>>) offsets(%dma_start3A_467 : memref<80xi32, #tpu.memory_space<vmem>>) semaphore(%arg17 : memref<!tpu.dma_semaphore, #tpu.memory_space<semaphore_mem>>) {add = true}
    %scan3A_471 = arith.constant 0 : i32
    %scan3A_472 = arith.constant 0 : i32
    %scan3A_473 = arith.constant 11 : i32
    %scan3A_474 = arith.addi %scan3A_472, %scan3A_473 : i32
    %scan3A_475 = arith.constant 1 : i32
    %scan3A_476 = scf.for %scan3A_643 = %scan3A_472 to %scan3A_474 step %scan3A_475 iter_args(%scan3A_644 = %scan3A_471) -> (i32)  : i32 {
      %mul3A_645 = arith.constant 2 : i32
      %mul3A_646 = arith.muli %mul3A_645, %scan3A_643 : i32
      %add3A_647 = arith.constant 1 : i32
      %add3A_648 = arith.addi %mul3A_646, %add3A_647 : i32
      %dma_wait3A_649 = arith.constant 0 : i32
      %dma_wait3A_650 = arith.constant 0 : i32
      %dma_wait3A_651 = tpu.memref_slice %arg2[%dma_wait3A_649, %dma_wait3A_650] : memref<10000x128xf32, #tpu.memory_space<hbm>> -> memref<80x128xf32, #tpu.memory_space<hbm>>
      %dma_wait3A_652 = arith.constant 0 : i32
      %dma_wait3A_653 = arith.constant 0 : i32
      %dma_wait3A_654 = tpu.memref_slice %arg2[%dma_wait3A_652, %dma_wait3A_653] : memref<10000x128xf32, #tpu.memory_space<hbm>> -> memref<80x128xf32, #tpu.memory_space<hbm>>
      tpu.wait_dma2 semaphore(%arg16 : memref<!tpu.dma_semaphore, #tpu.memory_space<semaphore_mem>>) src(%dma_wait3A_654 : memref<80x128xf32, #tpu.memory_space<hbm>>) dst(%arg12 : memref<80x128xf32, #tpu.memory_space<vmem>>)
      %dma_wait3A_655 = arith.constant 0 : i32
      %dma_wait3A_656 = arith.constant 0 : i32
      %dma_wait3A_657 = tpu.memref_slice %arg2[%dma_wait3A_655, %dma_wait3A_656] : memref<10000x128xf32, #tpu.memory_space<hbm>> -> memref<80x128xf32, #tpu.memory_space<hbm>>
      %dma_wait3A_658 = arith.constant 0 : i32
      %dma_wait3A_659 = arith.constant 0 : i32
      %dma_wait3A_660 = tpu.memref_slice %arg2[%dma_wait3A_658, %dma_wait3A_659] : memref<10000x128xf32, #tpu.memory_space<hbm>> -> memref<80x128xf32, #tpu.memory_space<hbm>>
      tpu.wait_dma2 semaphore(%arg17 : memref<!tpu.dma_semaphore, #tpu.memory_space<semaphore_mem>>) src(%dma_wait3A_660 : memref<80x128xf32, #tpu.memory_space<hbm>>) dst(%arg11 : memref<80x128xf32, #tpu.memory_space<vmem>>)
      %dma_start3A_661 = arith.constant 0 : i32
      %dma_start3A_662 = tpu.memref_slice %arg10[%add3A_648, %dma_start3A_661] : memref<25x80xi32, #tpu.memory_space<vmem>> -> memref<1x80xi32, #tpu.memory_space<vmem>>
      %dma_start3A_663 = tpu.memref_squeeze %dma_start3A_662 : memref<1x80xi32, #tpu.memory_space<vmem>> -> memref<80xi32, #tpu.memory_space<vmem>>
      %dma_start3A_664 = arith.constant 0 : i32
      %dma_start3A_665 = arith.constant 0 : i32
      %dma_start3A_666 = tpu.memref_slice %arg13[%dma_start3A_664, %dma_start3A_665] : memref<10000x128xf32, #tpu.memory_space<vmem_shared>> -> memref<10000x128xf32, #tpu.memory_space<vmem_shared>>
      tpu.enqueue_indirect_dma source(%arg12 : memref<80x128xf32, #tpu.memory_space<vmem>>) target(%dma_start3A_666 : memref<10000x128xf32, #tpu.memory_space<vmem_shared>>) offsets(%dma_start3A_663 : memref<80xi32, #tpu.memory_space<vmem>>) semaphore(%arg18 : memref<!tpu.dma_semaphore, #tpu.memory_space<semaphore_mem>>) {add = true}
      %add3A_667 = arith.constant 1 : i32
      %add3A_668 = arith.addi %add3A_648, %add3A_667 : i32
      %dma_start3A_669 = arith.constant 0 : i32
      %dma_start3A_670 = tpu.memref_slice %arg9[%add3A_668, %dma_start3A_669] : memref<25x80xi32, #tpu.memory_space<vmem>> -> memref<1x80xi32, #tpu.memory_space<vmem>>
      %dma_start3A_671 = tpu.memref_squeeze %dma_start3A_670 : memref<1x80xi32, #tpu.memory_space<vmem>> -> memref<80xi32, #tpu.memory_space<vmem>>
      %dma_start3A_672 = arith.constant 0 : i32
      %dma_start3A_673 = arith.constant 0 : i32
      %dma_start3A_674 = tpu.memref_slice %arg2[%dma_start3A_672, %dma_start3A_673] : memref<10000x128xf32, #tpu.memory_space<hbm>> -> memref<10000x128xf32, #tpu.memory_space<hbm>>
      tpu.enqueue_indirect_dma source(%dma_start3A_674 : memref<10000x128xf32, #tpu.memory_space<hbm>>) target(%arg11 : memref<80x128xf32, #tpu.memory_space<vmem>>) offsets(%dma_start3A_671 : memref<80xi32, #tpu.memory_space<vmem>>) semaphore(%arg15 : memref<!tpu.dma_semaphore, #tpu.memory_space<semaphore_mem>>)
      %dma_wait3A_675 = arith.constant 0 : i32
      %dma_wait3A_676 = arith.constant 0 : i32
      %dma_wait3A_677 = tpu.memref_slice %arg2[%dma_wait3A_675, %dma_wait3A_676] : memref<10000x128xf32, #tpu.memory_space<hbm>> -> memref<80x128xf32, #tpu.memory_space<hbm>>
      %dma_wait3A_678 = arith.constant 0 : i32
      %dma_wait3A_679 = arith.constant 0 : i32
      %dma_wait3A_680 = tpu.memref_slice %arg2[%dma_wait3A_678, %dma_wait3A_679] : memref<10000x128xf32, #tpu.memory_space<hbm>> -> memref<80x128xf32, #tpu.memory_space<hbm>>
      tpu.wait_dma2 semaphore(%arg15 : memref<!tpu.dma_semaphore, #tpu.memory_space<semaphore_mem>>) src(%dma_wait3A_680 : memref<80x128xf32, #tpu.memory_space<hbm>>) dst(%arg11 : memref<80x128xf32, #tpu.memory_space<vmem>>)
      %dma_wait3A_681 = arith.constant 0 : i32
      %dma_wait3A_682 = arith.constant 0 : i32
      %dma_wait3A_683 = tpu.memref_slice %arg2[%dma_wait3A_681, %dma_wait3A_682] : memref<10000x128xf32, #tpu.memory_space<hbm>> -> memref<80x128xf32, #tpu.memory_space<hbm>>
      %dma_wait3A_684 = arith.constant 0 : i32
      %dma_wait3A_685 = arith.constant 0 : i32
      %dma_wait3A_686 = tpu.memref_slice %arg2[%dma_wait3A_684, %dma_wait3A_685] : memref<10000x128xf32, #tpu.memory_space<hbm>> -> memref<80x128xf32, #tpu.memory_space<hbm>>
      tpu.wait_dma2 semaphore(%arg18 : memref<!tpu.dma_semaphore, #tpu.memory_space<semaphore_mem>>) src(%dma_wait3A_686 : memref<80x128xf32, #tpu.memory_space<hbm>>) dst(%arg12 : memref<80x128xf32, #tpu.memory_space<vmem>>)
      %add3A_687 = arith.constant 1 : i32
      %add3A_688 = arith.addi %add3A_648, %add3A_687 : i32
      %dma_start3A_689 = arith.constant 0 : i32
      %dma_start3A_690 = tpu.memref_slice %arg10[%add3A_688, %dma_start3A_689] : memref<25x80xi32, #tpu.memory_space<vmem>> -> memref<1x80xi32, #tpu.memory_space<vmem>>
      %dma_start3A_691 = tpu.memref_squeeze %dma_start3A_690 : memref<1x80xi32, #tpu.memory_space<vmem>> -> memref<80xi32, #tpu.memory_space<vmem>>
      %dma_start3A_692 = arith.constant 0 : i32
      %dma_start3A_693 = arith.constant 0 : i32
      %dma_start3A_694 = tpu.memref_slice %arg13[%dma_start3A_692, %dma_start3A_693] : memref<10000x128xf32, #tpu.memory_space<vmem_shared>> -> memref<10000x128xf32, #tpu.memory_space<vmem_shared>>
      tpu.enqueue_indirect_dma source(%arg11 : memref<80x128xf32, #tpu.memory_space<vmem>>) target(%dma_start3A_694 : memref<10000x128xf32, #tpu.memory_space<vmem_shared>>) offsets(%dma_start3A_691 : memref<80xi32, #tpu.memory_space<vmem>>) semaphore(%arg17 : memref<!tpu.dma_semaphore, #tpu.memory_space<semaphore_mem>>) {add = true}
      %add3A_695 = arith.constant 2 : i32
      %add3A_696 = arith.addi %add3A_648, %add3A_695 : i32
      %dma_start3A_697 = arith.constant 0 : i32
      %dma_start3A_698 = tpu.memref_slice %arg9[%add3A_696, %dma_start3A_697] : memref<25x80xi32, #tpu.memory_space<vmem>> -> memref<1x80xi32, #tpu.memory_space<vmem>>
      %dma_start3A_699 = tpu.memref_squeeze %dma_start3A_698 : memref<1x80xi32, #tpu.memory_space<vmem>> -> memref<80xi32, #tpu.memory_space<vmem>>
      %dma_start3A_700 = arith.constant 0 : i32
      %dma_start3A_701 = arith.constant 0 : i32
      %dma_start3A_702 = tpu.memref_slice %arg2[%dma_start3A_700, %dma_start3A_701] : memref<10000x128xf32, #tpu.memory_space<hbm>> -> memref<10000x128xf32, #tpu.memory_space<hbm>>
      tpu.enqueue_indirect_dma source(%dma_start3A_702 : memref<10000x128xf32, #tpu.memory_space<hbm>>) target(%arg12 : memref<80x128xf32, #tpu.memory_space<vmem>>) offsets(%dma_start3A_699 : memref<80xi32, #tpu.memory_space<vmem>>) semaphore(%arg16 : memref<!tpu.dma_semaphore, #tpu.memory_space<semaphore_mem>>)
      %scan3A_703 = arith.constant 0 : i32
      scf.yield %scan3A_703 : i32
    }
    %scan3A_477 = arith.constant 11 : i32
    %dma_wait3A_478 = arith.constant 0 : i32
    %dma_wait3A_479 = arith.constant 0 : i32
    %dma_wait3A_480 = tpu.memref_slice %arg2[%dma_wait3A_478, %dma_wait3A_479] : memref<10000x128xf32, #tpu.memory_space<hbm>> -> memref<80x128xf32, #tpu.memory_space<hbm>>
    %dma_wait3A_481 = arith.constant 0 : i32
    %dma_wait3A_482 = arith.constant 0 : i32
    %dma_wait3A_483 = tpu.memref_slice %arg2[%dma_wait3A_481, %dma_wait3A_482] : memref<10000x128xf32, #tpu.memory_space<hbm>> -> memref<80x128xf32, #tpu.memory_space<hbm>>
    tpu.wait_dma2 semaphore(%arg16 : memref<!tpu.dma_semaphore, #tpu.memory_space<semaphore_mem>>) src(%dma_wait3A_483 : memref<80x128xf32, #tpu.memory_space<hbm>>) dst(%arg12 : memref<80x128xf32, #tpu.memory_space<vmem>>)
    %dma_wait3A_484 = arith.constant 0 : i32
    %dma_wait3A_485 = arith.constant 0 : i32
    %dma_wait3A_486 = tpu.memref_slice %arg2[%dma_wait3A_484, %dma_wait3A_485] : memref<10000x128xf32, #tpu.memory_space<hbm>> -> memref<80x128xf32, #tpu.memory_space<hbm>>
    %dma_wait3A_487 = arith.constant 0 : i32
    %dma_wait3A_488 = arith.constant 0 : i32
    %dma_wait3A_489 = tpu.memref_slice %arg2[%dma_wait3A_487, %dma_wait3A_488] : memref<10000x128xf32, #tpu.memory_space<hbm>> -> memref<80x128xf32, #tpu.memory_space<hbm>>
    tpu.wait_dma2 semaphore(%arg17 : memref<!tpu.dma_semaphore, #tpu.memory_space<semaphore_mem>>) src(%dma_wait3A_489 : memref<80x128xf32, #tpu.memory_space<hbm>>) dst(%arg11 : memref<80x128xf32, #tpu.memory_space<vmem>>)
    %dma_start3A_490 = arith.constant 23 : i32
    %dma_start3A_491 = arith.constant 0 : i32
    %dma_start3A_492 = tpu.memref_slice %arg10[%dma_start3A_490, %dma_start3A_491] : memref<25x80xi32, #tpu.memory_space<vmem>> -> memref<1x80xi32, #tpu.memory_space<vmem>>
    %dma_start3A_493 = tpu.memref_squeeze %dma_start3A_492 : memref<1x80xi32, #tpu.memory_space<vmem>> -> memref<80xi32, #tpu.memory_space<vmem>>
    %dma_start3A_494 = arith.constant 0 : i32
    %dma_start3A_495 = arith.constant 0 : i32
    %dma_start3A_496 = tpu.memref_slice %arg13[%dma_start3A_494, %dma_start3A_495] : memref<10000x128xf32, #tpu.memory_space<vmem_shared>> -> memref<10000x128xf32, #tpu.memory_space<vmem_shared>>
    tpu.enqueue_indirect_dma source(%arg12 : memref<80x128xf32, #tpu.memory_space<vmem>>) target(%dma_start3A_496 : memref<10000x128xf32, #tpu.memory_space<vmem_shared>>) offsets(%dma_start3A_493 : memref<80xi32, #tpu.memory_space<vmem>>) semaphore(%arg18 : memref<!tpu.dma_semaphore, #tpu.memory_space<semaphore_mem>>) {add = true}
    %dma_start3A_497 = arith.constant 24 : i32
    %dma_start3A_498 = arith.constant 0 : i32
    %dma_start3A_499 = tpu.memref_slice %arg9[%dma_start3A_497, %dma_start3A_498] : memref<25x80xi32, #tpu.memory_space<vmem>> -> memref<1x80xi32, #tpu.memory_space<vmem>>
    %dma_start3A_500 = tpu.memref_squeeze %dma_start3A_499 : memref<1x80xi32, #tpu.memory_space<vmem>> -> memref<80xi32, #tpu.memory_space<vmem>>
    %dma_start3A_501 = arith.constant 0 : i32
    %dma_start3A_502 = arith.constant 0 : i32
    %dma_start3A_503 = tpu.memref_slice %arg2[%dma_start3A_501, %dma_start3A_502] : memref<10000x128xf32, #tpu.memory_space<hbm>> -> memref<10000x128xf32, #tpu.memory_space<hbm>>
    tpu.enqueue_indirect_dma source(%dma_start3A_503 : memref<10000x128xf32, #tpu.memory_space<hbm>>) target(%arg11 : memref<80x128xf32, #tpu.memory_space<vmem>>) offsets(%dma_start3A_500 : memref<80xi32, #tpu.memory_space<vmem>>) semaphore(%arg15 : memref<!tpu.dma_semaphore, #tpu.memory_space<semaphore_mem>>)
    %dma_wait3A_504 = arith.constant 0 : i32
    %dma_wait3A_505 = arith.constant 0 : i32
    %dma_wait3A_506 = tpu.memref_slice %arg2[%dma_wait3A_504, %dma_wait3A_505] : memref<10000x128xf32, #tpu.memory_space<hbm>> -> memref<80x128xf32, #tpu.memory_space<hbm>>
    %dma_wait3A_507 = arith.constant 0 : i32
    %dma_wait3A_508 = arith.constant 0 : i32
    %dma_wait3A_509 = tpu.memref_slice %arg2[%dma_wait3A_507, %dma_wait3A_508] : memref<10000x128xf32, #tpu.memory_space<hbm>> -> memref<80x128xf32, #tpu.memory_space<hbm>>
    tpu.wait_dma2 semaphore(%arg15 : memref<!tpu.dma_semaphore, #tpu.memory_space<semaphore_mem>>) src(%dma_wait3A_509 : memref<80x128xf32, #tpu.memory_space<hbm>>) dst(%arg11 : memref<80x128xf32, #tpu.memory_space<vmem>>)
    %dma_wait3A_510 = arith.constant 0 : i32
    %dma_wait3A_511 = arith.constant 0 : i32
    %dma_wait3A_512 = tpu.memref_slice %arg2[%dma_wait3A_510, %dma_wait3A_511] : memref<10000x128xf32, #tpu.memory_space<hbm>> -> memref<80x128xf32, #tpu.memory_space<hbm>>
    %dma_wait3A_513 = arith.constant 0 : i32
    %dma_wait3A_514 = arith.constant 0 : i32
    %dma_wait3A_515 = tpu.memref_slice %arg2[%dma_wait3A_513, %dma_wait3A_514] : memref<10000x128xf32, #tpu.memory_space<hbm>> -> memref<80x128xf32, #tpu.memory_space<hbm>>
    tpu.wait_dma2 semaphore(%arg18 : memref<!tpu.dma_semaphore, #tpu.memory_space<semaphore_mem>>) src(%dma_wait3A_515 : memref<80x128xf32, #tpu.memory_space<hbm>>) dst(%arg12 : memref<80x128xf32, #tpu.memory_space<vmem>>)
    %dma_start3A_516 = arith.constant 24 : i32
    %dma_start3A_517 = arith.constant 0 : i32
    %dma_start3A_518 = tpu.memref_slice %arg10[%dma_start3A_516, %dma_start3A_517] : memref<25x80xi32, #tpu.memory_space<vmem>> -> memref<1x80xi32, #tpu.memory_space<vmem>>
    %dma_start3A_519 = tpu.memref_squeeze %dma_start3A_518 : memref<1x80xi32, #tpu.memory_space<vmem>> -> memref<80xi32, #tpu.memory_space<vmem>>
    %dma_start3A_520 = arith.constant 0 : i32
    %dma_start3A_521 = arith.constant 0 : i32
    %dma_start3A_522 = tpu.memref_slice %arg13[%dma_start3A_520, %dma_start3A_521] : memref<10000x128xf32, #tpu.memory_space<vmem_shared>> -> memref<10000x128xf32, #tpu.memory_space<vmem_shared>>
    tpu.enqueue_indirect_dma source(%arg11 : memref<80x128xf32, #tpu.memory_space<vmem>>) target(%dma_start3A_522 : memref<10000x128xf32, #tpu.memory_space<vmem_shared>>) offsets(%dma_start3A_519 : memref<80xi32, #tpu.memory_space<vmem>>) semaphore(%arg17 : memref<!tpu.dma_semaphore, #tpu.memory_space<semaphore_mem>>) {add = true}
    %dma_wait3A_523 = arith.constant 0 : i32
    %dma_wait3A_524 = arith.constant 0 : i32
    %dma_wait3A_525 = tpu.memref_slice %arg2[%dma_wait3A_523, %dma_wait3A_524] : memref<10000x128xf32, #tpu.memory_space<hbm>> -> memref<80x128xf32, #tpu.memory_space<hbm>>
    %dma_wait3A_526 = arith.constant 0 : i32
    %dma_wait3A_527 = arith.constant 0 : i32
    %dma_wait3A_528 = tpu.memref_slice %arg2[%dma_wait3A_526, %dma_wait3A_527] : memref<10000x128xf32, #tpu.memory_space<hbm>> -> memref<80x128xf32, #tpu.memory_space<hbm>>
    tpu.wait_dma2 semaphore(%arg17 : memref<!tpu.dma_semaphore, #tpu.memory_space<semaphore_mem>>) src(%dma_wait3A_528 : memref<80x128xf32, #tpu.memory_space<hbm>>) dst(%arg11 : memref<80x128xf32, #tpu.memory_space<vmem>>)
    %dma_wait3A_529 = arith.constant 0 : i32
    %dma_wait3A_530 = arith.constant 0 : i32
    %dma_wait3A_531 = arith.constant 0 : i32
    %dma_wait3A_532 = tpu.memref_slice %arg3[%add3A, %dma_wait3A_529, %dma_wait3A_530, %dma_wait3A_531] : memref<32x5x25x80xi32, #tpu.memory_space<hbm>> -> memref<1x1x25x80xi32, #tpu.memory_space<hbm>>
    %dma_wait3A_533 = tpu.memref_squeeze %dma_wait3A_532 : memref<1x1x25x80xi32, #tpu.memory_space<hbm>> -> memref<25x80xi32, #tpu.memory_space<hbm>>
    %dma_wait3A_534 = arith.constant 0 : i32
    %dma_wait3A_535 = arith.constant 0 : i32
    %dma_wait3A_536 = tpu.memref_slice %arg3[%add3A, %dma_wait3A_529, %dma_wait3A_534, %dma_wait3A_535] : memref<32x5x25x80xi32, #tpu.memory_space<hbm>> -> memref<1x1x25x80xi32, #tpu.memory_space<hbm>>
    %dma_wait3A_537 = tpu.memref_squeeze %dma_wait3A_536 : memref<1x1x25x80xi32, #tpu.memory_space<hbm>> -> memref<25x80xi32, #tpu.memory_space<hbm>>
    tpu.wait_dma2 semaphore(%arg14 : memref<!tpu.dma_semaphore, #tpu.memory_space<semaphore_mem>>) src(%dma_wait3A_537 : memref<25x80xi32, #tpu.memory_space<hbm>>) dst(%arg7 : memref<25x80xi32, #tpu.memory_space<vmem>>)
    %dma_wait3A_538 = arith.constant 0 : i32
    %dma_wait3A_539 = arith.constant 0 : i32
    %dma_wait3A_540 = arith.constant 0 : i32
    %dma_wait3A_541 = tpu.memref_slice %arg4[%add3A, %dma_wait3A_538, %dma_wait3A_539, %dma_wait3A_540] : memref<32x5x25x80xi32, #tpu.memory_space<hbm>> -> memref<1x1x25x80xi32, #tpu.memory_space<hbm>>
    %dma_wait3A_542 = tpu.memref_squeeze %dma_wait3A_541 : memref<1x1x25x80xi32, #tpu.memory_space<hbm>> -> memref<25x80xi32, #tpu.memory_space<hbm>>
    %dma_wait3A_543 = arith.constant 0 : i32
    %dma_wait3A_544 = arith.constant 0 : i32
    %dma_wait3A_545 = tpu.memref_slice %arg4[%add3A, %dma_wait3A_538, %dma_wait3A_543, %dma_wait3A_544] : memref<32x5x25x80xi32, #tpu.memory_space<hbm>> -> memref<1x1x25x80xi32, #tpu.memory_space<hbm>>
    %dma_wait3A_546 = tpu.memref_squeeze %dma_wait3A_545 : memref<1x1x25x80xi32, #tpu.memory_space<hbm>> -> memref<25x80xi32, #tpu.memory_space<hbm>>
    tpu.wait_dma2 semaphore(%arg14 : memref<!tpu.dma_semaphore, #tpu.memory_space<semaphore_mem>>) src(%dma_wait3A_546 : memref<25x80xi32, #tpu.memory_space<hbm>>) dst(%arg8 : memref<25x80xi32, #tpu.memory_space<vmem>>)
    %dma_start3A_547 = arith.constant 0 : i32
    %dma_start3A_548 = arith.constant 0 : i32
    %dma_start3A_549 = tpu.memref_slice %arg7[%dma_start3A_547, %dma_start3A_548] : memref<25x80xi32, #tpu.memory_space<vmem>> -> memref<1x80xi32, #tpu.memory_space<vmem>>
    %dma_start3A_550 = tpu.memref_squeeze %dma_start3A_549 : memref<1x80xi32, #tpu.memory_space<vmem>> -> memref<80xi32, #tpu.memory_space<vmem>>
    %dma_start3A_551 = arith.constant 0 : i32
    %dma_start3A_552 = arith.constant 0 : i32
    %dma_start3A_553 = tpu.memref_slice %arg2[%dma_start3A_551, %dma_start3A_552] : memref<10000x128xf32, #tpu.memory_space<hbm>> -> memref<10000x128xf32, #tpu.memory_space<hbm>>
    tpu.enqueue_indirect_dma source(%dma_start3A_553 : memref<10000x128xf32, #tpu.memory_space<hbm>>) target(%arg11 : memref<80x128xf32, #tpu.memory_space<vmem>>) offsets(%dma_start3A_550 : memref<80xi32, #tpu.memory_space<vmem>>) semaphore(%arg15 : memref<!tpu.dma_semaphore, #tpu.memory_space<semaphore_mem>>)
    %dma_start3A_554 = arith.constant 1 : i32
    %dma_start3A_555 = arith.constant 0 : i32
    %dma_start3A_556 = tpu.memref_slice %arg7[%dma_start3A_554, %dma_start3A_555] : memref<25x80xi32, #tpu.memory_space<vmem>> -> memref<1x80xi32, #tpu.memory_space<vmem>>
    %dma_start3A_557 = tpu.memref_squeeze %dma_start3A_556 : memref<1x80xi32, #tpu.memory_space<vmem>> -> memref<80xi32, #tpu.memory_space<vmem>>
    %dma_start3A_558 = arith.constant 0 : i32
    %dma_start3A_559 = arith.constant 0 : i32
    %dma_start3A_560 = tpu.memref_slice %arg2[%dma_start3A_558, %dma_start3A_559] : memref<10000x128xf32, #tpu.memory_space<hbm>> -> memref<10000x128xf32, #tpu.memory_space<hbm>>
    tpu.enqueue_indirect_dma source(%dma_start3A_560 : memref<10000x128xf32, #tpu.memory_space<hbm>>) target(%arg12 : memref<80x128xf32, #tpu.memory_space<vmem>>) offsets(%dma_start3A_557 : memref<80xi32, #tpu.memory_space<vmem>>) semaphore(%arg16 : memref<!tpu.dma_semaphore, #tpu.memory_space<semaphore_mem>>)
    %dma_wait3A_561 = arith.constant 0 : i32
    %dma_wait3A_562 = arith.constant 0 : i32
    %dma_wait3A_563 = tpu.memref_slice %arg2[%dma_wait3A_561, %dma_wait3A_562] : memref<10000x128xf32, #tpu.memory_space<hbm>> -> memref<80x128xf32, #tpu.memory_space<hbm>>
    %dma_wait3A_564 = arith.constant 0 : i32
    %dma_wait3A_565 = arith.constant 0 : i32
    %dma_wait3A_566 = tpu.memref_slice %arg2[%dma_wait3A_564, %dma_wait3A_565] : memref<10000x128xf32, #tpu.memory_space<hbm>> -> memref<80x128xf32, #tpu.memory_space<hbm>>
    tpu.wait_dma2 semaphore(%arg15 : memref<!tpu.dma_semaphore, #tpu.memory_space<semaphore_mem>>) src(%dma_wait3A_566 : memref<80x128xf32, #tpu.memory_space<hbm>>) dst(%arg11 : memref<80x128xf32, #tpu.memory_space<vmem>>)
    %dma_start3A_567 = arith.constant 0 : i32
    %dma_start3A_568 = arith.constant 0 : i32
    %dma_start3A_569 = tpu.memref_slice %arg8[%dma_start3A_567, %dma_start3A_568] : memref<25x80xi32, #tpu.memory_space<vmem>> -> memref<1x80xi32, #tpu.memory_space<vmem>>
    %dma_start3A_570 = tpu.memref_squeeze %dma_start3A_569 : memref<1x80xi32, #tpu.memory_space<vmem>> -> memref<80xi32, #tpu.memory_space<vmem>>
    %dma_start3A_571 = arith.constant 0 : i32
    %dma_start3A_572 = arith.constant 0 : i32
    %dma_start3A_573 = tpu.memref_slice %arg13[%dma_start3A_571, %dma_start3A_572] : memref<10000x128xf32, #tpu.memory_space<vmem_shared>> -> memref<10000x128xf32, #tpu.memory_space<vmem_shared>>
    tpu.enqueue_indirect_dma source(%arg11 : memref<80x128xf32, #tpu.memory_space<vmem>>) target(%dma_start3A_573 : memref<10000x128xf32, #tpu.memory_space<vmem_shared>>) offsets(%dma_start3A_570 : memref<80xi32, #tpu.memory_space<vmem>>) semaphore(%arg17 : memref<!tpu.dma_semaphore, #tpu.memory_space<semaphore_mem>>) {add = true}
    %scan3A_574 = arith.constant 0 : i32
    %scan3A_575 = arith.constant 0 : i32
    %scan3A_576 = arith.constant 11 : i32
    %scan3A_577 = arith.addi %scan3A_575, %scan3A_576 : i32
    %scan3A_578 = arith.constant 1 : i32
    %scan3A_579 = scf.for %scan3A_643 = %scan3A_575 to %scan3A_577 step %scan3A_578 iter_args(%scan3A_644 = %scan3A_574) -> (i32)  : i32 {
      %mul3A_645 = arith.constant 2 : i32
      %mul3A_646 = arith.muli %mul3A_645, %scan3A_643 : i32
      %add3A_647 = arith.constant 1 : i32
      %add3A_648 = arith.addi %mul3A_646, %add3A_647 : i32
      %dma_wait3A_649 = arith.constant 0 : i32
      %dma_wait3A_650 = arith.constant 0 : i32
      %dma_wait3A_651 = tpu.memref_slice %arg2[%dma_wait3A_649, %dma_wait3A_650] : memref<10000x128xf32, #tpu.memory_space<hbm>> -> memref<80x128xf32, #tpu.memory_space<hbm>>
      %dma_wait3A_652 = arith.constant 0 : i32
      %dma_wait3A_653 = arith.constant 0 : i32
      %dma_wait3A_654 = tpu.memref_slice %arg2[%dma_wait3A_652, %dma_wait3A_653] : memref<10000x128xf32, #tpu.memory_space<hbm>> -> memref<80x128xf32, #tpu.memory_space<hbm>>
      tpu.wait_dma2 semaphore(%arg16 : memref<!tpu.dma_semaphore, #tpu.memory_space<semaphore_mem>>) src(%dma_wait3A_654 : memref<80x128xf32, #tpu.memory_space<hbm>>) dst(%arg12 : memref<80x128xf32, #tpu.memory_space<vmem>>)
      %dma_wait3A_655 = arith.constant 0 : i32
      %dma_wait3A_656 = arith.constant 0 : i32
      %dma_wait3A_657 = tpu.memref_slice %arg2[%dma_wait3A_655, %dma_wait3A_656] : memref<10000x128xf32, #tpu.memory_space<hbm>> -> memref<80x128xf32, #tpu.memory_space<hbm>>
      %dma_wait3A_658 = arith.constant 0 : i32
      %dma_wait3A_659 = arith.constant 0 : i32
      %dma_wait3A_660 = tpu.memref_slice %arg2[%dma_wait3A_658, %dma_wait3A_659] : memref<10000x128xf32, #tpu.memory_space<hbm>> -> memref<80x128xf32, #tpu.memory_space<hbm>>
      tpu.wait_dma2 semaphore(%arg17 : memref<!tpu.dma_semaphore, #tpu.memory_space<semaphore_mem>>) src(%dma_wait3A_660 : memref<80x128xf32, #tpu.memory_space<hbm>>) dst(%arg11 : memref<80x128xf32, #tpu.memory_space<vmem>>)
      %dma_start3A_661 = arith.constant 0 : i32
      %dma_start3A_662 = tpu.memref_slice %arg8[%add3A_648, %dma_start3A_661] : memref<25x80xi32, #tpu.memory_space<vmem>> -> memref<1x80xi32, #tpu.memory_space<vmem>>
      %dma_start3A_663 = tpu.memref_squeeze %dma_start3A_662 : memref<1x80xi32, #tpu.memory_space<vmem>> -> memref<80xi32, #tpu.memory_space<vmem>>
      %dma_start3A_664 = arith.constant 0 : i32
      %dma_start3A_665 = arith.constant 0 : i32
      %dma_start3A_666 = tpu.memref_slice %arg13[%dma_start3A_664, %dma_start3A_665] : memref<10000x128xf32, #tpu.memory_space<vmem_shared>> -> memref<10000x128xf32, #tpu.memory_space<vmem_shared>>
      tpu.enqueue_indirect_dma source(%arg12 : memref<80x128xf32, #tpu.memory_space<vmem>>) target(%dma_start3A_666 : memref<10000x128xf32, #tpu.memory_space<vmem_shared>>) offsets(%dma_start3A_663 : memref<80xi32, #tpu.memory_space<vmem>>) semaphore(%arg18 : memref<!tpu.dma_semaphore, #tpu.memory_space<semaphore_mem>>) {add = true}
      %add3A_667 = arith.constant 1 : i32
      %add3A_668 = arith.addi %add3A_648, %add3A_667 : i32
      %dma_start3A_669 = arith.constant 0 : i32
      %dma_start3A_670 = tpu.memref_slice %arg7[%add3A_668, %dma_start3A_669] : memref<25x80xi32, #tpu.memory_space<vmem>> -> memref<1x80xi32, #tpu.memory_space<vmem>>
      %dma_start3A_671 = tpu.memref_squeeze %dma_start3A_670 : memref<1x80xi32, #tpu.memory_space<vmem>> -> memref<80xi32, #tpu.memory_space<vmem>>
      %dma_start3A_672 = arith.constant 0 : i32
      %dma_start3A_673 = arith.constant 0 : i32
      %dma_start3A_674 = tpu.memref_slice %arg2[%dma_start3A_672, %dma_start3A_673] : memref<10000x128xf32, #tpu.memory_space<hbm>> -> memref<10000x128xf32, #tpu.memory_space<hbm>>
      tpu.enqueue_indirect_dma source(%dma_start3A_674 : memref<10000x128xf32, #tpu.memory_space<hbm>>) target(%arg11 : memref<80x128xf32, #tpu.memory_space<vmem>>) offsets(%dma_start3A_671 : memref<80xi32, #tpu.memory_space<vmem>>) semaphore(%arg15 : memref<!tpu.dma_semaphore, #tpu.memory_space<semaphore_mem>>)
      %dma_wait3A_675 = arith.constant 0 : i32
      %dma_wait3A_676 = arith.constant 0 : i32
      %dma_wait3A_677 = tpu.memref_slice %arg2[%dma_wait3A_675, %dma_wait3A_676] : memref<10000x128xf32, #tpu.memory_space<hbm>> -> memref<80x128xf32, #tpu.memory_space<hbm>>
      %dma_wait3A_678 = arith.constant 0 : i32
      %dma_wait3A_679 = arith.constant 0 : i32
      %dma_wait3A_680 = tpu.memref_slice %arg2[%dma_wait3A_678, %dma_wait3A_679] : memref<10000x128xf32, #tpu.memory_space<hbm>> -> memref<80x128xf32, #tpu.memory_space<hbm>>
      tpu.wait_dma2 semaphore(%arg15 : memref<!tpu.dma_semaphore, #tpu.memory_space<semaphore_mem>>) src(%dma_wait3A_680 : memref<80x128xf32, #tpu.memory_space<hbm>>) dst(%arg11 : memref<80x128xf32, #tpu.memory_space<vmem>>)
      %dma_wait3A_681 = arith.constant 0 : i32
      %dma_wait3A_682 = arith.constant 0 : i32
      %dma_wait3A_683 = tpu.memref_slice %arg2[%dma_wait3A_681, %dma_wait3A_682] : memref<10000x128xf32, #tpu.memory_space<hbm>> -> memref<80x128xf32, #tpu.memory_space<hbm>>
      %dma_wait3A_684 = arith.constant 0 : i32
      %dma_wait3A_685 = arith.constant 0 : i32
      %dma_wait3A_686 = tpu.memref_slice %arg2[%dma_wait3A_684, %dma_wait3A_685] : memref<10000x128xf32, #tpu.memory_space<hbm>> -> memref<80x128xf32, #tpu.memory_space<hbm>>
      tpu.wait_dma2 semaphore(%arg18 : memref<!tpu.dma_semaphore, #tpu.memory_space<semaphore_mem>>) src(%dma_wait3A_686 : memref<80x128xf32, #tpu.memory_space<hbm>>) dst(%arg12 : memref<80x128xf32, #tpu.memory_space<vmem>>)
      %add3A_687 = arith.constant 1 : i32
      %add3A_688 = arith.addi %add3A_648, %add3A_687 : i32
      %dma_start3A_689 = arith.constant 0 : i32
      %dma_start3A_690 = tpu.memref_slice %arg8[%add3A_688, %dma_start3A_689] : memref<25x80xi32, #tpu.memory_space<vmem>> -> memref<1x80xi32, #tpu.memory_space<vmem>>
      %dma_start3A_691 = tpu.memref_squeeze %dma_start3A_690 : memref<1x80xi32, #tpu.memory_space<vmem>> -> memref<80xi32, #tpu.memory_space<vmem>>
      %dma_start3A_692 = arith.constant 0 : i32
      %dma_start3A_693 = arith.constant 0 : i32
      %dma_start3A_694 = tpu.memref_slice %arg13[%dma_start3A_692, %dma_start3A_693] : memref<10000x128xf32, #tpu.memory_space<vmem_shared>> -> memref<10000x128xf32, #tpu.memory_space<vmem_shared>>
      tpu.enqueue_indirect_dma source(%arg11 : memref<80x128xf32, #tpu.memory_space<vmem>>) target(%dma_start3A_694 : memref<10000x128xf32, #tpu.memory_space<vmem_shared>>) offsets(%dma_start3A_691 : memref<80xi32, #tpu.memory_space<vmem>>) semaphore(%arg17 : memref<!tpu.dma_semaphore, #tpu.memory_space<semaphore_mem>>) {add = true}
      %add3A_695 = arith.constant 2 : i32
      %add3A_696 = arith.addi %add3A_648, %add3A_695 : i32
      %dma_start3A_697 = arith.constant 0 : i32
      %dma_start3A_698 = tpu.memref_slice %arg7[%add3A_696, %dma_start3A_697] : memref<25x80xi32, #tpu.memory_space<vmem>> -> memref<1x80xi32, #tpu.memory_space<vmem>>
      %dma_start3A_699 = tpu.memref_squeeze %dma_start3A_698 : memref<1x80xi32, #tpu.memory_space<vmem>> -> memref<80xi32, #tpu.memory_space<vmem>>
      %dma_start3A_700 = arith.constant 0 : i32
      %dma_start3A_701 = arith.constant 0 : i32
      %dma_start3A_702 = tpu.memref_slice %arg2[%dma_start3A_700, %dma_start3A_701] : memref<10000x128xf32, #tpu.memory_space<hbm>> -> memref<10000x128xf32, #tpu.memory_space<hbm>>
      tpu.enqueue_indirect_dma source(%dma_start3A_702 : memref<10000x128xf32, #tpu.memory_space<hbm>>) target(%arg12 : memref<80x128xf32, #tpu.memory_space<vmem>>) offsets(%dma_start3A_699 : memref<80xi32, #tpu.memory_space<vmem>>) semaphore(%arg16 : memref<!tpu.dma_semaphore, #tpu.memory_space<semaphore_mem>>)
      %scan3A_703 = arith.constant 0 : i32
      scf.yield %scan3A_703 : i32
    }
    %scan3A_580 = arith.constant 11 : i32
    %dma_wait3A_581 = arith.constant 0 : i32
    %dma_wait3A_582 = arith.constant 0 : i32
    %dma_wait3A_583 = tpu.memref_slice %arg2[%dma_wait3A_581, %dma_wait3A_582] : memref<10000x128xf32, #tpu.memory_space<hbm>> -> memref<80x128xf32, #tpu.memory_space<hbm>>
    %dma_wait3A_584 = arith.constant 0 : i32
    %dma_wait3A_585 = arith.constant 0 : i32
    %dma_wait3A_586 = tpu.memref_slice %arg2[%dma_wait3A_584, %dma_wait3A_585] : memref<10000x128xf32, #tpu.memory_space<hbm>> -> memref<80x128xf32, #tpu.memory_space<hbm>>
    tpu.wait_dma2 semaphore(%arg16 : memref<!tpu.dma_semaphore, #tpu.memory_space<semaphore_mem>>) src(%dma_wait3A_586 : memref<80x128xf32, #tpu.memory_space<hbm>>) dst(%arg12 : memref<80x128xf32, #tpu.memory_space<vmem>>)
    %dma_wait3A_587 = arith.constant 0 : i32
    %dma_wait3A_588 = arith.constant 0 : i32
    %dma_wait3A_589 = tpu.memref_slice %arg2[%dma_wait3A_587, %dma_wait3A_588] : memref<10000x128xf32, #tpu.memory_space<hbm>> -> memref<80x128xf32, #tpu.memory_space<hbm>>
    %dma_wait3A_590 = arith.constant 0 : i32
    %dma_wait3A_591 = arith.constant 0 : i32
    %dma_wait3A_592 = tpu.memref_slice %arg2[%dma_wait3A_590, %dma_wait3A_591] : memref<10000x128xf32, #tpu.memory_space<hbm>> -> memref<80x128xf32, #tpu.memory_space<hbm>>
    tpu.wait_dma2 semaphore(%arg17 : memref<!tpu.dma_semaphore, #tpu.memory_space<semaphore_mem>>) src(%dma_wait3A_592 : memref<80x128xf32, #tpu.memory_space<hbm>>) dst(%arg11 : memref<80x128xf32, #tpu.memory_space<vmem>>)
    %dma_start3A_593 = arith.constant 23 : i32
    %dma_start3A_594 = arith.constant 0 : i32
    %dma_start3A_595 = tpu.memref_slice %arg8[%dma_start3A_593, %dma_start3A_594] : memref<25x80xi32, #tpu.memory_space<vmem>> -> memref<1x80xi32, #tpu.memory_space<vmem>>
    %dma_start3A_596 = tpu.memref_squeeze %dma_start3A_595 : memref<1x80xi32, #tpu.memory_space<vmem>> -> memref<80xi32, #tpu.memory_space<vmem>>
    %dma_start3A_597 = arith.constant 0 : i32
    %dma_start3A_598 = arith.constant 0 : i32
    %dma_start3A_599 = tpu.memref_slice %arg13[%dma_start3A_597, %dma_start3A_598] : memref<10000x128xf32, #tpu.memory_space<vmem_shared>> -> memref<10000x128xf32, #tpu.memory_space<vmem_shared>>
    tpu.enqueue_indirect_dma source(%arg12 : memref<80x128xf32, #tpu.memory_space<vmem>>) target(%dma_start3A_599 : memref<10000x128xf32, #tpu.memory_space<vmem_shared>>) offsets(%dma_start3A_596 : memref<80xi32, #tpu.memory_space<vmem>>) semaphore(%arg18 : memref<!tpu.dma_semaphore, #tpu.memory_space<semaphore_mem>>) {add = true}
    %dma_start3A_600 = arith.constant 24 : i32
    %dma_start3A_601 = arith.constant 0 : i32
    %dma_start3A_602 = tpu.memref_slice %arg7[%dma_start3A_600, %dma_start3A_601] : memref<25x80xi32, #tpu.memory_space<vmem>> -> memref<1x80xi32, #tpu.memory_space<vmem>>
    %dma_start3A_603 = tpu.memref_squeeze %dma_start3A_602 : memref<1x80xi32, #tpu.memory_space<vmem>> -> memref<80xi32, #tpu.memory_space<vmem>>
    %dma_start3A_604 = arith.constant 0 : i32
    %dma_start3A_605 = arith.constant 0 : i32
    %dma_start3A_606 = tpu.memref_slice %arg2[%dma_start3A_604, %dma_start3A_605] : memref<10000x128xf32, #tpu.memory_space<hbm>> -> memref<10000x128xf32, #tpu.memory_space<hbm>>
    tpu.enqueue_indirect_dma source(%dma_start3A_606 : memref<10000x128xf32, #tpu.memory_space<hbm>>) target(%arg11 : memref<80x128xf32, #tpu.memory_space<vmem>>) offsets(%dma_start3A_603 : memref<80xi32, #tpu.memory_space<vmem>>) semaphore(%arg15 : memref<!tpu.dma_semaphore, #tpu.memory_space<semaphore_mem>>)
    %dma_wait3A_607 = arith.constant 0 : i32
    %dma_wait3A_608 = arith.constant 0 : i32
    %dma_wait3A_609 = tpu.memref_slice %arg2[%dma_wait3A_607, %dma_wait3A_608] : memref<10000x128xf32, #tpu.memory_space<hbm>> -> memref<80x128xf32, #tpu.memory_space<hbm>>
    %dma_wait3A_610 = arith.constant 0 : i32
    %dma_wait3A_611 = arith.constant 0 : i32
    %dma_wait3A_612 = tpu.memref_slice %arg2[%dma_wait3A_610, %dma_wait3A_611] : memref<10000x128xf32, #tpu.memory_space<hbm>> -> memref<80x128xf32, #tpu.memory_space<hbm>>
    tpu.wait_dma2 semaphore(%arg15 : memref<!tpu.dma_semaphore, #tpu.memory_space<semaphore_mem>>) src(%dma_wait3A_612 : memref<80x128xf32, #tpu.memory_space<hbm>>) dst(%arg11 : memref<80x128xf32, #tpu.memory_space<vmem>>)
    %dma_wait3A_613 = arith.constant 0 : i32
    %dma_wait3A_614 = arith.constant 0 : i32
    %dma_wait3A_615 = tpu.memref_slice %arg2[%dma_wait3A_613, %dma_wait3A_614] : memref<10000x128xf32, #tpu.memory_space<hbm>> -> memref<80x128xf32, #tpu.memory_space<hbm>>
    %dma_wait3A_616 = arith.constant 0 : i32
    %dma_wait3A_617 = arith.constant 0 : i32
    %dma_wait3A_618 = tpu.memref_slice %arg2[%dma_wait3A_616, %dma_wait3A_617] : memref<10000x128xf32, #tpu.memory_space<hbm>> -> memref<80x128xf32, #tpu.memory_space<hbm>>
    tpu.wait_dma2 semaphore(%arg18 : memref<!tpu.dma_semaphore, #tpu.memory_space<semaphore_mem>>) src(%dma_wait3A_618 : memref<80x128xf32, #tpu.memory_space<hbm>>) dst(%arg12 : memref<80x128xf32, #tpu.memory_space<vmem>>)
    %dma_start3A_619 = arith.constant 24 : i32
    %dma_start3A_620 = arith.constant 0 : i32
    %dma_start3A_621 = tpu.memref_slice %arg8[%dma_start3A_619, %dma_start3A_620] : memref<25x80xi32, #tpu.memory_space<vmem>> -> memref<1x80xi32, #tpu.memory_space<vmem>>
    %dma_start3A_622 = tpu.memref_squeeze %dma_start3A_621 : memref<1x80xi32, #tpu.memory_space<vmem>> -> memref<80xi32, #tpu.memory_space<vmem>>
    %dma_start3A_623 = arith.constant 0 : i32
    %dma_start3A_624 = arith.constant 0 : i32
    %dma_start3A_625 = tpu.memref_slice %arg13[%dma_start3A_623, %dma_start3A_624] : memref<10000x128xf32, #tpu.memory_space<vmem_shared>> -> memref<10000x128xf32, #tpu.memory_space<vmem_shared>>
    tpu.enqueue_indirect_dma source(%arg11 : memref<80x128xf32, #tpu.memory_space<vmem>>) target(%dma_start3A_625 : memref<10000x128xf32, #tpu.memory_space<vmem_shared>>) offsets(%dma_start3A_622 : memref<80xi32, #tpu.memory_space<vmem>>) semaphore(%arg17 : memref<!tpu.dma_semaphore, #tpu.memory_space<semaphore_mem>>) {add = true}
    %dma_wait3A_626 = arith.constant 0 : i32
    %dma_wait3A_627 = arith.constant 0 : i32
    %dma_wait3A_628 = tpu.memref_slice %arg2[%dma_wait3A_626, %dma_wait3A_627] : memref<10000x128xf32, #tpu.memory_space<hbm>> -> memref<80x128xf32, #tpu.memory_space<hbm>>
    %dma_wait3A_629 = arith.constant 0 : i32
    %dma_wait3A_630 = arith.constant 0 : i32
    %dma_wait3A_631 = tpu.memref_slice %arg2[%dma_wait3A_629, %dma_wait3A_630] : memref<10000x128xf32, #tpu.memory_space<hbm>> -> memref<80x128xf32, #tpu.memory_space<hbm>>
    tpu.wait_dma2 semaphore(%arg17 : memref<!tpu.dma_semaphore, #tpu.memory_space<semaphore_mem>>) src(%dma_wait3A_631 : memref<80x128xf32, #tpu.memory_space<hbm>>) dst(%arg11 : memref<80x128xf32, #tpu.memory_space<vmem>>)
    %barrier3A_632 = arith.constant 0 : index
    tpu.barrier barrier_id(%barrier3A_632)
    %lt3A_633 = arith.constant 15 : i32
    %lt3A_634 = arith.cmpi slt, %arg1, %lt3A_633 : i32
    %convert_element_type3A_635 = arith.extui %lt3A_634 : i1 to i32
    %cond3A_636 = arith.constant 0 : i32
    %cond3A_637 = arith.cmpi ne, %convert_element_type3A_635, %cond3A_636 : i32
    scf.if %cond3A_637 {
      %mul3A_643 = arith.constant 10000 : i32
      %mul3A_644 = arith.muli %arg0, %mul3A_643 : i32
      %add3A_645 = arith.addi %mul3A_644, %mul3A_19 : i32
      "tpu.region"() ({
        %run_scoped3A = tpu.sem_alloc : memref<!tpu.dma_semaphore, #tpu.memory_space<semaphore_mem>>
        %dma_start3A_646 = arith.constant 0 : i32
        %dma_start3A_647 = tpu.memref_slice %arg6[%add3A_645, %dma_start3A_646] : memref<20000x128xf32, #tpu.memory_space<hbm>> -> memref<624x128xf32, #tpu.memory_space<hbm>>
        %dma_start3A_648 = arith.constant 0 : i32
        %dma_start3A_649 = tpu.memref_slice %arg13[%mul3A_19, %dma_start3A_648] : memref<10000x128xf32, #tpu.memory_space<vmem_shared>> -> memref<624x128xf32, #tpu.memory_space<vmem_shared>>
        tpu.enqueue_dma source(%dma_start3A_649 : memref<624x128xf32, #tpu.memory_space<vmem_shared>>) target(%dma_start3A_647 : memref<624x128xf32, #tpu.memory_space<hbm>>) target_semaphore(%run_scoped3A : memref<!tpu.dma_semaphore, #tpu.memory_space<semaphore_mem>>)
        %dma_wait3A_650 = arith.constant 0 : i32
        %dma_wait3A_651 = tpu.memref_slice %arg6[%add3A_645, %dma_wait3A_650] : memref<20000x128xf32, #tpu.memory_space<hbm>> -> memref<624x128xf32, #tpu.memory_space<hbm>>
        %dma_wait3A_652 = arith.constant 0 : i32
        %dma_wait3A_653 = tpu.memref_slice %arg13[%mul3A_19, %dma_wait3A_652] : memref<10000x128xf32, #tpu.memory_space<vmem_shared>> -> memref<624x128xf32, #tpu.memory_space<vmem_shared>>
        tpu.wait_dma2 semaphore(%run_scoped3A : memref<!tpu.dma_semaphore, #tpu.memory_space<semaphore_mem>>) src(%dma_wait3A_653 : memref<624x128xf32, #tpu.memory_space<vmem_shared>>) dst(%dma_wait3A_651 : memref<624x128xf32, #tpu.memory_space<hbm>>)
        tpu.yield
      }) : () -> ()
    } else {
    }
    %eq3A_638 = arith.constant 15 : i32
    %eq3A_639 = arith.cmpi eq, %arg1, %eq3A_638 : i32
    %convert_element_type3A_640 = arith.extui %eq3A_639 : i1 to i32
    %cond3A_641 = arith.constant 0 : i32
    %cond3A_642 = arith.cmpi ne, %convert_element_type3A_640, %cond3A_641 : i32
    scf.if %cond3A_642 {
      %mul3A_643 = arith.constant 10000 : i32
      %mul3A_644 = arith.muli %arg0, %mul3A_643 : i32
      %add3A_645 = arith.addi %mul3A_644, %mul3A_19 : i32
      "tpu.region"() ({
        %run_scoped3A = tpu.sem_alloc : memref<!tpu.dma_semaphore, #tpu.memory_space<semaphore_mem>>
        %dma_start3A_646 = arith.constant 0 : i32
        %dma_start3A_647 = tpu.memref_slice %arg6[%add3A_645, %dma_start3A_646] : memref<20000x128xf32, #tpu.memory_space<hbm>> -> memref<640x128xf32, #tpu.memory_space<hbm>>
        %dma_start3A_648 = arith.constant 0 : i32
        %dma_start3A_649 = tpu.memref_slice %arg13[%mul3A_19, %dma_start3A_648] : memref<10000x128xf32, #tpu.memory_space<vmem_shared>> -> memref<640x128xf32, #tpu.memory_space<vmem_shared>>
        tpu.enqueue_dma source(%dma_start3A_649 : memref<640x128xf32, #tpu.memory_space<vmem_shared>>) target(%dma_start3A_647 : memref<640x128xf32, #tpu.memory_space<hbm>>) target_semaphore(%run_scoped3A : memref<!tpu.dma_semaphore, #tpu.memory_space<semaphore_mem>>)
        %dma_wait3A_650 = arith.constant 0 : i32
        %dma_wait3A_651 = tpu.memref_slice %arg6[%add3A_645, %dma_wait3A_650] : memref<20000x128xf32, #tpu.memory_space<hbm>> -> memref<640x128xf32, #tpu.memory_space<hbm>>
        %dma_wait3A_652 = arith.constant 0 : i32
        %dma_wait3A_653 = tpu.memref_slice %arg13[%mul3A_19, %dma_wait3A_652] : memref<10000x128xf32, #tpu.memory_space<vmem_shared>> -> memref<640x128xf32, #tpu.memory_space<vmem_shared>>
        tpu.wait_dma2 semaphore(%run_scoped3A : memref<!tpu.dma_semaphore, #tpu.memory_space<semaphore_mem>>) src(%dma_wait3A_653 : memref<640x128xf32, #tpu.memory_space<vmem_shared>>) dst(%dma_wait3A_651 : memref<640x128xf32, #tpu.memory_space<hbm>>)
        tpu.yield
      }) : () -> ()
    } else {
    }
    return
  }
}

module attributes {stable_mosaic.version = 14 : i64} {
  func.func @_mm_relu_body(%arg0: i32, %arg1: memref<2000x128xf32, #tpu.memory_space<vmem>>, %arg2: memref<2000x128xf32, #tpu.memory_space<vmem>>, %arg3: memref<128x128xf32, #tpu.memory_space<vmem>>, %arg4: memref<1x128xf32, #tpu.memory_space<vmem>>, %arg5: memref<2000x128xf32, #tpu.memory_space<vmem>>) attributes {dimension_semantics = [#tpu.dimension_semantics<arbitrary>], iteration_bounds = array<i64: 5>, scalar_prefetch = 0 : i64, scratch_operands = 0 : i64, tpu.core_type = #tpu.core_type<tc>, window_params = [{transform_indices = @transform_0, window_bounds = array<i64: 2000, 128>}, {transform_indices = @transform_1, window_bounds = array<i64: 2000, 128>}, {pipeline_mode = #tpu.pipeline_mode<synchronous>, transform_indices = @transform_2, window_bounds = array<i64: 128, 128>}, {pipeline_mode = #tpu.pipeline_mode<synchronous>, transform_indices = @transform_3, window_bounds = array<i64: 1, 128>}, {transform_indices = @transform_4, window_bounds = array<i64: 2000, 128>}]} {
    %get3A = arith.constant 0 : index
    %get3A_0 = arith.constant 0 : index
    %get3A_1 = vector.load %arg1[%get3A, %get3A_0] : memref<2000x128xf32, #tpu.memory_space<vmem>>, vector<2000x128xf32>
    %get3A_2 = arith.constant 0 : index
    %get3A_3 = arith.constant 0 : index
    %get3A_4 = vector.load %arg2[%get3A_2, %get3A_3] : memref<2000x128xf32, #tpu.memory_space<vmem>>, vector<2000x128xf32>
    %add3A = arith.addf %get3A_1, %get3A_4 : vector<2000x128xf32>
    %get3A_5 = arith.constant 0 : index
    %get3A_6 = arith.constant 0 : index
    %get3A_7 = vector.load %arg3[%get3A_5, %get3A_6] : memref<128x128xf32, #tpu.memory_space<vmem>>, vector<128x128xf32>
    %dot_general3A = arith.constant dense<0.000000e+00> : vector<2000x128xf32>
    %dot_general3A_8 = tpu.matmul %add3A, %get3A_7, %dot_general3A {dimension_numbers = #tpu.dot_dimension_numbers<[1], [0], [0], [1], [0, 0, 1, 1], [], []>, transpose_lhs_hint = false} : vector<2000x128xf32>, vector<128x128xf32>, vector<2000x128xf32> -> vector<2000x128xf32>
    %get3A_9 = arith.constant 0 : index
    %get3A_10 = arith.constant 0 : index
    %get3A_11 = vector.load %arg4[%get3A_9, %get3A_10] : memref<1x128xf32, #tpu.memory_space<vmem>>, vector<1x128xf32>
    %add3A_12 = vector.broadcast %get3A_11 : vector<1x128xf32> to vector<2000x128xf32>
    %add3A_13 = arith.addf %dot_general3A_8, %add3A_12 : vector<2000x128xf32>
    %max3A = arith.constant 0.000000e+00 : f32
    %max3A_14 = vector.broadcast %max3A : f32 to vector<2000x128xf32>
    %max3A_15 = arith.maximumf %add3A_13, %max3A_14 : vector<2000x128xf32>
    %swap3A = arith.constant 0 : index
    %swap3A_16 = arith.constant 0 : index
    %swap3A_17 = vector.load %arg5[%swap3A, %swap3A_16] : memref<2000x128xf32, #tpu.memory_space<vmem>>, vector<2000x128xf32>
    tpu.vector_store %arg5[%swap3A, %swap3A_16], %max3A_15 {strides = array<i32>} : memref<2000x128xf32, #tpu.memory_space<vmem>>, vector<2000x128xf32>,
    return
  }
  func.func @transform_0(%arg0: i32) -> (i32, i32) {
    %c0_i32 = arith.constant 0 : i32
    %c0_i32_0 = arith.constant 0 : i32
    return %arg0, %c0_i32 : i32, i32
  }
  func.func @transform_1(%arg0: i32) -> (i32, i32) {
    %add3A = arith.constant 5 : i32
    %add3A_0 = arith.addi %add3A, %arg0 : i32
    %c0_i32 = arith.constant 0 : i32
    %c0_i32_1 = arith.constant 0 : i32
    return %add3A_0, %c0_i32 : i32, i32
  }
  func.func @transform_2(%arg0: i32) -> (i32, i32) {
    %c0_i32 = arith.constant 0 : i32
    %c0_i32_0 = arith.constant 0 : i32
    %c0_i32_1 = arith.constant 0 : i32
    return %c0_i32, %c0_i32_0 : i32, i32
  }
  func.func @transform_3(%arg0: i32) -> (i32, i32) {
    %c0_i32 = arith.constant 0 : i32
    %c0_i32_0 = arith.constant 0 : i32
    %c0_i32_1 = arith.constant 0 : i32
    return %c0_i32, %c0_i32_0 : i32, i32
  }
  func.func @transform_4(%arg0: i32) -> (i32, i32) {
    %c0_i32 = arith.constant 0 : i32
    %c0_i32_0 = arith.constant 0 : i32
    return %arg0, %c0_i32 : i32, i32
  }
}

module attributes {stable_mosaic.version = 14 : i64} {
  func.func @_mm2_head_body(%arg0: i32, %arg1: memref<2000x128xf32, #tpu.memory_space<vmem>>, %arg2: memref<2000x128xf32, #tpu.memory_space<vmem>>, %arg3: memref<128x128xf32, #tpu.memory_space<vmem>>, %arg4: memref<1x128xf32, #tpu.memory_space<vmem>>, %arg5: memref<128x10xf32, #tpu.memory_space<vmem>>, %arg6: memref<1x10xf32, #tpu.memory_space<vmem>>, %arg7: memref<1x10xf32, #tpu.memory_space<vmem>>, %arg8: memref<1x128xf32, #tpu.memory_space<vmem>>) attributes {dimension_semantics = [#tpu.dimension_semantics<arbitrary>], iteration_bounds = array<i64: 5>, scalar_prefetch = 0 : i64, scratch_operands = 1 : i64, tpu.core_type = #tpu.core_type<tc>, window_params = [{transform_indices = @transform_0, window_bounds = array<i64: 2000, 128>}, {transform_indices = @transform_1, window_bounds = array<i64: 2000, 128>}, {pipeline_mode = #tpu.pipeline_mode<synchronous>, transform_indices = @transform_2, window_bounds = array<i64: 128, 128>}, {pipeline_mode = #tpu.pipeline_mode<synchronous>, transform_indices = @transform_3, window_bounds = array<i64: 1, 128>}, {pipeline_mode = #tpu.pipeline_mode<synchronous>, transform_indices = @transform_4, window_bounds = array<i64: 128, 10>}, {pipeline_mode = #tpu.pipeline_mode<synchronous>, transform_indices = @transform_5, window_bounds = array<i64: 1, 10>}, {pipeline_mode = #tpu.pipeline_mode<synchronous>, transform_indices = @transform_6, window_bounds = array<i64: 1, 10>}]} {
    %get3A = arith.constant 0 : index
    %get3A_0 = arith.constant 0 : index
    %get3A_1 = vector.load %arg1[%get3A, %get3A_0] : memref<2000x128xf32, #tpu.memory_space<vmem>>, vector<2000x128xf32>
    %get3A_2 = arith.constant 0 : index
    %get3A_3 = arith.constant 0 : index
    %get3A_4 = vector.load %arg2[%get3A_2, %get3A_3] : memref<2000x128xf32, #tpu.memory_space<vmem>>, vector<2000x128xf32>
    %add3A = arith.addf %get3A_1, %get3A_4 : vector<2000x128xf32>
    %get3A_5 = arith.constant 0 : index
    %get3A_6 = arith.constant 0 : index
    %get3A_7 = vector.load %arg3[%get3A_5, %get3A_6] : memref<128x128xf32, #tpu.memory_space<vmem>>, vector<128x128xf32>
    %dot_general3A = arith.constant dense<0.000000e+00> : vector<2000x128xf32>
    %dot_general3A_8 = tpu.matmul %add3A, %get3A_7, %dot_general3A {dimension_numbers = #tpu.dot_dimension_numbers<[1], [0], [0], [1], [0, 0, 1, 1], [], []>, transpose_lhs_hint = false} : vector<2000x128xf32>, vector<128x128xf32>, vector<2000x128xf32> -> vector<2000x128xf32>
    %get3A_9 = arith.constant 0 : index
    %get3A_10 = arith.constant 0 : index
    %get3A_11 = vector.load %arg4[%get3A_9, %get3A_10] : memref<1x128xf32, #tpu.memory_space<vmem>>, vector<1x128xf32>
    %add3A_12 = vector.broadcast %get3A_11 : vector<1x128xf32> to vector<2000x128xf32>
    %add3A_13 = arith.addf %dot_general3A_8, %add3A_12 : vector<2000x128xf32>
    %max3A = arith.constant 0.000000e+00 : f32
    %max3A_14 = vector.broadcast %max3A : f32 to vector<2000x128xf32>
    %max3A_15 = arith.maximumf %add3A_13, %max3A_14 : vector<2000x128xf32>
    %reduce_sum3A = arith.constant dense<0.000000e+00> : vector<128xf32>
    %reduce_sum3A_16 = vector.multi_reduction <add>, %max3A_15, %reduce_sum3A [0] : vector<2000x128xf32> to vector<128xf32>
    %broadcast_in_dim3A = vector.shape_cast %reduce_sum3A_16 : vector<128xf32> to vector<1x128xf32>
    %eq3A = arith.constant 0 : i32
    %eq3A_17 = arith.cmpi eq, %arg0, %eq3A : i32
    %convert_element_type3A = arith.extui %eq3A_17 : i1 to i32
    %cond3A = arith.constant 0 : i32
    %cond3A_18 = arith.cmpi ne, %convert_element_type3A, %cond3A : i32
    scf.if %cond3A_18 {
      %swap3A = arith.constant 0 : index
      %swap3A_28 = arith.constant 0 : index
      %swap3A_29 = vector.load %arg8[%swap3A, %swap3A_28] : memref<1x128xf32, #tpu.memory_space<vmem>>, vector<1x128xf32>
      tpu.vector_store %arg8[%swap3A, %swap3A_28], %broadcast_in_dim3A {strides = array<i32>} : memref<1x128xf32, #tpu.memory_space<vmem>>, vector<1x128xf32>,
    } else {
    }
    %gt3A = arith.constant 0 : i32
    %gt3A_19 = arith.cmpi sgt, %arg0, %gt3A : i32
    %convert_element_type3A_20 = arith.extui %gt3A_19 : i1 to i32
    %cond3A_21 = arith.constant 0 : i32
    %cond3A_22 = arith.cmpi ne, %convert_element_type3A_20, %cond3A_21 : i32
    scf.if %cond3A_22 {
      %get3A_28 = arith.constant 0 : index
      %get3A_29 = arith.constant 0 : index
      %get3A_30 = vector.load %arg8[%get3A_28, %get3A_29] : memref<1x128xf32, #tpu.memory_space<vmem>>, vector<1x128xf32>
      %add3A_31 = arith.addf %get3A_30, %broadcast_in_dim3A : vector<1x128xf32>
      %swap3A = arith.constant 0 : index
      %swap3A_32 = arith.constant 0 : index
      %swap3A_33 = vector.load %arg8[%swap3A, %swap3A_32] : memref<1x128xf32, #tpu.memory_space<vmem>>, vector<1x128xf32>
      tpu.vector_store %arg8[%swap3A, %swap3A_32], %add3A_31 {strides = array<i32>} : memref<1x128xf32, #tpu.memory_space<vmem>>, vector<1x128xf32>,
    } else {
    }
    %eq3A_23 = arith.constant 4 : i32
    %eq3A_24 = arith.cmpi eq, %arg0, %eq3A_23 : i32
    %convert_element_type3A_25 = arith.extui %eq3A_24 : i1 to i32
    %cond3A_26 = arith.constant 0 : i32
    %cond3A_27 = arith.cmpi ne, %convert_element_type3A_25, %cond3A_26 : i32
    scf.if %cond3A_27 {
      %get3A_28 = arith.constant 0 : index
      %get3A_29 = arith.constant 0 : index
      %get3A_30 = vector.load %arg8[%get3A_28, %get3A_29] : memref<1x128xf32, #tpu.memory_space<vmem>>, vector<1x128xf32>
      %mul3A = arith.constant 9.99999974E-5 : f32
      %mul3A_31 = vector.broadcast %mul3A : f32 to vector<1x128xf32>
      %mul3A_32 = arith.mulf %get3A_30, %mul3A_31 : vector<1x128xf32>
      %get3A_33 = arith.constant 0 : index
      %get3A_34 = arith.constant 0 : index
      %get3A_35 = vector.load %arg5[%get3A_33, %get3A_34] : memref<128x10xf32, #tpu.memory_space<vmem>>, vector<128x10xf32>
      %dot_general3A_36 = arith.constant dense<0.000000e+00> : vector<1x10xf32>
      %dot_general3A_37 = tpu.matmul %mul3A_32, %get3A_35, %dot_general3A_36 {dimension_numbers = #tpu.dot_dimension_numbers<[1], [0], [0], [1], [0, 0, 1, 1], [], []>, transpose_lhs_hint = false} : vector<1x128xf32>, vector<128x10xf32>, vector<1x10xf32> -> vector<1x10xf32>
      %get3A_38 = arith.constant 0 : index
      %get3A_39 = arith.constant 0 : index
      %get3A_40 = vector.load %arg6[%get3A_38, %get3A_39] : memref<1x10xf32, #tpu.memory_space<vmem>>, vector<1x10xf32>
      %add3A_41 = arith.addf %dot_general3A_37, %get3A_40 : vector<1x10xf32>
      %swap3A = arith.constant 0 : index
      %swap3A_42 = arith.constant 0 : index
      %swap3A_43 = vector.load %arg7[%swap3A, %swap3A_42] : memref<1x10xf32, #tpu.memory_space<vmem>>, vector<1x10xf32>
      tpu.vector_store %arg7[%swap3A, %swap3A_42], %add3A_41 {strides = array<i32>} : memref<1x10xf32, #tpu.memory_space<vmem>>, vector<1x10xf32>,
    } else {
    }
    return
  }
  func.func @transform_0(%arg0: i32) -> (i32, i32) {
    %c0_i32 = arith.constant 0 : i32
    %c0_i32_0 = arith.constant 0 : i32
    return %arg0, %c0_i32 : i32, i32
  }
  func.func @transform_1(%arg0: i32) -> (i32, i32) {
    %add3A = arith.constant 5 : i32
    %add3A_0 = arith.addi %add3A, %arg0 : i32
    %c0_i32 = arith.constant 0 : i32
    %c0_i32_1 = arith.constant 0 : i32
    return %add3A_0, %c0_i32 : i32, i32
  }
  func.func @transform_2(%arg0: i32) -> (i32, i32) {
    %c0_i32 = arith.constant 0 : i32
    %c0_i32_0 = arith.constant 0 : i32
    %c0_i32_1 = arith.constant 0 : i32
    return %c0_i32, %c0_i32_0 : i32, i32
  }
  func.func @transform_3(%arg0: i32) -> (i32, i32) {
    %c0_i32 = arith.constant 0 : i32
    %c0_i32_0 = arith.constant 0 : i32
    %c0_i32_1 = arith.constant 0 : i32
    return %c0_i32, %c0_i32_0 : i32, i32
  }
  func.func @transform_4(%arg0: i32) -> (i32, i32) {
    %c0_i32 = arith.constant 0 : i32
    %c0_i32_0 = arith.constant 0 : i32
    %c0_i32_1 = arith.constant 0 : i32
    return %c0_i32, %c0_i32_0 : i32, i32
  }
  func.func @transform_5(%arg0: i32) -> (i32, i32) {
    %c0_i32 = arith.constant 0 : i32
    %c0_i32_0 = arith.constant 0 : i32
    %c0_i32_1 = arith.constant 0 : i32
    return %c0_i32, %c0_i32_0 : i32, i32
  }
  func.func @transform_6(%arg0: i32) -> (i32, i32) {
    %c0_i32 = arith.constant 0 : i32
    %c0_i32_0 = arith.constant 0 : i32
    %c0_i32_1 = arith.constant 0 : i32
    return %c0_i32, %c0_i32_0 : i32, i32
  }
}

</mosaic_0001>

<sc_bundles>
// kernel: kernel.6.cloned.1.call-start
scs
__scs_entry_jumppad:
0x0: {  	(pc) =	sbr.rel $0x88, $3  }
0x1: {  	(tag) =	ssettag $0x0;
	lr =	simm.s32 $0x1  }
0x2: {  	[smem:$0x3F99] =	sst lr;
	_ =	strace $0xD0000000  }
0x3: {  	_ = 	snop  }
0x4: {  	_ = 	snop  }
0x5: {  	_ = 	snop  }
0x6: {  	_ = 	snop  }
0x7: {  	_ = 	snop  }
__scs_overlays_trampoline_lowered:
0x8: {  	[smem:$0x3FA8] =	sst s0  }
0x9: {  	[smem:$0x3FA9] =	sst s1  }
0xa: {  	[smem:$0x3FAA] =	sst s2  }
0xb: {  	[smem:$0x3FAB] =	sst s3  }
0xc: {  	[smem:$0x3FAC] =	sst s4  }
0xd: {  	[smem:$0x3FAD] =	sst s5  }
0xe: {  	[smem:$0x3FAE] =	sst s6  }
0xf: {  	[smem:$0x3FAF] =	sst s7  }
0x10: {  	[smem:$0x3FB0] =	sst s8  }
0x11: {  	[smem:$0x3FB1] =	sst s9;
	s0 =	simm.s32 @!p0 $0x0  }
0x12: {  	s1 =	sld [smem:$0x3F97];
	s0 =	simm.s32 @p0 $0x1  }
0x13: {  	[smem:$0x3FB2] =	sst s0;
	s0 =	simm.s32 @!p1 $0x0  }
0x14: {  	s2 =	sld [smem:$0x3F96];
	s0 =	simm.s32 @p1 $0x1  }
0x15: {  	[smem:$0x3FB3] =	sst s0;
	s0 =	simm.s32 @!p2 $0x0  }
0x16: {  	s3 =	sld [smem:$0x3FDB];
	s0 =	simm.s32 @p2 $0x1  }
0x17: {  	s4 =	simm.s32 $0x1BF5;
	[smem:$0x3FB5] =	sst s0  }
0x18: {  	s0 =	sld [smem:$0x3F98];
	_ =	swait.ge [sflag:s4], $0x0  }
0x19: {  	s7 =	sld [smem:$0x3F99]  }
0x1a: {  	s8 =	sadd.s32 $0xFFFFE003, lr  }
0x1b: {  	s9 =	sadd.s32 $0xFFFFFEF7, lr;
	s5 =	simm.s32 $0xFFFFFFFF;
	p2 =	slt.u32 s8, $0xFFFFF086  }
0x1c: {  	p1 =	slt.u32 s9, $0xF7A;
	s5 =	simm.s32 @!p2 $0x0  }
0x1d: {  	s5 =	simm.s32 @p1 $0x1;
	p0 =	seq.s32 s7, s2  }
0x1e: {  	s7 =	smul.u32 @!p0 $0xF7A, s2;
	p2 =	seq.s32 @!p0 s5, $0x0  }
0x1f: {  	s9 =	smul.u32 $0xF7A, s1;
	s8 =	simm.s32 @!p0 $0x1BF5;
	p2 =	por !p2, p0  }
0x20: {  	[sflag:s8] =	ssyncset.s32 @!p0 $0xFFFFF086;
	s6 =	sadd.s32 @!p0 s3, s7;
	s7 =	simm.s32 @!p0 $0x108  }
0x21: {  	s3 =	sadd.s32 s3, s9;
	s6 =	sadd.s32 @!p0 $0x88, s6;
	s7 =	simm.s32 @p2 $0x1082  }
0x22: {  	[simem:s7], [sflag:s8] =	dma.local @!p0 [hbm:s6], $0xF7A  }
0x23: {  	s9 =	sor.u32 $0xD0000000, s2;
	s6 =	simm.s32 $0x108;
	_ =	swait.ge @!p0 [sflag:s8], $0x0  }
0x24: {  	s3 =	sadd.s32 $0x88, s3;
	s6 =	simm.s32 @!p1 $0x1082;
	[sflag:s4] =	ssyncset.s32 $0xFFFFF086  }
0x25: {  	[simem:s6], [sflag:s4] =	dma.local [hbm:s3], $0xF7A  }
0x26: {  	[smem:$0x3F99] =	sst s1;
	(tag) =	ssettag s2;
	_ =	strace s9  }
0x27: {  	s1 =	sld [smem:$0x3FA9]  }
0x28: {  	s2 =	sld [smem:$0x3FAA]  }
0x29: {  	s4 =	sld [smem:$0x3FAC]  }
0x2a: {  	p0 =	seq.s32 s5, $0x0;
	s5 =	sld [smem:$0x3FAD]  }
0x2b: {  	s6 =	sld [smem:$0x3FAE]  }
0x2c: {  	s7 =	sld [smem:$0x3FAF]  }
0x2d: {  	s3 =	simm.s32 $0x108;
	s8 =	sld [smem:$0x3FB0]  }
0x2e: {  	s3 =	simm.s32 @!p0 $0x1082;
	s9 =	sld [smem:$0x3FB1]  }
0x2f: {  	lr =	sadd.s32 s0, s3;
	s0 =	sld [smem:$0x3FA8]  }
0x30: {  	s3 =	sld [smem:$0x3FAB]  }
0x31: {  	[smem:$0x3FB4] =	sst s10  }
0x32: {  	s10 =	sld [smem:$0x3FB2];
	_ =	sdelay $0x3  }
0x33: {  	p0 =	seq.s32 s10, $0x1;
	s10 =	sld [smem:$0x3FB4];
	_ =	sdelay $0x3  }
0x34: {  	[smem:$0x3FB4] =	sst s10  }
0x35: {  	s10 =	sld [smem:$0x3FB3];
	_ =	sdelay $0x3  }
0x36: {  	p1 =	seq.s32 s10, $0x1;
	s10 =	sld [smem:$0x3FB4];
	_ =	sdelay $0x3  }
0x37: {  	[smem:$0x3FB4] =	sst s10  }
0x38: {  	s10 =	sld [smem:$0x3FB5]  }
0x39: {  	_ = 	snop;
	(pc) =	sbr.ind lr, $3  }
0x3a: {  	_ = 	snop  }
0x3b: {  	_ = 	snop  }
0x3c: {  	p2 =	seq.s32 s10, $0x1;
	s10 =	sld [smem:$0x3FB4]  }
0x3d: {  	_ =	shalt  }
0x3e: {  	_ =	shalt  }
0x3f: {  	_ =	shalt  }
0x40: {  	_ =	shalt  }
0x41: {  	_ =	shalt  }
0x42: {  	_ =	shalt  }
0x43: {  	_ =	shalt  }
0x44: {  	_ =	shalt  }
0x45: {  	_ =	shalt  }
0x46: {  	_ =	shalt  }
0x47: {  	_ =	shalt  }
0x48: {  	_ =	shalt  }
0x49: {  	_ =	shalt  }
0x4a: {  	_ =	shalt  }
0x4b: {  	_ =	shalt  }
0x4c: {  	_ =	shalt  }
0x4d: {  	_ =	shalt  }
0x4e: {  	_ =	shalt  }
0x4f: {  	_ =	shalt  }
0x50: {  	_ =	shalt  }
0x51: {  	_ =	shalt  }
0x52: {  	_ =	shalt  }
0x53: {  	_ =	shalt  }
0x54: {  	_ =	shalt  }
0x55: {  	_ =	shalt  }
0x56: {  	_ =	shalt  }
0x57: {  	_ =	shalt  }
0x58: {  	_ =	shalt  }
0x59: {  	_ =	shalt  }
0x5a: {  	_ =	shalt  }
0x5b: {  	_ =	shalt  }
0x5c: {  	_ =	shalt  }
0x5d: {  	_ =	shalt  }
0x5e: {  	_ =	shalt  }
0x5f: {  	_ =	shalt  }
0x60: {  	_ =	shalt  }
0x61: {  	_ =	shalt  }
0x62: {  	_ =	shalt  }
0x63: {  	_ =	shalt  }
0x64: {  	_ =	shalt  }
0x65: {  	_ =	shalt  }
0x66: {  	_ =	shalt  }
0x67: {  	_ =	shalt  }
0x68: {  	_ =	shalt  }
0x69: {  	_ =	shalt  }
0x6a: {  	_ =	shalt  }
0x6b: {  	_ =	shalt  }
0x6c: {  	_ =	shalt  }
0x6d: {  	_ =	shalt  }
0x6e: {  	_ =	shalt  }
0x6f: {  	_ =	shalt  }
0x70: {  	_ =	shalt  }
0x71: {  	_ =	shalt  }
0x72: {  	_ =	shalt  }
0x73: {  	_ =	shalt  }
0x74: {  	_ =	shalt  }
0x75: {  	_ =	shalt  }
0x76: {  	_ =	shalt  }
0x77: {  	_ =	shalt  }
0x78: {  	_ =	shalt  }
0x79: {  	_ =	shalt  }
0x7a: {  	_ =	shalt  }
0x7b: {  	_ =	shalt  }
0x7c: {  	_ =	shalt  }
0x7d: {  	_ =	shalt  }
0x7e: {  	_ =	shalt  }
0x7f: {  	_ =	shalt  }
0x80: {  	_ =	shalt  }
0x81: {  	_ =	shalt  }
0x82: {  	_ =	shalt  }
0x83: {  	_ =	shalt  }
0x84: {  	_ =	shalt  }
0x85: {  	_ =	shalt  }
0x86: {  	_ =	shalt  }
0x87: {  	_ =	shalt  }
.Lfunc_end0:
.L_simem_size_0:
called_computation_lowered:
.L_overlay_start_0:
0x88: {  	s2 =	sld [smem:$0x3FD9]  }
0x89: {  	s3 =	sld [smem:$0x3FFE];
	_ =	sdelay $0x1  }
0x8a: {  	s1 =	srdreg.scid  }
0x8b: {  	s0 =	sand.u32 $0x1, s1  }
0x8c: {  	s17 =	sshll.u32 s0, $0xA;
	s2 =	sadd.s32 s3, s2  }
0x8d: {  	s2 =	sadd.s32 s2, s17  }
0x8e: {  	[smem:$0x3FC0] =	sst s2  }
0x8f: {  	_ = 	snop  }
0x90: {  	s2 =	sld [smem:$0x3FC9];
	(tm) =	ssettm $0x1  }
0x91: {  	s18 =	sld [smem:$0x3FFB];
	_ =	sdelay $0x3  }
0x92: {  	_ =	strace s18  }
0x93: {  	s3 =	sld [smem:$0x3FFC];
	_ =	sdelay $0x3  }
0x94: {  	_ =	strace s3  }
0x95: {  	s3 =	sld [smem:$0x3FFD];
	_ =	sdelay $0x3  }
0x96: {  	_ =	strace s3  }
0x97: {  	_ =	strace $0x8FFFFFFF  }
0x98: {  	s19 =	sld [smem:$0x3FDB];
	_ =	sdelay $0x1  }
0x99: {  	s4 =	simm.s32 $_scs_section_size  }
0x9a: {  	s5 =	simm.s32 $_size__tile_overlayer_lowered;
	s6 =	simm.s32 $_tile_overlayer_lowered  }
0x9b: {  	s22 =	simm.s32 $0x1BFF;
	s21 =	sshll.u32 s6, $0x1;
	s3 =	sadd.s32 s4, s19  }
0x9c: {  	s7 =	simm.s32 $0x0;
	s20 =	sshll.u32 s5, $0x1;
	s5 =	sadd.s32 s21, s3  }
0x9d: {  	[timem:s7], [sflag:s22] =	dma.local [hbm:s5], s20  }
0x9e: {  	_ =	swait.ge [sflag:s22], s20  }
0x9f: {  	s4 =	ssub.s32 $0x0, s20;
	[sflag:s22] =	ssyncset.done $0x0  }
0xa0: {  	[sflag:s22] =	ssyncadd.s32 s4;
	_ =	sdelay $0x1  }
0xa1: {  	s23 =	simm.s32 $0x1B8B  }
0xa2: {  	_ =	swait.ge [sflag:s23], $0x1  }
0xa3: {  	[sflag:s23] =	ssyncset.done $0x0  }
0xa4: {  	s25 =	simm.s32 $0x1B8E;
	s24 =	sld [smem:$0x3FFE];
	[sflag:s23] =	ssyncadd.s32 $0xFFFFFFFF  }
0xa5: {  	s26 =	simm.s32 $execute0_lowered;
	[smem:$0x3FD2] =	sst s25  }
0xa6: {  	s5 =	sshll.u32 s26, $0x1;
	_ =	strace $0x80000046;
	[dreg:$0x1] =	wrdreg $0xFFFFFFFF  }
0xa7: {  	s28 =	simm.s32 $_size_execute0_lowered;
	s3 =	sadd.s32 s3, s5;
	[dreg:$0x0] =	wrdreg $0x0  }
0xa8: {  	s5 =	sshll.u32 s28, $0x1;
	[dreg:$0x2] =	wrdreg s3  }
0xa9: {  	[dreg:$0x3] =	wrdreg s5  }
0xaa: {  	[dreg:$0x4] =	wrdreg $0xC0  }
0xab: {  	_ =	task [dreg:s7], $0x5FFFF  }
0xac: {  	[dreg:$0x1] =	wrdreg $0xFFFFFFFF  }
0xad: {  	[dreg:$0x0] =	wrdreg $0x60  }
0xae: {  	[dreg:$0x2] =	wrdreg s2  }
0xaf: {  	[dreg:$0x3] =	wrdreg s24  }
0xb0: {  	[dreg:$0x4] =	wrdreg $0x90000  }
0xb1: {  	[dreg:$0x5] =	wrdreg $0x9  }
0xb2: {  	_ =	task.clear_ibuf [dreg:s7], $0x6FFFF;
	_ =	strace $0x90000046  }
0xb3: {  	s29 =	simm.s32 $0x9;
	_ =	strace $0x80000048  }
0xb4: {  	_ =	swait.ge [sflag:s29], $0x1  }
0xb5: {  	[sflag:s29] =	ssyncadd.s32 $0xFFFFFFFF  }
0xb6: {  	_ =	strace $0x90000048  }
0xb7: {  	_ =	sfence  }
0xb8: {  	s30 =	sld [smem:$0x0];
	_ =	sdelay $0x2  }
0xb9: {  	s31 =	sshll.u32 s1, $0xD;
	s1 =	sshrl.u32 s1, $0x2  }
0xba: {  	s3 =	sand.u32 $0x4000, s31;
	s1 =	sadd.s32 s1, s30  }
0xbb: {  	s0 =	sor.u32 s3, s0;
	s1 =	sshll.u32 s1, $0x11  }
0xbc: {  	s0 =	sor.u32 s1, s0  }
0xbd: {  	s0 =	sadd.s32 $0x8F2B, s0  }
0xbe: {  	[sflag:s0] =	ssyncadd.remote.s32 $0x1  }
0xbf: {  	_ =	sfence.sel $0xFFFF  }
0xc0: {  	[dreg:$0x0] =	wrdreg $0xFFFFFFFF;
	(pc) =	sbr.abs _section_cstart, $3  }
0xc1: {  	[dreg:$0x1] =	wrdreg $0xFFFFFFFF  }
0xc2: {  	_ =	task.clear_ibuf [dreg:s7], $0x2FFFF;
	_ =	strace $0x9FFFFFFF  }
0xc3: {  	(tm) =	ssettm $0x7FFFFFFF  }
tec
execute0_lowered:
.L_overlay_start_1:
0x0: {  	(tag) =	ssettag $0x1  }
0x1: {  	s1 =	rddreg [dreg:$0x0]  }
0x2: {  	s0 =	rddreg [dreg:$0x1]  }
0x3: {  	s2 =	rddreg [dreg:$0x2];
	s3 =	srdreg.scid;
	s4 =	simm.s32 $0x0  }
0x4: {  	s28 =	simm.s32 $0x4000;
	s29 =	simm.s32 $0x80;
	s30 =	simm.s32 $0x6800  }
0x5: {  	s31 =	simm.s32 $0x2000;
	s5 =	sand.u32 $0x1, s3;
	[smem:$0x7FF] =	sst s4  }
0x6: {  	s3 =	stileid.u32;
	s7 =	sadd.s32 $0x1200, s0;
	s10 =	sadd.s32 $0x15200, s0  }
0x7: {  	s13 =	sadd.s32 $0x29200, s0;
	s0 =	sadd.s32 $0x50400, s0;
	s6 =	sshll.u32 s5, $0x4  }
0x8: {  	_ =	strace $0x80000047;
	s8 =	ssub.s32 $0x2, s5;
	s12 =	smul.u32 $0x2700, s3  }
0x9: {  	p1 =	seq.s32 s5, $0x0;
	p4 =	sne.s32 s3, $0xF;
	s16 =	smul.u32 $0x4E000, s3  }
0xa: {  	p0 =	seq.s32 s3, $0xF;
	[dreg:$0x4] =	wrdreg s13;
	s22 =	smul.u32 $0x138800, s5  }
0xb: {  	s6 =	sor.u32 s3, s6;
	s9 =	sshrl.u32 s8, $0x1;
	p2 =	por !p1, !p4  }
0xc: {  	p3 =	por !p1, !p0;
	s6 =	smul.u32 $0x5000, s6;
	s11 =	ssub.s32 s8, s9  }
0xd: {  	p1 =	por !p2, !p2;
	p2 =	por !p3, !p3;
	p3 =	seq.s32 s5, $0x1  }
0xe: {  	s8 =	sadd.s32 $0x124800, s2;
	s9 =	sshrl.u32 s16, $0x2;
	s13 =	sadd.s32 s13, s12  }
0xf: {  	s5 =	smul.u32 $0x27100, s5;
	s24 =	sshrl.u32 s22, $0x3;
	s16 =	simm.s32 $0x2C00  }
0x10: {  	p4 =	por !p4, !p3;
	s9 =	sadd.s32 s9, s2;
	[dreg:$0x8] =	wrdreg s13  }
0x11: {  	s25 =	sadd.s32 s0, s24;
	s22 =	smax.u32 s11, $0x1;
	s24 =	simm.s32 $0x6  }
0x12: {  	s11 =	simm.s32 $0x3;
	s6 =	sshrl.u32 s6, $0x3;
	p4 =	por !p4, !p4  }
0x13: {  	s5 =	sadd.s32 s12, s5;
	s26 =	sadd.s32 $0x24900, s25;
	s25 =	simm.s32 $0x1  }
0x14: {  	s14 =	sadd.s32 s7, s6;
	s15 =	sadd.s32 s10, s6;
	[dreg:$0x12] =	wrdreg s26  }
0x15: {  	s17 =	sadd.s32 $0x200, s6;
	s18 =	sadd.s32 $0x400, s6;
	[dreg:$0x5] =	wrdreg s14  }
0x16: {  	s21 =	sadd.s32 $0x600, s6;
	s0 =	sadd.s32 s0, s5;
	[dreg:$0x6] =	wrdreg s15  }
0x17: {  	s6 =	sadd.s32 $0x800, s6;
	s14 =	sadd.s32 s1, s12;
	[dreg:$0x11] =	wrdreg s0  }
0x18: {  	s26 =	simm.s32 $0x50;
	s15 =	sadd.s32 s7, s17;
	[dreg:$0x7] =	wrdreg s14  }
0x19: {  	s5 =	simm.s32 $0x4;
	s13 =	sadd.s32 s10, s17;
	[dreg:$0x9] =	wrdreg s15  }
0x1a: {  	s19 =	sadd.s32 s7, s18;
	s20 =	sadd.s32 s10, s18;
	[dreg:$0xa] =	wrdreg s13  }
0x1b: {  	s23 =	sadd.s32 s7, s21;
	s7 =	sadd.s32 s7, s6;
	[dreg:$0xb] =	wrdreg s19  }
0x1c: {  	s6 =	sadd.s32 s10, s6;
	s0 =	simm.s32 $0x3000;
	[dreg:$0xc] =	wrdreg s20  }
0x1d: {  	s12 =	simm.s32 $0xC00;
	s17 =	simm.s32 $0x3C00;
	[dreg:$0xd] =	wrdreg s23  }
0x1e: {  	s18 =	simm.s32 $0x0;
	s13 =	sadd.s32 s10, s21;
	[dreg:$0xf] =	wrdreg s7  }
0x1f: {  	[dreg:$0x10] =	wrdreg s6;
	s23 =	simm.s32 $0x1000;
	s10 =	simm.s32 $0x2  }
0x20: {  	s6 =	simm.s32 $0x5;
	s7 =	simm.s32 $0x1B80;
	s14 =	simm.s32 $0x2080  }
0x21: {  	s15 =	simm.s32 $0x3B80;
	[dreg:$0xe] =	wrdreg s13;
	s13 =	simm.s32 $0x1C00  }
.LBB2_1:
.Ltmp0:
0x22: {  	(pc) =	sbr.rel @!p1 .LBB2_4-.Ltmp0, $4  }
0x23: {  	s19 =	rddreg [dreg:$0x5]  }
0x24: {  	[tilespmem:s4], [sflag:$0x1] =	stream.linear.gather [hbm4b:s19+s4], $0xC80, $0x38;
	[tilespmem:$0x1C880] =	vst v63  }
0x25: {  	s21 =	rddreg [dreg:$0x6]  }
0x26: {  	[tilespmem:s23], [sflag:$0x1] =	stream.linear.gather [hbm4b:s21+s4], $0xC80, $0x38;
	[tilespmem:$0x1C880] =	vst v63  }
0x27: {  	s19 =	sshll.u32 s3, $0x6;
	s20 =	sshrl.u32 s9, $0x3  }
.Ltmp1:
0x28: {  	s21 =	rddreg [dreg:$0x7];
	s19 =	sor.u32 $0x1C06, s19;
	(pc) =	sbr.rel .LBB2_3-.Ltmp1, $4  }
0x29: {  	[spmem:s20], [sflag:s19] =	dma.local [hbm:s21], $0x2700  }
0x2a: {  	_ =	swait.ge [sflag:s24], $0x2700  }
0x2b: {  	[sflag:s24] =	ssyncset.done $0x0  }
0x2c: {  	p5 =	por $0x0, $0x0;
	[sflag:s24] =	ssyncadd.s32 $0xFFFFD900  }
.LBB2_4:
.Ltmp2:
0x2d: {  	(pc) =	sbr.rel @!p2 .LBB2_3-.Ltmp2, $2  }
0x2e: {  	_ =	sdelay $0x2  }
0x2f: {  	p5 =	por p0, p0  }
.Ltmp3:
0x30: {  	(pc) =	sbr.rel .LBB2_6-.Ltmp3, $2  }
0x31: {  	_ =	sdelay $0x2  }
0x32: {  	p5 =	por $0x1, $0x1;
	s20 =	simm.s32 $0xF;
	s19 =	smov.u32 s1  }
.LBB2_3:
0x33: {  	s19 =	sshll.u32 @p4 s3, $0x6;
	s20 =	sshrl.u32 @p4 s9, $0x3;
	p6 =	por @p4 $0x1, $0x1  }
0x34: {  	s21 =	rddreg [dreg:$0x8];
	s19 =	sor.u32 @p4 $0x1C06, s19;
	p6 =	por @!p4 p3, p3  }
0x35: {  	[spmem:s20], [sflag:s19] =	dma.local @p4 [hbm:s21], $0x2700  }
0x36: {  	p6 =	por !p6, !p5  }
0x37: {  	p6 =	por !p6, !p6  }
.Ltmp4:
0x38: {  	_ = 	snop;
	(pc) =	sbr.rel @!p6 .LBB2_7-.Ltmp4, $4  }
0x39: {  	s19 =	simm.s32 @p4 $0x6  }
0x3a: {  	_ =	swait.ge @p4 [sflag:s19], $0x2700  }
0x3b: {  	[sflag:s19] =	ssyncset.done @p4 $0x0  }
0x3c: {  	s20 =	stileid.u32;
	[sflag:s19] =	ssyncadd.s32 @p4 $0xFFFFD900;
	s19 =	rddreg [dreg:$0x4]  }
.LBB2_6:
0x3d: {  	s20 =	sshll.u32 s20, $0x6  }
0x3e: {  	s19 =	sadd.s32 $0x24900, s19;
	s21 =	sshrl.u32 s8, $0x3;
	s20 =	sor.u32 $0x1C06, s20  }
0x3f: {  	[spmem:s21], [sflag:s20] =	dma.local [hbm:s19], $0x2800  }
0x40: {  	_ =	swait.ge [sflag:s24], $0x2800  }
0x41: {  	[sflag:s24] =	ssyncset.done $0x0  }
0x42: {  	[sflag:s24] =	ssyncadd.s32 $0xFFFFD800  }
.LBB2_7:
0x43: {  	_ =	swait.ge [sflag:s25], $0xC80  }
0x44: {  	[sflag:s25] =	ssyncset.done $0x0  }
0x45: {  	[sflag:s25] =	ssyncadd.s32 $0xFFFFF380  }
0x46: {  	_ =	swait.ge [sflag:s25], $0xC80  }
0x47: {  	[sflag:s25] =	ssyncset.done $0x0  }
0x48: {  	[sflag:s25] =	ssyncadd.s32 $0xFFFFF380  }
0x49: {  	[tilespmem:s28], [sflag:$0x2] =	stream.indirect.gather [hbm4b:s1+s26], $0x80, s4, s26, $0xb8;
	[tilespmem:$0x1C880] =	vst v63  }
0x4a: {  	_ = 	snop  }
0x4b: {  	[tilespmem:s30], [sflag:$0x3] =	stream.indirect.gather [hbm4b:s1+s26], $0x80, s29, s26, $0xb8;
	[tilespmem:$0x1C880] =	vst v63  }
0x4c: {  	[bflag:$0x0] =	sbarrier.arrive $0xFFFF  }
0x4d: {  	s19 =	rddreg [dreg:$0x9]  }
0x4e: {  	[tilespmem:s31], [sflag:$0x1] =	stream.linear.gather [hbm4b:s19+s4], $0xC80, $0x38;
	[tilespmem:$0x1C880] =	vst v63  }
0x4f: {  	s20 =	rddreg [dreg:$0xa]  }
0x50: {  	[tilespmem:s0], [sflag:$0x1] =	stream.linear.gather [hbm4b:s20+s4], $0xC80, $0x38;
	[tilespmem:$0x1C880] =	vst v63  }
0x51: {  	_ =	swait.ge [sflag:s10], $0x2800  }
0x52: {  	[sflag:s10] =	ssyncset.done $0x0  }
0x53: {  	[sflag:s10] =	ssyncadd.s32 $0xFFFFD800  }
0x54: {  	[spmem:s2] =	stream.indirect.scatter.add.f32 [tilespmem:s28], [sflag:$0x4], $0x80, s23, s26, $0xb8;
	[tilespmem:$0x1C880] =	vst v63  }
0x55: {  	_ =	swait.ge [sflag:s11], $0x2800  }
0x56: {  	[sflag:s11] =	ssyncset.done $0x0  }
0x57: {  	[sflag:s11] =	ssyncadd.s32 $0xFFFFD800  }
0x58: {  	_ =	swait.ge [sflag:s5], $0x2800  }
0x59: {  	[sflag:s5] =	ssyncset.done $0x0  }
0x5a: {  	s21 =	simm.s32 $0x1080;
	[sflag:s5] =	ssyncadd.s32 $0xFFFFD800  }
0x5b: {  	[spmem:s2] =	stream.indirect.scatter.add.f32 [tilespmem:s30], [sflag:$0x5], $0x80, s21, s26, $0xb8;
	[tilespmem:$0x1C880] =	vst v63  }
0x5c: {  	s20 =	simm.s32 $0x100  }
0x5d: {  	[tilespmem:s28], [sflag:$0x2] =	stream.indirect.gather [hbm4b:s1+s26], $0x80, s20, s26, $0xb8;
	[tilespmem:$0x1C880] =	vst v63  }
0x5e: {  	_ =	swait.ge [sflag:s10], $0x2800  }
0x5f: {  	[sflag:s10] =	ssyncset.done $0x0  }
0x60: {  	[sflag:s10] =	ssyncadd.s32 $0xFFFFD800  }
0x61: {  	_ =	swait.ge [sflag:s6], $0x2800  }
0x62: {  	s19 =	simm.s32 $0xFFFFD800;
	[sflag:s6] =	ssyncset.done $0x0  }
0x63: {  	s21 =	simm.s32 $0x1100;
	s20 =	simm.s32 $0x180;
	[sflag:s6] =	ssyncadd.s32 $0xFFFFD800  }
0x64: {  	[spmem:s2] =	stream.indirect.scatter.add.f32 [tilespmem:s28], [sflag:$0x4], $0x80, s21, s26, $0xb8;
	[tilespmem:$0x1C880] =	vst v63  }
.LBB2_8:
0x65: {  	[tilespmem:s30], [sflag:$0x3] =	stream.indirect.gather [hbm4b:s1+s26], $0x80, s20, s26, $0xb8;
	[tilespmem:$0x1C880] =	vst v63  }
0x66: {  	s20 =	smov.u32 s19  }
0x67: {  	p6 =	sne.s32 s19, $0xFFFFFC00;
	s19 =	sadd.s32 $0x400, s19;
	_ =	swait.ge [sflag:s11], $0x2800  }
0x68: {  	[sflag:s11] =	ssyncset.done $0x0  }
0x69: {  	[sflag:s11] =	ssyncadd.s32 $0xFFFFD800  }
0x6a: {  	_ =	swait.ge [sflag:s5], $0x2800  }
0x6b: {  	s20 =	sshra.s32 s20, $0x2;
	[sflag:s5] =	ssyncset.done $0x0  }
0x6c: {  	s21 =	sadd.s32 $0x1B80, s20;
	[sflag:s5] =	ssyncadd.s32 $0xFFFFD800  }
0x6d: {  	[spmem:s2] =	stream.indirect.scatter.add.f32 [tilespmem:s30], [sflag:$0x5], $0x80, s21, s26, $0xb8;
	[tilespmem:$0x1C880] =	vst v63  }
0x6e: {  	s21 =	sadd.s32 $0xC00, s20  }
0x6f: {  	[tilespmem:s28], [sflag:$0x2] =	stream.indirect.gather [hbm4b:s1+s26], $0x80, s21, s26, $0xb8;
	[tilespmem:$0x1C880] =	vst v63  }
0x70: {  	_ =	swait.ge [sflag:s10], $0x2800  }
0x71: {  	[sflag:s10] =	ssyncset.done $0x0  }
0x72: {  	[sflag:s10] =	ssyncadd.s32 $0xFFFFD800  }
.Ltmp5:
0x73: {  	_ =	swait.ge [sflag:s6], $0x2800;
	(pc) =	sbr.rel @p6 .LBB2_8-.Ltmp5, $4  }
0x74: {  	[sflag:s6] =	ssyncset.done $0x0  }
0x75: {  	s21 =	sadd.s32 $0x1C00, s20;
	[sflag:s6] =	ssyncadd.s32 $0xFFFFD800  }
0x76: {  	[spmem:s2] =	stream.indirect.scatter.add.f32 [tilespmem:s28], [sflag:$0x4], $0x80, s21, s26, $0xb8;
	[tilespmem:$0x1C880] =	vst v63  }
0x77: {  	s20 =	sadd.s32 $0xC80, s20  }
0x78: {  	[tilespmem:s30], [sflag:$0x3] =	stream.indirect.gather [hbm4b:s1+s26], $0x80, s20, s26, $0xb8;
	[tilespmem:$0x1C880] =	vst v63  }
0x79: {  	_ =	swait.ge [sflag:s11], $0x2800  }
0x7a: {  	[sflag:s11] =	ssyncset.done $0x0  }
0x7b: {  	[sflag:s11] =	ssyncadd.s32 $0xFFFFD800  }
0x7c: {  	_ =	swait.ge [sflag:s5], $0x2800  }
0x7d: {  	[sflag:s5] =	ssyncset.done $0x0  }
0x7e: {  	[sflag:s5] =	ssyncadd.s32 $0xFFFFD800  }
0x7f: {  	[spmem:s2] =	stream.indirect.scatter.add.f32 [tilespmem:s30], [sflag:$0x5], $0x80, s7, s26, $0xb8;
	[tilespmem:$0x1C880] =	vst v63  }
0x80: {  	_ = 	snop  }
0x81: {  	[tilespmem:s28], [sflag:$0x2] =	stream.indirect.gather [hbm4b:s1+s26], $0x80, s12, s26, $0xb8;
	[tilespmem:$0x1C880] =	vst v63  }
0x82: {  	_ =	swait.ge [sflag:s10], $0x2800  }
0x83: {  	[sflag:s10] =	ssyncset.done $0x0  }
0x84: {  	[sflag:s10] =	ssyncadd.s32 $0xFFFFD800  }
0x85: {  	_ =	swait.ge [sflag:s6], $0x2800  }
0x86: {  	[sflag:s6] =	ssyncset.done $0x0  }
0x87: {  	[sflag:s6] =	ssyncadd.s32 $0xFFFFD800  }
0x88: {  	[spmem:s2] =	stream.indirect.scatter.add.f32 [tilespmem:s28], [sflag:$0x4], $0x80, s13, s26, $0xb8;
	[tilespmem:$0x1C880] =	vst v63  }
0x89: {  	_ =	swait.ge [sflag:s5], $0x2800  }
0x8a: {  	[sflag:s5] =	ssyncset.done $0x0  }
0x8b: {  	[sflag:s5] =	ssyncadd.s32 $0xFFFFD800  }
0x8c: {  	_ =	swait.ge [sflag:s25], $0xC80  }
0x8d: {  	[sflag:s25] =	ssyncset.done $0x0  }
0x8e: {  	[sflag:s25] =	ssyncadd.s32 $0xFFFFF380  }
0x8f: {  	_ =	swait.ge [sflag:s25], $0xC80  }
0x90: {  	[sflag:s25] =	ssyncset.done $0x0  }
0x91: {  	[sflag:s25] =	ssyncadd.s32 $0xFFFFF380  }
0x92: {  	[tilespmem:s28], [sflag:$0x2] =	stream.indirect.gather [hbm4b:s1+s26], $0x80, s31, s26, $0xb8;
	[tilespmem:$0x1C880] =	vst v63  }
0x93: {  	_ = 	snop  }
0x94: {  	[tilespmem:s30], [sflag:$0x3] =	stream.indirect.gather [hbm4b:s1+s26], $0x80, s14, s26, $0xb8;
	[tilespmem:$0x1C880] =	vst v63  }
0x95: {  	s19 =	rddreg [dreg:$0xb]  }
0x96: {  	[tilespmem:s4], [sflag:$0x1] =	stream.linear.gather [hbm4b:s19+s4], $0xC80, $0x38;
	[tilespmem:$0x1C880] =	vst v63  }
0x97: {  	s20 =	rddreg [dreg:$0xc]  }
0x98: {  	[tilespmem:s23], [sflag:$0x1] =	stream.linear.gather [hbm4b:s20+s4], $0xC80, $0x38;
	[tilespmem:$0x1C880] =	vst v63  }
0x99: {  	_ =	swait.ge [sflag:s10], $0x2800  }
0x9a: {  	[sflag:s10] =	ssyncset.done $0x0  }
0x9b: {  	[sflag:s10] =	ssyncadd.s32 $0xFFFFD800  }
0x9c: {  	[spmem:s2] =	stream.indirect.scatter.add.f32 [tilespmem:s28], [sflag:$0x4], $0x80, s0, s26, $0xb8;
	[tilespmem:$0x1C880] =	vst v63  }
0x9d: {  	_ =	swait.ge [sflag:s11], $0x2800  }
0x9e: {  	[sflag:s11] =	ssyncset.done $0x0  }
0x9f: {  	[sflag:s11] =	ssyncadd.s32 $0xFFFFD800  }
0xa0: {  	_ =	swait.ge [sflag:s5], $0x2800  }
0xa1: {  	[sflag:s5] =	ssyncset.done $0x0  }
0xa2: {  	s21 =	simm.s32 $0x3080;
	[sflag:s5] =	ssyncadd.s32 $0xFFFFD800  }
0xa3: {  	[spmem:s2] =	stream.indirect.scatter.add.f32 [tilespmem:s30], [sflag:$0x5], $0x80, s21, s26, $0xb8;
	[tilespmem:$0x1C880] =	vst v63  }
0xa4: {  	s20 =	simm.s32 $0x2100  }
0xa5: {  	[tilespmem:s28], [sflag:$0x2] =	stream.indirect.gather [hbm4b:s1+s26], $0x80, s20, s26, $0xb8;
	[tilespmem:$0x1C880] =	vst v63  }
0xa6: {  	_ =	swait.ge [sflag:s10], $0x2800  }
0xa7: {  	[sflag:s10] =	ssyncset.done $0x0  }
0xa8: {  	[sflag:s10] =	ssyncadd.s32 $0xFFFFD800  }
0xa9: {  	_ =	swait.ge [sflag:s6], $0x2800  }
0xaa: {  	s19 =	simm.s32 $0xFFFFD800;
	[sflag:s6] =	ssyncset.done $0x0  }
0xab: {  	s21 =	simm.s32 $0x3100;
	s20 =	simm.s32 $0x2180;
	[sflag:s6] =	ssyncadd.s32 $0xFFFFD800  }
0xac: {  	[spmem:s2] =	stream.indirect.scatter.add.f32 [tilespmem:s28], [sflag:$0x4], $0x80, s21, s26, $0xb8;
	[tilespmem:$0x1C880] =	vst v63  }
.LBB2_10:
0xad: {  	[tilespmem:s30], [sflag:$0x3] =	stream.indirect.gather [hbm4b:s1+s26], $0x80, s20, s26, $0xb8;
	[tilespmem:$0x1C880] =	vst v63  }
0xae: {  	s20 =	smov.u32 s19  }
0xaf: {  	p6 =	sne.s32 s19, $0xFFFFFC00;
	s19 =	sadd.s32 $0x400, s19;
	_ =	swait.ge [sflag:s11], $0x2800  }
0xb0: {  	[sflag:s11] =	ssyncset.done $0x0  }
0xb1: {  	[sflag:s11] =	ssyncadd.s32 $0xFFFFD800  }
0xb2: {  	_ =	swait.ge [sflag:s5], $0x2800  }
0xb3: {  	s20 =	sshra.s32 s20, $0x2;
	[sflag:s5] =	ssyncset.done $0x0  }
0xb4: {  	s21 =	sadd.s32 $0x3B80, s20;
	[sflag:s5] =	ssyncadd.s32 $0xFFFFD800  }
0xb5: {  	[spmem:s2] =	stream.indirect.scatter.add.f32 [tilespmem:s30], [sflag:$0x5], $0x80, s21, s26, $0xb8;
	[tilespmem:$0x1C880] =	vst v63  }
0xb6: {  	s21 =	sadd.s32 $0x2C00, s20  }
0xb7: {  	[tilespmem:s28], [sflag:$0x2] =	stream.indirect.gather [hbm4b:s1+s26], $0x80, s21, s26, $0xb8;
	[tilespmem:$0x1C880] =	vst v63  }
0xb8: {  	_ =	swait.ge [sflag:s10], $0x2800  }
0xb9: {  	[sflag:s10] =	ssyncset.done $0x0  }
0xba: {  	[sflag:s10] =	ssyncadd.s32 $0xFFFFD800  }
.Ltmp6:
0xbb: {  	_ =	swait.ge [sflag:s6], $0x2800;
	(pc) =	sbr.rel @p6 .LBB2_10-.Ltmp6, $4  }
0xbc: {  	[sflag:s6] =	ssyncset.done $0x0  }
0xbd: {  	s21 =	sadd.s32 $0x3C00, s20;
	[sflag:s6] =	ssyncadd.s32 $0xFFFFD800  }
0xbe: {  	[spmem:s2] =	stream.indirect.scatter.add.f32 [tilespmem:s28], [sflag:$0x4], $0x80, s21, s26, $0xb8;
	[tilespmem:$0x1C880] =	vst v63  }
0xbf: {  	s20 =	sadd.s32 $0x2C80, s20  }
0xc0: {  	[tilespmem:s30], [sflag:$0x3] =	stream.indirect.gather [hbm4b:s1+s26], $0x80, s20, s26, $0xb8;
	[tilespmem:$0x1C880] =	vst v63  }
0xc1: {  	_ =	swait.ge [sflag:s11], $0x2800  }
0xc2: {  	[sflag:s11] =	ssyncset.done $0x0  }
0xc3: {  	[sflag:s11] =	ssyncadd.s32 $0xFFFFD800  }
0xc4: {  	_ =	swait.ge [sflag:s5], $0x2800  }
0xc5: {  	[sflag:s5] =	ssyncset.done $0x0  }
0xc6: {  	[sflag:s5] =	ssyncadd.s32 $0xFFFFD800  }
0xc7: {  	[spmem:s2] =	stream.indirect.scatter.add.f32 [tilespmem:s30], [sflag:$0x5], $0x80, s15, s26, $0xb8;
	[tilespmem:$0x1C880] =	vst v63  }
0xc8: {  	_ = 	snop  }
0xc9: {  	[tilespmem:s28], [sflag:$0x2] =	stream.indirect.gather [hbm4b:s1+s26], $0x80, s16, s26, $0xb8;
	[tilespmem:$0x1C880] =	vst v63  }
0xca: {  	_ =	swait.ge [sflag:s10], $0x2800  }
0xcb: {  	[sflag:s10] =	ssyncset.done $0x0  }
0xcc: {  	[sflag:s10] =	ssyncadd.s32 $0xFFFFD800  }
0xcd: {  	_ =	swait.ge [sflag:s6], $0x2800  }
0xce: {  	[sflag:s6] =	ssyncset.done $0x0  }
0xcf: {  	[sflag:s6] =	ssyncadd.s32 $0xFFFFD800  }
0xd0: {  	[spmem:s2] =	stream.indirect.scatter.add.f32 [tilespmem:s28], [sflag:$0x4], $0x80, s17, s26, $0xb8;
	[tilespmem:$0x1C880] =	vst v63  }
0xd1: {  	_ =	swait.ge [sflag:s5], $0x2800  }
0xd2: {  	[sflag:s5] =	ssyncset.done $0x0  }
0xd3: {  	[sflag:s5] =	ssyncadd.s32 $0xFFFFD800  }
0xd4: {  	_ =	swait.ge [sflag:s25], $0xC80  }
0xd5: {  	[sflag:s25] =	ssyncset.done $0x0  }
0xd6: {  	[sflag:s25] =	ssyncadd.s32 $0xFFFFF380  }
0xd7: {  	_ =	swait.ge [sflag:s25], $0xC80  }
0xd8: {  	[sflag:s25] =	ssyncset.done $0x0  }
0xd9: {  	[sflag:s25] =	ssyncadd.s32 $0xFFFFF380  }
0xda: {  	[tilespmem:s28], [sflag:$0x2] =	stream.indirect.gather [hbm4b:s1+s26], $0x80, s4, s26, $0xb8;
	[tilespmem:$0x1C880] =	vst v63  }
0xdb: {  	_ = 	snop  }
0xdc: {  	[tilespmem:s30], [sflag:$0x3] =	stream.indirect.gather [hbm4b:s1+s26], $0x80, s29, s26, $0xb8;
	[tilespmem:$0x1C880] =	vst v63  }
0xdd: {  	s19 =	rddreg [dreg:$0xd]  }
0xde: {  	[tilespmem:s31], [sflag:$0x1] =	stream.linear.gather [hbm4b:s19+s4], $0xC80, $0x38;
	[tilespmem:$0x1C880] =	vst v63  }
0xdf: {  	s20 =	rddreg [dreg:$0xe]  }
0xe0: {  	[tilespmem:s0], [sflag:$0x1] =	stream.linear.gather [hbm4b:s20+s4], $0xC80, $0x38;
	[tilespmem:$0x1C880] =	vst v63  }
0xe1: {  	_ =	swait.ge [sflag:s10], $0x2800  }
0xe2: {  	[sflag:s10] =	ssyncset.done $0x0  }
0xe3: {  	[sflag:s10] =	ssyncadd.s32 $0xFFFFD800  }
0xe4: {  	[spmem:s2] =	stream.indirect.scatter.add.f32 [tilespmem:s28], [sflag:$0x4], $0x80, s23, s26, $0xb8;
	[tilespmem:$0x1C880] =	vst v63  }
0xe5: {  	_ =	swait.ge [sflag:s11], $0x2800  }
0xe6: {  	[sflag:s11] =	ssyncset.done $0x0  }
0xe7: {  	[sflag:s11] =	ssyncadd.s32 $0xFFFFD800  }
0xe8: {  	_ =	swait.ge [sflag:s5], $0x2800  }
0xe9: {  	[sflag:s5] =	ssyncset.done $0x0  }
0xea: {  	s21 =	simm.s32 $0x1080;
	[sflag:s5] =	ssyncadd.s32 $0xFFFFD800  }
0xeb: {  	[spmem:s2] =	stream.indirect.scatter.add.f32 [tilespmem:s30], [sflag:$0x5], $0x80, s21, s26, $0xb8;
	[tilespmem:$0x1C880] =	vst v63  }
0xec: {  	s20 =	simm.s32 $0x100  }
0xed: {  	[tilespmem:s28], [sflag:$0x2] =	stream.indirect.gather [hbm4b:s1+s26], $0x80, s20, s26, $0xb8;
	[tilespmem:$0x1C880] =	vst v63  }
0xee: {  	_ =	swait.ge [sflag:s10], $0x2800  }
0xef: {  	[sflag:s10] =	ssyncset.done $0x0  }
0xf0: {  	[sflag:s10] =	ssyncadd.s32 $0xFFFFD800  }
0xf1: {  	_ =	swait.ge [sflag:s6], $0x2800  }
0xf2: {  	s19 =	simm.s32 $0xFFFFD800;
	[sflag:s6] =	ssyncset.done $0x0  }
0xf3: {  	s21 =	simm.s32 $0x1100;
	s20 =	simm.s32 $0x180;
	[sflag:s6] =	ssyncadd.s32 $0xFFFFD800  }
0xf4: {  	[spmem:s2] =	stream.indirect.scatter.add.f32 [tilespmem:s28], [sflag:$0x4], $0x80, s21, s26, $0xb8;
	[tilespmem:$0x1C880] =	vst v63  }
.LBB2_12:
0xf5: {  	[tilespmem:s30], [sflag:$0x3] =	stream.indirect.gather [hbm4b:s1+s26], $0x80, s20, s26, $0xb8;
	[tilespmem:$0x1C880] =	vst v63  }
0xf6: {  	s20 =	smov.u32 s19  }
0xf7: {  	p6 =	sne.s32 s19, $0xFFFFFC00;
	s19 =	sadd.s32 $0x400, s19;
	_ =	swait.ge [sflag:s11], $0x2800  }
0xf8: {  	[sflag:s11] =	ssyncset.done $0x0  }
0xf9: {  	[sflag:s11] =	ssyncadd.s32 $0xFFFFD800  }
0xfa: {  	_ =	swait.ge [sflag:s5], $0x2800  }
0xfb: {  	s20 =	sshra.s32 s20, $0x2;
	[sflag:s5] =	ssyncset.done $0x0  }
0xfc: {  	s21 =	sadd.s32 $0x1B80, s20;
	[sflag:s5] =	ssyncadd.s32 $0xFFFFD800  }
0xfd: {  	[spmem:s2] =	stream.indirect.scatter.add.f32 [tilespmem:s30], [sflag:$0x5], $0x80, s21, s26, $0xb8;
	[tilespmem:$0x1C880] =	vst v63  }
0xfe: {  	s21 =	sadd.s32 $0xC00, s20  }
0xff: {  	[tilespmem:s28], [sflag:$0x2] =	stream.indirect.gather [hbm4b:s1+s26], $0x80, s21, s26, $0xb8;
	[tilespmem:$0x1C880] =	vst v63  }
0x100: {  	_ =	swait.ge [sflag:s10], $0x2800  }
0x101: {  	[sflag:s10] =	ssyncset.done $0x0  }
0x102: {  	[sflag:s10] =	ssyncadd.s32 $0xFFFFD800  }
.Ltmp7:
0x103: {  	_ =	swait.ge [sflag:s6], $0x2800;
	(pc) =	sbr.rel @p6 .LBB2_12-.Ltmp7, $4  }
0x104: {  	[sflag:s6] =	ssyncset.done $0x0  }
0x105: {  	s21 =	sadd.s32 $0x1C00, s20;
	[sflag:s6] =	ssyncadd.s32 $0xFFFFD800  }
0x106: {  	[spmem:s2] =	stream.indirect.scatter.add.f32 [tilespmem:s28], [sflag:$0x4], $0x80, s21, s26, $0xb8;
	[tilespmem:$0x1C880] =	vst v63  }
0x107: {  	s20 =	sadd.s32 $0xC80, s20  }
0x108: {  	[tilespmem:s30], [sflag:$0x3] =	stream.indirect.gather [hbm4b:s1+s26], $0x80, s20, s26, $0xb8;
	[tilespmem:$0x1C880] =	vst v63  }
0x109: {  	_ =	swait.ge [sflag:s11], $0x2800  }
0x10a: {  	[sflag:s11] =	ssyncset.done $0x0  }
0x10b: {  	[sflag:s11] =	ssyncadd.s32 $0xFFFFD800  }
0x10c: {  	_ =	swait.ge [sflag:s5], $0x2800  }
0x10d: {  	[sflag:s5] =	ssyncset.done $0x0  }
0x10e: {  	[sflag:s5] =	ssyncadd.s32 $0xFFFFD800  }
0x10f: {  	[spmem:s2] =	stream.indirect.scatter.add.f32 [tilespmem:s30], [sflag:$0x5], $0x80, s7, s26, $0xb8;
	[tilespmem:$0x1C880] =	vst v63  }
0x110: {  	_ = 	snop  }
0x111: {  	[tilespmem:s28], [sflag:$0x2] =	stream.indirect.gather [hbm4b:s1+s26], $0x80, s12, s26, $0xb8;
	[tilespmem:$0x1C880] =	vst v63  }
0x112: {  	_ =	swait.ge [sflag:s10], $0x2800  }
0x113: {  	[sflag:s10] =	ssyncset.done $0x0  }
0x114: {  	[sflag:s10] =	ssyncadd.s32 $0xFFFFD800  }
0x115: {  	_ =	swait.ge [sflag:s6], $0x2800  }
0x116: {  	[sflag:s6] =	ssyncset.done $0x0  }
0x117: {  	[sflag:s6] =	ssyncadd.s32 $0xFFFFD800  }
0x118: {  	[spmem:s2] =	stream.indirect.scatter.add.f32 [tilespmem:s28], [sflag:$0x4], $0x80, s13, s26, $0xb8;
	[tilespmem:$0x1C880] =	vst v63  }
0x119: {  	_ =	swait.ge [sflag:s5], $0x2800  }
0x11a: {  	[sflag:s5] =	ssyncset.done $0x0  }
0x11b: {  	[sflag:s5] =	ssyncadd.s32 $0xFFFFD800  }
0x11c: {  	_ =	swait.ge [sflag:s25], $0xC80  }
0x11d: {  	[sflag:s25] =	ssyncset.done $0x0  }
0x11e: {  	[sflag:s25] =	ssyncadd.s32 $0xFFFFF380  }
0x11f: {  	_ =	swait.ge [sflag:s25], $0xC80  }
0x120: {  	[sflag:s25] =	ssyncset.done $0x0  }
0x121: {  	[sflag:s25] =	ssyncadd.s32 $0xFFFFF380  }
0x122: {  	[tilespmem:s28], [sflag:$0x2] =	stream.indirect.gather [hbm4b:s1+s26], $0x80, s31, s26, $0xb8;
	[tilespmem:$0x1C880] =	vst v63  }
0x123: {  	_ = 	snop  }
0x124: {  	[tilespmem:s30], [sflag:$0x3] =	stream.indirect.gather [hbm4b:s1+s26], $0x80, s14, s26, $0xb8;
	[tilespmem:$0x1C880] =	vst v63  }
0x125: {  	s19 =	rddreg [dreg:$0xf]  }
0x126: {  	[tilespmem:s4], [sflag:$0x1] =	stream.linear.gather [hbm4b:s19+s4], $0xC80, $0x38;
	[tilespmem:$0x1C880] =	vst v63  }
0x127: {  	s20 =	rddreg [dreg:$0x10]  }
0x128: {  	[tilespmem:s23], [sflag:$0x1] =	stream.linear.gather [hbm4b:s20+s4], $0xC80, $0x38;
	[tilespmem:$0x1C880] =	vst v63  }
0x129: {  	_ =	swait.ge [sflag:s10], $0x2800  }
0x12a: {  	[sflag:s10] =	ssyncset.done $0x0  }
0x12b: {  	[sflag:s10] =	ssyncadd.s32 $0xFFFFD800  }
0x12c: {  	[spmem:s2] =	stream.indirect.scatter.add.f32 [tilespmem:s28], [sflag:$0x4], $0x80, s0, s26, $0xb8;
	[tilespmem:$0x1C880] =	vst v63  }
0x12d: {  	_ =	swait.ge [sflag:s11], $0x2800  }
0x12e: {  	[sflag:s11] =	ssyncset.done $0x0  }
0x12f: {  	[sflag:s11] =	ssyncadd.s32 $0xFFFFD800  }
0x130: {  	_ =	swait.ge [sflag:s5], $0x2800  }
0x131: {  	[sflag:s5] =	ssyncset.done $0x0  }
0x132: {  	s21 =	simm.s32 $0x3080;
	[sflag:s5] =	ssyncadd.s32 $0xFFFFD800  }
0x133: {  	[spmem:s2] =	stream.indirect.scatter.add.f32 [tilespmem:s30], [sflag:$0x5], $0x80, s21, s26, $0xb8;
	[tilespmem:$0x1C880] =	vst v63  }
0x134: {  	s20 =	simm.s32 $0x2100  }
0x135: {  	[tilespmem:s28], [sflag:$0x2] =	stream.indirect.gather [hbm4b:s1+s26], $0x80, s20, s26, $0xb8;
	[tilespmem:$0x1C880] =	vst v63  }
0x136: {  	_ =	swait.ge [sflag:s10], $0x2800  }
0x137: {  	[sflag:s10] =	ssyncset.done $0x0  }
0x138: {  	[sflag:s10] =	ssyncadd.s32 $0xFFFFD800  }
0x139: {  	_ =	swait.ge [sflag:s6], $0x2800  }
0x13a: {  	s19 =	simm.s32 $0xFFFFD800;
	[sflag:s6] =	ssyncset.done $0x0  }
0x13b: {  	s21 =	simm.s32 $0x3100;
	s20 =	simm.s32 $0x2180;
	[sflag:s6] =	ssyncadd.s32 $0xFFFFD800  }
0x13c: {  	[spmem:s2] =	stream.indirect.scatter.add.f32 [tilespmem:s28], [sflag:$0x4], $0x80, s21, s26, $0xb8;
	[tilespmem:$0x1C880] =	vst v63  }
.LBB2_14:
0x13d: {  	[tilespmem:s30], [sflag:$0x3] =	stream.indirect.gather [hbm4b:s1+s26], $0x80, s20, s26, $0xb8;
	[tilespmem:$0x1C880] =	vst v63  }
0x13e: {  	s20 =	smov.u32 s19  }
0x13f: {  	p6 =	sne.s32 s19, $0xFFFFFC00;
	s19 =	sadd.s32 $0x400, s19;
	_ =	swait.ge [sflag:s11], $0x2800  }
0x140: {  	[sflag:s11] =	ssyncset.done $0x0  }
0x141: {  	[sflag:s11] =	ssyncadd.s32 $0xFFFFD800  }
0x142: {  	_ =	swait.ge [sflag:s5], $0x2800  }
0x143: {  	s20 =	sshra.s32 s20, $0x2;
	[sflag:s5] =	ssyncset.done $0x0  }
0x144: {  	s21 =	sadd.s32 $0x3B80, s20;
	[sflag:s5] =	ssyncadd.s32 $0xFFFFD800  }
0x145: {  	[spmem:s2] =	stream.indirect.scatter.add.f32 [tilespmem:s30], [sflag:$0x5], $0x80, s21, s26, $0xb8;
	[tilespmem:$0x1C880] =	vst v63  }
0x146: {  	s21 =	sadd.s32 $0x2C00, s20  }
0x147: {  	[tilespmem:s28], [sflag:$0x2] =	stream.indirect.gather [hbm4b:s1+s26], $0x80, s21, s26, $0xb8;
	[tilespmem:$0x1C880] =	vst v63  }
0x148: {  	_ =	swait.ge [sflag:s10], $0x2800  }
0x149: {  	[sflag:s10] =	ssyncset.done $0x0  }
0x14a: {  	[sflag:s10] =	ssyncadd.s32 $0xFFFFD800  }
.Ltmp8:
0x14b: {  	_ =	swait.ge [sflag:s6], $0x2800;
	(pc) =	sbr.rel @p6 .LBB2_14-.Ltmp8, $4  }
0x14c: {  	[sflag:s6] =	ssyncset.done $0x0  }
0x14d: {  	s21 =	sadd.s32 $0x3C00, s20;
	[sflag:s6] =	ssyncadd.s32 $0xFFFFD800  }
0x14e: {  	[spmem:s2] =	stream.indirect.scatter.add.f32 [tilespmem:s28], [sflag:$0x4], $0x80, s21, s26, $0xb8;
	[tilespmem:$0x1C880] =	vst v63  }
0x14f: {  	s20 =	sadd.s32 $0x2C80, s20  }
0x150: {  	[tilespmem:s30], [sflag:$0x3] =	stream.indirect.gather [hbm4b:s1+s26], $0x80, s20, s26, $0xb8;
	[tilespmem:$0x1C880] =	vst v63  }
0x151: {  	_ =	swait.ge [sflag:s11], $0x2800  }
0x152: {  	[sflag:s11] =	ssyncset.done $0x0  }
0x153: {  	[sflag:s11] =	ssyncadd.s32 $0xFFFFD800  }
0x154: {  	_ =	swait.ge [sflag:s5], $0x2800  }
0x155: {  	[sflag:s5] =	ssyncset.done $0x0  }
0x156: {  	[sflag:s5] =	ssyncadd.s32 $0xFFFFD800  }
0x157: {  	[spmem:s2] =	stream.indirect.scatter.add.f32 [tilespmem:s30], [sflag:$0x5], $0x80, s15, s26, $0xb8;
	[tilespmem:$0x1C880] =	vst v63  }
0x158: {  	_ = 	snop  }
0x159: {  	[tilespmem:s28], [sflag:$0x2] =	stream.indirect.gather [hbm4b:s1+s26], $0x80, s16, s26, $0xb8;
	[tilespmem:$0x1C880] =	vst v63  }
0x15a: {  	_ =	swait.ge [sflag:s10], $0x2800  }
0x15b: {  	[sflag:s10] =	ssyncset.done $0x0  }
0x15c: {  	[sflag:s10] =	ssyncadd.s32 $0xFFFFD800  }
0x15d: {  	_ =	swait.ge [sflag:s6], $0x2800  }
0x15e: {  	[sflag:s6] =	ssyncset.done $0x0  }
0x15f: {  	[sflag:s6] =	ssyncadd.s32 $0xFFFFD800  }
0x160: {  	[spmem:s2] =	stream.indirect.scatter.add.f32 [tilespmem:s28], [sflag:$0x4], $0x80, s17, s26, $0xb8;
	[tilespmem:$0x1C880] =	vst v63  }
0x161: {  	_ =	swait.ge [sflag:s5], $0x2800  }
0x162: {  	[sflag:s5] =	ssyncset.done $0x0  }
0x163: {  	[sflag:s5] =	ssyncadd.s32 $0xFFFFD800  }
0x164: {  	_ =	swait.ge [sflag:s25], $0xC80  }
0x165: {  	[sflag:s25] =	ssyncset.done $0x0  }
0x166: {  	[sflag:s25] =	ssyncadd.s32 $0xFFFFF380  }
0x167: {  	_ =	swait.ge [sflag:s25], $0xC80  }
0x168: {  	[sflag:s25] =	ssyncset.done $0x0  }
0x169: {  	[sflag:s25] =	ssyncadd.s32 $0xFFFFF380  }
0x16a: {  	[tilespmem:s28], [sflag:$0x2] =	stream.indirect.gather [hbm4b:s1+s26], $0x80, s4, s26, $0xb8;
	[tilespmem:$0x1C880] =	vst v63  }
0x16b: {  	_ = 	snop  }
0x16c: {  	[tilespmem:s30], [sflag:$0x3] =	stream.indirect.gather [hbm4b:s1+s26], $0x80, s29, s26, $0xb8;
	[tilespmem:$0x1C880] =	vst v63  }
0x16d: {  	_ =	swait.ge [sflag:s10], $0x2800  }
0x16e: {  	[sflag:s10] =	ssyncset.done $0x0  }
0x16f: {  	[sflag:s10] =	ssyncadd.s32 $0xFFFFD800  }
0x170: {  	[spmem:s2] =	stream.indirect.scatter.add.f32 [tilespmem:s28], [sflag:$0x4], $0x80, s23, s26, $0xb8;
	[tilespmem:$0x1C880] =	vst v63  }
0x171: {  	_ =	swait.ge [sflag:s11], $0x2800  }
0x172: {  	[sflag:s11] =	ssyncset.done $0x0  }
0x173: {  	[sflag:s11] =	ssyncadd.s32 $0xFFFFD800  }
0x174: {  	_ =	swait.ge [sflag:s5], $0x2800  }
0x175: {  	[sflag:s5] =	ssyncset.done $0x0  }
0x176: {  	s19 =	simm.s32 $0x1080;
	[sflag:s5] =	ssyncadd.s32 $0xFFFFD800  }
0x177: {  	[spmem:s2] =	stream.indirect.scatter.add.f32 [tilespmem:s30], [sflag:$0x5], $0x80, s19, s26, $0xb8;
	[tilespmem:$0x1C880] =	vst v63  }
0x178: {  	s20 =	simm.s32 $0x100  }
0x179: {  	[tilespmem:s28], [sflag:$0x2] =	stream.indirect.gather [hbm4b:s1+s26], $0x80, s20, s26, $0xb8;
	[tilespmem:$0x1C880] =	vst v63  }
0x17a: {  	_ =	swait.ge [sflag:s10], $0x2800  }
0x17b: {  	[sflag:s10] =	ssyncset.done $0x0  }
0x17c: {  	[sflag:s10] =	ssyncadd.s32 $0xFFFFD800  }
0x17d: {  	_ =	swait.ge [sflag:s6], $0x2800  }
0x17e: {  	s21 =	simm.s32 $0x1100;
	[sflag:s6] =	ssyncset.done $0x0  }
0x17f: {  	s19 =	simm.s32 $0xFFFFD800;
	s20 =	simm.s32 $0x180;
	[sflag:s6] =	ssyncadd.s32 $0xFFFFD800  }
0x180: {  	[spmem:s2] =	stream.indirect.scatter.add.f32 [tilespmem:s28], [sflag:$0x4], $0x80, s21, s26, $0xb8;
	[tilespmem:$0x1C880] =	vst v63  }
.LBB2_16:
0x181: {  	[tilespmem:s30], [sflag:$0x3] =	stream.indirect.gather [hbm4b:s1+s26], $0x80, s20, s26, $0xb8;
	[tilespmem:$0x1C880] =	vst v63  }
0x182: {  	s20 =	smov.u32 s19  }
0x183: {  	p6 =	sne.s32 s19, $0xFFFFFC00;
	s19 =	sadd.s32 $0x400, s19;
	_ =	swait.ge [sflag:s11], $0x2800  }
0x184: {  	[sflag:s11] =	ssyncset.done $0x0  }
0x185: {  	[sflag:s11] =	ssyncadd.s32 $0xFFFFD800  }
0x186: {  	_ =	swait.ge [sflag:s5], $0x2800  }
0x187: {  	s20 =	sshra.s32 s20, $0x2;
	[sflag:s5] =	ssyncset.done $0x0  }
0x188: {  	s21 =	sadd.s32 $0x1B80, s20;
	[sflag:s5] =	ssyncadd.s32 $0xFFFFD800  }
0x189: {  	[spmem:s2] =	stream.indirect.scatter.add.f32 [tilespmem:s30], [sflag:$0x5], $0x80, s21, s26, $0xb8;
	[tilespmem:$0x1C880] =	vst v63  }
0x18a: {  	s21 =	sadd.s32 $0xC00, s20  }
0x18b: {  	[tilespmem:s28], [sflag:$0x2] =	stream.indirect.gather [hbm4b:s1+s26], $0x80, s21, s26, $0xb8;
	[tilespmem:$0x1C880] =	vst v63  }
0x18c: {  	_ =	swait.ge [sflag:s10], $0x2800  }
0x18d: {  	[sflag:s10] =	ssyncset.done $0x0  }
0x18e: {  	[sflag:s10] =	ssyncadd.s32 $0xFFFFD800  }
.Ltmp9:
0x18f: {  	_ =	swait.ge [sflag:s6], $0x2800;
	(pc) =	sbr.rel @p6 .LBB2_16-.Ltmp9, $4  }
0x190: {  	[sflag:s6] =	ssyncset.done $0x0  }
0x191: {  	s21 =	sadd.s32 $0x1C00, s20;
	[sflag:s6] =	ssyncadd.s32 $0xFFFFD800  }
0x192: {  	[spmem:s2] =	stream.indirect.scatter.add.f32 [tilespmem:s28], [sflag:$0x4], $0x80, s21, s26, $0xb8;
	[tilespmem:$0x1C880] =	vst v63  }
0x193: {  	s20 =	sadd.s32 $0xC80, s20  }
0x194: {  	[tilespmem:s30], [sflag:$0x3] =	stream.indirect.gather [hbm4b:s1+s26], $0x80, s20, s26, $0xb8;
	[tilespmem:$0x1C880] =	vst v63  }
0x195: {  	_ =	swait.ge [sflag:s11], $0x2800  }
0x196: {  	[sflag:s11] =	ssyncset.done $0x0  }
0x197: {  	[sflag:s11] =	ssyncadd.s32 $0xFFFFD800  }
0x198: {  	_ =	swait.ge [sflag:s5], $0x2800  }
0x199: {  	[sflag:s5] =	ssyncset.done $0x0  }
0x19a: {  	[sflag:s5] =	ssyncadd.s32 $0xFFFFD800  }
0x19b: {  	[spmem:s2] =	stream.indirect.scatter.add.f32 [tilespmem:s30], [sflag:$0x5], $0x80, s7, s26, $0xb8;
	[tilespmem:$0x1C880] =	vst v63  }
0x19c: {  	_ = 	snop  }
0x19d: {  	[tilespmem:s28], [sflag:$0x2] =	stream.indirect.gather [hbm4b:s1+s26], $0x80, s12, s26, $0xb8;
	[tilespmem:$0x1C880] =	vst v63  }
0x19e: {  	_ =	swait.ge [sflag:s10], $0x2800  }
0x19f: {  	[sflag:s10] =	ssyncset.done $0x0  }
0x1a0: {  	[sflag:s10] =	ssyncadd.s32 $0xFFFFD800  }
0x1a1: {  	_ =	swait.ge [sflag:s6], $0x2800  }
0x1a2: {  	[sflag:s6] =	ssyncset.done $0x0  }
0x1a3: {  	[sflag:s6] =	ssyncadd.s32 $0xFFFFD800  }
0x1a4: {  	[spmem:s2] =	stream.indirect.scatter.add.f32 [tilespmem:s28], [sflag:$0x4], $0x80, s13, s26, $0xb8;
	[tilespmem:$0x1C880] =	vst v63  }
0x1a5: {  	_ =	swait.ge [sflag:s5], $0x2800  }
0x1a6: {  	[sflag:s5] =	ssyncset.done $0x0  }
0x1a7: {  	[sflag:s5] =	ssyncadd.s32 $0xFFFFD800  }
0x1a8: {  	s19 =	sshll.u32 @!p0 s3, $0x6;
	[bflag:$0x0] =	sbarrier.arrive $0xFFFF  }
0x1a9: {  	s20 =	sshrl.u32 @!p0 s9, $0x3;
	s19 =	sor.u32 @!p0 $0x1C06, s19;
	s21 =	rddreg [dreg:$0x11]  }
0x1aa: {  	[hbm:s21], [sflag:s19] =	dma.local @!p0 [spmem:s20], $0x2700  }
0x1ab: {  	s18 =	sadd.s32 $0x1, s18;
	s19 =	simm.s32 @!p0 $0x6  }
0x1ac: {  	p6 =	sne.s32 s18, s22;
	_ =	swait.ge @!p0 [sflag:s19], $0x2700  }
0x1ad: {  	s20 =	sshll.u32 @p5 s3, $0x6;
	[sflag:s19] =	ssyncset.done @!p0 $0x0;
	s21 =	rddreg [dreg:$0x12]  }
0x1ae: {  	[sflag:s19] =	ssyncadd.s32 @!p0 $0xFFFFD900;
	s19 =	sor.u32 @p5 $0x1C06, s20;
	s20 =	sshrl.u32 @p5 s8, $0x3  }
0x1af: {  	[hbm:s21], [sflag:s19] =	dma.local @p5 [spmem:s20], $0x2800  }
.Ltmp10:
0x1b0: {  	_ = 	snop;
	(pc) =	sbr.rel @p6 .LBB2_1-.Ltmp10, $4  }
0x1b1: {  	s19 =	simm.s32 @p5 $0x6  }
0x1b2: {  	_ =	swait.ge @p5 [sflag:s19], $0x2800  }
0x1b3: {  	[sflag:s19] =	ssyncset.done @p5 $0x0  }
0x1b4: {  	[sflag:s19] =	ssyncadd.s32 @p5 $0xFFFFD800  }
0x1b5: {  	_ =	sfence.sel $0x180000  }
0x1b6: {  	[bflag:$0x0] =	sbarrier.arrive $0xFFFF  }
0x1b7: {  	_ =	strace $0x90000047  }
0x1b8: {  	[bflag:$0x2] =	sbarrier.arrive $0xFFFF  }
0x1b9: {  	p0 =	sne.s32 s3, $0x0;
	s0 =	rddreg [dreg:$0x3]  }
0x1ba: {  	s0 =	sadd.s32 @!p0 $0x100000, s0  }
0x1bb: {  	[sflag:s0] =	ssyncadd.tile.s32 @!p0 $0x1;
	_ =	shalt  }
.Lfunc_end2:
_tile_overlayer_lowered:
.L_overlay_start_2:
0x1bc: {  	(tag) =	ssettag $0x2  }
0x1bd: {  	s0 =	rddreg [dreg:$0x0];
	s2 =	stileid.u32  }
0x1be: {  	s1 =	rddreg [dreg:$0x1];
	p0 =	sne.s32 s2, $0x0  }
0x1bf: {  	s3 =	rddreg [dreg:$0x2];
	[bflag:$0x3] =	sbarrier.arrive $0xFFFF;
	s2 =	simm.s32 @!p0 $0x1C06  }
0x1c0: {  	[timem:s3], [sflag:s2] =	dma.local @!p0 [hbm:s0], s1  }
0x1c1: {  	s0 =	simm.s32 @!p0 $0x6  }
0x1c2: {  	_ =	swait.ge @!p0 [sflag:s0], s1  }
0x1c3: {  	s1 =	ssub.s32 @!p0 $0x0, s1;
	[sflag:s0] =	ssyncset.done @!p0 $0x0  }
0x1c4: {  	[sflag:s0] =	ssyncadd.s32 @!p0 s1  }
0x1c5: {  	[bflag:$0x3] =	sbarrier.arrive $0xFFFF  }
0x1c6: {  	_ =	shalt  }

// kernel: kernel.9.cloned.1.call-start
scs
__scs_entry_jumppad:
0x0: {  	(pc) =	sbr.rel $0x88, $3  }
0x1: {  	(tag) =	ssettag $0x0;
	lr =	simm.s32 $0x1  }
0x2: {  	[smem:$0x3F99] =	sst lr;
	_ =	strace $0xD0000000  }
0x3: {  	_ = 	snop  }
0x4: {  	_ = 	snop  }
0x5: {  	_ = 	snop  }
0x6: {  	_ = 	snop  }
0x7: {  	_ = 	snop  }
__scs_overlays_trampoline_lowered:
0x8: {  	[smem:$0x3FA8] =	sst s0  }
0x9: {  	[smem:$0x3FA9] =	sst s1  }
0xa: {  	[smem:$0x3FAA] =	sst s2  }
0xb: {  	[smem:$0x3FAB] =	sst s3  }
0xc: {  	[smem:$0x3FAC] =	sst s4  }
0xd: {  	[smem:$0x3FAD] =	sst s5  }
0xe: {  	[smem:$0x3FAE] =	sst s6  }
0xf: {  	[smem:$0x3FAF] =	sst s7  }
0x10: {  	[smem:$0x3FB0] =	sst s8  }
0x11: {  	[smem:$0x3FB1] =	sst s9;
	s0 =	simm.s32 @!p0 $0x0  }
0x12: {  	s1 =	sld [smem:$0x3F97];
	s0 =	simm.s32 @p0 $0x1  }
0x13: {  	[smem:$0x3FB2] =	sst s0;
	s0 =	simm.s32 @!p1 $0x0  }
0x14: {  	s2 =	sld [smem:$0x3F96];
	s0 =	simm.s32 @p1 $0x1  }
0x15: {  	[smem:$0x3FB3] =	sst s0;
	s0 =	simm.s32 @!p2 $0x0  }
0x16: {  	s3 =	sld [smem:$0x3FDB];
	s0 =	simm.s32 @p2 $0x1  }
0x17: {  	s4 =	simm.s32 $0x1BF5;
	[smem:$0x3FB5] =	sst s0  }
0x18: {  	s0 =	sld [smem:$0x3F98];
	_ =	swait.ge [sflag:s4], $0x0  }
0x19: {  	s7 =	sld [smem:$0x3F99]  }
0x1a: {  	s8 =	sadd.s32 $0xFFFFE003, lr  }
0x1b: {  	s9 =	sadd.s32 $0xFFFFFEF7, lr;
	s5 =	simm.s32 $0xFFFFFFFF;
	p2 =	slt.u32 s8, $0xFFFFF086  }
0x1c: {  	p1 =	slt.u32 s9, $0xF7A;
	s5 =	simm.s32 @!p2 $0x0  }
0x1d: {  	s5 =	simm.s32 @p1 $0x1;
	p0 =	seq.s32 s7, s2  }
0x1e: {  	s7 =	smul.u32 @!p0 $0xF7A, s2;
	p2 =	seq.s32 @!p0 s5, $0x0  }
0x1f: {  	s9 =	smul.u32 $0xF7A, s1;
	s8 =	simm.s32 @!p0 $0x1BF5;
	p2 =	por !p2, p0  }
0x20: {  	[sflag:s8] =	ssyncset.s32 @!p0 $0xFFFFF086;
	s6 =	sadd.s32 @!p0 s3, s7;
	s7 =	simm.s32 @!p0 $0x108  }
0x21: {  	s3 =	sadd.s32 s3, s9;
	s6 =	sadd.s32 @!p0 $0x88, s6;
	s7 =	simm.s32 @p2 $0x1082  }
0x22: {  	[simem:s7], [sflag:s8] =	dma.local @!p0 [hbm:s6], $0xF7A  }
0x23: {  	s9 =	sor.u32 $0xD0000000, s2;
	s6 =	simm.s32 $0x108;
	_ =	swait.ge @!p0 [sflag:s8], $0x0  }
0x24: {  	s3 =	sadd.s32 $0x88, s3;
	s6 =	simm.s32 @!p1 $0x1082;
	[sflag:s4] =	ssyncset.s32 $0xFFFFF086  }
0x25: {  	[simem:s6], [sflag:s4] =	dma.local [hbm:s3], $0xF7A  }
0x26: {  	[smem:$0x3F99] =	sst s1;
	(tag) =	ssettag s2;
	_ =	strace s9  }
0x27: {  	s1 =	sld [smem:$0x3FA9]  }
0x28: {  	s2 =	sld [smem:$0x3FAA]  }
0x29: {  	s4 =	sld [smem:$0x3FAC]  }
0x2a: {  	p0 =	seq.s32 s5, $0x0;
	s5 =	sld [smem:$0x3FAD]  }
0x2b: {  	s6 =	sld [smem:$0x3FAE]  }
0x2c: {  	s7 =	sld [smem:$0x3FAF]  }
0x2d: {  	s3 =	simm.s32 $0x108;
	s8 =	sld [smem:$0x3FB0]  }
0x2e: {  	s3 =	simm.s32 @!p0 $0x1082;
	s9 =	sld [smem:$0x3FB1]  }
0x2f: {  	lr =	sadd.s32 s0, s3;
	s0 =	sld [smem:$0x3FA8]  }
0x30: {  	s3 =	sld [smem:$0x3FAB]  }
0x31: {  	[smem:$0x3FB4] =	sst s10  }
0x32: {  	s10 =	sld [smem:$0x3FB2];
	_ =	sdelay $0x3  }
0x33: {  	p0 =	seq.s32 s10, $0x1;
	s10 =	sld [smem:$0x3FB4];
	_ =	sdelay $0x3  }
0x34: {  	[smem:$0x3FB4] =	sst s10  }
0x35: {  	s10 =	sld [smem:$0x3FB3];
	_ =	sdelay $0x3  }
0x36: {  	p1 =	seq.s32 s10, $0x1;
	s10 =	sld [smem:$0x3FB4];
	_ =	sdelay $0x3  }
0x37: {  	[smem:$0x3FB4] =	sst s10  }
0x38: {  	s10 =	sld [smem:$0x3FB5]  }
0x39: {  	_ = 	snop;
	(pc) =	sbr.ind lr, $3  }
0x3a: {  	_ = 	snop  }
0x3b: {  	_ = 	snop  }
0x3c: {  	p2 =	seq.s32 s10, $0x1;
	s10 =	sld [smem:$0x3FB4]  }
0x3d: {  	_ =	shalt  }
0x3e: {  	_ =	shalt  }
0x3f: {  	_ =	shalt  }
0x40: {  	_ =	shalt  }
0x41: {  	_ =	shalt  }
0x42: {  	_ =	shalt  }
0x43: {  	_ =	shalt  }
0x44: {  	_ =	shalt  }
0x45: {  	_ =	shalt  }
0x46: {  	_ =	shalt  }
0x47: {  	_ =	shalt  }
0x48: {  	_ =	shalt  }
0x49: {  	_ =	shalt  }
0x4a: {  	_ =	shalt  }
0x4b: {  	_ =	shalt  }
0x4c: {  	_ =	shalt  }
0x4d: {  	_ =	shalt  }
0x4e: {  	_ =	shalt  }
0x4f: {  	_ =	shalt  }
0x50: {  	_ =	shalt  }
0x51: {  	_ =	shalt  }
0x52: {  	_ =	shalt  }
0x53: {  	_ =	shalt  }
0x54: {  	_ =	shalt  }
0x55: {  	_ =	shalt  }
0x56: {  	_ =	shalt  }
0x57: {  	_ =	shalt  }
0x58: {  	_ =	shalt  }
0x59: {  	_ =	shalt  }
0x5a: {  	_ =	shalt  }
0x5b: {  	_ =	shalt  }
0x5c: {  	_ =	shalt  }
0x5d: {  	_ =	shalt  }
0x5e: {  	_ =	shalt  }
0x5f: {  	_ =	shalt  }
0x60: {  	_ =	shalt  }
0x61: {  	_ =	shalt  }
0x62: {  	_ =	shalt  }
0x63: {  	_ =	shalt  }
0x64: {  	_ =	shalt  }
0x65: {  	_ =	shalt  }
0x66: {  	_ =	shalt  }
0x67: {  	_ =	shalt  }
0x68: {  	_ =	shalt  }
0x69: {  	_ =	shalt  }
0x6a: {  	_ =	shalt  }
0x6b: {  	_ =	shalt  }
0x6c: {  	_ =	shalt  }
0x6d: {  	_ =	shalt  }
0x6e: {  	_ =	shalt  }
0x6f: {  	_ =	shalt  }
0x70: {  	_ =	shalt  }
0x71: {  	_ =	shalt  }
0x72: {  	_ =	shalt  }
0x73: {  	_ =	shalt  }
0x74: {  	_ =	shalt  }
0x75: {  	_ =	shalt  }
0x76: {  	_ =	shalt  }
0x77: {  	_ =	shalt  }
0x78: {  	_ =	shalt  }
0x79: {  	_ =	shalt  }
0x7a: {  	_ =	shalt  }
0x7b: {  	_ =	shalt  }
0x7c: {  	_ =	shalt  }
0x7d: {  	_ =	shalt  }
0x7e: {  	_ =	shalt  }
0x7f: {  	_ =	shalt  }
0x80: {  	_ =	shalt  }
0x81: {  	_ =	shalt  }
0x82: {  	_ =	shalt  }
0x83: {  	_ =	shalt  }
0x84: {  	_ =	shalt  }
0x85: {  	_ =	shalt  }
0x86: {  	_ =	shalt  }
0x87: {  	_ =	shalt  }
.Lfunc_end0:
.L_simem_size_0:
called_computation.1_lowered:
.L_overlay_start_0:
0x88: {  	s2 =	sld [smem:$0x3FD9]  }
0x89: {  	s3 =	sld [smem:$0x3FFE];
	_ =	sdelay $0x1  }
0x8a: {  	s1 =	srdreg.scid  }
0x8b: {  	s0 =	sand.u32 $0x1, s1  }
0x8c: {  	s16 =	sshll.u32 s0, $0xA;
	s2 =	sadd.s32 s3, s2  }
0x8d: {  	s2 =	sadd.s32 s2, s16  }
0x8e: {  	[smem:$0x3FC0] =	sst s2  }
0x8f: {  	_ = 	snop  }
0x90: {  	(tm) =	ssettm $0x1  }
0x91: {  	s17 =	sld [smem:$0x3FFB];
	_ =	sdelay $0x3  }
0x92: {  	_ =	strace s17  }
0x93: {  	s2 =	sld [smem:$0x3FFC];
	_ =	sdelay $0x3  }
0x94: {  	_ =	strace s2  }
0x95: {  	s2 =	sld [smem:$0x3FFD];
	_ =	sdelay $0x3  }
0x96: {  	_ =	strace s2  }
0x97: {  	_ =	strace $0x8FFFFFFF  }
0x98: {  	s18 =	sld [smem:$0x3FDB];
	_ =	sdelay $0x1  }
0x99: {  	s19 =	simm.s32 $_scs_section_size  }
0x9a: {  	s4 =	simm.s32 $_size__tile_overlayer_lowered;
	s5 =	simm.s32 $_tile_overlayer_lowered  }
0x9b: {  	s22 =	simm.s32 $0x1BFF;
	s21 =	sshll.u32 s5, $0x1;
	s2 =	sadd.s32 s19, s18  }
0x9c: {  	s6 =	simm.s32 $0x0;
	s20 =	sshll.u32 s4, $0x1;
	s4 =	sadd.s32 s21, s2  }
0x9d: {  	[timem:s6], [sflag:s22] =	dma.local [hbm:s4], s20  }
0x9e: {  	_ =	swait.ge [sflag:s22], s20  }
0x9f: {  	s3 =	ssub.s32 $0x0, s20;
	[sflag:s22] =	ssyncset.done $0x0  }
0xa0: {  	[sflag:s22] =	ssyncadd.s32 s3;
	_ =	sdelay $0x1  }
0xa1: {  	s23 =	simm.s32 $0x1B8B  }
0xa2: {  	_ =	swait.ge [sflag:s23], $0x1  }
0xa3: {  	[sflag:s23] =	ssyncset.done $0x0  }
0xa4: {  	s25 =	simm.s32 $0x1B8E;
	s24 =	sld [smem:$0x3FFE];
	[sflag:s23] =	ssyncadd.s32 $0xFFFFFFFF  }
0xa5: {  	s26 =	simm.s32 $execute0_lowered;
	[smem:$0x3FD2] =	sst s25  }
0xa6: {  	s4 =	sshll.u32 s26, $0x1;
	_ =	strace $0x80000049;
	[dreg:$0x1] =	wrdreg $0xFFFFFFFF  }
0xa7: {  	s28 =	simm.s32 $_size_execute0_lowered;
	s2 =	sadd.s32 s2, s4;
	[dreg:$0x0] =	wrdreg $0x0  }
0xa8: {  	s4 =	sshll.u32 s28, $0x1;
	[dreg:$0x2] =	wrdreg s2  }
0xa9: {  	[dreg:$0x3] =	wrdreg s4  }
0xaa: {  	[dreg:$0x4] =	wrdreg $0xC0  }
0xab: {  	_ =	task [dreg:s6], $0x5FFFF  }
0xac: {  	[dreg:$0x1] =	wrdreg $0xFFFFFFFF  }
0xad: {  	[dreg:$0x0] =	wrdreg $0x60  }
0xae: {  	[dreg:$0x2] =	wrdreg s24  }
0xaf: {  	[dreg:$0x3] =	wrdreg $0x90000  }
0xb0: {  	[dreg:$0x4] =	wrdreg $0x9  }
0xb1: {  	_ =	task.clear_ibuf [dreg:s6], $0x5FFFF;
	_ =	strace $0x90000049  }
0xb2: {  	s29 =	simm.s32 $0x9;
	_ =	strace $0x8000004B  }
0xb3: {  	_ =	swait.ge [sflag:s29], $0x1  }
0xb4: {  	[sflag:s29] =	ssyncadd.s32 $0xFFFFFFFF  }
0xb5: {  	_ =	strace $0x9000004B  }
0xb6: {  	_ =	sfence  }
0xb7: {  	s30 =	sld [smem:$0x0];
	_ =	sdelay $0x2  }
0xb8: {  	s31 =	sshll.u32 s1, $0xD;
	s1 =	sshrl.u32 s1, $0x2  }
0xb9: {  	s3 =	sand.u32 $0x4000, s31;
	s1 =	sadd.s32 s1, s30  }
0xba: {  	s0 =	sor.u32 s3, s0;
	s1 =	sshll.u32 s1, $0x11  }
0xbb: {  	s0 =	sor.u32 s1, s0  }
0xbc: {  	s0 =	sadd.s32 $0x8F2B, s0  }
0xbd: {  	[sflag:s0] =	ssyncadd.remote.s32 $0x1  }
0xbe: {  	_ =	sfence.sel $0xFFFF  }
0xbf: {  	[dreg:$0x0] =	wrdreg $0xFFFFFFFF;
	(pc) =	sbr.abs _section_cstart, $3  }
0xc0: {  	[dreg:$0x1] =	wrdreg $0xFFFFFFFF  }
0xc1: {  	_ =	task.clear_ibuf [dreg:s6], $0x2FFFF;
	_ =	strace $0x9FFFFFFF  }
0xc2: {  	(tm) =	ssettm $0x7FFFFFFF  }
0xc3: {  	_ =	shalt  }
tec
execute0_lowered:
.L_overlay_start_1:
0x0: {  	(tag) =	ssettag $0x1  }
0x1: {  	s0 =	rddreg [dreg:$0x0]  }
0x2: {  	s1 =	rddreg [dreg:$0x1]  }
0x3: {  	s2 =	srdreg.scid;
	s3 =	simm.s32 $0x0;
	s28 =	simm.s32 $0x4000  }
0x4: {  	s29 =	simm.s32 $0x80;
	s30 =	simm.s32 $0x6800;
	s31 =	simm.s32 $0x2000  }
0x5: {  	s5 =	sand.u32 $0x1, s2;
	[smem:$0x7FF] =	sst s3;
	s2 =	stileid.u32  }
0x6: {  	s4 =	sadd.s32 $0x50400, s0;
	s7 =	sadd.s32 $0x1200, s0;
	s10 =	sadd.s32 $0x15200, s0  }
0x7: {  	s13 =	sadd.s32 $0x29200, s0;
	s0 =	sadd.s32 $0x77600, s0;
	s6 =	sshll.u32 s5, $0x4  }
0x8: {  	_ =	strace $0x8000004A;
	s8 =	ssub.s32 $0x2, s5;
	s12 =	smul.u32 $0x2700, s2  }
0x9: {  	p1 =	seq.s32 s5, $0x0;
	p4 =	sne.s32 s2, $0xF;
	s16 =	smul.u32 $0x4E000, s2  }
0xa: {  	p0 =	seq.s32 s2, $0xF;
	[dreg:$0x3] =	wrdreg s13;
	s22 =	smul.u32 $0x138800, s5  }
0xb: {  	s6 =	sor.u32 s2, s6;
	s9 =	sshrl.u32 s8, $0x1;
	p2 =	por !p1, !p4  }
0xc: {  	p3 =	por !p1, !p0;
	s6 =	smul.u32 $0x5000, s6;
	s11 =	ssub.s32 s8, s9  }
0xd: {  	p1 =	por !p2, !p2;
	p2 =	por !p3, !p3;
	p3 =	seq.s32 s5, $0x1  }
0xe: {  	s8 =	sadd.s32 $0x124800, s1;
	s9 =	sshrl.u32 s16, $0x2;
	s13 =	sadd.s32 s13, s12  }
0xf: {  	s5 =	smul.u32 $0x27100, s5;
	s24 =	sshrl.u32 s22, $0x3;
	s16 =	simm.s32 $0x2C00  }
0x10: {  	p4 =	por !p4, !p3;
	s9 =	sadd.s32 s9, s1;
	[dreg:$0x7] =	wrdreg s13  }
0x11: {  	s25 =	sadd.s32 s0, s24;
	s22 =	smax.u32 s11, $0x1;
	s24 =	simm.s32 $0x6  }
0x12: {  	s11 =	simm.s32 $0x3;
	s6 =	sshrl.u32 s6, $0x3;
	p4 =	por !p4, !p4  }
0x13: {  	s5 =	sadd.s32 s12, s5;
	s26 =	sadd.s32 $0x24900, s25;
	s25 =	simm.s32 $0x1  }
0x14: {  	s14 =	sadd.s32 s7, s6;
	s15 =	sadd.s32 s10, s6;
	[dreg:$0x11] =	wrdreg s26  }
0x15: {  	s17 =	sadd.s32 $0x200, s6;
	s18 =	sadd.s32 $0x400, s6;
	[dreg:$0x4] =	wrdreg s14  }
0x16: {  	s21 =	sadd.s32 $0x600, s6;
	s0 =	sadd.s32 s0, s5;
	[dreg:$0x5] =	wrdreg s15  }
0x17: {  	s6 =	sadd.s32 $0x800, s6;
	s14 =	sadd.s32 s4, s12;
	[dreg:$0x10] =	wrdreg s0  }
0x18: {  	s26 =	simm.s32 $0x50;
	s15 =	sadd.s32 s7, s17;
	[dreg:$0x6] =	wrdreg s14  }
0x19: {  	s5 =	simm.s32 $0x4;
	s13 =	sadd.s32 s10, s17;
	[dreg:$0x8] =	wrdreg s15  }
0x1a: {  	s19 =	sadd.s32 s7, s18;
	s20 =	sadd.s32 s10, s18;
	[dreg:$0x9] =	wrdreg s13  }
0x1b: {  	s23 =	sadd.s32 s7, s21;
	s7 =	sadd.s32 s7, s6;
	[dreg:$0xa] =	wrdreg s19  }
0x1c: {  	s6 =	sadd.s32 s10, s6;
	s0 =	simm.s32 $0x3000;
	[dreg:$0xb] =	wrdreg s20  }
0x1d: {  	s12 =	simm.s32 $0xC00;
	s17 =	simm.s32 $0x3C00;
	[dreg:$0xc] =	wrdreg s23  }
0x1e: {  	s18 =	simm.s32 $0x0;
	s13 =	sadd.s32 s10, s21;
	[dreg:$0xe] =	wrdreg s7  }
0x1f: {  	[dreg:$0xf] =	wrdreg s6;
	s23 =	simm.s32 $0x1000;
	s10 =	simm.s32 $0x2  }
0x20: {  	s6 =	simm.s32 $0x5;
	s7 =	simm.s32 $0x1B80;
	s14 =	simm.s32 $0x2080  }
0x21: {  	s15 =	simm.s32 $0x3B80;
	[dreg:$0xd] =	wrdreg s13;
	s13 =	simm.s32 $0x1C00  }
.LBB2_1:
.Ltmp0:
0x22: {  	(pc) =	sbr.rel @!p1 .LBB2_4-.Ltmp0, $4  }
0x23: {  	s19 =	rddreg [dreg:$0x4]  }
0x24: {  	[tilespmem:s3], [sflag:$0x1] =	stream.linear.gather [hbm4b:s19+s3], $0xC80, $0x38;
	[tilespmem:$0x1C880] =	vst v63  }
0x25: {  	s21 =	rddreg [dreg:$0x5]  }
0x26: {  	[tilespmem:s23], [sflag:$0x1] =	stream.linear.gather [hbm4b:s21+s3], $0xC80, $0x38;
	[tilespmem:$0x1C880] =	vst v63  }
0x27: {  	s19 =	sshll.u32 s2, $0x6;
	s20 =	sshrl.u32 s9, $0x3  }
.Ltmp1:
0x28: {  	s21 =	rddreg [dreg:$0x6];
	s19 =	sor.u32 $0x1C06, s19;
	(pc) =	sbr.rel .LBB2_3-.Ltmp1, $4  }
0x29: {  	[spmem:s20], [sflag:s19] =	dma.local [hbm:s21], $0x2700  }
0x2a: {  	_ =	swait.ge [sflag:s24], $0x2700  }
0x2b: {  	[sflag:s24] =	ssyncset.done $0x0  }
0x2c: {  	p5 =	por $0x0, $0x0;
	[sflag:s24] =	ssyncadd.s32 $0xFFFFD900  }
.LBB2_4:
.Ltmp2:
0x2d: {  	(pc) =	sbr.rel @!p2 .LBB2_3-.Ltmp2, $2  }
0x2e: {  	_ =	sdelay $0x2  }
0x2f: {  	p5 =	por p0, p0  }
.Ltmp3:
0x30: {  	(pc) =	sbr.rel .LBB2_6-.Ltmp3, $2  }
0x31: {  	_ =	sdelay $0x2  }
0x32: {  	p5 =	por $0x1, $0x1;
	s20 =	simm.s32 $0xF;
	s19 =	smov.u32 s4  }
.LBB2_3:
0x33: {  	s19 =	sshll.u32 @p4 s2, $0x6;
	s20 =	sshrl.u32 @p4 s9, $0x3;
	p6 =	por @p4 $0x1, $0x1  }
0x34: {  	s21 =	rddreg [dreg:$0x7];
	s19 =	sor.u32 @p4 $0x1C06, s19;
	p6 =	por @!p4 p3, p3  }
0x35: {  	[spmem:s20], [sflag:s19] =	dma.local @p4 [hbm:s21], $0x2700  }
0x36: {  	p6 =	por !p6, !p5  }
0x37: {  	p6 =	por !p6, !p6  }
.Ltmp4:
0x38: {  	_ = 	snop;
	(pc) =	sbr.rel @!p6 .LBB2_7-.Ltmp4, $4  }
0x39: {  	s19 =	simm.s32 @p4 $0x6  }
0x3a: {  	_ =	swait.ge @p4 [sflag:s19], $0x2700  }
0x3b: {  	[sflag:s19] =	ssyncset.done @p4 $0x0  }
0x3c: {  	s20 =	stileid.u32;
	[sflag:s19] =	ssyncadd.s32 @p4 $0xFFFFD900;
	s19 =	rddreg [dreg:$0x3]  }
.LBB2_6:
0x3d: {  	s20 =	sshll.u32 s20, $0x6  }
0x3e: {  	s19 =	sadd.s32 $0x24900, s19;
	s21 =	sshrl.u32 s8, $0x3;
	s20 =	sor.u32 $0x1C06, s20  }
0x3f: {  	[spmem:s21], [sflag:s20] =	dma.local [hbm:s19], $0x2800  }
0x40: {  	_ =	swait.ge [sflag:s24], $0x2800  }
0x41: {  	[sflag:s24] =	ssyncset.done $0x0  }
0x42: {  	[sflag:s24] =	ssyncadd.s32 $0xFFFFD800  }
.LBB2_7:
0x43: {  	_ =	swait.ge [sflag:s25], $0xC80  }
0x44: {  	[sflag:s25] =	ssyncset.done $0x0  }
0x45: {  	[sflag:s25] =	ssyncadd.s32 $0xFFFFF380  }
0x46: {  	_ =	swait.ge [sflag:s25], $0xC80  }
0x47: {  	[sflag:s25] =	ssyncset.done $0x0  }
0x48: {  	[sflag:s25] =	ssyncadd.s32 $0xFFFFF380  }
0x49: {  	[tilespmem:s28], [sflag:$0x2] =	stream.indirect.gather [hbm4b:s4+s26], $0x80, s3, s26, $0xb8;
	[tilespmem:$0x1C880] =	vst v63  }
0x4a: {  	_ = 	snop  }
0x4b: {  	[tilespmem:s30], [sflag:$0x3] =	stream.indirect.gather [hbm4b:s4+s26], $0x80, s29, s26, $0xb8;
	[tilespmem:$0x1C880] =	vst v63  }
0x4c: {  	[bflag:$0x0] =	sbarrier.arrive $0xFFFF  }
0x4d: {  	s19 =	rddreg [dreg:$0x8]  }
0x4e: {  	[tilespmem:s31], [sflag:$0x1] =	stream.linear.gather [hbm4b:s19+s3], $0xC80, $0x38;
	[tilespmem:$0x1C880] =	vst v63  }
0x4f: {  	s20 =	rddreg [dreg:$0x9]  }
0x50: {  	[tilespmem:s0], [sflag:$0x1] =	stream.linear.gather [hbm4b:s20+s3], $0xC80, $0x38;
	[tilespmem:$0x1C880] =	vst v63  }
0x51: {  	_ =	swait.ge [sflag:s10], $0x2800  }
0x52: {  	[sflag:s10] =	ssyncset.done $0x0  }
0x53: {  	[sflag:s10] =	ssyncadd.s32 $0xFFFFD800  }
0x54: {  	[spmem:s1] =	stream.indirect.scatter.add.f32 [tilespmem:s28], [sflag:$0x4], $0x80, s23, s26, $0xb8;
	[tilespmem:$0x1C880] =	vst v63  }
0x55: {  	_ =	swait.ge [sflag:s11], $0x2800  }
0x56: {  	[sflag:s11] =	ssyncset.done $0x0  }
0x57: {  	[sflag:s11] =	ssyncadd.s32 $0xFFFFD800  }
0x58: {  	_ =	swait.ge [sflag:s5], $0x2800  }
0x59: {  	[sflag:s5] =	ssyncset.done $0x0  }
0x5a: {  	s21 =	simm.s32 $0x1080;
	[sflag:s5] =	ssyncadd.s32 $0xFFFFD800  }
0x5b: {  	[spmem:s1] =	stream.indirect.scatter.add.f32 [tilespmem:s30], [sflag:$0x5], $0x80, s21, s26, $0xb8;
	[tilespmem:$0x1C880] =	vst v63  }
0x5c: {  	s20 =	simm.s32 $0x100  }
0x5d: {  	[tilespmem:s28], [sflag:$0x2] =	stream.indirect.gather [hbm4b:s4+s26], $0x80, s20, s26, $0xb8;
	[tilespmem:$0x1C880] =	vst v63  }
0x5e: {  	_ =	swait.ge [sflag:s10], $0x2800  }
0x5f: {  	[sflag:s10] =	ssyncset.done $0x0  }
0x60: {  	[sflag:s10] =	ssyncadd.s32 $0xFFFFD800  }
0x61: {  	_ =	swait.ge [sflag:s6], $0x2800  }
0x62: {  	s19 =	simm.s32 $0xFFFFD800;
	[sflag:s6] =	ssyncset.done $0x0  }
0x63: {  	s21 =	simm.s32 $0x1100;
	s20 =	simm.s32 $0x180;
	[sflag:s6] =	ssyncadd.s32 $0xFFFFD800  }
0x64: {  	[spmem:s1] =	stream.indirect.scatter.add.f32 [tilespmem:s28], [sflag:$0x4], $0x80, s21, s26, $0xb8;
	[tilespmem:$0x1C880] =	vst v63  }
.LBB2_8:
0x65: {  	[tilespmem:s30], [sflag:$0x3] =	stream.indirect.gather [hbm4b:s4+s26], $0x80, s20, s26, $0xb8;
	[tilespmem:$0x1C880] =	vst v63  }
0x66: {  	s20 =	smov.u32 s19  }
0x67: {  	p6 =	sne.s32 s19, $0xFFFFFC00;
	s19 =	sadd.s32 $0x400, s19;
	_ =	swait.ge [sflag:s11], $0x2800  }
0x68: {  	[sflag:s11] =	ssyncset.done $0x0  }
0x69: {  	[sflag:s11] =	ssyncadd.s32 $0xFFFFD800  }
0x6a: {  	_ =	swait.ge [sflag:s5], $0x2800  }
0x6b: {  	s20 =	sshra.s32 s20, $0x2;
	[sflag:s5] =	ssyncset.done $0x0  }
0x6c: {  	s21 =	sadd.s32 $0x1B80, s20;
	[sflag:s5] =	ssyncadd.s32 $0xFFFFD800  }
0x6d: {  	[spmem:s1] =	stream.indirect.scatter.add.f32 [tilespmem:s30], [sflag:$0x5], $0x80, s21, s26, $0xb8;
	[tilespmem:$0x1C880] =	vst v63  }
0x6e: {  	s21 =	sadd.s32 $0xC00, s20  }
0x6f: {  	[tilespmem:s28], [sflag:$0x2] =	stream.indirect.gather [hbm4b:s4+s26], $0x80, s21, s26, $0xb8;
	[tilespmem:$0x1C880] =	vst v63  }
0x70: {  	_ =	swait.ge [sflag:s10], $0x2800  }
0x71: {  	[sflag:s10] =	ssyncset.done $0x0  }
0x72: {  	[sflag:s10] =	ssyncadd.s32 $0xFFFFD800  }
.Ltmp5:
0x73: {  	_ =	swait.ge [sflag:s6], $0x2800;
	(pc) =	sbr.rel @p6 .LBB2_8-.Ltmp5, $4  }
0x74: {  	[sflag:s6] =	ssyncset.done $0x0  }
0x75: {  	s21 =	sadd.s32 $0x1C00, s20;
	[sflag:s6] =	ssyncadd.s32 $0xFFFFD800  }
0x76: {  	[spmem:s1] =	stream.indirect.scatter.add.f32 [tilespmem:s28], [sflag:$0x4], $0x80, s21, s26, $0xb8;
	[tilespmem:$0x1C880] =	vst v63  }
0x77: {  	s20 =	sadd.s32 $0xC80, s20  }
0x78: {  	[tilespmem:s30], [sflag:$0x3] =	stream.indirect.gather [hbm4b:s4+s26], $0x80, s20, s26, $0xb8;
	[tilespmem:$0x1C880] =	vst v63  }
0x79: {  	_ =	swait.ge [sflag:s11], $0x2800  }
0x7a: {  	[sflag:s11] =	ssyncset.done $0x0  }
0x7b: {  	[sflag:s11] =	ssyncadd.s32 $0xFFFFD800  }
0x7c: {  	_ =	swait.ge [sflag:s5], $0x2800  }
0x7d: {  	[sflag:s5] =	ssyncset.done $0x0  }
0x7e: {  	[sflag:s5] =	ssyncadd.s32 $0xFFFFD800  }
0x7f: {  	[spmem:s1] =	stream.indirect.scatter.add.f32 [tilespmem:s30], [sflag:$0x5], $0x80, s7, s26, $0xb8;
	[tilespmem:$0x1C880] =	vst v63  }
0x80: {  	_ = 	snop  }
0x81: {  	[tilespmem:s28], [sflag:$0x2] =	stream.indirect.gather [hbm4b:s4+s26], $0x80, s12, s26, $0xb8;
	[tilespmem:$0x1C880] =	vst v63  }
0x82: {  	_ =	swait.ge [sflag:s10], $0x2800  }
0x83: {  	[sflag:s10] =	ssyncset.done $0x0  }
0x84: {  	[sflag:s10] =	ssyncadd.s32 $0xFFFFD800  }
0x85: {  	_ =	swait.ge [sflag:s6], $0x2800  }
0x86: {  	[sflag:s6] =	ssyncset.done $0x0  }
0x87: {  	[sflag:s6] =	ssyncadd.s32 $0xFFFFD800  }
0x88: {  	[spmem:s1] =	stream.indirect.scatter.add.f32 [tilespmem:s28], [sflag:$0x4], $0x80, s13, s26, $0xb8;
	[tilespmem:$0x1C880] =	vst v63  }
0x89: {  	_ =	swait.ge [sflag:s5], $0x2800  }
0x8a: {  	[sflag:s5] =	ssyncset.done $0x0  }
0x8b: {  	[sflag:s5] =	ssyncadd.s32 $0xFFFFD800  }
0x8c: {  	_ =	swait.ge [sflag:s25], $0xC80  }
0x8d: {  	[sflag:s25] =	ssyncset.done $0x0  }
0x8e: {  	[sflag:s25] =	ssyncadd.s32 $0xFFFFF380  }
0x8f: {  	_ =	swait.ge [sflag:s25], $0xC80  }
0x90: {  	[sflag:s25] =	ssyncset.done $0x0  }
0x91: {  	[sflag:s25] =	ssyncadd.s32 $0xFFFFF380  }
0x92: {  	[tilespmem:s28], [sflag:$0x2] =	stream.indirect.gather [hbm4b:s4+s26], $0x80, s31, s26, $0xb8;
	[tilespmem:$0x1C880] =	vst v63  }
0x93: {  	_ = 	snop  }
0x94: {  	[tilespmem:s30], [sflag:$0x3] =	stream.indirect.gather [hbm4b:s4+s26], $0x80, s14, s26, $0xb8;
	[tilespmem:$0x1C880] =	vst v63  }
0x95: {  	s19 =	rddreg [dreg:$0xa]  }
0x96: {  	[tilespmem:s3], [sflag:$0x1] =	stream.linear.gather [hbm4b:s19+s3], $0xC80, $0x38;
	[tilespmem:$0x1C880] =	vst v63  }
0x97: {  	s20 =	rddreg [dreg:$0xb]  }
0x98: {  	[tilespmem:s23], [sflag:$0x1] =	stream.linear.gather [hbm4b:s20+s3], $0xC80, $0x38;
	[tilespmem:$0x1C880] =	vst v63  }
0x99: {  	_ =	swait.ge [sflag:s10], $0x2800  }
0x9a: {  	[sflag:s10] =	ssyncset.done $0x0  }
0x9b: {  	[sflag:s10] =	ssyncadd.s32 $0xFFFFD800  }
0x9c: {  	[spmem:s1] =	stream.indirect.scatter.add.f32 [tilespmem:s28], [sflag:$0x4], $0x80, s0, s26, $0xb8;
	[tilespmem:$0x1C880] =	vst v63  }
0x9d: {  	_ =	swait.ge [sflag:s11], $0x2800  }
0x9e: {  	[sflag:s11] =	ssyncset.done $0x0  }
0x9f: {  	[sflag:s11] =	ssyncadd.s32 $0xFFFFD800  }
0xa0: {  	_ =	swait.ge [sflag:s5], $0x2800  }
0xa1: {  	[sflag:s5] =	ssyncset.done $0x0  }
0xa2: {  	s21 =	simm.s32 $0x3080;
	[sflag:s5] =	ssyncadd.s32 $0xFFFFD800  }
0xa3: {  	[spmem:s1] =	stream.indirect.scatter.add.f32 [tilespmem:s30], [sflag:$0x5], $0x80, s21, s26, $0xb8;
	[tilespmem:$0x1C880] =	vst v63  }
0xa4: {  	s20 =	simm.s32 $0x2100  }
0xa5: {  	[tilespmem:s28], [sflag:$0x2] =	stream.indirect.gather [hbm4b:s4+s26], $0x80, s20, s26, $0xb8;
	[tilespmem:$0x1C880] =	vst v63  }
0xa6: {  	_ =	swait.ge [sflag:s10], $0x2800  }
0xa7: {  	[sflag:s10] =	ssyncset.done $0x0  }
0xa8: {  	[sflag:s10] =	ssyncadd.s32 $0xFFFFD800  }
0xa9: {  	_ =	swait.ge [sflag:s6], $0x2800  }
0xaa: {  	s19 =	simm.s32 $0xFFFFD800;
	[sflag:s6] =	ssyncset.done $0x0  }
0xab: {  	s21 =	simm.s32 $0x3100;
	s20 =	simm.s32 $0x2180;
	[sflag:s6] =	ssyncadd.s32 $0xFFFFD800  }
0xac: {  	[spmem:s1] =	stream.indirect.scatter.add.f32 [tilespmem:s28], [sflag:$0x4], $0x80, s21, s26, $0xb8;
	[tilespmem:$0x1C880] =	vst v63  }
.LBB2_10:
0xad: {  	[tilespmem:s30], [sflag:$0x3] =	stream.indirect.gather [hbm4b:s4+s26], $0x80, s20, s26, $0xb8;
	[tilespmem:$0x1C880] =	vst v63  }
0xae: {  	s20 =	smov.u32 s19  }
0xaf: {  	p6 =	sne.s32 s19, $0xFFFFFC00;
	s19 =	sadd.s32 $0x400, s19;
	_ =	swait.ge [sflag:s11], $0x2800  }
0xb0: {  	[sflag:s11] =	ssyncset.done $0x0  }
0xb1: {  	[sflag:s11] =	ssyncadd.s32 $0xFFFFD800  }
0xb2: {  	_ =	swait.ge [sflag:s5], $0x2800  }
0xb3: {  	s20 =	sshra.s32 s20, $0x2;
	[sflag:s5] =	ssyncset.done $0x0  }
0xb4: {  	s21 =	sadd.s32 $0x3B80, s20;
	[sflag:s5] =	ssyncadd.s32 $0xFFFFD800  }
0xb5: {  	[spmem:s1] =	stream.indirect.scatter.add.f32 [tilespmem:s30], [sflag:$0x5], $0x80, s21, s26, $0xb8;
	[tilespmem:$0x1C880] =	vst v63  }
0xb6: {  	s21 =	sadd.s32 $0x2C00, s20  }
0xb7: {  	[tilespmem:s28], [sflag:$0x2] =	stream.indirect.gather [hbm4b:s4+s26], $0x80, s21, s26, $0xb8;
	[tilespmem:$0x1C880] =	vst v63  }
0xb8: {  	_ =	swait.ge [sflag:s10], $0x2800  }
0xb9: {  	[sflag:s10] =	ssyncset.done $0x0  }
0xba: {  	[sflag:s10] =	ssyncadd.s32 $0xFFFFD800  }
.Ltmp6:
0xbb: {  	_ =	swait.ge [sflag:s6], $0x2800;
	(pc) =	sbr.rel @p6 .LBB2_10-.Ltmp6, $4  }
0xbc: {  	[sflag:s6] =	ssyncset.done $0x0  }
0xbd: {  	s21 =	sadd.s32 $0x3C00, s20;
	[sflag:s6] =	ssyncadd.s32 $0xFFFFD800  }
0xbe: {  	[spmem:s1] =	stream.indirect.scatter.add.f32 [tilespmem:s28], [sflag:$0x4], $0x80, s21, s26, $0xb8;
	[tilespmem:$0x1C880] =	vst v63  }
0xbf: {  	s20 =	sadd.s32 $0x2C80, s20  }
0xc0: {  	[tilespmem:s30], [sflag:$0x3] =	stream.indirect.gather [hbm4b:s4+s26], $0x80, s20, s26, $0xb8;
	[tilespmem:$0x1C880] =	vst v63  }
0xc1: {  	_ =	swait.ge [sflag:s11], $0x2800  }
0xc2: {  	[sflag:s11] =	ssyncset.done $0x0  }
0xc3: {  	[sflag:s11] =	ssyncadd.s32 $0xFFFFD800  }
0xc4: {  	_ =	swait.ge [sflag:s5], $0x2800  }
0xc5: {  	[sflag:s5] =	ssyncset.done $0x0  }
0xc6: {  	[sflag:s5] =	ssyncadd.s32 $0xFFFFD800  }
0xc7: {  	[spmem:s1] =	stream.indirect.scatter.add.f32 [tilespmem:s30], [sflag:$0x5], $0x80, s15, s26, $0xb8;
	[tilespmem:$0x1C880] =	vst v63  }
0xc8: {  	_ = 	snop  }
0xc9: {  	[tilespmem:s28], [sflag:$0x2] =	stream.indirect.gather [hbm4b:s4+s26], $0x80, s16, s26, $0xb8;
	[tilespmem:$0x1C880] =	vst v63  }
0xca: {  	_ =	swait.ge [sflag:s10], $0x2800  }
0xcb: {  	[sflag:s10] =	ssyncset.done $0x0  }
0xcc: {  	[sflag:s10] =	ssyncadd.s32 $0xFFFFD800  }
0xcd: {  	_ =	swait.ge [sflag:s6], $0x2800  }
0xce: {  	[sflag:s6] =	ssyncset.done $0x0  }
0xcf: {  	[sflag:s6] =	ssyncadd.s32 $0xFFFFD800  }
0xd0: {  	[spmem:s1] =	stream.indirect.scatter.add.f32 [tilespmem:s28], [sflag:$0x4], $0x80, s17, s26, $0xb8;
	[tilespmem:$0x1C880] =	vst v63  }
0xd1: {  	_ =	swait.ge [sflag:s5], $0x2800  }
0xd2: {  	[sflag:s5] =	ssyncset.done $0x0  }
0xd3: {  	[sflag:s5] =	ssyncadd.s32 $0xFFFFD800  }
0xd4: {  	_ =	swait.ge [sflag:s25], $0xC80  }
0xd5: {  	[sflag:s25] =	ssyncset.done $0x0  }
0xd6: {  	[sflag:s25] =	ssyncadd.s32 $0xFFFFF380  }
0xd7: {  	_ =	swait.ge [sflag:s25], $0xC80  }
0xd8: {  	[sflag:s25] =	ssyncset.done $0x0  }
0xd9: {  	[sflag:s25] =	ssyncadd.s32 $0xFFFFF380  }
0xda: {  	[tilespmem:s28], [sflag:$0x2] =	stream.indirect.gather [hbm4b:s4+s26], $0x80, s3, s26, $0xb8;
	[tilespmem:$0x1C880] =	vst v63  }
0xdb: {  	_ = 	snop  }
0xdc: {  	[tilespmem:s30], [sflag:$0x3] =	stream.indirect.gather [hbm4b:s4+s26], $0x80, s29, s26, $0xb8;
	[tilespmem:$0x1C880] =	vst v63  }
0xdd: {  	s19 =	rddreg [dreg:$0xc]  }
0xde: {  	[tilespmem:s31], [sflag:$0x1] =	stream.linear.gather [hbm4b:s19+s3], $0xC80, $0x38;
	[tilespmem:$0x1C880] =	vst v63  }
0xdf: {  	s20 =	rddreg [dreg:$0xd]  }
0xe0: {  	[tilespmem:s0], [sflag:$0x1] =	stream.linear.gather [hbm4b:s20+s3], $0xC80, $0x38;
	[tilespmem:$0x1C880] =	vst v63  }
0xe1: {  	_ =	swait.ge [sflag:s10], $0x2800  }
0xe2: {  	[sflag:s10] =	ssyncset.done $0x0  }
0xe3: {  	[sflag:s10] =	ssyncadd.s32 $0xFFFFD800  }
0xe4: {  	[spmem:s1] =	stream.indirect.scatter.add.f32 [tilespmem:s28], [sflag:$0x4], $0x80, s23, s26, $0xb8;
	[tilespmem:$0x1C880] =	vst v63  }
0xe5: {  	_ =	swait.ge [sflag:s11], $0x2800  }
0xe6: {  	[sflag:s11] =	ssyncset.done $0x0  }
0xe7: {  	[sflag:s11] =	ssyncadd.s32 $0xFFFFD800  }
0xe8: {  	_ =	swait.ge [sflag:s5], $0x2800  }
0xe9: {  	[sflag:s5] =	ssyncset.done $0x0  }
0xea: {  	s21 =	simm.s32 $0x1080;
	[sflag:s5] =	ssyncadd.s32 $0xFFFFD800  }
0xeb: {  	[spmem:s1] =	stream.indirect.scatter.add.f32 [tilespmem:s30], [sflag:$0x5], $0x80, s21, s26, $0xb8;
	[tilespmem:$0x1C880] =	vst v63  }
0xec: {  	s20 =	simm.s32 $0x100  }
0xed: {  	[tilespmem:s28], [sflag:$0x2] =	stream.indirect.gather [hbm4b:s4+s26], $0x80, s20, s26, $0xb8;
	[tilespmem:$0x1C880] =	vst v63  }
0xee: {  	_ =	swait.ge [sflag:s10], $0x2800  }
0xef: {  	[sflag:s10] =	ssyncset.done $0x0  }
0xf0: {  	[sflag:s10] =	ssyncadd.s32 $0xFFFFD800  }
0xf1: {  	_ =	swait.ge [sflag:s6], $0x2800  }
0xf2: {  	s19 =	simm.s32 $0xFFFFD800;
	[sflag:s6] =	ssyncset.done $0x0  }
0xf3: {  	s21 =	simm.s32 $0x1100;
	s20 =	simm.s32 $0x180;
	[sflag:s6] =	ssyncadd.s32 $0xFFFFD800  }
0xf4: {  	[spmem:s1] =	stream.indirect.scatter.add.f32 [tilespmem:s28], [sflag:$0x4], $0x80, s21, s26, $0xb8;
	[tilespmem:$0x1C880] =	vst v63  }
.LBB2_12:
0xf5: {  	[tilespmem:s30], [sflag:$0x3] =	stream.indirect.gather [hbm4b:s4+s26], $0x80, s20, s26, $0xb8;
	[tilespmem:$0x1C880] =	vst v63  }
0xf6: {  	s20 =	smov.u32 s19  }
0xf7: {  	p6 =	sne.s32 s19, $0xFFFFFC00;
	s19 =	sadd.s32 $0x400, s19;
	_ =	swait.ge [sflag:s11], $0x2800  }
0xf8: {  	[sflag:s11] =	ssyncset.done $0x0  }
0xf9: {  	[sflag:s11] =	ssyncadd.s32 $0xFFFFD800  }
0xfa: {  	_ =	swait.ge [sflag:s5], $0x2800  }
0xfb: {  	s20 =	sshra.s32 s20, $0x2;
	[sflag:s5] =	ssyncset.done $0x0  }
0xfc: {  	s21 =	sadd.s32 $0x1B80, s20;
	[sflag:s5] =	ssyncadd.s32 $0xFFFFD800  }
0xfd: {  	[spmem:s1] =	stream.indirect.scatter.add.f32 [tilespmem:s30], [sflag:$0x5], $0x80, s21, s26, $0xb8;
	[tilespmem:$0x1C880] =	vst v63  }
0xfe: {  	s21 =	sadd.s32 $0xC00, s20  }
0xff: {  	[tilespmem:s28], [sflag:$0x2] =	stream.indirect.gather [hbm4b:s4+s26], $0x80, s21, s26, $0xb8;
	[tilespmem:$0x1C880] =	vst v63  }
0x100: {  	_ =	swait.ge [sflag:s10], $0x2800  }
0x101: {  	[sflag:s10] =	ssyncset.done $0x0  }
0x102: {  	[sflag:s10] =	ssyncadd.s32 $0xFFFFD800  }
.Ltmp7:
0x103: {  	_ =	swait.ge [sflag:s6], $0x2800;
	(pc) =	sbr.rel @p6 .LBB2_12-.Ltmp7, $4  }
0x104: {  	[sflag:s6] =	ssyncset.done $0x0  }
0x105: {  	s21 =	sadd.s32 $0x1C00, s20;
	[sflag:s6] =	ssyncadd.s32 $0xFFFFD800  }
0x106: {  	[spmem:s1] =	stream.indirect.scatter.add.f32 [tilespmem:s28], [sflag:$0x4], $0x80, s21, s26, $0xb8;
	[tilespmem:$0x1C880] =	vst v63  }
0x107: {  	s20 =	sadd.s32 $0xC80, s20  }
0x108: {  	[tilespmem:s30], [sflag:$0x3] =	stream.indirect.gather [hbm4b:s4+s26], $0x80, s20, s26, $0xb8;
	[tilespmem:$0x1C880] =	vst v63  }
0x109: {  	_ =	swait.ge [sflag:s11], $0x2800  }
0x10a: {  	[sflag:s11] =	ssyncset.done $0x0  }
0x10b: {  	[sflag:s11] =	ssyncadd.s32 $0xFFFFD800  }
0x10c: {  	_ =	swait.ge [sflag:s5], $0x2800  }
0x10d: {  	[sflag:s5] =	ssyncset.done $0x0  }
0x10e: {  	[sflag:s5] =	ssyncadd.s32 $0xFFFFD800  }
0x10f: {  	[spmem:s1] =	stream.indirect.scatter.add.f32 [tilespmem:s30], [sflag:$0x5], $0x80, s7, s26, $0xb8;
	[tilespmem:$0x1C880] =	vst v63  }
0x110: {  	_ = 	snop  }
0x111: {  	[tilespmem:s28], [sflag:$0x2] =	stream.indirect.gather [hbm4b:s4+s26], $0x80, s12, s26, $0xb8;
	[tilespmem:$0x1C880] =	vst v63  }
0x112: {  	_ =	swait.ge [sflag:s10], $0x2800  }
0x113: {  	[sflag:s10] =	ssyncset.done $0x0  }
0x114: {  	[sflag:s10] =	ssyncadd.s32 $0xFFFFD800  }
0x115: {  	_ =	swait.ge [sflag:s6], $0x2800  }
0x116: {  	[sflag:s6] =	ssyncset.done $0x0  }
0x117: {  	[sflag:s6] =	ssyncadd.s32 $0xFFFFD800  }
0x118: {  	[spmem:s1] =	stream.indirect.scatter.add.f32 [tilespmem:s28], [sflag:$0x4], $0x80, s13, s26, $0xb8;
	[tilespmem:$0x1C880] =	vst v63  }
0x119: {  	_ =	swait.ge [sflag:s5], $0x2800  }
0x11a: {  	[sflag:s5] =	ssyncset.done $0x0  }
0x11b: {  	[sflag:s5] =	ssyncadd.s32 $0xFFFFD800  }
0x11c: {  	_ =	swait.ge [sflag:s25], $0xC80  }
0x11d: {  	[sflag:s25] =	ssyncset.done $0x0  }
0x11e: {  	[sflag:s25] =	ssyncadd.s32 $0xFFFFF380  }
0x11f: {  	_ =	swait.ge [sflag:s25], $0xC80  }
0x120: {  	[sflag:s25] =	ssyncset.done $0x0  }
0x121: {  	[sflag:s25] =	ssyncadd.s32 $0xFFFFF380  }
0x122: {  	[tilespmem:s28], [sflag:$0x2] =	stream.indirect.gather [hbm4b:s4+s26], $0x80, s31, s26, $0xb8;
	[tilespmem:$0x1C880] =	vst v63  }
0x123: {  	_ = 	snop  }
0x124: {  	[tilespmem:s30], [sflag:$0x3] =	stream.indirect.gather [hbm4b:s4+s26], $0x80, s14, s26, $0xb8;
	[tilespmem:$0x1C880] =	vst v63  }
0x125: {  	s19 =	rddreg [dreg:$0xe]  }
0x126: {  	[tilespmem:s3], [sflag:$0x1] =	stream.linear.gather [hbm4b:s19+s3], $0xC80, $0x38;
	[tilespmem:$0x1C880] =	vst v63  }
0x127: {  	s20 =	rddreg [dreg:$0xf]  }
0x128: {  	[tilespmem:s23], [sflag:$0x1] =	stream.linear.gather [hbm4b:s20+s3], $0xC80, $0x38;
	[tilespmem:$0x1C880] =	vst v63  }
0x129: {  	_ =	swait.ge [sflag:s10], $0x2800  }
0x12a: {  	[sflag:s10] =	ssyncset.done $0x0  }
0x12b: {  	[sflag:s10] =	ssyncadd.s32 $0xFFFFD800  }
0x12c: {  	[spmem:s1] =	stream.indirect.scatter.add.f32 [tilespmem:s28], [sflag:$0x4], $0x80, s0, s26, $0xb8;
	[tilespmem:$0x1C880] =	vst v63  }
0x12d: {  	_ =	swait.ge [sflag:s11], $0x2800  }
0x12e: {  	[sflag:s11] =	ssyncset.done $0x0  }
0x12f: {  	[sflag:s11] =	ssyncadd.s32 $0xFFFFD800  }
0x130: {  	_ =	swait.ge [sflag:s5], $0x2800  }
0x131: {  	[sflag:s5] =	ssyncset.done $0x0  }
0x132: {  	s21 =	simm.s32 $0x3080;
	[sflag:s5] =	ssyncadd.s32 $0xFFFFD800  }
0x133: {  	[spmem:s1] =	stream.indirect.scatter.add.f32 [tilespmem:s30], [sflag:$0x5], $0x80, s21, s26, $0xb8;
	[tilespmem:$0x1C880] =	vst v63  }
0x134: {  	s20 =	simm.s32 $0x2100  }
0x135: {  	[tilespmem:s28], [sflag:$0x2] =	stream.indirect.gather [hbm4b:s4+s26], $0x80, s20, s26, $0xb8;
	[tilespmem:$0x1C880] =	vst v63  }
0x136: {  	_ =	swait.ge [sflag:s10], $0x2800  }
0x137: {  	[sflag:s10] =	ssyncset.done $0x0  }
0x138: {  	[sflag:s10] =	ssyncadd.s32 $0xFFFFD800  }
0x139: {  	_ =	swait.ge [sflag:s6], $0x2800  }
0x13a: {  	s19 =	simm.s32 $0xFFFFD800;
	[sflag:s6] =	ssyncset.done $0x0  }
0x13b: {  	s21 =	simm.s32 $0x3100;
	s20 =	simm.s32 $0x2180;
	[sflag:s6] =	ssyncadd.s32 $0xFFFFD800  }
0x13c: {  	[spmem:s1] =	stream.indirect.scatter.add.f32 [tilespmem:s28], [sflag:$0x4], $0x80, s21, s26, $0xb8;
	[tilespmem:$0x1C880] =	vst v63  }
.LBB2_14:
0x13d: {  	[tilespmem:s30], [sflag:$0x3] =	stream.indirect.gather [hbm4b:s4+s26], $0x80, s20, s26, $0xb8;
	[tilespmem:$0x1C880] =	vst v63  }
0x13e: {  	s20 =	smov.u32 s19  }
0x13f: {  	p6 =	sne.s32 s19, $0xFFFFFC00;
	s19 =	sadd.s32 $0x400, s19;
	_ =	swait.ge [sflag:s11], $0x2800  }
0x140: {  	[sflag:s11] =	ssyncset.done $0x0  }
0x141: {  	[sflag:s11] =	ssyncadd.s32 $0xFFFFD800  }
0x142: {  	_ =	swait.ge [sflag:s5], $0x2800  }
0x143: {  	s20 =	sshra.s32 s20, $0x2;
	[sflag:s5] =	ssyncset.done $0x0  }
0x144: {  	s21 =	sadd.s32 $0x3B80, s20;
	[sflag:s5] =	ssyncadd.s32 $0xFFFFD800  }
0x145: {  	[spmem:s1] =	stream.indirect.scatter.add.f32 [tilespmem:s30], [sflag:$0x5], $0x80, s21, s26, $0xb8;
	[tilespmem:$0x1C880] =	vst v63  }
0x146: {  	s21 =	sadd.s32 $0x2C00, s20  }
0x147: {  	[tilespmem:s28], [sflag:$0x2] =	stream.indirect.gather [hbm4b:s4+s26], $0x80, s21, s26, $0xb8;
	[tilespmem:$0x1C880] =	vst v63  }
0x148: {  	_ =	swait.ge [sflag:s10], $0x2800  }
0x149: {  	[sflag:s10] =	ssyncset.done $0x0  }
0x14a: {  	[sflag:s10] =	ssyncadd.s32 $0xFFFFD800  }
.Ltmp8:
0x14b: {  	_ =	swait.ge [sflag:s6], $0x2800;
	(pc) =	sbr.rel @p6 .LBB2_14-.Ltmp8, $4  }
0x14c: {  	[sflag:s6] =	ssyncset.done $0x0  }
0x14d: {  	s21 =	sadd.s32 $0x3C00, s20;
	[sflag:s6] =	ssyncadd.s32 $0xFFFFD800  }
0x14e: {  	[spmem:s1] =	stream.indirect.scatter.add.f32 [tilespmem:s28], [sflag:$0x4], $0x80, s21, s26, $0xb8;
	[tilespmem:$0x1C880] =	vst v63  }
0x14f: {  	s20 =	sadd.s32 $0x2C80, s20  }
0x150: {  	[tilespmem:s30], [sflag:$0x3] =	stream.indirect.gather [hbm4b:s4+s26], $0x80, s20, s26, $0xb8;
	[tilespmem:$0x1C880] =	vst v63  }
0x151: {  	_ =	swait.ge [sflag:s11], $0x2800  }
0x152: {  	[sflag:s11] =	ssyncset.done $0x0  }
0x153: {  	[sflag:s11] =	ssyncadd.s32 $0xFFFFD800  }
0x154: {  	_ =	swait.ge [sflag:s5], $0x2800  }
0x155: {  	[sflag:s5] =	ssyncset.done $0x0  }
0x156: {  	[sflag:s5] =	ssyncadd.s32 $0xFFFFD800  }
0x157: {  	[spmem:s1] =	stream.indirect.scatter.add.f32 [tilespmem:s30], [sflag:$0x5], $0x80, s15, s26, $0xb8;
	[tilespmem:$0x1C880] =	vst v63  }
0x158: {  	_ = 	snop  }
0x159: {  	[tilespmem:s28], [sflag:$0x2] =	stream.indirect.gather [hbm4b:s4+s26], $0x80, s16, s26, $0xb8;
	[tilespmem:$0x1C880] =	vst v63  }
0x15a: {  	_ =	swait.ge [sflag:s10], $0x2800  }
0x15b: {  	[sflag:s10] =	ssyncset.done $0x0  }
0x15c: {  	[sflag:s10] =	ssyncadd.s32 $0xFFFFD800  }
0x15d: {  	_ =	swait.ge [sflag:s6], $0x2800  }
0x15e: {  	[sflag:s6] =	ssyncset.done $0x0  }
0x15f: {  	[sflag:s6] =	ssyncadd.s32 $0xFFFFD800  }
0x160: {  	[spmem:s1] =	stream.indirect.scatter.add.f32 [tilespmem:s28], [sflag:$0x4], $0x80, s17, s26, $0xb8;
	[tilespmem:$0x1C880] =	vst v63  }
0x161: {  	_ =	swait.ge [sflag:s5], $0x2800  }
0x162: {  	[sflag:s5] =	ssyncset.done $0x0  }
0x163: {  	[sflag:s5] =	ssyncadd.s32 $0xFFFFD800  }
0x164: {  	_ =	swait.ge [sflag:s25], $0xC80  }
0x165: {  	[sflag:s25] =	ssyncset.done $0x0  }
0x166: {  	[sflag:s25] =	ssyncadd.s32 $0xFFFFF380  }
0x167: {  	_ =	swait.ge [sflag:s25], $0xC80  }
0x168: {  	[sflag:s25] =	ssyncset.done $0x0  }
0x169: {  	[sflag:s25] =	ssyncadd.s32 $0xFFFFF380  }
0x16a: {  	[tilespmem:s28], [sflag:$0x2] =	stream.indirect.gather [hbm4b:s4+s26], $0x80, s3, s26, $0xb8;
	[tilespmem:$0x1C880] =	vst v63  }
0x16b: {  	_ = 	snop  }
0x16c: {  	[tilespmem:s30], [sflag:$0x3] =	stream.indirect.gather [hbm4b:s4+s26], $0x80, s29, s26, $0xb8;
	[tilespmem:$0x1C880] =	vst v63  }
0x16d: {  	_ =	swait.ge [sflag:s10], $0x2800  }
0x16e: {  	[sflag:s10] =	ssyncset.done $0x0  }
0x16f: {  	[sflag:s10] =	ssyncadd.s32 $0xFFFFD800  }
0x170: {  	[spmem:s1] =	stream.indirect.scatter.add.f32 [tilespmem:s28], [sflag:$0x4], $0x80, s23, s26, $0xb8;
	[tilespmem:$0x1C880] =	vst v63  }
0x171: {  	_ =	swait.ge [sflag:s11], $0x2800  }
0x172: {  	[sflag:s11] =	ssyncset.done $0x0  }
0x173: {  	[sflag:s11] =	ssyncadd.s32 $0xFFFFD800  }
0x174: {  	_ =	swait.ge [sflag:s5], $0x2800  }
0x175: {  	[sflag:s5] =	ssyncset.done $0x0  }
0x176: {  	s19 =	simm.s32 $0x1080;
	[sflag:s5] =	ssyncadd.s32 $0xFFFFD800  }
0x177: {  	[spmem:s1] =	stream.indirect.scatter.add.f32 [tilespmem:s30], [sflag:$0x5], $0x80, s19, s26, $0xb8;
	[tilespmem:$0x1C880] =	vst v63  }
0x178: {  	s20 =	simm.s32 $0x100  }
0x179: {  	[tilespmem:s28], [sflag:$0x2] =	stream.indirect.gather [hbm4b:s4+s26], $0x80, s20, s26, $0xb8;
	[tilespmem:$0x1C880] =	vst v63  }
0x17a: {  	_ =	swait.ge [sflag:s10], $0x2800  }
0x17b: {  	[sflag:s10] =	ssyncset.done $0x0  }
0x17c: {  	[sflag:s10] =	ssyncadd.s32 $0xFFFFD800  }
0x17d: {  	_ =	swait.ge [sflag:s6], $0x2800  }
0x17e: {  	s21 =	simm.s32 $0x1100;
	[sflag:s6] =	ssyncset.done $0x0  }
0x17f: {  	s19 =	simm.s32 $0xFFFFD800;
	s20 =	simm.s32 $0x180;
	[sflag:s6] =	ssyncadd.s32 $0xFFFFD800  }
0x180: {  	[spmem:s1] =	stream.indirect.scatter.add.f32 [tilespmem:s28], [sflag:$0x4], $0x80, s21, s26, $0xb8;
	[tilespmem:$0x1C880] =	vst v63  }
.LBB2_16:
0x181: {  	[tilespmem:s30], [sflag:$0x3] =	stream.indirect.gather [hbm4b:s4+s26], $0x80, s20, s26, $0xb8;
	[tilespmem:$0x1C880] =	vst v63  }
0x182: {  	s20 =	smov.u32 s19  }
0x183: {  	p6 =	sne.s32 s19, $0xFFFFFC00;
	s19 =	sadd.s32 $0x400, s19;
	_ =	swait.ge [sflag:s11], $0x2800  }
0x184: {  	[sflag:s11] =	ssyncset.done $0x0  }
0x185: {  	[sflag:s11] =	ssyncadd.s32 $0xFFFFD800  }
0x186: {  	_ =	swait.ge [sflag:s5], $0x2800  }
0x187: {  	s20 =	sshra.s32 s20, $0x2;
	[sflag:s5] =	ssyncset.done $0x0  }
0x188: {  	s21 =	sadd.s32 $0x1B80, s20;
	[sflag:s5] =	ssyncadd.s32 $0xFFFFD800  }
0x189: {  	[spmem:s1] =	stream.indirect.scatter.add.f32 [tilespmem:s30], [sflag:$0x5], $0x80, s21, s26, $0xb8;
	[tilespmem:$0x1C880] =	vst v63  }
0x18a: {  	s21 =	sadd.s32 $0xC00, s20  }
0x18b: {  	[tilespmem:s28], [sflag:$0x2] =	stream.indirect.gather [hbm4b:s4+s26], $0x80, s21, s26, $0xb8;
	[tilespmem:$0x1C880] =	vst v63  }
0x18c: {  	_ =	swait.ge [sflag:s10], $0x2800  }
0x18d: {  	[sflag:s10] =	ssyncset.done $0x0  }
0x18e: {  	[sflag:s10] =	ssyncadd.s32 $0xFFFFD800  }
.Ltmp9:
0x18f: {  	_ =	swait.ge [sflag:s6], $0x2800;
	(pc) =	sbr.rel @p6 .LBB2_16-.Ltmp9, $4  }
0x190: {  	[sflag:s6] =	ssyncset.done $0x0  }
0x191: {  	s21 =	sadd.s32 $0x1C00, s20;
	[sflag:s6] =	ssyncadd.s32 $0xFFFFD800  }
0x192: {  	[spmem:s1] =	stream.indirect.scatter.add.f32 [tilespmem:s28], [sflag:$0x4], $0x80, s21, s26, $0xb8;
	[tilespmem:$0x1C880] =	vst v63  }
0x193: {  	s20 =	sadd.s32 $0xC80, s20  }
0x194: {  	[tilespmem:s30], [sflag:$0x3] =	stream.indirect.gather [hbm4b:s4+s26], $0x80, s20, s26, $0xb8;
	[tilespmem:$0x1C880] =	vst v63  }
0x195: {  	_ =	swait.ge [sflag:s11], $0x2800  }
0x196: {  	[sflag:s11] =	ssyncset.done $0x0  }
0x197: {  	[sflag:s11] =	ssyncadd.s32 $0xFFFFD800  }
0x198: {  	_ =	swait.ge [sflag:s5], $0x2800  }
0x199: {  	[sflag:s5] =	ssyncset.done $0x0  }
0x19a: {  	[sflag:s5] =	ssyncadd.s32 $0xFFFFD800  }
0x19b: {  	[spmem:s1] =	stream.indirect.scatter.add.f32 [tilespmem:s30], [sflag:$0x5], $0x80, s7, s26, $0xb8;
	[tilespmem:$0x1C880] =	vst v63  }
0x19c: {  	_ = 	snop  }
0x19d: {  	[tilespmem:s28], [sflag:$0x2] =	stream.indirect.gather [hbm4b:s4+s26], $0x80, s12, s26, $0xb8;
	[tilespmem:$0x1C880] =	vst v63  }
0x19e: {  	_ =	swait.ge [sflag:s10], $0x2800  }
0x19f: {  	[sflag:s10] =	ssyncset.done $0x0  }
0x1a0: {  	[sflag:s10] =	ssyncadd.s32 $0xFFFFD800  }
0x1a1: {  	_ =	swait.ge [sflag:s6], $0x2800  }
0x1a2: {  	[sflag:s6] =	ssyncset.done $0x0  }
0x1a3: {  	[sflag:s6] =	ssyncadd.s32 $0xFFFFD800  }
0x1a4: {  	[spmem:s1] =	stream.indirect.scatter.add.f32 [tilespmem:s28], [sflag:$0x4], $0x80, s13, s26, $0xb8;
	[tilespmem:$0x1C880] =	vst v63  }
0x1a5: {  	_ =	swait.ge [sflag:s5], $0x2800  }
0x1a6: {  	[sflag:s5] =	ssyncset.done $0x0  }
0x1a7: {  	[sflag:s5] =	ssyncadd.s32 $0xFFFFD800  }
0x1a8: {  	s19 =	sshll.u32 @!p0 s2, $0x6;
	[bflag:$0x0] =	sbarrier.arrive $0xFFFF  }
0x1a9: {  	s20 =	sshrl.u32 @!p0 s9, $0x3;
	s19 =	sor.u32 @!p0 $0x1C06, s19;
	s21 =	rddreg [dreg:$0x10]  }
0x1aa: {  	[hbm:s21], [sflag:s19] =	dma.local @!p0 [spmem:s20], $0x2700  }
0x1ab: {  	s18 =	sadd.s32 $0x1, s18;
	s19 =	simm.s32 @!p0 $0x6  }
0x1ac: {  	p6 =	sne.s32 s18, s22;
	_ =	swait.ge @!p0 [sflag:s19], $0x2700  }
0x1ad: {  	s20 =	sshll.u32 @p5 s2, $0x6;
	[sflag:s19] =	ssyncset.done @!p0 $0x0;
	s21 =	rddreg [dreg:$0x11]  }
0x1ae: {  	[sflag:s19] =	ssyncadd.s32 @!p0 $0xFFFFD900;
	s19 =	sor.u32 @p5 $0x1C06, s20;
	s20 =	sshrl.u32 @p5 s8, $0x3  }
0x1af: {  	[hbm:s21], [sflag:s19] =	dma.local @p5 [spmem:s20], $0x2800  }
.Ltmp10:
0x1b0: {  	_ = 	snop;
	(pc) =	sbr.rel @p6 .LBB2_1-.Ltmp10, $4  }
0x1b1: {  	s19 =	simm.s32 @p5 $0x6  }
0x1b2: {  	_ =	swait.ge @p5 [sflag:s19], $0x2800  }
0x1b3: {  	[sflag:s19] =	ssyncset.done @p5 $0x0  }
0x1b4: {  	[sflag:s19] =	ssyncadd.s32 @p5 $0xFFFFD800  }
0x1b5: {  	_ =	sfence.sel $0x180000  }
0x1b6: {  	[bflag:$0x0] =	sbarrier.arrive $0xFFFF  }
0x1b7: {  	_ =	strace $0x9000004A  }
0x1b8: {  	[bflag:$0x2] =	sbarrier.arrive $0xFFFF  }
0x1b9: {  	p0 =	sne.s32 s2, $0x0;
	s0 =	rddreg [dreg:$0x2]  }
0x1ba: {  	s0 =	sadd.s32 @!p0 $0x100000, s0  }
0x1bb: {  	[sflag:s0] =	ssyncadd.tile.s32 @!p0 $0x1;
	_ =	shalt  }
.Lfunc_end2:
_tile_overlayer_lowered:
.L_overlay_start_2:
0x1bc: {  	(tag) =	ssettag $0x2  }
0x1bd: {  	s0 =	rddreg [dreg:$0x0];
	s2 =	stileid.u32  }
0x1be: {  	s1 =	rddreg [dreg:$0x1];
	p0 =	sne.s32 s2, $0x0  }
0x1bf: {  	s3 =	rddreg [dreg:$0x2];
	[bflag:$0x3] =	sbarrier.arrive $0xFFFF;
	s2 =	simm.s32 @!p0 $0x1C06  }
0x1c0: {  	[timem:s3], [sflag:s2] =	dma.local @!p0 [hbm:s0], s1  }
0x1c1: {  	s0 =	simm.s32 @!p0 $0x6  }
0x1c2: {  	_ =	swait.ge @!p0 [sflag:s0], s1  }
0x1c3: {  	s1 =	ssub.s32 @!p0 $0x0, s1;
	[sflag:s0] =	ssyncset.done @!p0 $0x0  }
0x1c4: {  	[sflag:s0] =	ssyncadd.s32 @!p0 s1  }
0x1c5: {  	[bflag:$0x3] =	sbarrier.arrive $0xFFFF  }
0x1c6: {  	_ =	shalt  }

</sc_bundles>
